<compile_context>
chip_gen: v7x
topology: tpu7x:2x2x1
jax: 0.10.2.dev20260603
libtpu: 0.0.44.dev20260713+nightly
codegen_flags: <defaults>
</compile_context>

<pallas_src>
import functools
from typing import Any

import jax
import jax.numpy as jnp
import numpy as np
from jax.experimental import pallas as pl
from jax.experimental.pallas import tpu as pltpu
from jax.experimental.pallas import tpu_sc as plsc

N_NEIGHBOR = 64
N_POINT_STATIC = 2048


def _fps_jax(pos, n_point_static):
    pos = jax.lax.stop_gradient(pos)
    B, N, _ = pos.shape

    def body(i, state):
        centroids, dists, farthest = state
        centroids = centroids.at[:, i].set(farthest)
        cpos = jnp.take_along_axis(pos, farthest[:, None, None].astype(jnp.int32), axis=1)
        d = jnp.sum((pos - cpos) ** 2, axis=-1)
        dists = jnp.minimum(dists, d)
        farthest = jnp.argmax(dists, axis=-1).astype(jnp.int32)
        return (centroids, dists, farthest)

    centroids = jnp.zeros((B, n_point_static), dtype=jnp.int32)
    dists = jnp.full((B, N), 1e10, dtype=jnp.float32)
    farthest = jnp.zeros((B,), dtype=jnp.int32)
    centroids, _, _ = jax.lax.fori_loop(0, n_point_static, body, (centroids, dists, farthest))
    return centroids



_FS, _FL = 8, 1024
_FPB = 4


def _fps_body(planes_ref, rows_ref, cent_ref, *, B, n_iter):
    n_idx = (jax.lax.broadcasted_iota(jnp.int32, (_FS, _FL), 0) * _FL
             + jax.lax.broadcasted_iota(jnp.int32, (_FS, _FL), 1))
    c_idx = (jax.lax.broadcasted_iota(jnp.int32, (_FS, 256), 0) * 256
             + jax.lax.broadcasted_iota(jnp.int32, (_FS, 256), 1))
    def body(i, state):
        new_state = []
        for b in range(_FPB):
            dists, buf, fidx = state[b]
            px = planes_ref[b, 0]
            py = planes_ref[b, 1]
            pz = planes_ref[b, 2]
            buf = jnp.where(c_idx == i, fidx, buf)
            nm = (n_idx == fidx).astype(jnp.float32)
            cx = jnp.sum(px * nm, axis=(0, 1), keepdims=True)
            cy = jnp.sum(py * nm, axis=(0, 1), keepdims=True)
            cz = jnp.sum(pz * nm, axis=(0, 1), keepdims=True)
            dx = px - cx
            dy = py - cy
            dz = pz - cz
            d = dx * dx + dy * dy
            d = d + dz * dz
            dists = jnp.minimum(dists, d)
            m = jnp.max(dists, axis=(0, 1), keepdims=True)
            fidx = jnp.min(jnp.where(dists == m, n_idx, jnp.int32(2**30)),
                           axis=(0, 1), keepdims=True)
            new_state.append((dists, buf, fidx))
        return tuple(new_state)

    init = tuple((jnp.full((_FS, _FL), 1e10, dtype=jnp.float32),
                  jnp.zeros((_FS, 256), dtype=jnp.int32),
                  jnp.zeros((1, 1), dtype=jnp.int32)) for _ in range(_FPB))
    state = jax.lax.fori_loop(0, n_iter, body, init)
    for b in range(_FPB):
        cent_ref[b] = state[b][1]


def _fps_pallas(pos, n_point_static):
    B, N, _ = pos.shape
    planes = pos.transpose(0, 2, 1).reshape(B, 3, _FS, _FL)
    cent = pl.pallas_call(
        functools.partial(_fps_body, B=B, n_iter=n_point_static),
        grid=(B // _FPB,),
        in_specs=[
            pl.BlockSpec((_FPB, 3, _FS, _FL), lambda b: (b, 0, 0, 0)),
            pl.BlockSpec((_FPB, N, 3), lambda b: (b, 0, 0)),
        ],
        out_specs=pl.BlockSpec((_FPB, _FS, 256), lambda b: (b, 0, 0)),
        out_shape=jax.ShapeDtypeStruct((B, _FS, 256), jnp.int32),
    )(planes, pos)
    return cent.reshape(B, n_point_static)



_DMB = 128
_CHW = 64
_NCH = 128


def _bitonic_sort_sublanes(x, S):
    s_iota = jax.lax.broadcasted_iota(jnp.int32, (S, 1), 0)
    k = 2
    while k <= S:
        j = k // 2
        while j >= 1:
            x4 = x.reshape(S // (2 * j), 2, j, x.shape[-1])
            p = jnp.concatenate([x4[:, 1:2], x4[:, 0:1]], axis=1).reshape(S, x.shape[-1])
            take_min = ((s_iota & j) == 0) == ((s_iota & k) == 0)
            x = jnp.where(take_min, jnp.minimum(x, p), jnp.maximum(x, p))
            j //= 2
        k *= 2
    return x


def _dist_body(cen_ref, cent_t_ref, post_ref, pos_ref, d_ref, t_ref):
    cen = cen_ref[0]
    post = post_ref[0]
    dots = jnp.dot(cen, post, preferred_element_type=jnp.float32)
    cnorm = jnp.sum(cen * cen, axis=1, keepdims=True)
    pnorm = jnp.sum(post * post, axis=0, keepdims=True)
    d = -2.0 * dots + cnorm + pnorm
    d_ref[0] = d

    cent = cent_t_ref[0]
    posp = pos_ref[0]
    dots_t = jnp.dot(posp, cent, preferred_element_type=jnp.float32)
    pnorm_c = jnp.sum(posp * posp, axis=1, keepdims=True)
    cnorm_r = jnp.sum(cent * cent, axis=0, keepdims=True)
    dt = -2.0 * dots_t + pnorm_c + cnorm_r
    cm = jnp.min(dt.reshape(_NCH, _CHW, _DMB), axis=1)
    cm = _bitonic_sort_sublanes(cm, _NCH)
    t_ref[0] = cm[N_NEIGHBOR - 1:N_NEIGHBOR, :]


def _dist_thresh(center_pos, pos):
    B, M, _ = center_pos.shape
    N = pos.shape[1]
    cen_pad = jnp.pad(center_pos, ((0, 0), (0, 0), (0, 5)))
    cent_pad = cen_pad.transpose(0, 2, 1)
    pos_pad = jnp.pad(pos, ((0, 0), (0, 0), (0, 5)))
    post_pad = pos_pad.transpose(0, 2, 1)
    nmb = M // _DMB
    d, t = pl.pallas_call(
        _dist_body,
        grid=(B, nmb),
        in_specs=[
            pl.BlockSpec((1, _DMB, 8), lambda b, m: (b, m, 0)),
            pl.BlockSpec((1, 8, _DMB), lambda b, m: (b, 0, m)),
            pl.BlockSpec((1, 8, N), lambda b, m: (b, 0, 0)),
            pl.BlockSpec((1, N, 8), lambda b, m: (b, 0, 0)),
        ],
        out_specs=[
            pl.BlockSpec((1, _DMB, N), lambda b, m: (b, m, 0)),
            pl.BlockSpec((1, 1, _DMB), lambda b, m: (b * pl.num_programs(1) + m, 0, 0)),
        ],
        out_shape=[
            jax.ShapeDtypeStruct((B, M, N), jnp.float32),
            jax.ShapeDtypeStruct((B * nmb, 1, _DMB), jnp.float32),
        ],
    )(cen_pad, cent_pad, post_pad, pos_pad)
    return d, t.reshape(B, M)



_TK_CAP = 256
_TK_NW = 32
_SC_L = 16


def _sc_rev(xs):
    return [jax.lax.rev(x, (0,)) for x in xs[::-1]]


def _sc_bitonic_fix(ks, vs):
    ks, vs = list(ks), list(vs)
    m = len(ks)
    g = m // 2
    while g >= 1:
        for base in range(0, m, 2 * g):
            for i in range(base, base + g):
                c = ks[i] <= ks[i + g]
                nk_lo = jnp.where(c, ks[i], ks[i + g])
                nk_hi = jnp.where(c, ks[i + g], ks[i])
                nv_lo = jnp.where(c, vs[i], vs[i + g])
                nv_hi = jnp.where(c, vs[i + g], vs[i])
                ks[i], ks[i + g] = nk_lo, nk_hi
                vs[i], vs[i + g] = nv_lo, nv_hi
        g //= 2
    out = [plsc.sort_key_val(k, v) for k, v in zip(ks, vs)]
    return [o[0] for o in out], [o[1] for o in out]


def _sc_merge(a, b, keep_hi=True, fix_lo=True):
    ak, av = a
    bk, bv = b
    rk, rv = _sc_rev(bk), _sc_rev(bv)
    lok, lov, hik, hiv = [], [], [], []
    for i in range(len(ak)):
        c = ak[i] <= rk[i]
        lok.append(jnp.where(c, ak[i], rk[i]))
        lov.append(jnp.where(c, av[i], rv[i]))
        if keep_hi:
            hik.append(jnp.where(c, rk[i], ak[i]))
            hiv.append(jnp.where(c, rv[i], av[i]))
    lo = _sc_bitonic_fix(lok, lov) if fix_lo else (lok, lov)
    if not keep_hi:
        return lo
    hi = _sc_bitonic_fix(hik, hiv)
    return (lo[0] + hi[0], lo[1] + hi[1])


def _sc_select64(cd, ci):
    nrun = _TK_CAP // _SC_L
    runs = []
    for j in range(nrun):
        k = cd[pl.ds(j * _SC_L, _SC_L)]
        v = ci[pl.ds(j * _SC_L, _SC_L)]
        sk = plsc.sort_key_val(k, v)
        runs.append(([sk[0]], [sk[1]]))
    while len(runs) > 4:
        runs = [_sc_merge(runs[i], runs[i + 1], keep_hi=True)
                for i in range(0, len(runs), 2)]
    runs = [_sc_merge(runs[0], runs[1], keep_hi=False, fix_lo=True),
            _sc_merge(runs[2], runs[3], keep_hi=False, fix_lo=True)]
    lo = _sc_merge(runs[0], runs[1], keep_hi=False, fix_lo=False)
    return lo[1]


def _topk_sc(d_flat, t_flat, R, N):
    rpw = R // _TK_NW
    nch = N // _SC_L
    mesh = plsc.VectorSubcoreMesh(core_axis_name="c", subcore_axis_name="s")

    @functools.partial(
        pl.kernel,
        out_type=jax.ShapeDtypeStruct((R * N_NEIGHBOR,), jnp.int32),
        mesh=mesh,
        compiler_params=pltpu.CompilerParams(needs_layout_passes=False),
        scratch_types=[
            pltpu.VMEM((N,), jnp.float32),
            pltpu.VMEM((N,), jnp.float32),
            pltpu.VMEM((_TK_CAP,), jnp.float32),
            pltpu.VMEM((_TK_CAP,), jnp.int32),
            pltpu.VMEM((rpw * _SC_L,), jnp.float32),
            pltpu.VMEM((rpw * N_NEIGHBOR,), jnp.int32),
            pltpu.SemaphoreType.DMA,
            pltpu.SemaphoreType.DMA,
        ],
    )
    def _body(d_hbm, t_hbm, out_hbm, db0, db1, cd, ci, tb, ob, sem0, sem1):
        wid = jax.lax.axis_index("s") * 2 + jax.lax.axis_index("c")
        row0 = wid * rpw
        gbase = (row0 // 2048) * N
        pltpu.sync_copy(t_hbm.at[pl.ds(row0 * _SC_L, rpw * _SC_L)], tb)
        pltpu.async_copy(d_hbm.at[pl.ds(row0 * N, N)], db0, sem0)
        pltpu.async_copy(d_hbm.at[pl.ds((row0 + 1) * N, N)], db1, sem1)
        base_iota = jax.lax.iota(jnp.int32, _SC_L)
        inf16 = jnp.full((_SC_L,), jnp.inf, dtype=jnp.float32)

        def do_row(r, dref, sem, other_r, other_dref, other_sem):
            pltpu.make_async_copy(d_hbm.at[pl.ds((row0 + r) * N, N)], dref, sem).wait()
            tvec = tb[pl.ds(r * _SC_L, _SC_L)]
            for j in range(_TK_CAP // _SC_L):
                cd[pl.ds(j * _SC_L, _SC_L)] = inf16

            def cbody(c, off):
                v = dref[pl.ds(c * _SC_L, _SC_L)]
                msk = v <= tvec
                keys = jnp.where(msk, v, jnp.inf)
                sk, si = plsc.sort_key_val(keys, base_iota + c * _SC_L)
                offc = jnp.minimum(off, _TK_CAP - _SC_L)
                cd[pl.ds(offc, _SC_L)] = sk
                ci[pl.ds(offc, _SC_L)] = si
                return off + jnp.sum(msk.astype(jnp.int32))

            jax.lax.fori_loop(0, nch, cbody, jnp.int32(0))
            @pl.when(other_r < rpw)
            def _():
                pltpu.async_copy(d_hbm.at[pl.ds((row0 + other_r) * N, N)],
                                 other_dref, other_sem)
            idx4 = _sc_select64(cd, ci)
            for q in range(4):
                ob[pl.ds(r * N_NEIGHBOR + q * _SC_L, _SC_L)] = idx4[q] + gbase

        def gbody(g, carry):
            r0 = g * 2
            do_row(r0, db0, sem0, r0 + 2, db0, sem0)
            do_row(r0 + 1, db1, sem1, r0 + 3, db1, sem1)
            return carry

        jax.lax.fori_loop(0, rpw // 2, gbody, jnp.int32(0))
        pltpu.sync_copy(ob, out_hbm.at[pl.ds(row0 * N_NEIGHBOR, rpw * N_NEIGHBOR)])

    t_rep = jnp.broadcast_to(t_flat[:, None], (R, _SC_L)).reshape(R * _SC_L)
    return _body(d_flat, t_rep)



_GCH = 1024


def _gather_sc(table, idx):
    V, C = table.shape
    NI = idx.shape[0]
    ipw = NI // _TK_NW
    nch = ipw // _GCH
    mesh = plsc.VectorSubcoreMesh(core_axis_name="c", subcore_axis_name="s")

    @functools.partial(
        pl.kernel,
        out_type=jax.ShapeDtypeStruct((NI, C), jnp.float32),
        mesh=mesh,
        compiler_params=pltpu.CompilerParams(
            needs_layout_passes=False, use_tc_tiling_on_sc=False),
        scratch_types=[
            pltpu.VMEM((ipw,), jnp.int32),
            pltpu.VMEM((_GCH, 32), jnp.float32),
            pltpu.VMEM((_GCH, 32), jnp.float32),
            pltpu.SemaphoreType.DMA,
            pltpu.SemaphoreType.DMA,
        ],
    )
    def _body(tab_hbm, idx_hbm, out_hbm, idxv, rb0, rb1, sem0, sem1):
        wid = jax.lax.axis_index("s") * 2 + jax.lax.axis_index("c")
        base = wid * ipw
        pltpu.sync_copy(idx_hbm.at[pl.ds(base, ipw)], idxv)
        pltpu.async_copy(tab_hbm.at[idxv.at[pl.ds(0, _GCH)]], rb0, sem0)
        pltpu.async_copy(tab_hbm.at[idxv.at[pl.ds(_GCH, _GCH)]], rb1, sem1)

        def do_chunk(j, rb, sem, nxt):
            pltpu.make_async_copy(
                tab_hbm.at[idxv.at[pl.ds(j * _GCH, _GCH)]], rb, sem).wait()
            pltpu.sync_copy(rb, out_hbm.at[pl.ds(base + j * _GCH, _GCH), :])
            @pl.when(nxt < nch)
            def _():
                pltpu.async_copy(
                    tab_hbm.at[idxv.at[pl.ds(nxt * _GCH, _GCH)]], rb, sem)

        def gbody(g, carry):
            do_chunk(g * 2, rb0, sem0, g * 2 + 2)
            do_chunk(g * 2 + 1, rb1, sem1, g * 2 + 3)
            return carry

        jax.lax.fori_loop(0, nch // 2, gbody, jnp.int32(0))

    return _body(table, idx)



_MB = 128


def _stats1_body(nbr_ref, cen_ref, wn_ref, w1a_ref, b1_ref, sum_ref, ssq_ref,
                 acc_s, acc_q):
    b = pl.program_id(0)
    m = pl.program_id(1)
    step = b * pl.num_programs(1) + m
    nbr = nbr_ref[0]
    cen = cen_ref[0]
    wn = wn_ref[...]
    w1a = w1a_ref[...]
    rows = nbr.reshape(_MB * N_NEIGHBOR, nbr.shape[-1])
    h = jnp.dot(rows, wn, preferred_element_type=jnp.float32)
    bias = b1_ref[...] - jnp.dot(cen, w1a, preferred_element_type=jnp.float32)
    h = h.reshape(_MB, N_NEIGHBOR, h.shape[-1]) + bias[:, None, :]
    s = jnp.sum(h, axis=(0, 1), keepdims=False)[None, :]
    q = jnp.sum(h * h, axis=(0, 1), keepdims=False)[None, :]

    @pl.when(step == 0)
    def _():
        acc_s[...] = jnp.zeros_like(acc_s)
        acc_q[...] = jnp.zeros_like(acc_q)

    acc_s[0:1, :] += s
    acc_q[0:1, :] += q

    @pl.when(step == pl.num_programs(0) * pl.num_programs(1) - 1)
    def _():
        sum_ref[...] = acc_s[0:1, :]
        ssq_ref[...] = acc_q[0:1, :]


def _layer2_body(nbr_ref, cen_ref, wn_ref, w1a_ref, b1_ref, mu1_ref, is1_ref,
                 w2_ref, b2_ref, hmax_ref, hmin_ref, sum_ref, ssq_ref,
                 acc_s, acc_q):
    b = pl.program_id(0)
    m = pl.program_id(1)
    step = b * pl.num_programs(1) + m
    nbr = nbr_ref[0]
    cen = cen_ref[0]
    rows = nbr.reshape(_MB * N_NEIGHBOR, nbr.shape[-1])
    h = jnp.dot(rows, wn_ref[...], preferred_element_type=jnp.float32)
    bias = b1_ref[...] - jnp.dot(cen, w1a_ref[...], preferred_element_type=jnp.float32)
    h = h.reshape(_MB, N_NEIGHBOR, h.shape[-1]) + bias[:, None, :]
    h = jnp.maximum(h * is1_ref[...][None, :] + mu1_ref[...][None, :], 0.0)
    h2 = jnp.dot(h.reshape(_MB * N_NEIGHBOR, h.shape[-1]), w2_ref[...],
                 preferred_element_type=jnp.float32) + b2_ref[...]
    s = jnp.sum(h2, axis=0)[None, :]
    q = jnp.sum(h2 * h2, axis=0)[None, :]
    h2 = h2.reshape(_MB, N_NEIGHBOR, h2.shape[-1])
    hmax_ref[0] = jnp.max(h2, axis=1)
    hmin_ref[0] = jnp.min(h2, axis=1)

    @pl.when(step == 0)
    def _():
        acc_s[...] = jnp.zeros_like(acc_s)
        acc_q[...] = jnp.zeros_like(acc_q)

    acc_s[0:1, :] += s
    acc_q[0:1, :] += q

    @pl.when(step == pl.num_programs(0) * pl.num_programs(1) - 1)
    def _():
        sum_ref[...] = acc_s[0:1, :]
        ssq_ref[...] = acc_q[0:1, :]


def _final_body(hmax_ref, hmin_ref, mu2_ref, is2_ref, out_ref):
    a = hmax_ref[...] * is2_ref[...] + mu2_ref[...]
    c = hmin_ref[...] * is2_ref[...] + mu2_ref[...]
    out_ref[...] = jnp.maximum(jnp.maximum(a, c), 0.0)


def _knnconv(nbr_feat, center_feat, W1, b1, gamma1, beta1, W2, b2, gamma2, beta2):
    B, M, K, C = nbr_feat.shape
    C_out = W1.shape[0]
    W1a = W1[:, :C]
    W1b = W1[:, C:]
    Wn = (W1a + W1b).T
    W1aT = W1a.T
    count = float(B * M * K)

    grid = (B, M // _MB)
    stats = pl.pallas_call(
        _stats1_body,
        grid=grid,
        in_specs=[
            pl.BlockSpec((1, _MB, K, C), lambda b, m: (b, m, 0, 0)),
            pl.BlockSpec((1, _MB, C), lambda b, m: (b, m, 0)),
            pl.BlockSpec((C, C_out), lambda b, m: (0, 0)),
            pl.BlockSpec((C, C_out), lambda b, m: (0, 0)),
            pl.BlockSpec((C_out,), lambda b, m: (0,)),
        ],
        out_specs=[
            pl.BlockSpec((1, C_out), lambda b, m: (0, 0)),
            pl.BlockSpec((1, C_out), lambda b, m: (0, 0)),
        ],
        out_shape=[
            jax.ShapeDtypeStruct((1, C_out), jnp.float32),
            jax.ShapeDtypeStruct((1, C_out), jnp.float32),
        ],
        scratch_shapes=[
            pltpu.VMEM((8, C_out), jnp.float32),
            pltpu.VMEM((8, C_out), jnp.float32),
        ],
    )(nbr_feat, center_feat, Wn, W1aT, b1)
    s1, q1 = stats[0][0], stats[1][0]
    mean1 = s1 / count
    var1 = q1 / count - mean1 * mean1
    inv1 = gamma1 / jnp.sqrt(var1 + 1e-5)
    mu1 = beta1 - mean1 * inv1

    hmax, hmin, s2m, q2m = pl.pallas_call(
        _layer2_body,
        grid=grid,
        in_specs=[
            pl.BlockSpec((1, _MB, K, C), lambda b, m: (b, m, 0, 0)),
            pl.BlockSpec((1, _MB, C), lambda b, m: (b, m, 0)),
            pl.BlockSpec((C, C_out), lambda b, m: (0, 0)),
            pl.BlockSpec((C, C_out), lambda b, m: (0, 0)),
            pl.BlockSpec((C_out,), lambda b, m: (0,)),
            pl.BlockSpec((C_out,), lambda b, m: (0,)),
            pl.BlockSpec((C_out,), lambda b, m: (0,)),
            pl.BlockSpec((C_out, C_out), lambda b, m: (0, 0)),
            pl.BlockSpec((C_out,), lambda b, m: (0,)),
        ],
        out_specs=[
            pl.BlockSpec((1, _MB, C_out), lambda b, m: (b, m, 0)),
            pl.BlockSpec((1, _MB, C_out), lambda b, m: (b, m, 0)),
            pl.BlockSpec((1, C_out), lambda b, m: (0, 0)),
            pl.BlockSpec((1, C_out), lambda b, m: (0, 0)),
        ],
        out_shape=[
            jax.ShapeDtypeStruct((B, M, C_out), jnp.float32),
            jax.ShapeDtypeStruct((B, M, C_out), jnp.float32),
            jax.ShapeDtypeStruct((1, C_out), jnp.float32),
            jax.ShapeDtypeStruct((1, C_out), jnp.float32),
        ],
        scratch_shapes=[
            pltpu.VMEM((8, C_out), jnp.float32),
            pltpu.VMEM((8, C_out), jnp.float32),
        ],
    )(nbr_feat, center_feat, Wn, W1aT, b1, mu1, inv1, W2.T, b2)
    s2, q2 = s2m[0], q2m[0]
    mean2 = s2 / count
    var2 = q2 / count - mean2 * mean2
    inv2 = gamma2 / jnp.sqrt(var2 + 1e-5)
    mu2 = beta2 - mean2 * inv2

    out = pl.pallas_call(
        _final_body,
        grid=(B,),
        in_specs=[
            pl.BlockSpec((1, M, C_out), lambda b: (b, 0, 0)),
            pl.BlockSpec((1, M, C_out), lambda b: (b, 0, 0)),
            pl.BlockSpec((C_out,), lambda b: (0,)),
            pl.BlockSpec((C_out,), lambda b: (0,)),
        ],
        out_specs=pl.BlockSpec((1, M, C_out), lambda b: (b, 0, 0)),
        out_shape=jax.ShapeDtypeStruct((B, M, C_out), jnp.float32),
    )(hmax, hmin, mu2, inv2)
    return out


def kernel(pos, feat, n_point, W1, b1, gamma1, beta1, W2, b2, gamma2, beta2):
    B, N, _ = pos.shape
    centroids = jnp.sort(_fps_pallas(pos, N_POINT_STATIC), axis=1)
    center_pos = jax.vmap(lambda p, c: p[c])(pos, centroids)
    M = centroids.shape[1]
    D, T = _dist_thresh(center_pos, pos)
    group_idx = _topk_sc(D.reshape(B * M * N), T.reshape(B * M),
                         B * M, N).reshape(B, M, N_NEIGHBOR)
    nbr_feat = _gather_sc(feat.reshape(B * N, feat.shape[-1]), group_idx.reshape(B * M * N_NEIGHBOR)).reshape(B, M, N_NEIGHBOR, feat.shape[-1])
    center_feat = jax.vmap(lambda f, c: f[c])(feat, centroids)
    new_feat = _knnconv(nbr_feat, center_feat, W1, b1, gamma1, beta1,
                        W2, b2, gamma2, beta2)
    return (center_pos, new_feat)

# --- scband reference (transcript-rebuilt; emitter-appended) ---
"""Pipeline reference for scband-transition-down-62199716381216 (READ-ONLY COPY).

The authoritative reference and input builder live on the scoring server;
editing this copy changes nothing except your own understanding.
"""

import jax, jax.numpy as jnp
import numpy as np

N_NEIGHBOR = 64
N_POINT_STATIC = 2048

def fps(pos, n_point, n_point_static):
    # farthest point sampling (index computation only)
    pos = jax.lax.stop_gradient(pos)
    B, N, _ = pos.shape
    def body(i, state):
        centroids, dists, farthest = state
        centroids = centroids.at[:, i].set(farthest)
        cpos = jnp.take_along_axis(pos, farthest[:, None, None].astype(jnp.int32), axis=1)  # [B,1,3]
        d = jnp.sum((pos - cpos) ** 2, axis=-1)
        dists = jnp.minimum(dists, d)
        farthest = jnp.argmax(dists, axis=-1).astype(jnp.int32)
        return (centroids, dists, farthest)
    centroids = jnp.zeros((B, n_point_static), dtype=jnp.int32)
    dists = jnp.full((B, N), 1e10, dtype=jnp.float32)
    farthest = jnp.zeros((B,), dtype=jnp.int32) + (jnp.asarray(n_point, dtype=jnp.int32) * 0)
    centroids, _, _ = jax.lax.fori_loop(0, n_point_static, body, (centroids, dists, farthest))
    return centroids

def batchnorm(h, gamma, beta, eps=1e-5):
    # training-mode BatchNorm2d: stats per output channel over (batch, centroids, neighbors)
    mean = jnp.mean(h, axis=(0, 1, 2), keepdims=True)
    var = jnp.mean((h - mean) ** 2, axis=(0, 1, 2), keepdims=True)
    return (h - mean) / jnp.sqrt(var + eps) * gamma + beta

def setup_inputs(seed: int = 0):
    key = jax.random.key(seed)
    ks = jax.random.split(key, 4)
    B, N, C = 4, 8192, 32
    C_in, C_out = 64, 64  # in_channels = 2*C (norm concat feat)
    pos = jax.random.normal(ks[0], (B, N, 3), dtype=jnp.float32)
    feat = jax.random.normal(ks[1], (B, N, C), dtype=jnp.float32)
    W1 = jax.random.normal(ks[2], (C_out, C_in), dtype=jnp.float32) * (1.0 / np.sqrt(C_in))
    b1 = jnp.zeros((C_out,), dtype=jnp.float32)
    gamma1 = jnp.ones((C_out,), dtype=jnp.float32)
    beta1 = jnp.zeros((C_out,), dtype=jnp.float32)
    W2 = jax.random.normal(ks[3], (C_out, C_out), dtype=jnp.float32) * (1.0 / np.sqrt(C_out))
    b2 = jnp.zeros((C_out,), dtype=jnp.float32)
    gamma2 = jnp.ones((C_out,), dtype=jnp.float32)
    beta2 = jnp.zeros((C_out,), dtype=jnp.float32)
    return {"pos": pos, "feat": feat, "n_point": 2048, "W1": W1, "b1": b1,
            "gamma1": gamma1, "beta1": beta1, "W2": W2, "b2": b2,
            "gamma2": gamma2, "beta2": beta2}

def reference(pos, feat, n_point, W1, b1, gamma1, beta1, W2, b2, gamma2, beta2):
    B, N, _ = pos.shape
    # FPS centroids; dgl uniq ordering == sorted node ids per batch
    centroids = jnp.sort(fps(pos, n_point, N_POINT_STATIC), axis=1)
    center_pos = jax.vmap(lambda p, c: p[c])(pos, centroids)            # [B,M,3]
    # square_distance(center_pos, pos)
    sqrd = (-2.0 * jnp.einsum('bmd,bnd->bmn', center_pos, pos)
            + jnp.sum(center_pos ** 2, -1)[:, :, None]
            + jnp.sum(pos ** 2, -1)[:, None, :])                        # [B,M,N]
    group_idx = jnp.argsort(jax.lax.stop_gradient(sqrd), axis=-1)[:, :, :N_NEIGHBOR]  # [B,M,k]
    nbr_feat = jax.vmap(lambda f, g: f[g])(feat, group_idx)             # [B,M,k,C]
    center_feat = jax.vmap(lambda f, c: f[c])(feat, centroids)          # [B,M,C]
    # KNNMessage: cat([src - dst, src])
    agg = jnp.concatenate([nbr_feat - center_feat[:, :, None, :], nbr_feat], axis=-1)  # [B,M,k,2C]
    # KNNConv: 1x1 conv -> BN -> ReLU (x2), then max over neighbors
    h = agg @ W1.T + b1
    h = jax.nn.relu(batchnorm(h, gamma1, beta1))
    h = h @ W2.T + b2
    h = jax.nn.relu(batchnorm(h, gamma2, beta2))
    new_feat = jnp.max(h, axis=2)                                       # [B,M,C_out]
    return (center_pos, new_feat)

if __name__ == "__main__":
    import jax
    _d = setup_inputs()
    print(jax.jit(kernel)(*tuple(_d.values())))

</pallas_src>

<mosaic_0001>
#map = affine_map<(d0, d1) -> (0, 0)>
#map1 = affine_map<(d0, d1) -> (0)>
module attributes {stable_mosaic.version = 14 : i64} {
  func.func @_body(%arg0: i32, %arg1: i32, %arg2: memref<32768x32xf32, #tpu.memory_space<hbm>>, %arg3: memref<524288xi32, #tpu.memory_space<hbm>>, %arg4: memref<524288x32xf32, #tpu.memory_space<hbm>>, %arg5: memref<16384xi32, #tpu.memory_space<vmem>>, %arg6: memref<1024x32xf32, #tpu.memory_space<vmem>>, %arg7: memref<1024x32xf32, #tpu.memory_space<vmem>>, %arg8: memref<!tpu.dma_semaphore, #tpu.memory_space<semaphore_mem>>, %arg9: memref<!tpu.dma_semaphore, #tpu.memory_space<semaphore_mem>>) attributes {dimension_semantics = [#tpu.dimension_semantics<core_parallel>, #tpu.dimension_semantics<subcore_parallel>], iteration_bounds = array<i64: 2, 16>, scalar_prefetch = 0 : i64, scratch_operands = 5 : i64, tpu.core_type = #tpu.core_type<sc_vector_subcore>, window_params = [{transform_indices = #map}, {transform_indices = #map1}, {transform_indices = #map}]} {
    %mul3A = arith.constant 2 : i32
    %mul3A_0 = arith.muli %arg1, %mul3A : i32
    %add3A = arith.addi %mul3A_0, %arg0 : i32
    %mul3A_1 = arith.constant 16384 : i32
    %mul3A_2 = arith.muli %add3A, %mul3A_1 : i32
    "tpu.region"() ({
      %run_scoped3A = tpu.sem_alloc : memref<!tpu.dma_semaphore, #tpu.memory_space<semaphore_mem>>
      %dma_start3A_17 = tpu.memref_slice %arg3[%mul3A_2] : memref<524288xi32, #tpu.memory_space<hbm>> -> memref<16384xi32, #tpu.memory_space<hbm>>
      %dma_start3A_18 = tpu.memref_slice %arg3[%mul3A_2] : memref<524288xi32, #tpu.memory_space<hbm>> -> memref<16384xi32, #tpu.memory_space<hbm>>
      tpu.enqueue_dma source(%dma_start3A_18 : memref<16384xi32, #tpu.memory_space<hbm>>) target(%arg5 : memref<16384xi32, #tpu.memory_space<vmem>>) target_semaphore(%run_scoped3A : memref<!tpu.dma_semaphore, #tpu.memory_space<semaphore_mem>>)
      %dma_wait3A = tpu.memref_slice %arg3[%mul3A_2] : memref<524288xi32, #tpu.memory_space<hbm>> -> memref<16384xi32, #tpu.memory_space<hbm>>
      %dma_wait3A_19 = tpu.memref_slice %arg3[%mul3A_2] : memref<524288xi32, #tpu.memory_space<hbm>> -> memref<16384xi32, #tpu.memory_space<hbm>>
      tpu.wait_dma2 semaphore(%run_scoped3A : memref<!tpu.dma_semaphore, #tpu.memory_space<semaphore_mem>>) src(%dma_wait3A_19 : memref<16384xi32, #tpu.memory_space<hbm>>) dst(%arg5 : memref<16384xi32, #tpu.memory_space<vmem>>)
      tpu.yield
    }) : () -> ()
    %dma_start3A = arith.constant 0 : i32
    %dma_start3A_3 = tpu.memref_slice %arg5[%dma_start3A] : memref<16384xi32, #tpu.memory_space<vmem>> -> memref<1024xi32, #tpu.memory_space<vmem>>
    %dma_start3A_4 = arith.constant 0 : i32
    %dma_start3A_5 = arith.constant 0 : i32
    %dma_start3A_6 = tpu.memref_slice %arg2[%dma_start3A_4, %dma_start3A_5] : memref<32768x32xf32, #tpu.memory_space<hbm>> -> memref<32768x32xf32, #tpu.memory_space<hbm>>
    tpu.enqueue_indirect_dma source(%dma_start3A_6 : memref<32768x32xf32, #tpu.memory_space<hbm>>) target(%arg6 : memref<1024x32xf32, #tpu.memory_space<vmem>>) offsets(%dma_start3A_3 : memref<1024xi32, #tpu.memory_space<vmem>>) semaphore(%arg8 : memref<!tpu.dma_semaphore, #tpu.memory_space<semaphore_mem>>)
    %dma_start3A_7 = arith.constant 1024 : i32
    %dma_start3A_8 = tpu.memref_slice %arg5[%dma_start3A_7] : memref<16384xi32, #tpu.memory_space<vmem>> -> memref<1024xi32, #tpu.memory_space<vmem>>
    %dma_start3A_9 = arith.constant 0 : i32
    %dma_start3A_10 = arith.constant 0 : i32
    %dma_start3A_11 = tpu.memref_slice %arg2[%dma_start3A_9, %dma_start3A_10] : memref<32768x32xf32, #tpu.memory_space<hbm>> -> memref<32768x32xf32, #tpu.memory_space<hbm>>
    tpu.enqueue_indirect_dma source(%dma_start3A_11 : memref<32768x32xf32, #tpu.memory_space<hbm>>) target(%arg7 : memref<1024x32xf32, #tpu.memory_space<vmem>>) offsets(%dma_start3A_8 : memref<1024xi32, #tpu.memory_space<vmem>>) semaphore(%arg9 : memref<!tpu.dma_semaphore, #tpu.memory_space<semaphore_mem>>)
    %scan3A = arith.constant 0 : i32
    %scan3A_12 = arith.constant 0 : i32
    %scan3A_13 = arith.constant 8 : i32
    %scan3A_14 = arith.addi %scan3A_12, %scan3A_13 : i32
    %scan3A_15 = arith.constant 1 : i32
    scf.for %scan3A_17 = %scan3A_12 to %scan3A_14 step %scan3A_15  : i32 {
      %mul3A_18 = arith.constant 2 : i32
      %mul3A_19 = arith.muli %scan3A_17, %mul3A_18 : i32
      %mul3A_20 = arith.constant 2 : i32
      %mul3A_21 = arith.muli %scan3A_17, %mul3A_20 : i32
      %add3A_22 = arith.constant 2 : i32
      %add3A_23 = arith.addi %mul3A_21, %add3A_22 : i32
      %mul3A_24 = arith.constant 1024 : i32
      %mul3A_25 = arith.muli %mul3A_19, %mul3A_24 : i32
      %dma_wait3A = tpu.memref_slice %arg5[%mul3A_25] : memref<16384xi32, #tpu.memory_space<vmem>> -> memref<1024xi32, #tpu.memory_space<vmem>>
      %dma_wait3A_26 = arith.constant 0 : i32
      %dma_wait3A_27 = arith.constant 0 : i32
      %dma_wait3A_28 = tpu.memref_slice %arg2[%dma_wait3A_26, %dma_wait3A_27] : memref<32768x32xf32, #tpu.memory_space<hbm>> -> memref<32768x32xf32, #tpu.memory_space<hbm>>
      tpu.wait_indirect_dma semaphore(%arg8 : memref<!tpu.dma_semaphore, #tpu.memory_space<semaphore_mem>>) src(%dma_wait3A_28 : memref<32768x32xf32, #tpu.memory_space<hbm>>) dst(%arg6 : memref<1024x32xf32, #tpu.memory_space<vmem>>)
      %mul3A_29 = arith.constant 1024 : i32
      %mul3A_30 = arith.muli %mul3A_19, %mul3A_29 : i32
      %add3A_31 = arith.addi %mul3A_2, %mul3A_30 : i32
      "tpu.region"() ({
        %run_scoped3A = tpu.sem_alloc : memref<!tpu.dma_semaphore, #tpu.memory_space<semaphore_mem>>
        %dma_start3A_56 = arith.constant 0 : i32
        %dma_start3A_57 = tpu.memref_slice %arg4[%add3A_31, %dma_start3A_56] : memref<524288x32xf32, #tpu.memory_space<hbm>> -> memref<1024x32xf32, #tpu.memory_space<hbm>>
        %dma_start3A_58 = arith.constant 0 : i32
        %dma_start3A_59 = tpu.memref_slice %arg4[%add3A_31, %dma_start3A_58] : memref<524288x32xf32, #tpu.memory_space<hbm>> -> memref<1024x32xf32, #tpu.memory_space<hbm>>
        tpu.enqueue_dma source(%arg6 : memref<1024x32xf32, #tpu.memory_space<vmem>>) target(%dma_start3A_59 : memref<1024x32xf32, #tpu.memory_space<hbm>>) target_semaphore(%run_scoped3A : memref<!tpu.dma_semaphore, #tpu.memory_space<semaphore_mem>>)
        %dma_wait3A_60 = arith.constant 0 : i32
        %dma_wait3A_61 = tpu.memref_slice %arg4[%add3A_31, %dma_wait3A_60] : memref<524288x32xf32, #tpu.memory_space<hbm>> -> memref<1024x32xf32, #tpu.memory_space<hbm>>
        %dma_wait3A_62 = arith.constant 0 : i32
        %dma_wait3A_63 = tpu.memref_slice %arg4[%add3A_31, %dma_wait3A_62] : memref<524288x32xf32, #tpu.memory_space<hbm>> -> memref<1024x32xf32, #tpu.memory_space<hbm>>
        tpu.wait_dma2 semaphore(%run_scoped3A : memref<!tpu.dma_semaphore, #tpu.memory_space<semaphore_mem>>) src(%arg6 : memref<1024x32xf32, #tpu.memory_space<vmem>>) dst(%dma_wait3A_63 : memref<1024x32xf32, #tpu.memory_space<hbm>>)
        tpu.yield
      }) : () -> ()
      %lt3A = arith.constant 16 : i32
      %lt3A_32 = arith.cmpi slt, %add3A_23, %lt3A : i32
      %convert_element_type3A = arith.extui %lt3A_32 : i1 to i32
      %cond3A = arith.constant 0 : i32
      %cond3A_33 = arith.cmpi ne, %convert_element_type3A, %cond3A : i32
      scf.if %cond3A_33 {
        %mul3A_56 = arith.constant 1024 : i32
        %mul3A_57 = arith.muli %add3A_23, %mul3A_56 : i32
        %dma_start3A_58 = tpu.memref_slice %arg5[%mul3A_57] : memref<16384xi32, #tpu.memory_space<vmem>> -> memref<1024xi32, #tpu.memory_space<vmem>>
        %dma_start3A_59 = arith.constant 0 : i32
        %dma_start3A_60 = arith.constant 0 : i32
        %dma_start3A_61 = tpu.memref_slice %arg2[%dma_start3A_59, %dma_start3A_60] : memref<32768x32xf32, #tpu.memory_space<hbm>> -> memref<32768x32xf32, #tpu.memory_space<hbm>>
        tpu.enqueue_indirect_dma source(%dma_start3A_61 : memref<32768x32xf32, #tpu.memory_space<hbm>>) target(%arg6 : memref<1024x32xf32, #tpu.memory_space<vmem>>) offsets(%dma_start3A_58 : memref<1024xi32, #tpu.memory_space<vmem>>) semaphore(%arg8 : memref<!tpu.dma_semaphore, #tpu.memory_space<semaphore_mem>>)
      } else {
      }
      %mul3A_34 = arith.constant 2 : i32
      %mul3A_35 = arith.muli %scan3A_17, %mul3A_34 : i32
      %add3A_36 = arith.constant 1 : i32
      %add3A_37 = arith.addi %mul3A_35, %add3A_36 : i32
      %mul3A_38 = arith.constant 2 : i32
      %mul3A_39 = arith.muli %scan3A_17, %mul3A_38 : i32
      %add3A_40 = arith.constant 3 : i32
      %add3A_41 = arith.addi %mul3A_39, %add3A_40 : i32
      %mul3A_42 = arith.constant 1024 : i32
      %mul3A_43 = arith.muli %add3A_37, %mul3A_42 : i32
      %dma_wait3A_44 = tpu.memref_slice %arg5[%mul3A_43] : memref<16384xi32, #tpu.memory_space<vmem>> -> memref<1024xi32, #tpu.memory_space<vmem>>
      %dma_wait3A_45 = arith.constant 0 : i32
      %dma_wait3A_46 = arith.constant 0 : i32
      %dma_wait3A_47 = tpu.memref_slice %arg2[%dma_wait3A_45, %dma_wait3A_46] : memref<32768x32xf32, #tpu.memory_space<hbm>> -> memref<32768x32xf32, #tpu.memory_space<hbm>>
      tpu.wait_indirect_dma semaphore(%arg9 : memref<!tpu.dma_semaphore, #tpu.memory_space<semaphore_mem>>) src(%dma_wait3A_47 : memref<32768x32xf32, #tpu.memory_space<hbm>>) dst(%arg7 : memref<1024x32xf32, #tpu.memory_space<vmem>>)
      %mul3A_48 = arith.constant 1024 : i32
      %mul3A_49 = arith.muli %add3A_37, %mul3A_48 : i32
      %add3A_50 = arith.addi %mul3A_2, %mul3A_49 : i32
      "tpu.region"() ({
        %run_scoped3A = tpu.sem_alloc : memref<!tpu.dma_semaphore, #tpu.memory_space<semaphore_mem>>
        %dma_start3A_56 = arith.constant 0 : i32
        %dma_start3A_57 = tpu.memref_slice %arg4[%add3A_50, %dma_start3A_56] : memref<524288x32xf32, #tpu.memory_space<hbm>> -> memref<1024x32xf32, #tpu.memory_space<hbm>>
        %dma_start3A_58 = arith.constant 0 : i32
        %dma_start3A_59 = tpu.memref_slice %arg4[%add3A_50, %dma_start3A_58] : memref<524288x32xf32, #tpu.memory_space<hbm>> -> memref<1024x32xf32, #tpu.memory_space<hbm>>
        tpu.enqueue_dma source(%arg7 : memref<1024x32xf32, #tpu.memory_space<vmem>>) target(%dma_start3A_59 : memref<1024x32xf32, #tpu.memory_space<hbm>>) target_semaphore(%run_scoped3A : memref<!tpu.dma_semaphore, #tpu.memory_space<semaphore_mem>>)
        %dma_wait3A_60 = arith.constant 0 : i32
        %dma_wait3A_61 = tpu.memref_slice %arg4[%add3A_50, %dma_wait3A_60] : memref<524288x32xf32, #tpu.memory_space<hbm>> -> memref<1024x32xf32, #tpu.memory_space<hbm>>
        %dma_wait3A_62 = arith.constant 0 : i32
        %dma_wait3A_63 = tpu.memref_slice %arg4[%add3A_50, %dma_wait3A_62] : memref<524288x32xf32, #tpu.memory_space<hbm>> -> memref<1024x32xf32, #tpu.memory_space<hbm>>
        tpu.wait_dma2 semaphore(%run_scoped3A : memref<!tpu.dma_semaphore, #tpu.memory_space<semaphore_mem>>) src(%arg7 : memref<1024x32xf32, #tpu.memory_space<vmem>>) dst(%dma_wait3A_63 : memref<1024x32xf32, #tpu.memory_space<hbm>>)
        tpu.yield
      }) : () -> ()
      %lt3A_51 = arith.constant 16 : i32
      %lt3A_52 = arith.cmpi slt, %add3A_41, %lt3A_51 : i32
      %convert_element_type3A_53 = arith.extui %lt3A_52 : i1 to i32
      %cond3A_54 = arith.constant 0 : i32
      %cond3A_55 = arith.cmpi ne, %convert_element_type3A_53, %cond3A_54 : i32
      scf.if %cond3A_55 {
        %mul3A_56 = arith.constant 1024 : i32
        %mul3A_57 = arith.muli %add3A_41, %mul3A_56 : i32
        %dma_start3A_58 = tpu.memref_slice %arg5[%mul3A_57] : memref<16384xi32, #tpu.memory_space<vmem>> -> memref<1024xi32, #tpu.memory_space<vmem>>
        %dma_start3A_59 = arith.constant 0 : i32
        %dma_start3A_60 = arith.constant 0 : i32
        %dma_start3A_61 = tpu.memref_slice %arg2[%dma_start3A_59, %dma_start3A_60] : memref<32768x32xf32, #tpu.memory_space<hbm>> -> memref<32768x32xf32, #tpu.memory_space<hbm>>
        tpu.enqueue_indirect_dma source(%dma_start3A_61 : memref<32768x32xf32, #tpu.memory_space<hbm>>) target(%arg7 : memref<1024x32xf32, #tpu.memory_space<vmem>>) offsets(%dma_start3A_58 : memref<1024xi32, #tpu.memory_space<vmem>>) semaphore(%arg9 : memref<!tpu.dma_semaphore, #tpu.memory_space<semaphore_mem>>)
      } else {
      }
    }
    %scan3A_16 = arith.constant 8 : i32
    return
  }
}

#map = affine_map<(d0, d1) -> (0)>
module attributes {stable_mosaic.version = 14 : i64} {
  func.func @_body(%arg0: i32, %arg1: i32, %arg2: memref<67108864xf32, #tpu.memory_space<hbm>>, %arg3: memref<131072xf32, #tpu.memory_space<hbm>>, %arg4: memref<524288xi32, #tpu.memory_space<hbm>>, %arg5: memref<8192xf32, #tpu.memory_space<vmem>>, %arg6: memref<8192xf32, #tpu.memory_space<vmem>>, %arg7: memref<256xf32, #tpu.memory_space<vmem>>, %arg8: memref<256xi32, #tpu.memory_space<vmem>>, %arg9: memref<4096xf32, #tpu.memory_space<vmem>>, %arg10: memref<16384xi32, #tpu.memory_space<vmem>>, %arg11: memref<!tpu.dma_semaphore, #tpu.memory_space<semaphore_mem>>, %arg12: memref<!tpu.dma_semaphore, #tpu.memory_space<semaphore_mem>>) attributes {dimension_semantics = [#tpu.dimension_semantics<core_parallel>, #tpu.dimension_semantics<subcore_parallel>], iteration_bounds = array<i64: 2, 16>, scalar_prefetch = 0 : i64, scratch_operands = 8 : i64, tpu.core_type = #tpu.core_type<sc_vector_subcore>, window_params = [{transform_indices = #map}, {transform_indices = #map}, {transform_indices = #map}]} {
    %mul3A = arith.constant 2 : i32
    %mul3A_0 = arith.muli %arg1, %mul3A : i32
    %add3A = arith.addi %mul3A_0, %arg0 : i32
    %mul3A_1 = arith.constant 256 : i32
    %mul3A_2 = arith.muli %add3A, %mul3A_1 : i32
    %jit3A = arith.constant 2048 : i32
    %div3A = arith.divsi %mul3A_2, %jit3A : i32
    %sign3A = arith.constant 0 : i32
    %sign3A_3 = arith.cmpi sgt, %mul3A_2, %sign3A : i32
    %sign3A_4 = arith.extui %sign3A_3 : i1 to i32
    %sign3A_5 = arith.constant 0 : i32
    %sign3A_6 = arith.cmpi slt, %mul3A_2, %sign3A_5 : i32
    %sign3A_7 = arith.extui %sign3A_6 : i1 to i32
    %sign3A_8 = arith.subi %sign3A_4, %sign3A_7 : i32
    %sign3A_9 = arith.constant 0 : i32
    %sign3A_10 = arith.cmpi sgt, %jit3A, %sign3A_9 : i32
    %sign3A_11 = arith.extui %sign3A_10 : i1 to i32
    %sign3A_12 = arith.constant 0 : i32
    %sign3A_13 = arith.cmpi slt, %jit3A, %sign3A_12 : i32
    %sign3A_14 = arith.extui %sign3A_13 : i1 to i32
    %sign3A_15 = arith.subi %sign3A_11, %sign3A_14 : i32
    %ne3A = arith.cmpi ne, %sign3A_8, %sign3A_15 : i32
    %rem3A = arith.remsi %mul3A_2, %jit3A : i32
    %ne3A_16 = arith.constant 0 : i32
    %ne3A_17 = arith.cmpi ne, %rem3A, %ne3A_16 : i32
    %and3A = arith.andi %ne3A, %ne3A_17 : i1
    %sub3A = arith.constant 1 : i32
    %sub3A_18 = arith.subi %div3A, %sub3A : i32
    %select_n3A = arith.select %and3A, %sub3A_18, %div3A : i32
    %mul3A_19 = arith.constant 8192 : i32
    %mul3A_20 = arith.muli %select_n3A, %mul3A_19 : i32
    %mul3A_21 = arith.constant 16 : i32
    %mul3A_22 = arith.muli %mul3A_2, %mul3A_21 : i32
    "tpu.region"() ({
      %run_scoped3A = tpu.sem_alloc : memref<!tpu.dma_semaphore, #tpu.memory_space<semaphore_mem>>
      %dma_start3A_40 = tpu.memref_slice %arg3[%mul3A_22] : memref<131072xf32, #tpu.memory_space<hbm>> -> memref<4096xf32, #tpu.memory_space<hbm>>
      %dma_start3A_41 = tpu.memref_slice %arg3[%mul3A_22] : memref<131072xf32, #tpu.memory_space<hbm>> -> memref<4096xf32, #tpu.memory_space<hbm>>
      tpu.enqueue_dma source(%dma_start3A_41 : memref<4096xf32, #tpu.memory_space<hbm>>) target(%arg9 : memref<4096xf32, #tpu.memory_space<vmem>>) target_semaphore(%run_scoped3A : memref<!tpu.dma_semaphore, #tpu.memory_space<semaphore_mem>>)
      %dma_wait3A = tpu.memref_slice %arg3[%mul3A_22] : memref<131072xf32, #tpu.memory_space<hbm>> -> memref<4096xf32, #tpu.memory_space<hbm>>
      %dma_wait3A_42 = tpu.memref_slice %arg3[%mul3A_22] : memref<131072xf32, #tpu.memory_space<hbm>> -> memref<4096xf32, #tpu.memory_space<hbm>>
      tpu.wait_dma2 semaphore(%run_scoped3A : memref<!tpu.dma_semaphore, #tpu.memory_space<semaphore_mem>>) src(%dma_wait3A_42 : memref<4096xf32, #tpu.memory_space<hbm>>) dst(%arg9 : memref<4096xf32, #tpu.memory_space<vmem>>)
      tpu.yield
    }) : () -> ()
    %mul3A_23 = arith.constant 8192 : i32
    %mul3A_24 = arith.muli %mul3A_2, %mul3A_23 : i32
    %dma_start3A = tpu.memref_slice %arg2[%mul3A_24] : memref<67108864xf32, #tpu.memory_space<hbm>> -> memref<8192xf32, #tpu.memory_space<hbm>>
    %dma_start3A_25 = tpu.memref_slice %arg2[%mul3A_24] : memref<67108864xf32, #tpu.memory_space<hbm>> -> memref<8192xf32, #tpu.memory_space<hbm>>
    tpu.enqueue_dma source(%dma_start3A_25 : memref<8192xf32, #tpu.memory_space<hbm>>) target(%arg5 : memref<8192xf32, #tpu.memory_space<vmem>>) target_semaphore(%arg11 : memref<!tpu.dma_semaphore, #tpu.memory_space<semaphore_mem>>)
    %add3A_26 = arith.constant 1 : i32
    %add3A_27 = arith.addi %mul3A_2, %add3A_26 : i32
    %mul3A_28 = arith.constant 8192 : i32
    %mul3A_29 = arith.muli %add3A_27, %mul3A_28 : i32
    %dma_start3A_30 = tpu.memref_slice %arg2[%mul3A_29] : memref<67108864xf32, #tpu.memory_space<hbm>> -> memref<8192xf32, #tpu.memory_space<hbm>>
    %dma_start3A_31 = tpu.memref_slice %arg2[%mul3A_29] : memref<67108864xf32, #tpu.memory_space<hbm>> -> memref<8192xf32, #tpu.memory_space<hbm>>
    tpu.enqueue_dma source(%dma_start3A_31 : memref<8192xf32, #tpu.memory_space<hbm>>) target(%arg6 : memref<8192xf32, #tpu.memory_space<vmem>>) target_semaphore(%arg12 : memref<!tpu.dma_semaphore, #tpu.memory_space<semaphore_mem>>)
    %iota3A = tpu.iota {dimensions = array<i32: 0>} : vector<16xi32>
    %broadcast_in_dim3A = arith.constant 0x7F800000 : f32
    %broadcast_in_dim3A_32 = vector.broadcast %broadcast_in_dim3A : f32 to vector<16xf32>
    %scan3A = arith.constant 0 : i32
    %scan3A_33 = arith.constant 0 : i32
    %scan3A_34 = arith.constant 128 : i32
    %scan3A_35 = arith.addi %scan3A_33, %scan3A_34 : i32
    %scan3A_36 = arith.constant 1 : i32
    scf.for %scan3A_40 = %scan3A_33 to %scan3A_35 step %scan3A_36  : i32 {
      %mul3A_41 = arith.constant 2 : i32
      %mul3A_42 = arith.muli %scan3A_40, %mul3A_41 : i32
      %add3A_43 = arith.constant 2 : i32
      %add3A_44 = arith.addi %mul3A_42, %add3A_43 : i32
      %add3A_45 = arith.addi %mul3A_2, %mul3A_42 : i32
      %mul3A_46 = arith.constant 8192 : i32
      %mul3A_47 = arith.muli %add3A_45, %mul3A_46 : i32
      %dma_wait3A = tpu.memref_slice %arg2[%mul3A_47] : memref<67108864xf32, #tpu.memory_space<hbm>> -> memref<8192xf32, #tpu.memory_space<hbm>>
      %dma_wait3A_48 = tpu.memref_slice %arg2[%mul3A_47] : memref<67108864xf32, #tpu.memory_space<hbm>> -> memref<8192xf32, #tpu.memory_space<hbm>>
      tpu.wait_dma2 semaphore(%arg11 : memref<!tpu.dma_semaphore, #tpu.memory_space<semaphore_mem>>) src(%dma_wait3A_48 : memref<8192xf32, #tpu.memory_space<hbm>>) dst(%arg5 : memref<8192xf32, #tpu.memory_space<vmem>>)
      %mul3A_49 = arith.constant 16 : i32
      %mul3A_50 = arith.muli %mul3A_42, %mul3A_49 : i32
      %get3A = arith.index_cast %mul3A_50 : i32 to index
      %get3A_51 = tpu.vector_load %arg9[%get3A] {strides = array<i32>} : memref<4096xf32, #tpu.memory_space<vmem>>, vector<16xf32>,
      %swap3A = arith.constant 0 : index
      %swap3A_52 = tpu.vector_load %arg7[%swap3A] {strides = array<i32>} : memref<256xf32, #tpu.memory_space<vmem>>, vector<16xf32>,
      tpu.vector_store %arg7[%swap3A], %broadcast_in_dim3A_32 {strides = array<i32>} : memref<256xf32, #tpu.memory_space<vmem>>, vector<16xf32>,
      %swap3A_53 = arith.constant 16 : index
      %swap3A_54 = tpu.vector_load %arg7[%swap3A_53] {strides = array<i32>} : memref<256xf32, #tpu.memory_space<vmem>>, vector<16xf32>,
      tpu.vector_store %arg7[%swap3A_53], %broadcast_in_dim3A_32 {strides = array<i32>} : memref<256xf32, #tpu.memory_space<vmem>>, vector<16xf32>,
      %swap3A_55 = arith.constant 32 : index
      %swap3A_56 = tpu.vector_load %arg7[%swap3A_55] {strides = array<i32>} : memref<256xf32, #tpu.memory_space<vmem>>, vector<16xf32>,
      tpu.vector_store %arg7[%swap3A_55], %broadcast_in_dim3A_32 {strides = array<i32>} : memref<256xf32, #tpu.memory_space<vmem>>, vector<16xf32>,
      %swap3A_57 = arith.constant 48 : index
      %swap3A_58 = tpu.vector_load %arg7[%swap3A_57] {strides = array<i32>} : memref<256xf32, #tpu.memory_space<vmem>>, vector<16xf32>,
      tpu.vector_store %arg7[%swap3A_57], %broadcast_in_dim3A_32 {strides = array<i32>} : memref<256xf32, #tpu.memory_space<vmem>>, vector<16xf32>,
      %swap3A_59 = arith.constant 64 : index
      %swap3A_60 = tpu.vector_load %arg7[%swap3A_59] {strides = array<i32>} : memref<256xf32, #tpu.memory_space<vmem>>, vector<16xf32>,
      tpu.vector_store %arg7[%swap3A_59], %broadcast_in_dim3A_32 {strides = array<i32>} : memref<256xf32, #tpu.memory_space<vmem>>, vector<16xf32>,
      %swap3A_61 = arith.constant 80 : index
      %swap3A_62 = tpu.vector_load %arg7[%swap3A_61] {strides = array<i32>} : memref<256xf32, #tpu.memory_space<vmem>>, vector<16xf32>,
      tpu.vector_store %arg7[%swap3A_61], %broadcast_in_dim3A_32 {strides = array<i32>} : memref<256xf32, #tpu.memory_space<vmem>>, vector<16xf32>,
      %swap3A_63 = arith.constant 96 : index
      %swap3A_64 = tpu.vector_load %arg7[%swap3A_63] {strides = array<i32>} : memref<256xf32, #tpu.memory_space<vmem>>, vector<16xf32>,
      tpu.vector_store %arg7[%swap3A_63], %broadcast_in_dim3A_32 {strides = array<i32>} : memref<256xf32, #tpu.memory_space<vmem>>, vector<16xf32>,
      %swap3A_65 = arith.constant 112 : index
      %swap3A_66 = tpu.vector_load %arg7[%swap3A_65] {strides = array<i32>} : memref<256xf32, #tpu.memory_space<vmem>>, vector<16xf32>,
      tpu.vector_store %arg7[%swap3A_65], %broadcast_in_dim3A_32 {strides = array<i32>} : memref<256xf32, #tpu.memory_space<vmem>>, vector<16xf32>,
      %swap3A_67 = arith.constant 128 : index
      %swap3A_68 = tpu.vector_load %arg7[%swap3A_67] {strides = array<i32>} : memref<256xf32, #tpu.memory_space<vmem>>, vector<16xf32>,
      tpu.vector_store %arg7[%swap3A_67], %broadcast_in_dim3A_32 {strides = array<i32>} : memref<256xf32, #tpu.memory_space<vmem>>, vector<16xf32>,
      %swap3A_69 = arith.constant 144 : index
      %swap3A_70 = tpu.vector_load %arg7[%swap3A_69] {strides = array<i32>} : memref<256xf32, #tpu.memory_space<vmem>>, vector<16xf32>,
      tpu.vector_store %arg7[%swap3A_69], %broadcast_in_dim3A_32 {strides = array<i32>} : memref<256xf32, #tpu.memory_space<vmem>>, vector<16xf32>,
      %swap3A_71 = arith.constant 160 : index
      %swap3A_72 = tpu.vector_load %arg7[%swap3A_71] {strides = array<i32>} : memref<256xf32, #tpu.memory_space<vmem>>, vector<16xf32>,
      tpu.vector_store %arg7[%swap3A_71], %broadcast_in_dim3A_32 {strides = array<i32>} : memref<256xf32, #tpu.memory_space<vmem>>, vector<16xf32>,
      %swap3A_73 = arith.constant 176 : index
      %swap3A_74 = tpu.vector_load %arg7[%swap3A_73] {strides = array<i32>} : memref<256xf32, #tpu.memory_space<vmem>>, vector<16xf32>,
      tpu.vector_store %arg7[%swap3A_73], %broadcast_in_dim3A_32 {strides = array<i32>} : memref<256xf32, #tpu.memory_space<vmem>>, vector<16xf32>,
      %swap3A_75 = arith.constant 192 : index
      %swap3A_76 = tpu.vector_load %arg7[%swap3A_75] {strides = array<i32>} : memref<256xf32, #tpu.memory_space<vmem>>, vector<16xf32>,
      tpu.vector_store %arg7[%swap3A_75], %broadcast_in_dim3A_32 {strides = array<i32>} : memref<256xf32, #tpu.memory_space<vmem>>, vector<16xf32>,
      %swap3A_77 = arith.constant 208 : index
      %swap3A_78 = tpu.vector_load %arg7[%swap3A_77] {strides = array<i32>} : memref<256xf32, #tpu.memory_space<vmem>>, vector<16xf32>,
      tpu.vector_store %arg7[%swap3A_77], %broadcast_in_dim3A_32 {strides = array<i32>} : memref<256xf32, #tpu.memory_space<vmem>>, vector<16xf32>,
      %swap3A_79 = arith.constant 224 : index
      %swap3A_80 = tpu.vector_load %arg7[%swap3A_79] {strides = array<i32>} : memref<256xf32, #tpu.memory_space<vmem>>, vector<16xf32>,
      tpu.vector_store %arg7[%swap3A_79], %broadcast_in_dim3A_32 {strides = array<i32>} : memref<256xf32, #tpu.memory_space<vmem>>, vector<16xf32>,
      %swap3A_81 = arith.constant 240 : index
      %swap3A_82 = tpu.vector_load %arg7[%swap3A_81] {strides = array<i32>} : memref<256xf32, #tpu.memory_space<vmem>>, vector<16xf32>,
      tpu.vector_store %arg7[%swap3A_81], %broadcast_in_dim3A_32 {strides = array<i32>} : memref<256xf32, #tpu.memory_space<vmem>>, vector<16xf32>,
      %scan3A_83 = arith.constant 0 : i32
      %scan3A_84 = arith.constant 0 : i32
      %scan3A_85 = arith.constant 512 : i32
      %scan3A_86 = arith.addi %scan3A_84, %scan3A_85 : i32
      %scan3A_87 = arith.constant 1 : i32
      %scan3A_88 = scf.for %scan3A_1738 = %scan3A_84 to %scan3A_86 step %scan3A_87 iter_args(%scan3A_1739 = %scan3A_83) -> (i32)  : i32 {
        %mul3A_1740 = arith.constant 16 : i32
        %mul3A_1741 = arith.muli %scan3A_1738, %mul3A_1740 : i32
        %get3A_1742 = arith.index_cast %mul3A_1741 : i32 to index
        %get3A_1743 = tpu.vector_load %arg5[%get3A_1742] {strides = array<i32>} : memref<8192xf32, #tpu.memory_space<vmem>>, vector<16xf32>,
        %le3A_1744 = arith.cmpf ole, %get3A_1743, %get3A_51 : vector<16xf32>
        %jit3A_1745 = arith.constant 0x7F800000 : f32
        %broadcast_in_dim3A_1746 = vector.broadcast %jit3A_1745 : f32 to vector<16xf32>
        %select_n3A_1747 = arith.select %le3A_1744, %get3A_1743, %broadcast_in_dim3A_1746 : vector<16xi1>, vector<16xf32>
        %mul3A_1748 = arith.constant 16 : i32
        %mul3A_1749 = arith.muli %scan3A_1738, %mul3A_1748 : i32
        %add3A_1750 = vector.broadcast %mul3A_1749 : i32 to vector<16xi32>
        %add3A_1751 = arith.addi %iota3A, %add3A_1750 : vector<16xi32>
        %masked_sort3A_1752 = arith.constant dense<true> : vector<16xi1>
        %masked_sort3A_1753, %masked_sort3A_1754, %masked_sort3A_1755 = tpu.sort %select_n3A_1747, %add3A_1751 masked %masked_sort3A_1752 : (vector<16xf32>, vector<16xi32>, vector<16xi1>) -> (vector<16xi1>, vector<16xf32>, vector<16xi32>)
        %min3A = arith.constant 240 : i32
        %min3A_1756 = arith.minsi %scan3A_1739, %min3A : i32
        %swap3A_1757 = arith.index_cast %min3A_1756 : i32 to index
        %swap3A_1758 = tpu.vector_load %arg7[%swap3A_1757] {strides = array<i32>} : memref<256xf32, #tpu.memory_space<vmem>>, vector<16xf32>,
        tpu.vector_store %arg7[%swap3A_1757], %masked_sort3A_1754 {strides = array<i32>} : memref<256xf32, #tpu.memory_space<vmem>>, vector<16xf32>,
        %swap3A_1759 = arith.index_cast %min3A_1756 : i32 to index
        %swap3A_1760 = tpu.vector_load %arg8[%swap3A_1759] {strides = array<i32>} : memref<256xi32, #tpu.memory_space<vmem>>, vector<16xi32>,
        tpu.vector_store %arg8[%swap3A_1759], %masked_sort3A_1755 {strides = array<i32>} : memref<256xi32, #tpu.memory_space<vmem>>, vector<16xi32>,
        %convert_element_type3A_1761 = arith.extui %le3A_1744 : vector<16xi1> to vector<16xi32>
        %reduce_sum3A = arith.constant true
        %reduce_sum3A_1762 = vector.broadcast %reduce_sum3A : i1 to vector<16xi1>
        %reduce_sum3A_1763 = tpu.scan <sum>, %convert_element_type3A_1761 masked %reduce_sum3A_1762 : vector<16xi32>, vector<16xi1> -> vector<16xi32>
        %reduce_sum3A_1764 = vector.extract %reduce_sum3A_1763[15] : i32 from vector<16xi32>
        %add3A_1765 = arith.addi %scan3A_1739, %reduce_sum3A_1764 : i32
        scf.yield %add3A_1765 : i32
      }
      %scan3A_89 = arith.constant 512 : i32
      %lt3A = arith.constant 256 : i32
      %lt3A_90 = arith.cmpi slt, %add3A_44, %lt3A : i32
      %convert_element_type3A = arith.extui %lt3A_90 : i1 to i32
      %cond3A = arith.constant 0 : i32
      %cond3A_91 = arith.cmpi ne, %convert_element_type3A, %cond3A : i32
      scf.if %cond3A_91 {
        %add3A_1738 = arith.addi %mul3A_2, %add3A_44 : i32
        %mul3A_1739 = arith.constant 8192 : i32
        %mul3A_1740 = arith.muli %add3A_1738, %mul3A_1739 : i32
        %dma_start3A_1741 = tpu.memref_slice %arg2[%mul3A_1740] : memref<67108864xf32, #tpu.memory_space<hbm>> -> memref<8192xf32, #tpu.memory_space<hbm>>
        %dma_start3A_1742 = tpu.memref_slice %arg2[%mul3A_1740] : memref<67108864xf32, #tpu.memory_space<hbm>> -> memref<8192xf32, #tpu.memory_space<hbm>>
        tpu.enqueue_dma source(%dma_start3A_1742 : memref<8192xf32, #tpu.memory_space<hbm>>) target(%arg5 : memref<8192xf32, #tpu.memory_space<vmem>>) target_semaphore(%arg11 : memref<!tpu.dma_semaphore, #tpu.memory_space<semaphore_mem>>)
      } else {
      }
      %get3A_92 = arith.constant 0 : index
      %get3A_93 = tpu.vector_load %arg7[%get3A_92] {strides = array<i32>} : memref<256xf32, #tpu.memory_space<vmem>>, vector<16xf32>,
      %get3A_94 = arith.constant 0 : index
      %get3A_95 = tpu.vector_load %arg8[%get3A_94] {strides = array<i32>} : memref<256xi32, #tpu.memory_space<vmem>>, vector<16xi32>,
      %masked_sort3A = arith.constant dense<true> : vector<16xi1>
      %masked_sort3A_96, %masked_sort3A_97, %masked_sort3A_98 = tpu.sort %get3A_93, %get3A_95 masked %masked_sort3A : (vector<16xf32>, vector<16xi32>, vector<16xi1>) -> (vector<16xi1>, vector<16xf32>, vector<16xi32>)
      %get3A_99 = arith.constant 16 : index
      %get3A_100 = tpu.vector_load %arg7[%get3A_99] {strides = array<i32>} : memref<256xf32, #tpu.memory_space<vmem>>, vector<16xf32>,
      %get3A_101 = arith.constant 16 : index
      %get3A_102 = tpu.vector_load %arg8[%get3A_101] {strides = array<i32>} : memref<256xi32, #tpu.memory_space<vmem>>, vector<16xi32>,
      %masked_sort3A_103 = arith.constant dense<true> : vector<16xi1>
      %masked_sort3A_104, %masked_sort3A_105, %masked_sort3A_106 = tpu.sort %get3A_100, %get3A_102 masked %masked_sort3A_103 : (vector<16xf32>, vector<16xi32>, vector<16xi1>) -> (vector<16xi1>, vector<16xf32>, vector<16xi32>)
      %get3A_107 = arith.constant 32 : index
      %get3A_108 = tpu.vector_load %arg7[%get3A_107] {strides = array<i32>} : memref<256xf32, #tpu.memory_space<vmem>>, vector<16xf32>,
      %get3A_109 = arith.constant 32 : index
      %get3A_110 = tpu.vector_load %arg8[%get3A_109] {strides = array<i32>} : memref<256xi32, #tpu.memory_space<vmem>>, vector<16xi32>,
      %masked_sort3A_111 = arith.constant dense<true> : vector<16xi1>
      %masked_sort3A_112, %masked_sort3A_113, %masked_sort3A_114 = tpu.sort %get3A_108, %get3A_110 masked %masked_sort3A_111 : (vector<16xf32>, vector<16xi32>, vector<16xi1>) -> (vector<16xi1>, vector<16xf32>, vector<16xi32>)
      %get3A_115 = arith.constant 48 : index
      %get3A_116 = tpu.vector_load %arg7[%get3A_115] {strides = array<i32>} : memref<256xf32, #tpu.memory_space<vmem>>, vector<16xf32>,
      %get3A_117 = arith.constant 48 : index
      %get3A_118 = tpu.vector_load %arg8[%get3A_117] {strides = array<i32>} : memref<256xi32, #tpu.memory_space<vmem>>, vector<16xi32>,
      %masked_sort3A_119 = arith.constant dense<true> : vector<16xi1>
      %masked_sort3A_120, %masked_sort3A_121, %masked_sort3A_122 = tpu.sort %get3A_116, %get3A_118 masked %masked_sort3A_119 : (vector<16xf32>, vector<16xi32>, vector<16xi1>) -> (vector<16xi1>, vector<16xf32>, vector<16xi32>)
      %get3A_123 = arith.constant 64 : index
      %get3A_124 = tpu.vector_load %arg7[%get3A_123] {strides = array<i32>} : memref<256xf32, #tpu.memory_space<vmem>>, vector<16xf32>,
      %get3A_125 = arith.constant 64 : index
      %get3A_126 = tpu.vector_load %arg8[%get3A_125] {strides = array<i32>} : memref<256xi32, #tpu.memory_space<vmem>>, vector<16xi32>,
      %masked_sort3A_127 = arith.constant dense<true> : vector<16xi1>
      %masked_sort3A_128, %masked_sort3A_129, %masked_sort3A_130 = tpu.sort %get3A_124, %get3A_126 masked %masked_sort3A_127 : (vector<16xf32>, vector<16xi32>, vector<16xi1>) -> (vector<16xi1>, vector<16xf32>, vector<16xi32>)
      %get3A_131 = arith.constant 80 : index
      %get3A_132 = tpu.vector_load %arg7[%get3A_131] {strides = array<i32>} : memref<256xf32, #tpu.memory_space<vmem>>, vector<16xf32>,
      %get3A_133 = arith.constant 80 : index
      %get3A_134 = tpu.vector_load %arg8[%get3A_133] {strides = array<i32>} : memref<256xi32, #tpu.memory_space<vmem>>, vector<16xi32>,
      %masked_sort3A_135 = arith.constant dense<true> : vector<16xi1>
      %masked_sort3A_136, %masked_sort3A_137, %masked_sort3A_138 = tpu.sort %get3A_132, %get3A_134 masked %masked_sort3A_135 : (vector<16xf32>, vector<16xi32>, vector<16xi1>) -> (vector<16xi1>, vector<16xf32>, vector<16xi32>)
      %get3A_139 = arith.constant 96 : index
      %get3A_140 = tpu.vector_load %arg7[%get3A_139] {strides = array<i32>} : memref<256xf32, #tpu.memory_space<vmem>>, vector<16xf32>,
      %get3A_141 = arith.constant 96 : index
      %get3A_142 = tpu.vector_load %arg8[%get3A_141] {strides = array<i32>} : memref<256xi32, #tpu.memory_space<vmem>>, vector<16xi32>,
      %masked_sort3A_143 = arith.constant dense<true> : vector<16xi1>
      %masked_sort3A_144, %masked_sort3A_145, %masked_sort3A_146 = tpu.sort %get3A_140, %get3A_142 masked %masked_sort3A_143 : (vector<16xf32>, vector<16xi32>, vector<16xi1>) -> (vector<16xi1>, vector<16xf32>, vector<16xi32>)
      %get3A_147 = arith.constant 112 : index
      %get3A_148 = tpu.vector_load %arg7[%get3A_147] {strides = array<i32>} : memref<256xf32, #tpu.memory_space<vmem>>, vector<16xf32>,
      %get3A_149 = arith.constant 112 : index
      %get3A_150 = tpu.vector_load %arg8[%get3A_149] {strides = array<i32>} : memref<256xi32, #tpu.memory_space<vmem>>, vector<16xi32>,
      %masked_sort3A_151 = arith.constant dense<true> : vector<16xi1>
      %masked_sort3A_152, %masked_sort3A_153, %masked_sort3A_154 = tpu.sort %get3A_148, %get3A_150 masked %masked_sort3A_151 : (vector<16xf32>, vector<16xi32>, vector<16xi1>) -> (vector<16xi1>, vector<16xf32>, vector<16xi32>)
      %get3A_155 = arith.constant 128 : index
      %get3A_156 = tpu.vector_load %arg7[%get3A_155] {strides = array<i32>} : memref<256xf32, #tpu.memory_space<vmem>>, vector<16xf32>,
      %get3A_157 = arith.constant 128 : index
      %get3A_158 = tpu.vector_load %arg8[%get3A_157] {strides = array<i32>} : memref<256xi32, #tpu.memory_space<vmem>>, vector<16xi32>,
      %masked_sort3A_159 = arith.constant dense<true> : vector<16xi1>
      %masked_sort3A_160, %masked_sort3A_161, %masked_sort3A_162 = tpu.sort %get3A_156, %get3A_158 masked %masked_sort3A_159 : (vector<16xf32>, vector<16xi32>, vector<16xi1>) -> (vector<16xi1>, vector<16xf32>, vector<16xi32>)
      %get3A_163 = arith.constant 144 : index
      %get3A_164 = tpu.vector_load %arg7[%get3A_163] {strides = array<i32>} : memref<256xf32, #tpu.memory_space<vmem>>, vector<16xf32>,
      %get3A_165 = arith.constant 144 : index
      %get3A_166 = tpu.vector_load %arg8[%get3A_165] {strides = array<i32>} : memref<256xi32, #tpu.memory_space<vmem>>, vector<16xi32>,
      %masked_sort3A_167 = arith.constant dense<true> : vector<16xi1>
      %masked_sort3A_168, %masked_sort3A_169, %masked_sort3A_170 = tpu.sort %get3A_164, %get3A_166 masked %masked_sort3A_167 : (vector<16xf32>, vector<16xi32>, vector<16xi1>) -> (vector<16xi1>, vector<16xf32>, vector<16xi32>)
      %get3A_171 = arith.constant 160 : index
      %get3A_172 = tpu.vector_load %arg7[%get3A_171] {strides = array<i32>} : memref<256xf32, #tpu.memory_space<vmem>>, vector<16xf32>,
      %get3A_173 = arith.constant 160 : index
      %get3A_174 = tpu.vector_load %arg8[%get3A_173] {strides = array<i32>} : memref<256xi32, #tpu.memory_space<vmem>>, vector<16xi32>,
      %masked_sort3A_175 = arith.constant dense<true> : vector<16xi1>
      %masked_sort3A_176, %masked_sort3A_177, %masked_sort3A_178 = tpu.sort %get3A_172, %get3A_174 masked %masked_sort3A_175 : (vector<16xf32>, vector<16xi32>, vector<16xi1>) -> (vector<16xi1>, vector<16xf32>, vector<16xi32>)
      %get3A_179 = arith.constant 176 : index
      %get3A_180 = tpu.vector_load %arg7[%get3A_179] {strides = array<i32>} : memref<256xf32, #tpu.memory_space<vmem>>, vector<16xf32>,
      %get3A_181 = arith.constant 176 : index
      %get3A_182 = tpu.vector_load %arg8[%get3A_181] {strides = array<i32>} : memref<256xi32, #tpu.memory_space<vmem>>, vector<16xi32>,
      %masked_sort3A_183 = arith.constant dense<true> : vector<16xi1>
      %masked_sort3A_184, %masked_sort3A_185, %masked_sort3A_186 = tpu.sort %get3A_180, %get3A_182 masked %masked_sort3A_183 : (vector<16xf32>, vector<16xi32>, vector<16xi1>) -> (vector<16xi1>, vector<16xf32>, vector<16xi32>)
      %get3A_187 = arith.constant 192 : index
      %get3A_188 = tpu.vector_load %arg7[%get3A_187] {strides = array<i32>} : memref<256xf32, #tpu.memory_space<vmem>>, vector<16xf32>,
      %get3A_189 = arith.constant 192 : index
      %get3A_190 = tpu.vector_load %arg8[%get3A_189] {strides = array<i32>} : memref<256xi32, #tpu.memory_space<vmem>>, vector<16xi32>,
      %masked_sort3A_191 = arith.constant dense<true> : vector<16xi1>
      %masked_sort3A_192, %masked_sort3A_193, %masked_sort3A_194 = tpu.sort %get3A_188, %get3A_190 masked %masked_sort3A_191 : (vector<16xf32>, vector<16xi32>, vector<16xi1>) -> (vector<16xi1>, vector<16xf32>, vector<16xi32>)
      %get3A_195 = arith.constant 208 : index
      %get3A_196 = tpu.vector_load %arg7[%get3A_195] {strides = array<i32>} : memref<256xf32, #tpu.memory_space<vmem>>, vector<16xf32>,
      %get3A_197 = arith.constant 208 : index
      %get3A_198 = tpu.vector_load %arg8[%get3A_197] {strides = array<i32>} : memref<256xi32, #tpu.memory_space<vmem>>, vector<16xi32>,
      %masked_sort3A_199 = arith.constant dense<true> : vector<16xi1>
      %masked_sort3A_200, %masked_sort3A_201, %masked_sort3A_202 = tpu.sort %get3A_196, %get3A_198 masked %masked_sort3A_199 : (vector<16xf32>, vector<16xi32>, vector<16xi1>) -> (vector<16xi1>, vector<16xf32>, vector<16xi32>)
      %get3A_203 = arith.constant 224 : index
      %get3A_204 = tpu.vector_load %arg7[%get3A_203] {strides = array<i32>} : memref<256xf32, #tpu.memory_space<vmem>>, vector<16xf32>,
      %get3A_205 = arith.constant 224 : index
      %get3A_206 = tpu.vector_load %arg8[%get3A_205] {strides = array<i32>} : memref<256xi32, #tpu.memory_space<vmem>>, vector<16xi32>,
      %masked_sort3A_207 = arith.constant dense<true> : vector<16xi1>
      %masked_sort3A_208, %masked_sort3A_209, %masked_sort3A_210 = tpu.sort %get3A_204, %get3A_206 masked %masked_sort3A_207 : (vector<16xf32>, vector<16xi32>, vector<16xi1>) -> (vector<16xi1>, vector<16xf32>, vector<16xi32>)
      %get3A_211 = arith.constant 240 : index
      %get3A_212 = tpu.vector_load %arg7[%get3A_211] {strides = array<i32>} : memref<256xf32, #tpu.memory_space<vmem>>, vector<16xf32>,
      %get3A_213 = arith.constant 240 : index
      %get3A_214 = tpu.vector_load %arg8[%get3A_213] {strides = array<i32>} : memref<256xi32, #tpu.memory_space<vmem>>, vector<16xi32>,
      %masked_sort3A_215 = arith.constant dense<true> : vector<16xi1>
      %masked_sort3A_216, %masked_sort3A_217, %masked_sort3A_218 = tpu.sort %get3A_212, %get3A_214 masked %masked_sort3A_215 : (vector<16xf32>, vector<16xi32>, vector<16xi1>) -> (vector<16xi1>, vector<16xf32>, vector<16xi32>)
      %rev3A = arith.constant 15 : i32
      %rev3A_219 = vector.broadcast %rev3A : i32 to vector<16xi32>
      %rev3A_220 = tpu.iota {dimensions = array<i32: 0>} : vector<16xi32>
      %rev3A_221 = arith.subi %rev3A_219, %rev3A_220 : vector<16xi32>
      %rev3A_222 = tpu.dynamic_gather %masked_sort3A_105[%rev3A_221] in [0] : vector<16xf32>, vector<16xi32> -> vector<16xf32>
      %rev3A_223 = arith.constant 15 : i32
      %rev3A_224 = vector.broadcast %rev3A_223 : i32 to vector<16xi32>
      %rev3A_225 = tpu.iota {dimensions = array<i32: 0>} : vector<16xi32>
      %rev3A_226 = arith.subi %rev3A_224, %rev3A_225 : vector<16xi32>
      %rev3A_227 = tpu.dynamic_gather %masked_sort3A_106[%rev3A_226] in [0] : vector<16xi32>, vector<16xi32> -> vector<16xi32>
      %le3A = arith.cmpf ole, %masked_sort3A_97, %rev3A_222 : vector<16xf32>
      %select_n3A_228 = arith.select %le3A, %masked_sort3A_97, %rev3A_222 : vector<16xi1>, vector<16xf32>
      %select_n3A_229 = arith.select %le3A, %masked_sort3A_98, %rev3A_227 : vector<16xi1>, vector<16xi32>
      %select_n3A_230 = arith.select %le3A, %rev3A_222, %masked_sort3A_97 : vector<16xi1>, vector<16xf32>
      %select_n3A_231 = arith.select %le3A, %rev3A_227, %masked_sort3A_98 : vector<16xi1>, vector<16xi32>
      %masked_sort3A_232 = arith.constant dense<true> : vector<16xi1>
      %masked_sort3A_233, %masked_sort3A_234, %masked_sort3A_235 = tpu.sort %select_n3A_228, %select_n3A_229 masked %masked_sort3A_232 : (vector<16xf32>, vector<16xi32>, vector<16xi1>) -> (vector<16xi1>, vector<16xf32>, vector<16xi32>)
      %masked_sort3A_236 = arith.constant dense<true> : vector<16xi1>
      %masked_sort3A_237, %masked_sort3A_238, %masked_sort3A_239 = tpu.sort %select_n3A_230, %select_n3A_231 masked %masked_sort3A_236 : (vector<16xf32>, vector<16xi32>, vector<16xi1>) -> (vector<16xi1>, vector<16xf32>, vector<16xi32>)
      %rev3A_240 = arith.constant 15 : i32
      %rev3A_241 = vector.broadcast %rev3A_240 : i32 to vector<16xi32>
      %rev3A_242 = tpu.iota {dimensions = array<i32: 0>} : vector<16xi32>
      %rev3A_243 = arith.subi %rev3A_241, %rev3A_242 : vector<16xi32>
      %rev3A_244 = tpu.dynamic_gather %masked_sort3A_121[%rev3A_243] in [0] : vector<16xf32>, vector<16xi32> -> vector<16xf32>
      %rev3A_245 = arith.constant 15 : i32
      %rev3A_246 = vector.broadcast %rev3A_245 : i32 to vector<16xi32>
      %rev3A_247 = tpu.iota {dimensions = array<i32: 0>} : vector<16xi32>
      %rev3A_248 = arith.subi %rev3A_246, %rev3A_247 : vector<16xi32>
      %rev3A_249 = tpu.dynamic_gather %masked_sort3A_122[%rev3A_248] in [0] : vector<16xi32>, vector<16xi32> -> vector<16xi32>
      %le3A_250 = arith.cmpf ole, %masked_sort3A_113, %rev3A_244 : vector<16xf32>
      %select_n3A_251 = arith.select %le3A_250, %masked_sort3A_113, %rev3A_244 : vector<16xi1>, vector<16xf32>
      %select_n3A_252 = arith.select %le3A_250, %masked_sort3A_114, %rev3A_249 : vector<16xi1>, vector<16xi32>
      %select_n3A_253 = arith.select %le3A_250, %rev3A_244, %masked_sort3A_113 : vector<16xi1>, vector<16xf32>
      %select_n3A_254 = arith.select %le3A_250, %rev3A_249, %masked_sort3A_114 : vector<16xi1>, vector<16xi32>
      %masked_sort3A_255 = arith.constant dense<true> : vector<16xi1>
      %masked_sort3A_256, %masked_sort3A_257, %masked_sort3A_258 = tpu.sort %select_n3A_251, %select_n3A_252 masked %masked_sort3A_255 : (vector<16xf32>, vector<16xi32>, vector<16xi1>) -> (vector<16xi1>, vector<16xf32>, vector<16xi32>)
      %masked_sort3A_259 = arith.constant dense<true> : vector<16xi1>
      %masked_sort3A_260, %masked_sort3A_261, %masked_sort3A_262 = tpu.sort %select_n3A_253, %select_n3A_254 masked %masked_sort3A_259 : (vector<16xf32>, vector<16xi32>, vector<16xi1>) -> (vector<16xi1>, vector<16xf32>, vector<16xi32>)
      %rev3A_263 = arith.constant 15 : i32
      %rev3A_264 = vector.broadcast %rev3A_263 : i32 to vector<16xi32>
      %rev3A_265 = tpu.iota {dimensions = array<i32: 0>} : vector<16xi32>
      %rev3A_266 = arith.subi %rev3A_264, %rev3A_265 : vector<16xi32>
      %rev3A_267 = tpu.dynamic_gather %masked_sort3A_137[%rev3A_266] in [0] : vector<16xf32>, vector<16xi32> -> vector<16xf32>
      %rev3A_268 = arith.constant 15 : i32
      %rev3A_269 = vector.broadcast %rev3A_268 : i32 to vector<16xi32>
      %rev3A_270 = tpu.iota {dimensions = array<i32: 0>} : vector<16xi32>
      %rev3A_271 = arith.subi %rev3A_269, %rev3A_270 : vector<16xi32>
      %rev3A_272 = tpu.dynamic_gather %masked_sort3A_138[%rev3A_271] in [0] : vector<16xi32>, vector<16xi32> -> vector<16xi32>
      %le3A_273 = arith.cmpf ole, %masked_sort3A_129, %rev3A_267 : vector<16xf32>
      %select_n3A_274 = arith.select %le3A_273, %masked_sort3A_129, %rev3A_267 : vector<16xi1>, vector<16xf32>
      %select_n3A_275 = arith.select %le3A_273, %masked_sort3A_130, %rev3A_272 : vector<16xi1>, vector<16xi32>
      %select_n3A_276 = arith.select %le3A_273, %rev3A_267, %masked_sort3A_129 : vector<16xi1>, vector<16xf32>
      %select_n3A_277 = arith.select %le3A_273, %rev3A_272, %masked_sort3A_130 : vector<16xi1>, vector<16xi32>
      %masked_sort3A_278 = arith.constant dense<true> : vector<16xi1>
      %masked_sort3A_279, %masked_sort3A_280, %masked_sort3A_281 = tpu.sort %select_n3A_274, %select_n3A_275 masked %masked_sort3A_278 : (vector<16xf32>, vector<16xi32>, vector<16xi1>) -> (vector<16xi1>, vector<16xf32>, vector<16xi32>)
      %masked_sort3A_282 = arith.constant dense<true> : vector<16xi1>
      %masked_sort3A_283, %masked_sort3A_284, %masked_sort3A_285 = tpu.sort %select_n3A_276, %select_n3A_277 masked %masked_sort3A_282 : (vector<16xf32>, vector<16xi32>, vector<16xi1>) -> (vector<16xi1>, vector<16xf32>, vector<16xi32>)
      %rev3A_286 = arith.constant 15 : i32
      %rev3A_287 = vector.broadcast %rev3A_286 : i32 to vector<16xi32>
      %rev3A_288 = tpu.iota {dimensions = array<i32: 0>} : vector<16xi32>
      %rev3A_289 = arith.subi %rev3A_287, %rev3A_288 : vector<16xi32>
      %rev3A_290 = tpu.dynamic_gather %masked_sort3A_153[%rev3A_289] in [0] : vector<16xf32>, vector<16xi32> -> vector<16xf32>
      %rev3A_291 = arith.constant 15 : i32
      %rev3A_292 = vector.broadcast %rev3A_291 : i32 to vector<16xi32>
      %rev3A_293 = tpu.iota {dimensions = array<i32: 0>} : vector<16xi32>
      %rev3A_294 = arith.subi %rev3A_292, %rev3A_293 : vector<16xi32>
      %rev3A_295 = tpu.dynamic_gather %masked_sort3A_154[%rev3A_294] in [0] : vector<16xi32>, vector<16xi32> -> vector<16xi32>
      %le3A_296 = arith.cmpf ole, %masked_sort3A_145, %rev3A_290 : vector<16xf32>
      %select_n3A_297 = arith.select %le3A_296, %masked_sort3A_145, %rev3A_290 : vector<16xi1>, vector<16xf32>
      %select_n3A_298 = arith.select %le3A_296, %masked_sort3A_146, %rev3A_295 : vector<16xi1>, vector<16xi32>
      %select_n3A_299 = arith.select %le3A_296, %rev3A_290, %masked_sort3A_145 : vector<16xi1>, vector<16xf32>
      %select_n3A_300 = arith.select %le3A_296, %rev3A_295, %masked_sort3A_146 : vector<16xi1>, vector<16xi32>
      %masked_sort3A_301 = arith.constant dense<true> : vector<16xi1>
      %masked_sort3A_302, %masked_sort3A_303, %masked_sort3A_304 = tpu.sort %select_n3A_297, %select_n3A_298 masked %masked_sort3A_301 : (vector<16xf32>, vector<16xi32>, vector<16xi1>) -> (vector<16xi1>, vector<16xf32>, vector<16xi32>)
      %masked_sort3A_305 = arith.constant dense<true> : vector<16xi1>
      %masked_sort3A_306, %masked_sort3A_307, %masked_sort3A_308 = tpu.sort %select_n3A_299, %select_n3A_300 masked %masked_sort3A_305 : (vector<16xf32>, vector<16xi32>, vector<16xi1>) -> (vector<16xi1>, vector<16xf32>, vector<16xi32>)
      %rev3A_309 = arith.constant 15 : i32
      %rev3A_310 = vector.broadcast %rev3A_309 : i32 to vector<16xi32>
      %rev3A_311 = tpu.iota {dimensions = array<i32: 0>} : vector<16xi32>
      %rev3A_312 = arith.subi %rev3A_310, %rev3A_311 : vector<16xi32>
      %rev3A_313 = tpu.dynamic_gather %masked_sort3A_169[%rev3A_312] in [0] : vector<16xf32>, vector<16xi32> -> vector<16xf32>
      %rev3A_314 = arith.constant 15 : i32
      %rev3A_315 = vector.broadcast %rev3A_314 : i32 to vector<16xi32>
      %rev3A_316 = tpu.iota {dimensions = array<i32: 0>} : vector<16xi32>
      %rev3A_317 = arith.subi %rev3A_315, %rev3A_316 : vector<16xi32>
      %rev3A_318 = tpu.dynamic_gather %masked_sort3A_170[%rev3A_317] in [0] : vector<16xi32>, vector<16xi32> -> vector<16xi32>
      %le3A_319 = arith.cmpf ole, %masked_sort3A_161, %rev3A_313 : vector<16xf32>
      %select_n3A_320 = arith.select %le3A_319, %masked_sort3A_161, %rev3A_313 : vector<16xi1>, vector<16xf32>
      %select_n3A_321 = arith.select %le3A_319, %masked_sort3A_162, %rev3A_318 : vector<16xi1>, vector<16xi32>
      %select_n3A_322 = arith.select %le3A_319, %rev3A_313, %masked_sort3A_161 : vector<16xi1>, vector<16xf32>
      %select_n3A_323 = arith.select %le3A_319, %rev3A_318, %masked_sort3A_162 : vector<16xi1>, vector<16xi32>
      %masked_sort3A_324 = arith.constant dense<true> : vector<16xi1>
      %masked_sort3A_325, %masked_sort3A_326, %masked_sort3A_327 = tpu.sort %select_n3A_320, %select_n3A_321 masked %masked_sort3A_324 : (vector<16xf32>, vector<16xi32>, vector<16xi1>) -> (vector<16xi1>, vector<16xf32>, vector<16xi32>)
      %masked_sort3A_328 = arith.constant dense<true> : vector<16xi1>
      %masked_sort3A_329, %masked_sort3A_330, %masked_sort3A_331 = tpu.sort %select_n3A_322, %select_n3A_323 masked %masked_sort3A_328 : (vector<16xf32>, vector<16xi32>, vector<16xi1>) -> (vector<16xi1>, vector<16xf32>, vector<16xi32>)
      %rev3A_332 = arith.constant 15 : i32
      %rev3A_333 = vector.broadcast %rev3A_332 : i32 to vector<16xi32>
      %rev3A_334 = tpu.iota {dimensions = array<i32: 0>} : vector<16xi32>
      %rev3A_335 = arith.subi %rev3A_333, %rev3A_334 : vector<16xi32>
      %rev3A_336 = tpu.dynamic_gather %masked_sort3A_185[%rev3A_335] in [0] : vector<16xf32>, vector<16xi32> -> vector<16xf32>
      %rev3A_337 = arith.constant 15 : i32
      %rev3A_338 = vector.broadcast %rev3A_337 : i32 to vector<16xi32>
      %rev3A_339 = tpu.iota {dimensions = array<i32: 0>} : vector<16xi32>
      %rev3A_340 = arith.subi %rev3A_338, %rev3A_339 : vector<16xi32>
      %rev3A_341 = tpu.dynamic_gather %masked_sort3A_186[%rev3A_340] in [0] : vector<16xi32>, vector<16xi32> -> vector<16xi32>
      %le3A_342 = arith.cmpf ole, %masked_sort3A_177, %rev3A_336 : vector<16xf32>
      %select_n3A_343 = arith.select %le3A_342, %masked_sort3A_177, %rev3A_336 : vector<16xi1>, vector<16xf32>
      %select_n3A_344 = arith.select %le3A_342, %masked_sort3A_178, %rev3A_341 : vector<16xi1>, vector<16xi32>
      %select_n3A_345 = arith.select %le3A_342, %rev3A_336, %masked_sort3A_177 : vector<16xi1>, vector<16xf32>
      %select_n3A_346 = arith.select %le3A_342, %rev3A_341, %masked_sort3A_178 : vector<16xi1>, vector<16xi32>
      %masked_sort3A_347 = arith.constant dense<true> : vector<16xi1>
      %masked_sort3A_348, %masked_sort3A_349, %masked_sort3A_350 = tpu.sort %select_n3A_343, %select_n3A_344 masked %masked_sort3A_347 : (vector<16xf32>, vector<16xi32>, vector<16xi1>) -> (vector<16xi1>, vector<16xf32>, vector<16xi32>)
      %masked_sort3A_351 = arith.constant dense<true> : vector<16xi1>
      %masked_sort3A_352, %masked_sort3A_353, %masked_sort3A_354 = tpu.sort %select_n3A_345, %select_n3A_346 masked %masked_sort3A_351 : (vector<16xf32>, vector<16xi32>, vector<16xi1>) -> (vector<16xi1>, vector<16xf32>, vector<16xi32>)
      %rev3A_355 = arith.constant 15 : i32
      %rev3A_356 = vector.broadcast %rev3A_355 : i32 to vector<16xi32>
      %rev3A_357 = tpu.iota {dimensions = array<i32: 0>} : vector<16xi32>
      %rev3A_358 = arith.subi %rev3A_356, %rev3A_357 : vector<16xi32>
      %rev3A_359 = tpu.dynamic_gather %masked_sort3A_201[%rev3A_358] in [0] : vector<16xf32>, vector<16xi32> -> vector<16xf32>
      %rev3A_360 = arith.constant 15 : i32
      %rev3A_361 = vector.broadcast %rev3A_360 : i32 to vector<16xi32>
      %rev3A_362 = tpu.iota {dimensions = array<i32: 0>} : vector<16xi32>
      %rev3A_363 = arith.subi %rev3A_361, %rev3A_362 : vector<16xi32>
      %rev3A_364 = tpu.dynamic_gather %masked_sort3A_202[%rev3A_363] in [0] : vector<16xi32>, vector<16xi32> -> vector<16xi32>
      %le3A_365 = arith.cmpf ole, %masked_sort3A_193, %rev3A_359 : vector<16xf32>
      %select_n3A_366 = arith.select %le3A_365, %masked_sort3A_193, %rev3A_359 : vector<16xi1>, vector<16xf32>
      %select_n3A_367 = arith.select %le3A_365, %masked_sort3A_194, %rev3A_364 : vector<16xi1>, vector<16xi32>
      %select_n3A_368 = arith.select %le3A_365, %rev3A_359, %masked_sort3A_193 : vector<16xi1>, vector<16xf32>
      %select_n3A_369 = arith.select %le3A_365, %rev3A_364, %masked_sort3A_194 : vector<16xi1>, vector<16xi32>
      %masked_sort3A_370 = arith.constant dense<true> : vector<16xi1>
      %masked_sort3A_371, %masked_sort3A_372, %masked_sort3A_373 = tpu.sort %select_n3A_366, %select_n3A_367 masked %masked_sort3A_370 : (vector<16xf32>, vector<16xi32>, vector<16xi1>) -> (vector<16xi1>, vector<16xf32>, vector<16xi32>)
      %masked_sort3A_374 = arith.constant dense<true> : vector<16xi1>
      %masked_sort3A_375, %masked_sort3A_376, %masked_sort3A_377 = tpu.sort %select_n3A_368, %select_n3A_369 masked %masked_sort3A_374 : (vector<16xf32>, vector<16xi32>, vector<16xi1>) -> (vector<16xi1>, vector<16xf32>, vector<16xi32>)
      %rev3A_378 = arith.constant 15 : i32
      %rev3A_379 = vector.broadcast %rev3A_378 : i32 to vector<16xi32>
      %rev3A_380 = tpu.iota {dimensions = array<i32: 0>} : vector<16xi32>
      %rev3A_381 = arith.subi %rev3A_379, %rev3A_380 : vector<16xi32>
      %rev3A_382 = tpu.dynamic_gather %masked_sort3A_217[%rev3A_381] in [0] : vector<16xf32>, vector<16xi32> -> vector<16xf32>
      %rev3A_383 = arith.constant 15 : i32
      %rev3A_384 = vector.broadcast %rev3A_383 : i32 to vector<16xi32>
      %rev3A_385 = tpu.iota {dimensions = array<i32: 0>} : vector<16xi32>
      %rev3A_386 = arith.subi %rev3A_384, %rev3A_385 : vector<16xi32>
      %rev3A_387 = tpu.dynamic_gather %masked_sort3A_218[%rev3A_386] in [0] : vector<16xi32>, vector<16xi32> -> vector<16xi32>
      %le3A_388 = arith.cmpf ole, %masked_sort3A_209, %rev3A_382 : vector<16xf32>
      %select_n3A_389 = arith.select %le3A_388, %masked_sort3A_209, %rev3A_382 : vector<16xi1>, vector<16xf32>
      %select_n3A_390 = arith.select %le3A_388, %masked_sort3A_210, %rev3A_387 : vector<16xi1>, vector<16xi32>
      %select_n3A_391 = arith.select %le3A_388, %rev3A_382, %masked_sort3A_209 : vector<16xi1>, vector<16xf32>
      %select_n3A_392 = arith.select %le3A_388, %rev3A_387, %masked_sort3A_210 : vector<16xi1>, vector<16xi32>
      %masked_sort3A_393 = arith.constant dense<true> : vector<16xi1>
      %masked_sort3A_394, %masked_sort3A_395, %masked_sort3A_396 = tpu.sort %select_n3A_389, %select_n3A_390 masked %masked_sort3A_393 : (vector<16xf32>, vector<16xi32>, vector<16xi1>) -> (vector<16xi1>, vector<16xf32>, vector<16xi32>)
      %masked_sort3A_397 = arith.constant dense<true> : vector<16xi1>
      %masked_sort3A_398, %masked_sort3A_399, %masked_sort3A_400 = tpu.sort %select_n3A_391, %select_n3A_392 masked %masked_sort3A_397 : (vector<16xf32>, vector<16xi32>, vector<16xi1>) -> (vector<16xi1>, vector<16xf32>, vector<16xi32>)
      %rev3A_401 = arith.constant 15 : i32
      %rev3A_402 = vector.broadcast %rev3A_401 : i32 to vector<16xi32>
      %rev3A_403 = tpu.iota {dimensions = array<i32: 0>} : vector<16xi32>
      %rev3A_404 = arith.subi %rev3A_402, %rev3A_403 : vector<16xi32>
      %rev3A_405 = tpu.dynamic_gather %masked_sort3A_261[%rev3A_404] in [0] : vector<16xf32>, vector<16xi32> -> vector<16xf32>
      %rev3A_406 = arith.constant 15 : i32
      %rev3A_407 = vector.broadcast %rev3A_406 : i32 to vector<16xi32>
      %rev3A_408 = tpu.iota {dimensions = array<i32: 0>} : vector<16xi32>
      %rev3A_409 = arith.subi %rev3A_407, %rev3A_408 : vector<16xi32>
      %rev3A_410 = tpu.dynamic_gather %masked_sort3A_257[%rev3A_409] in [0] : vector<16xf32>, vector<16xi32> -> vector<16xf32>
      %rev3A_411 = arith.constant 15 : i32
      %rev3A_412 = vector.broadcast %rev3A_411 : i32 to vector<16xi32>
      %rev3A_413 = tpu.iota {dimensions = array<i32: 0>} : vector<16xi32>
      %rev3A_414 = arith.subi %rev3A_412, %rev3A_413 : vector<16xi32>
      %rev3A_415 = tpu.dynamic_gather %masked_sort3A_262[%rev3A_414] in [0] : vector<16xi32>, vector<16xi32> -> vector<16xi32>
      %rev3A_416 = arith.constant 15 : i32
      %rev3A_417 = vector.broadcast %rev3A_416 : i32 to vector<16xi32>
      %rev3A_418 = tpu.iota {dimensions = array<i32: 0>} : vector<16xi32>
      %rev3A_419 = arith.subi %rev3A_417, %rev3A_418 : vector<16xi32>
      %rev3A_420 = tpu.dynamic_gather %masked_sort3A_258[%rev3A_419] in [0] : vector<16xi32>, vector<16xi32> -> vector<16xi32>
      %le3A_421 = arith.cmpf ole, %masked_sort3A_234, %rev3A_405 : vector<16xf32>
      %select_n3A_422 = arith.select %le3A_421, %masked_sort3A_234, %rev3A_405 : vector<16xi1>, vector<16xf32>
      %select_n3A_423 = arith.select %le3A_421, %masked_sort3A_235, %rev3A_415 : vector<16xi1>, vector<16xi32>
      %select_n3A_424 = arith.select %le3A_421, %rev3A_405, %masked_sort3A_234 : vector<16xi1>, vector<16xf32>
      %select_n3A_425 = arith.select %le3A_421, %rev3A_415, %masked_sort3A_235 : vector<16xi1>, vector<16xi32>
      %le3A_426 = arith.cmpf ole, %masked_sort3A_238, %rev3A_410 : vector<16xf32>
      %select_n3A_427 = arith.select %le3A_426, %masked_sort3A_238, %rev3A_410 : vector<16xi1>, vector<16xf32>
      %select_n3A_428 = arith.select %le3A_426, %masked_sort3A_239, %rev3A_420 : vector<16xi1>, vector<16xi32>
      %select_n3A_429 = arith.select %le3A_426, %rev3A_410, %masked_sort3A_238 : vector<16xi1>, vector<16xf32>
      %select_n3A_430 = arith.select %le3A_426, %rev3A_420, %masked_sort3A_239 : vector<16xi1>, vector<16xi32>
      %le3A_431 = arith.cmpf ole, %select_n3A_422, %select_n3A_427 : vector<16xf32>
      %select_n3A_432 = arith.select %le3A_431, %select_n3A_422, %select_n3A_427 : vector<16xi1>, vector<16xf32>
      %select_n3A_433 = arith.select %le3A_431, %select_n3A_427, %select_n3A_422 : vector<16xi1>, vector<16xf32>
      %select_n3A_434 = arith.select %le3A_431, %select_n3A_423, %select_n3A_428 : vector<16xi1>, vector<16xi32>
      %select_n3A_435 = arith.select %le3A_431, %select_n3A_428, %select_n3A_423 : vector<16xi1>, vector<16xi32>
      %masked_sort3A_436 = arith.constant dense<true> : vector<16xi1>
      %masked_sort3A_437, %masked_sort3A_438, %masked_sort3A_439 = tpu.sort %select_n3A_432, %select_n3A_434 masked %masked_sort3A_436 : (vector<16xf32>, vector<16xi32>, vector<16xi1>) -> (vector<16xi1>, vector<16xf32>, vector<16xi32>)
      %masked_sort3A_440 = arith.constant dense<true> : vector<16xi1>
      %masked_sort3A_441, %masked_sort3A_442, %masked_sort3A_443 = tpu.sort %select_n3A_433, %select_n3A_435 masked %masked_sort3A_440 : (vector<16xf32>, vector<16xi32>, vector<16xi1>) -> (vector<16xi1>, vector<16xf32>, vector<16xi32>)
      %le3A_444 = arith.cmpf ole, %select_n3A_424, %select_n3A_429 : vector<16xf32>
      %select_n3A_445 = arith.select %le3A_444, %select_n3A_424, %select_n3A_429 : vector<16xi1>, vector<16xf32>
      %select_n3A_446 = arith.select %le3A_444, %select_n3A_429, %select_n3A_424 : vector<16xi1>, vector<16xf32>
      %select_n3A_447 = arith.select %le3A_444, %select_n3A_425, %select_n3A_430 : vector<16xi1>, vector<16xi32>
      %select_n3A_448 = arith.select %le3A_444, %select_n3A_430, %select_n3A_425 : vector<16xi1>, vector<16xi32>
      %masked_sort3A_449 = arith.constant dense<true> : vector<16xi1>
      %masked_sort3A_450, %masked_sort3A_451, %masked_sort3A_452 = tpu.sort %select_n3A_445, %select_n3A_447 masked %masked_sort3A_449 : (vector<16xf32>, vector<16xi32>, vector<16xi1>) -> (vector<16xi1>, vector<16xf32>, vector<16xi32>)
      %masked_sort3A_453 = arith.constant dense<true> : vector<16xi1>
      %masked_sort3A_454, %masked_sort3A_455, %masked_sort3A_456 = tpu.sort %select_n3A_446, %select_n3A_448 masked %masked_sort3A_453 : (vector<16xf32>, vector<16xi32>, vector<16xi1>) -> (vector<16xi1>, vector<16xf32>, vector<16xi32>)
      %rev3A_457 = arith.constant 15 : i32
      %rev3A_458 = vector.broadcast %rev3A_457 : i32 to vector<16xi32>
      %rev3A_459 = tpu.iota {dimensions = array<i32: 0>} : vector<16xi32>
      %rev3A_460 = arith.subi %rev3A_458, %rev3A_459 : vector<16xi32>
      %rev3A_461 = tpu.dynamic_gather %masked_sort3A_307[%rev3A_460] in [0] : vector<16xf32>, vector<16xi32> -> vector<16xf32>
      %rev3A_462 = arith.constant 15 : i32
      %rev3A_463 = vector.broadcast %rev3A_462 : i32 to vector<16xi32>
      %rev3A_464 = tpu.iota {dimensions = array<i32: 0>} : vector<16xi32>
      %rev3A_465 = arith.subi %rev3A_463, %rev3A_464 : vector<16xi32>
      %rev3A_466 = tpu.dynamic_gather %masked_sort3A_303[%rev3A_465] in [0] : vector<16xf32>, vector<16xi32> -> vector<16xf32>
      %rev3A_467 = arith.constant 15 : i32
      %rev3A_468 = vector.broadcast %rev3A_467 : i32 to vector<16xi32>
      %rev3A_469 = tpu.iota {dimensions = array<i32: 0>} : vector<16xi32>
      %rev3A_470 = arith.subi %rev3A_468, %rev3A_469 : vector<16xi32>
      %rev3A_471 = tpu.dynamic_gather %masked_sort3A_308[%rev3A_470] in [0] : vector<16xi32>, vector<16xi32> -> vector<16xi32>
      %rev3A_472 = arith.constant 15 : i32
      %rev3A_473 = vector.broadcast %rev3A_472 : i32 to vector<16xi32>
      %rev3A_474 = tpu.iota {dimensions = array<i32: 0>} : vector<16xi32>
      %rev3A_475 = arith.subi %rev3A_473, %rev3A_474 : vector<16xi32>
      %rev3A_476 = tpu.dynamic_gather %masked_sort3A_304[%rev3A_475] in [0] : vector<16xi32>, vector<16xi32> -> vector<16xi32>
      %le3A_477 = arith.cmpf ole, %masked_sort3A_280, %rev3A_461 : vector<16xf32>
      %select_n3A_478 = arith.select %le3A_477, %masked_sort3A_280, %rev3A_461 : vector<16xi1>, vector<16xf32>
      %select_n3A_479 = arith.select %le3A_477, %masked_sort3A_281, %rev3A_471 : vector<16xi1>, vector<16xi32>
      %select_n3A_480 = arith.select %le3A_477, %rev3A_461, %masked_sort3A_280 : vector<16xi1>, vector<16xf32>
      %select_n3A_481 = arith.select %le3A_477, %rev3A_471, %masked_sort3A_281 : vector<16xi1>, vector<16xi32>
      %le3A_482 = arith.cmpf ole, %masked_sort3A_284, %rev3A_466 : vector<16xf32>
      %select_n3A_483 = arith.select %le3A_482, %masked_sort3A_284, %rev3A_466 : vector<16xi1>, vector<16xf32>
      %select_n3A_484 = arith.select %le3A_482, %masked_sort3A_285, %rev3A_476 : vector<16xi1>, vector<16xi32>
      %select_n3A_485 = arith.select %le3A_482, %rev3A_466, %masked_sort3A_284 : vector<16xi1>, vector<16xf32>
      %select_n3A_486 = arith.select %le3A_482, %rev3A_476, %masked_sort3A_285 : vector<16xi1>, vector<16xi32>
      %le3A_487 = arith.cmpf ole, %select_n3A_478, %select_n3A_483 : vector<16xf32>
      %select_n3A_488 = arith.select %le3A_487, %select_n3A_478, %select_n3A_483 : vector<16xi1>, vector<16xf32>
      %select_n3A_489 = arith.select %le3A_487, %select_n3A_483, %select_n3A_478 : vector<16xi1>, vector<16xf32>
      %select_n3A_490 = arith.select %le3A_487, %select_n3A_479, %select_n3A_484 : vector<16xi1>, vector<16xi32>
      %select_n3A_491 = arith.select %le3A_487, %select_n3A_484, %select_n3A_479 : vector<16xi1>, vector<16xi32>
      %masked_sort3A_492 = arith.constant dense<true> : vector<16xi1>
      %masked_sort3A_493, %masked_sort3A_494, %masked_sort3A_495 = tpu.sort %select_n3A_488, %select_n3A_490 masked %masked_sort3A_492 : (vector<16xf32>, vector<16xi32>, vector<16xi1>) -> (vector<16xi1>, vector<16xf32>, vector<16xi32>)
      %masked_sort3A_496 = arith.constant dense<true> : vector<16xi1>
      %masked_sort3A_497, %masked_sort3A_498, %masked_sort3A_499 = tpu.sort %select_n3A_489, %select_n3A_491 masked %masked_sort3A_496 : (vector<16xf32>, vector<16xi32>, vector<16xi1>) -> (vector<16xi1>, vector<16xf32>, vector<16xi32>)
      %le3A_500 = arith.cmpf ole, %select_n3A_480, %select_n3A_485 : vector<16xf32>
      %select_n3A_501 = arith.select %le3A_500, %select_n3A_480, %select_n3A_485 : vector<16xi1>, vector<16xf32>
      %select_n3A_502 = arith.select %le3A_500, %select_n3A_485, %select_n3A_480 : vector<16xi1>, vector<16xf32>
      %select_n3A_503 = arith.select %le3A_500, %select_n3A_481, %select_n3A_486 : vector<16xi1>, vector<16xi32>
      %select_n3A_504 = arith.select %le3A_500, %select_n3A_486, %select_n3A_481 : vector<16xi1>, vector<16xi32>
      %masked_sort3A_505 = arith.constant dense<true> : vector<16xi1>
      %masked_sort3A_506, %masked_sort3A_507, %masked_sort3A_508 = tpu.sort %select_n3A_501, %select_n3A_503 masked %masked_sort3A_505 : (vector<16xf32>, vector<16xi32>, vector<16xi1>) -> (vector<16xi1>, vector<16xf32>, vector<16xi32>)
      %masked_sort3A_509 = arith.constant dense<true> : vector<16xi1>
      %masked_sort3A_510, %masked_sort3A_511, %masked_sort3A_512 = tpu.sort %select_n3A_502, %select_n3A_504 masked %masked_sort3A_509 : (vector<16xf32>, vector<16xi32>, vector<16xi1>) -> (vector<16xi1>, vector<16xf32>, vector<16xi32>)
      %rev3A_513 = arith.constant 15 : i32
      %rev3A_514 = vector.broadcast %rev3A_513 : i32 to vector<16xi32>
      %rev3A_515 = tpu.iota {dimensions = array<i32: 0>} : vector<16xi32>
      %rev3A_516 = arith.subi %rev3A_514, %rev3A_515 : vector<16xi32>
      %rev3A_517 = tpu.dynamic_gather %masked_sort3A_353[%rev3A_516] in [0] : vector<16xf32>, vector<16xi32> -> vector<16xf32>
      %rev3A_518 = arith.constant 15 : i32
      %rev3A_519 = vector.broadcast %rev3A_518 : i32 to vector<16xi32>
      %rev3A_520 = tpu.iota {dimensions = array<i32: 0>} : vector<16xi32>
      %rev3A_521 = arith.subi %rev3A_519, %rev3A_520 : vector<16xi32>
      %rev3A_522 = tpu.dynamic_gather %masked_sort3A_349[%rev3A_521] in [0] : vector<16xf32>, vector<16xi32> -> vector<16xf32>
      %rev3A_523 = arith.constant 15 : i32
      %rev3A_524 = vector.broadcast %rev3A_523 : i32 to vector<16xi32>
      %rev3A_525 = tpu.iota {dimensions = array<i32: 0>} : vector<16xi32>
      %rev3A_526 = arith.subi %rev3A_524, %rev3A_525 : vector<16xi32>
      %rev3A_527 = tpu.dynamic_gather %masked_sort3A_354[%rev3A_526] in [0] : vector<16xi32>, vector<16xi32> -> vector<16xi32>
      %rev3A_528 = arith.constant 15 : i32
      %rev3A_529 = vector.broadcast %rev3A_528 : i32 to vector<16xi32>
      %rev3A_530 = tpu.iota {dimensions = array<i32: 0>} : vector<16xi32>
      %rev3A_531 = arith.subi %rev3A_529, %rev3A_530 : vector<16xi32>
      %rev3A_532 = tpu.dynamic_gather %masked_sort3A_350[%rev3A_531] in [0] : vector<16xi32>, vector<16xi32> -> vector<16xi32>
      %le3A_533 = arith.cmpf ole, %masked_sort3A_326, %rev3A_517 : vector<16xf32>
      %select_n3A_534 = arith.select %le3A_533, %masked_sort3A_326, %rev3A_517 : vector<16xi1>, vector<16xf32>
      %select_n3A_535 = arith.select %le3A_533, %masked_sort3A_327, %rev3A_527 : vector<16xi1>, vector<16xi32>
      %select_n3A_536 = arith.select %le3A_533, %rev3A_517, %masked_sort3A_326 : vector<16xi1>, vector<16xf32>
      %select_n3A_537 = arith.select %le3A_533, %rev3A_527, %masked_sort3A_327 : vector<16xi1>, vector<16xi32>
      %le3A_538 = arith.cmpf ole, %masked_sort3A_330, %rev3A_522 : vector<16xf32>
      %select_n3A_539 = arith.select %le3A_538, %masked_sort3A_330, %rev3A_522 : vector<16xi1>, vector<16xf32>
      %select_n3A_540 = arith.select %le3A_538, %masked_sort3A_331, %rev3A_532 : vector<16xi1>, vector<16xi32>
      %select_n3A_541 = arith.select %le3A_538, %rev3A_522, %masked_sort3A_330 : vector<16xi1>, vector<16xf32>
      %select_n3A_542 = arith.select %le3A_538, %rev3A_532, %masked_sort3A_331 : vector<16xi1>, vector<16xi32>
      %le3A_543 = arith.cmpf ole, %select_n3A_534, %select_n3A_539 : vector<16xf32>
      %select_n3A_544 = arith.select %le3A_543, %select_n3A_534, %select_n3A_539 : vector<16xi1>, vector<16xf32>
      %select_n3A_545 = arith.select %le3A_543, %select_n3A_539, %select_n3A_534 : vector<16xi1>, vector<16xf32>
      %select_n3A_546 = arith.select %le3A_543, %select_n3A_535, %select_n3A_540 : vector<16xi1>, vector<16xi32>
      %select_n3A_547 = arith.select %le3A_543, %select_n3A_540, %select_n3A_535 : vector<16xi1>, vector<16xi32>
      %masked_sort3A_548 = arith.constant dense<true> : vector<16xi1>
      %masked_sort3A_549, %masked_sort3A_550, %masked_sort3A_551 = tpu.sort %select_n3A_544, %select_n3A_546 masked %masked_sort3A_548 : (vector<16xf32>, vector<16xi32>, vector<16xi1>) -> (vector<16xi1>, vector<16xf32>, vector<16xi32>)
      %masked_sort3A_552 = arith.constant dense<true> : vector<16xi1>
      %masked_sort3A_553, %masked_sort3A_554, %masked_sort3A_555 = tpu.sort %select_n3A_545, %select_n3A_547 masked %masked_sort3A_552 : (vector<16xf32>, vector<16xi32>, vector<16xi1>) -> (vector<16xi1>, vector<16xf32>, vector<16xi32>)
      %le3A_556 = arith.cmpf ole, %select_n3A_536, %select_n3A_541 : vector<16xf32>
      %select_n3A_557 = arith.select %le3A_556, %select_n3A_536, %select_n3A_541 : vector<16xi1>, vector<16xf32>
      %select_n3A_558 = arith.select %le3A_556, %select_n3A_541, %select_n3A_536 : vector<16xi1>, vector<16xf32>
      %select_n3A_559 = arith.select %le3A_556, %select_n3A_537, %select_n3A_542 : vector<16xi1>, vector<16xi32>
      %select_n3A_560 = arith.select %le3A_556, %select_n3A_542, %select_n3A_537 : vector<16xi1>, vector<16xi32>
      %masked_sort3A_561 = arith.constant dense<true> : vector<16xi1>
      %masked_sort3A_562, %masked_sort3A_563, %masked_sort3A_564 = tpu.sort %select_n3A_557, %select_n3A_559 masked %masked_sort3A_561 : (vector<16xf32>, vector<16xi32>, vector<16xi1>) -> (vector<16xi1>, vector<16xf32>, vector<16xi32>)
      %masked_sort3A_565 = arith.constant dense<true> : vector<16xi1>
      %masked_sort3A_566, %masked_sort3A_567, %masked_sort3A_568 = tpu.sort %select_n3A_558, %select_n3A_560 masked %masked_sort3A_565 : (vector<16xf32>, vector<16xi32>, vector<16xi1>) -> (vector<16xi1>, vector<16xf32>, vector<16xi32>)
      %rev3A_569 = arith.constant 15 : i32
      %rev3A_570 = vector.broadcast %rev3A_569 : i32 to vector<16xi32>
      %rev3A_571 = tpu.iota {dimensions = array<i32: 0>} : vector<16xi32>
      %rev3A_572 = arith.subi %rev3A_570, %rev3A_571 : vector<16xi32>
      %rev3A_573 = tpu.dynamic_gather %masked_sort3A_399[%rev3A_572] in [0] : vector<16xf32>, vector<16xi32> -> vector<16xf32>
      %rev3A_574 = arith.constant 15 : i32
      %rev3A_575 = vector.broadcast %rev3A_574 : i32 to vector<16xi32>
      %rev3A_576 = tpu.iota {dimensions = array<i32: 0>} : vector<16xi32>
      %rev3A_577 = arith.subi %rev3A_575, %rev3A_576 : vector<16xi32>
      %rev3A_578 = tpu.dynamic_gather %masked_sort3A_395[%rev3A_577] in [0] : vector<16xf32>, vector<16xi32> -> vector<16xf32>
      %rev3A_579 = arith.constant 15 : i32
      %rev3A_580 = vector.broadcast %rev3A_579 : i32 to vector<16xi32>
      %rev3A_581 = tpu.iota {dimensions = array<i32: 0>} : vector<16xi32>
      %rev3A_582 = arith.subi %rev3A_580, %rev3A_581 : vector<16xi32>
      %rev3A_583 = tpu.dynamic_gather %masked_sort3A_400[%rev3A_582] in [0] : vector<16xi32>, vector<16xi32> -> vector<16xi32>
      %rev3A_584 = arith.constant 15 : i32
      %rev3A_585 = vector.broadcast %rev3A_584 : i32 to vector<16xi32>
      %rev3A_586 = tpu.iota {dimensions = array<i32: 0>} : vector<16xi32>
      %rev3A_587 = arith.subi %rev3A_585, %rev3A_586 : vector<16xi32>
      %rev3A_588 = tpu.dynamic_gather %masked_sort3A_396[%rev3A_587] in [0] : vector<16xi32>, vector<16xi32> -> vector<16xi32>
      %le3A_589 = arith.cmpf ole, %masked_sort3A_372, %rev3A_573 : vector<16xf32>
      %select_n3A_590 = arith.select %le3A_589, %masked_sort3A_372, %rev3A_573 : vector<16xi1>, vector<16xf32>
      %select_n3A_591 = arith.select %le3A_589, %masked_sort3A_373, %rev3A_583 : vector<16xi1>, vector<16xi32>
      %select_n3A_592 = arith.select %le3A_589, %rev3A_573, %masked_sort3A_372 : vector<16xi1>, vector<16xf32>
      %select_n3A_593 = arith.select %le3A_589, %rev3A_583, %masked_sort3A_373 : vector<16xi1>, vector<16xi32>
      %le3A_594 = arith.cmpf ole, %masked_sort3A_376, %rev3A_578 : vector<16xf32>
      %select_n3A_595 = arith.select %le3A_594, %masked_sort3A_376, %rev3A_578 : vector<16xi1>, vector<16xf32>
      %select_n3A_596 = arith.select %le3A_594, %masked_sort3A_377, %rev3A_588 : vector<16xi1>, vector<16xi32>
      %select_n3A_597 = arith.select %le3A_594, %rev3A_578, %masked_sort3A_376 : vector<16xi1>, vector<16xf32>
      %select_n3A_598 = arith.select %le3A_594, %rev3A_588, %masked_sort3A_377 : vector<16xi1>, vector<16xi32>
      %le3A_599 = arith.cmpf ole, %select_n3A_590, %select_n3A_595 : vector<16xf32>
      %select_n3A_600 = arith.select %le3A_599, %select_n3A_590, %select_n3A_595 : vector<16xi1>, vector<16xf32>
      %select_n3A_601 = arith.select %le3A_599, %select_n3A_595, %select_n3A_590 : vector<16xi1>, vector<16xf32>
      %select_n3A_602 = arith.select %le3A_599, %select_n3A_591, %select_n3A_596 : vector<16xi1>, vector<16xi32>
      %select_n3A_603 = arith.select %le3A_599, %select_n3A_596, %select_n3A_591 : vector<16xi1>, vector<16xi32>
      %masked_sort3A_604 = arith.constant dense<true> : vector<16xi1>
      %masked_sort3A_605, %masked_sort3A_606, %masked_sort3A_607 = tpu.sort %select_n3A_600, %select_n3A_602 masked %masked_sort3A_604 : (vector<16xf32>, vector<16xi32>, vector<16xi1>) -> (vector<16xi1>, vector<16xf32>, vector<16xi32>)
      %masked_sort3A_608 = arith.constant dense<true> : vector<16xi1>
      %masked_sort3A_609, %masked_sort3A_610, %masked_sort3A_611 = tpu.sort %select_n3A_601, %select_n3A_603 masked %masked_sort3A_608 : (vector<16xf32>, vector<16xi32>, vector<16xi1>) -> (vector<16xi1>, vector<16xf32>, vector<16xi32>)
      %le3A_612 = arith.cmpf ole, %select_n3A_592, %select_n3A_597 : vector<16xf32>
      %select_n3A_613 = arith.select %le3A_612, %select_n3A_592, %select_n3A_597 : vector<16xi1>, vector<16xf32>
      %select_n3A_614 = arith.select %le3A_612, %select_n3A_597, %select_n3A_592 : vector<16xi1>, vector<16xf32>
      %select_n3A_615 = arith.select %le3A_612, %select_n3A_593, %select_n3A_598 : vector<16xi1>, vector<16xi32>
      %select_n3A_616 = arith.select %le3A_612, %select_n3A_598, %select_n3A_593 : vector<16xi1>, vector<16xi32>
      %masked_sort3A_617 = arith.constant dense<true> : vector<16xi1>
      %masked_sort3A_618, %masked_sort3A_619, %masked_sort3A_620 = tpu.sort %select_n3A_613, %select_n3A_615 masked %masked_sort3A_617 : (vector<16xf32>, vector<16xi32>, vector<16xi1>) -> (vector<16xi1>, vector<16xf32>, vector<16xi32>)
      %masked_sort3A_621 = arith.constant dense<true> : vector<16xi1>
      %masked_sort3A_622, %masked_sort3A_623, %masked_sort3A_624 = tpu.sort %select_n3A_614, %select_n3A_616 masked %masked_sort3A_621 : (vector<16xf32>, vector<16xi32>, vector<16xi1>) -> (vector<16xi1>, vector<16xf32>, vector<16xi32>)
      %rev3A_625 = arith.constant 15 : i32
      %rev3A_626 = vector.broadcast %rev3A_625 : i32 to vector<16xi32>
      %rev3A_627 = tpu.iota {dimensions = array<i32: 0>} : vector<16xi32>
      %rev3A_628 = arith.subi %rev3A_626, %rev3A_627 : vector<16xi32>
      %rev3A_629 = tpu.dynamic_gather %masked_sort3A_511[%rev3A_628] in [0] : vector<16xf32>, vector<16xi32> -> vector<16xf32>
      %rev3A_630 = arith.constant 15 : i32
      %rev3A_631 = vector.broadcast %rev3A_630 : i32 to vector<16xi32>
      %rev3A_632 = tpu.iota {dimensions = array<i32: 0>} : vector<16xi32>
      %rev3A_633 = arith.subi %rev3A_631, %rev3A_632 : vector<16xi32>
      %rev3A_634 = tpu.dynamic_gather %masked_sort3A_507[%rev3A_633] in [0] : vector<16xf32>, vector<16xi32> -> vector<16xf32>
      %rev3A_635 = arith.constant 15 : i32
      %rev3A_636 = vector.broadcast %rev3A_635 : i32 to vector<16xi32>
      %rev3A_637 = tpu.iota {dimensions = array<i32: 0>} : vector<16xi32>
      %rev3A_638 = arith.subi %rev3A_636, %rev3A_637 : vector<16xi32>
      %rev3A_639 = tpu.dynamic_gather %masked_sort3A_498[%rev3A_638] in [0] : vector<16xf32>, vector<16xi32> -> vector<16xf32>
      %rev3A_640 = arith.constant 15 : i32
      %rev3A_641 = vector.broadcast %rev3A_640 : i32 to vector<16xi32>
      %rev3A_642 = tpu.iota {dimensions = array<i32: 0>} : vector<16xi32>
      %rev3A_643 = arith.subi %rev3A_641, %rev3A_642 : vector<16xi32>
      %rev3A_644 = tpu.dynamic_gather %masked_sort3A_494[%rev3A_643] in [0] : vector<16xf32>, vector<16xi32> -> vector<16xf32>
      %rev3A_645 = arith.constant 15 : i32
      %rev3A_646 = vector.broadcast %rev3A_645 : i32 to vector<16xi32>
      %rev3A_647 = tpu.iota {dimensions = array<i32: 0>} : vector<16xi32>
      %rev3A_648 = arith.subi %rev3A_646, %rev3A_647 : vector<16xi32>
      %rev3A_649 = tpu.dynamic_gather %masked_sort3A_512[%rev3A_648] in [0] : vector<16xi32>, vector<16xi32> -> vector<16xi32>
      %rev3A_650 = arith.constant 15 : i32
      %rev3A_651 = vector.broadcast %rev3A_650 : i32 to vector<16xi32>
      %rev3A_652 = tpu.iota {dimensions = array<i32: 0>} : vector<16xi32>
      %rev3A_653 = arith.subi %rev3A_651, %rev3A_652 : vector<16xi32>
      %rev3A_654 = tpu.dynamic_gather %masked_sort3A_508[%rev3A_653] in [0] : vector<16xi32>, vector<16xi32> -> vector<16xi32>
      %rev3A_655 = arith.constant 15 : i32
      %rev3A_656 = vector.broadcast %rev3A_655 : i32 to vector<16xi32>
      %rev3A_657 = tpu.iota {dimensions = array<i32: 0>} : vector<16xi32>
      %rev3A_658 = arith.subi %rev3A_656, %rev3A_657 : vector<16xi32>
      %rev3A_659 = tpu.dynamic_gather %masked_sort3A_499[%rev3A_658] in [0] : vector<16xi32>, vector<16xi32> -> vector<16xi32>
      %rev3A_660 = arith.constant 15 : i32
      %rev3A_661 = vector.broadcast %rev3A_660 : i32 to vector<16xi32>
      %rev3A_662 = tpu.iota {dimensions = array<i32: 0>} : vector<16xi32>
      %rev3A_663 = arith.subi %rev3A_661, %rev3A_662 : vector<16xi32>
      %rev3A_664 = tpu.dynamic_gather %masked_sort3A_495[%rev3A_663] in [0] : vector<16xi32>, vector<16xi32> -> vector<16xi32>
      %le3A_665 = arith.cmpf ole, %masked_sort3A_438, %rev3A_629 : vector<16xf32>
      %select_n3A_666 = arith.select %le3A_665, %masked_sort3A_438, %rev3A_629 : vector<16xi1>, vector<16xf32>
      %select_n3A_667 = arith.select %le3A_665, %masked_sort3A_439, %rev3A_649 : vector<16xi1>, vector<16xi32>
      %le3A_668 = arith.cmpf ole, %masked_sort3A_442, %rev3A_634 : vector<16xf32>
      %select_n3A_669 = arith.select %le3A_668, %masked_sort3A_442, %rev3A_634 : vector<16xi1>, vector<16xf32>
      %select_n3A_670 = arith.select %le3A_668, %masked_sort3A_443, %rev3A_654 : vector<16xi1>, vector<16xi32>
      %le3A_671 = arith.cmpf ole, %masked_sort3A_451, %rev3A_639 : vector<16xf32>
      %select_n3A_672 = arith.select %le3A_671, %masked_sort3A_451, %rev3A_639 : vector<16xi1>, vector<16xf32>
      %select_n3A_673 = arith.select %le3A_671, %masked_sort3A_452, %rev3A_659 : vector<16xi1>, vector<16xi32>
      %le3A_674 = arith.cmpf ole, %masked_sort3A_455, %rev3A_644 : vector<16xf32>
      %select_n3A_675 = arith.select %le3A_674, %masked_sort3A_455, %rev3A_644 : vector<16xi1>, vector<16xf32>
      %select_n3A_676 = arith.select %le3A_674, %masked_sort3A_456, %rev3A_664 : vector<16xi1>, vector<16xi32>
      %le3A_677 = arith.cmpf ole, %select_n3A_666, %select_n3A_672 : vector<16xf32>
      %select_n3A_678 = arith.select %le3A_677, %select_n3A_666, %select_n3A_672 : vector<16xi1>, vector<16xf32>
      %select_n3A_679 = arith.select %le3A_677, %select_n3A_672, %select_n3A_666 : vector<16xi1>, vector<16xf32>
      %select_n3A_680 = arith.select %le3A_677, %select_n3A_667, %select_n3A_673 : vector<16xi1>, vector<16xi32>
      %select_n3A_681 = arith.select %le3A_677, %select_n3A_673, %select_n3A_667 : vector<16xi1>, vector<16xi32>
      %le3A_682 = arith.cmpf ole, %select_n3A_669, %select_n3A_675 : vector<16xf32>
      %select_n3A_683 = arith.select %le3A_682, %select_n3A_669, %select_n3A_675 : vector<16xi1>, vector<16xf32>
      %select_n3A_684 = arith.select %le3A_682, %select_n3A_675, %select_n3A_669 : vector<16xi1>, vector<16xf32>
      %select_n3A_685 = arith.select %le3A_682, %select_n3A_670, %select_n3A_676 : vector<16xi1>, vector<16xi32>
      %select_n3A_686 = arith.select %le3A_682, %select_n3A_676, %select_n3A_670 : vector<16xi1>, vector<16xi32>
      %le3A_687 = arith.cmpf ole, %select_n3A_678, %select_n3A_683 : vector<16xf32>
      %select_n3A_688 = arith.select %le3A_687, %select_n3A_678, %select_n3A_683 : vector<16xi1>, vector<16xf32>
      %select_n3A_689 = arith.select %le3A_687, %select_n3A_683, %select_n3A_678 : vector<16xi1>, vector<16xf32>
      %select_n3A_690 = arith.select %le3A_687, %select_n3A_680, %select_n3A_685 : vector<16xi1>, vector<16xi32>
      %select_n3A_691 = arith.select %le3A_687, %select_n3A_685, %select_n3A_680 : vector<16xi1>, vector<16xi32>
      %le3A_692 = arith.cmpf ole, %select_n3A_679, %select_n3A_684 : vector<16xf32>
      %select_n3A_693 = arith.select %le3A_692, %select_n3A_679, %select_n3A_684 : vector<16xi1>, vector<16xf32>
      %select_n3A_694 = arith.select %le3A_692, %select_n3A_684, %select_n3A_679 : vector<16xi1>, vector<16xf32>
      %select_n3A_695 = arith.select %le3A_692, %select_n3A_681, %select_n3A_686 : vector<16xi1>, vector<16xi32>
      %select_n3A_696 = arith.select %le3A_692, %select_n3A_686, %select_n3A_681 : vector<16xi1>, vector<16xi32>
      %masked_sort3A_697 = arith.constant dense<true> : vector<16xi1>
      %masked_sort3A_698, %masked_sort3A_699, %masked_sort3A_700 = tpu.sort %select_n3A_688, %select_n3A_690 masked %masked_sort3A_697 : (vector<16xf32>, vector<16xi32>, vector<16xi1>) -> (vector<16xi1>, vector<16xf32>, vector<16xi32>)
      %masked_sort3A_701 = arith.constant dense<true> : vector<16xi1>
      %masked_sort3A_702, %masked_sort3A_703, %masked_sort3A_704 = tpu.sort %select_n3A_689, %select_n3A_691 masked %masked_sort3A_701 : (vector<16xf32>, vector<16xi32>, vector<16xi1>) -> (vector<16xi1>, vector<16xf32>, vector<16xi32>)
      %masked_sort3A_705 = arith.constant dense<true> : vector<16xi1>
      %masked_sort3A_706, %masked_sort3A_707, %masked_sort3A_708 = tpu.sort %select_n3A_693, %select_n3A_695 masked %masked_sort3A_705 : (vector<16xf32>, vector<16xi32>, vector<16xi1>) -> (vector<16xi1>, vector<16xf32>, vector<16xi32>)
      %masked_sort3A_709 = arith.constant dense<true> : vector<16xi1>
      %masked_sort3A_710, %masked_sort3A_711, %masked_sort3A_712 = tpu.sort %select_n3A_694, %select_n3A_696 masked %masked_sort3A_709 : (vector<16xf32>, vector<16xi32>, vector<16xi1>) -> (vector<16xi1>, vector<16xf32>, vector<16xi32>)
      %rev3A_713 = arith.constant 15 : i32
      %rev3A_714 = vector.broadcast %rev3A_713 : i32 to vector<16xi32>
      %rev3A_715 = tpu.iota {dimensions = array<i32: 0>} : vector<16xi32>
      %rev3A_716 = arith.subi %rev3A_714, %rev3A_715 : vector<16xi32>
      %rev3A_717 = tpu.dynamic_gather %masked_sort3A_623[%rev3A_716] in [0] : vector<16xf32>, vector<16xi32> -> vector<16xf32>
      %rev3A_718 = arith.constant 15 : i32
      %rev3A_719 = vector.broadcast %rev3A_718 : i32 to vector<16xi32>
      %rev3A_720 = tpu.iota {dimensions = array<i32: 0>} : vector<16xi32>
      %rev3A_721 = arith.subi %rev3A_719, %rev3A_720 : vector<16xi32>
      %rev3A_722 = tpu.dynamic_gather %masked_sort3A_619[%rev3A_721] in [0] : vector<16xf32>, vector<16xi32> -> vector<16xf32>
      %rev3A_723 = arith.constant 15 : i32
      %rev3A_724 = vector.broadcast %rev3A_723 : i32 to vector<16xi32>
      %rev3A_725 = tpu.iota {dimensions = array<i32: 0>} : vector<16xi32>
      %rev3A_726 = arith.subi %rev3A_724, %rev3A_725 : vector<16xi32>
      %rev3A_727 = tpu.dynamic_gather %masked_sort3A_610[%rev3A_726] in [0] : vector<16xf32>, vector<16xi32> -> vector<16xf32>
      %rev3A_728 = arith.constant 15 : i32
      %rev3A_729 = vector.broadcast %rev3A_728 : i32 to vector<16xi32>
      %rev3A_730 = tpu.iota {dimensions = array<i32: 0>} : vector<16xi32>
      %rev3A_731 = arith.subi %rev3A_729, %rev3A_730 : vector<16xi32>
      %rev3A_732 = tpu.dynamic_gather %masked_sort3A_606[%rev3A_731] in [0] : vector<16xf32>, vector<16xi32> -> vector<16xf32>
      %rev3A_733 = arith.constant 15 : i32
      %rev3A_734 = vector.broadcast %rev3A_733 : i32 to vector<16xi32>
      %rev3A_735 = tpu.iota {dimensions = array<i32: 0>} : vector<16xi32>
      %rev3A_736 = arith.subi %rev3A_734, %rev3A_735 : vector<16xi32>
      %rev3A_737 = tpu.dynamic_gather %masked_sort3A_624[%rev3A_736] in [0] : vector<16xi32>, vector<16xi32> -> vector<16xi32>
      %rev3A_738 = arith.constant 15 : i32
      %rev3A_739 = vector.broadcast %rev3A_738 : i32 to vector<16xi32>
      %rev3A_740 = tpu.iota {dimensions = array<i32: 0>} : vector<16xi32>
      %rev3A_741 = arith.subi %rev3A_739, %rev3A_740 : vector<16xi32>
      %rev3A_742 = tpu.dynamic_gather %masked_sort3A_620[%rev3A_741] in [0] : vector<16xi32>, vector<16xi32> -> vector<16xi32>
      %rev3A_743 = arith.constant 15 : i32
      %rev3A_744 = vector.broadcast %rev3A_743 : i32 to vector<16xi32>
      %rev3A_745 = tpu.iota {dimensions = array<i32: 0>} : vector<16xi32>
      %rev3A_746 = arith.subi %rev3A_744, %rev3A_745 : vector<16xi32>
      %rev3A_747 = tpu.dynamic_gather %masked_sort3A_611[%rev3A_746] in [0] : vector<16xi32>, vector<16xi32> -> vector<16xi32>
      %rev3A_748 = arith.constant 15 : i32
      %rev3A_749 = vector.broadcast %rev3A_748 : i32 to vector<16xi32>
      %rev3A_750 = tpu.iota {dimensions = array<i32: 0>} : vector<16xi32>
      %rev3A_751 = arith.subi %rev3A_749, %rev3A_750 : vector<16xi32>
      %rev3A_752 = tpu.dynamic_gather %masked_sort3A_607[%rev3A_751] in [0] : vector<16xi32>, vector<16xi32> -> vector<16xi32>
      %le3A_753 = arith.cmpf ole, %masked_sort3A_550, %rev3A_717 : vector<16xf32>
      %select_n3A_754 = arith.select %le3A_753, %masked_sort3A_550, %rev3A_717 : vector<16xi1>, vector<16xf32>
      %select_n3A_755 = arith.select %le3A_753, %masked_sort3A_551, %rev3A_737 : vector<16xi1>, vector<16xi32>
      %le3A_756 = arith.cmpf ole, %masked_sort3A_554, %rev3A_722 : vector<16xf32>
      %select_n3A_757 = arith.select %le3A_756, %masked_sort3A_554, %rev3A_722 : vector<16xi1>, vector<16xf32>
      %select_n3A_758 = arith.select %le3A_756, %masked_sort3A_555, %rev3A_742 : vector<16xi1>, vector<16xi32>
      %le3A_759 = arith.cmpf ole, %masked_sort3A_563, %rev3A_727 : vector<16xf32>
      %select_n3A_760 = arith.select %le3A_759, %masked_sort3A_563, %rev3A_727 : vector<16xi1>, vector<16xf32>
      %select_n3A_761 = arith.select %le3A_759, %masked_sort3A_564, %rev3A_747 : vector<16xi1>, vector<16xi32>
      %le3A_762 = arith.cmpf ole, %masked_sort3A_567, %rev3A_732 : vector<16xf32>
      %select_n3A_763 = arith.select %le3A_762, %masked_sort3A_567, %rev3A_732 : vector<16xi1>, vector<16xf32>
      %select_n3A_764 = arith.select %le3A_762, %masked_sort3A_568, %rev3A_752 : vector<16xi1>, vector<16xi32>
      %le3A_765 = arith.cmpf ole, %select_n3A_754, %select_n3A_760 : vector<16xf32>
      %select_n3A_766 = arith.select %le3A_765, %select_n3A_754, %select_n3A_760 : vector<16xi1>, vector<16xf32>
      %select_n3A_767 = arith.select %le3A_765, %select_n3A_760, %select_n3A_754 : vector<16xi1>, vector<16xf32>
      %select_n3A_768 = arith.select %le3A_765, %select_n3A_755, %select_n3A_761 : vector<16xi1>, vector<16xi32>
      %select_n3A_769 = arith.select %le3A_765, %select_n3A_761, %select_n3A_755 : vector<16xi1>, vector<16xi32>
      %le3A_770 = arith.cmpf ole, %select_n3A_757, %select_n3A_763 : vector<16xf32>
      %select_n3A_771 = arith.select %le3A_770, %select_n3A_757, %select_n3A_763 : vector<16xi1>, vector<16xf32>
      %select_n3A_772 = arith.select %le3A_770, %select_n3A_763, %select_n3A_757 : vector<16xi1>, vector<16xf32>
      %select_n3A_773 = arith.select %le3A_770, %select_n3A_758, %select_n3A_764 : vector<16xi1>, vector<16xi32>
      %select_n3A_774 = arith.select %le3A_770, %select_n3A_764, %select_n3A_758 : vector<16xi1>, vector<16xi32>
      %le3A_775 = arith.cmpf ole, %select_n3A_766, %select_n3A_771 : vector<16xf32>
      %select_n3A_776 = arith.select %le3A_775, %select_n3A_766, %select_n3A_771 : vector<16xi1>, vector<16xf32>
      %select_n3A_777 = arith.select %le3A_775, %select_n3A_771, %select_n3A_766 : vector<16xi1>, vector<16xf32>
      %select_n3A_778 = arith.select %le3A_775, %select_n3A_768, %select_n3A_773 : vector<16xi1>, vector<16xi32>
      %select_n3A_779 = arith.select %le3A_775, %select_n3A_773, %select_n3A_768 : vector<16xi1>, vector<16xi32>
      %le3A_780 = arith.cmpf ole, %select_n3A_767, %select_n3A_772 : vector<16xf32>
      %select_n3A_781 = arith.select %le3A_780, %select_n3A_767, %select_n3A_772 : vector<16xi1>, vector<16xf32>
      %select_n3A_782 = arith.select %le3A_780, %select_n3A_772, %select_n3A_767 : vector<16xi1>, vector<16xf32>
      %select_n3A_783 = arith.select %le3A_780, %select_n3A_769, %select_n3A_774 : vector<16xi1>, vector<16xi32>
      %select_n3A_784 = arith.select %le3A_780, %select_n3A_774, %select_n3A_769 : vector<16xi1>, vector<16xi32>
      %masked_sort3A_785 = arith.constant dense<true> : vector<16xi1>
      %masked_sort3A_786, %masked_sort3A_787, %masked_sort3A_788 = tpu.sort %select_n3A_776, %select_n3A_778 masked %masked_sort3A_785 : (vector<16xf32>, vector<16xi32>, vector<16xi1>) -> (vector<16xi1>, vector<16xf32>, vector<16xi32>)
      %masked_sort3A_789 = arith.constant dense<true> : vector<16xi1>
      %masked_sort3A_790, %masked_sort3A_791, %masked_sort3A_792 = tpu.sort %select_n3A_777, %select_n3A_779 masked %masked_sort3A_789 : (vector<16xf32>, vector<16xi32>, vector<16xi1>) -> (vector<16xi1>, vector<16xf32>, vector<16xi32>)
      %masked_sort3A_793 = arith.constant dense<true> : vector<16xi1>
      %masked_sort3A_794, %masked_sort3A_795, %masked_sort3A_796 = tpu.sort %select_n3A_781, %select_n3A_783 masked %masked_sort3A_793 : (vector<16xf32>, vector<16xi32>, vector<16xi1>) -> (vector<16xi1>, vector<16xf32>, vector<16xi32>)
      %masked_sort3A_797 = arith.constant dense<true> : vector<16xi1>
      %masked_sort3A_798, %masked_sort3A_799, %masked_sort3A_800 = tpu.sort %select_n3A_782, %select_n3A_784 masked %masked_sort3A_797 : (vector<16xf32>, vector<16xi32>, vector<16xi1>) -> (vector<16xi1>, vector<16xf32>, vector<16xi32>)
      %rev3A_801 = arith.constant 15 : i32
      %rev3A_802 = vector.broadcast %rev3A_801 : i32 to vector<16xi32>
      %rev3A_803 = tpu.iota {dimensions = array<i32: 0>} : vector<16xi32>
      %rev3A_804 = arith.subi %rev3A_802, %rev3A_803 : vector<16xi32>
      %rev3A_805 = tpu.dynamic_gather %masked_sort3A_799[%rev3A_804] in [0] : vector<16xf32>, vector<16xi32> -> vector<16xf32>
      %rev3A_806 = arith.constant 15 : i32
      %rev3A_807 = vector.broadcast %rev3A_806 : i32 to vector<16xi32>
      %rev3A_808 = tpu.iota {dimensions = array<i32: 0>} : vector<16xi32>
      %rev3A_809 = arith.subi %rev3A_807, %rev3A_808 : vector<16xi32>
      %rev3A_810 = tpu.dynamic_gather %masked_sort3A_795[%rev3A_809] in [0] : vector<16xf32>, vector<16xi32> -> vector<16xf32>
      %rev3A_811 = arith.constant 15 : i32
      %rev3A_812 = vector.broadcast %rev3A_811 : i32 to vector<16xi32>
      %rev3A_813 = tpu.iota {dimensions = array<i32: 0>} : vector<16xi32>
      %rev3A_814 = arith.subi %rev3A_812, %rev3A_813 : vector<16xi32>
      %rev3A_815 = tpu.dynamic_gather %masked_sort3A_791[%rev3A_814] in [0] : vector<16xf32>, vector<16xi32> -> vector<16xf32>
      %rev3A_816 = arith.constant 15 : i32
      %rev3A_817 = vector.broadcast %rev3A_816 : i32 to vector<16xi32>
      %rev3A_818 = tpu.iota {dimensions = array<i32: 0>} : vector<16xi32>
      %rev3A_819 = arith.subi %rev3A_817, %rev3A_818 : vector<16xi32>
      %rev3A_820 = tpu.dynamic_gather %masked_sort3A_787[%rev3A_819] in [0] : vector<16xf32>, vector<16xi32> -> vector<16xf32>
      %rev3A_821 = arith.constant 15 : i32
      %rev3A_822 = vector.broadcast %rev3A_821 : i32 to vector<16xi32>
      %rev3A_823 = tpu.iota {dimensions = array<i32: 0>} : vector<16xi32>
      %rev3A_824 = arith.subi %rev3A_822, %rev3A_823 : vector<16xi32>
      %rev3A_825 = tpu.dynamic_gather %masked_sort3A_800[%rev3A_824] in [0] : vector<16xi32>, vector<16xi32> -> vector<16xi32>
      %rev3A_826 = arith.constant 15 : i32
      %rev3A_827 = vector.broadcast %rev3A_826 : i32 to vector<16xi32>
      %rev3A_828 = tpu.iota {dimensions = array<i32: 0>} : vector<16xi32>
      %rev3A_829 = arith.subi %rev3A_827, %rev3A_828 : vector<16xi32>
      %rev3A_830 = tpu.dynamic_gather %masked_sort3A_796[%rev3A_829] in [0] : vector<16xi32>, vector<16xi32> -> vector<16xi32>
      %rev3A_831 = arith.constant 15 : i32
      %rev3A_832 = vector.broadcast %rev3A_831 : i32 to vector<16xi32>
      %rev3A_833 = tpu.iota {dimensions = array<i32: 0>} : vector<16xi32>
      %rev3A_834 = arith.subi %rev3A_832, %rev3A_833 : vector<16xi32>
      %rev3A_835 = tpu.dynamic_gather %masked_sort3A_792[%rev3A_834] in [0] : vector<16xi32>, vector<16xi32> -> vector<16xi32>
      %rev3A_836 = arith.constant 15 : i32
      %rev3A_837 = vector.broadcast %rev3A_836 : i32 to vector<16xi32>
      %rev3A_838 = tpu.iota {dimensions = array<i32: 0>} : vector<16xi32>
      %rev3A_839 = arith.subi %rev3A_837, %rev3A_838 : vector<16xi32>
      %rev3A_840 = tpu.dynamic_gather %masked_sort3A_788[%rev3A_839] in [0] : vector<16xi32>, vector<16xi32> -> vector<16xi32>
      %le3A_841 = arith.cmpf ole, %masked_sort3A_699, %rev3A_805 : vector<16xf32>
      %select_n3A_842 = arith.select %le3A_841, %masked_sort3A_699, %rev3A_805 : vector<16xi1>, vector<16xf32>
      %select_n3A_843 = arith.select %le3A_841, %masked_sort3A_700, %rev3A_825 : vector<16xi1>, vector<16xi32>
      %le3A_844 = arith.cmpf ole, %masked_sort3A_703, %rev3A_810 : vector<16xf32>
      %select_n3A_845 = arith.select %le3A_844, %masked_sort3A_703, %rev3A_810 : vector<16xi1>, vector<16xf32>
      %select_n3A_846 = arith.select %le3A_844, %masked_sort3A_704, %rev3A_830 : vector<16xi1>, vector<16xi32>
      %le3A_847 = arith.cmpf ole, %masked_sort3A_707, %rev3A_815 : vector<16xf32>
      %select_n3A_848 = arith.select %le3A_847, %masked_sort3A_707, %rev3A_815 : vector<16xi1>, vector<16xf32>
      %select_n3A_849 = arith.select %le3A_847, %masked_sort3A_708, %rev3A_835 : vector<16xi1>, vector<16xi32>
      %le3A_850 = arith.cmpf ole, %masked_sort3A_711, %rev3A_820 : vector<16xf32>
      %select_n3A_851 = arith.select %le3A_850, %masked_sort3A_711, %rev3A_820 : vector<16xi1>, vector<16xf32>
      %select_n3A_852 = arith.select %le3A_850, %masked_sort3A_712, %rev3A_840 : vector<16xi1>, vector<16xi32>
      %add3A_853 = vector.broadcast %mul3A_20 : i32 to vector<16xi32>
      %add3A_854 = arith.addi %select_n3A_843, %add3A_853 : vector<16xi32>
      %mul3A_855 = arith.constant 64 : i32
      %mul3A_856 = arith.muli %mul3A_42, %mul3A_855 : i32
      %add3A_857 = arith.constant 0 : i32
      %add3A_858 = arith.addi %mul3A_856, %add3A_857 : i32
      %swap3A_859 = arith.index_cast %add3A_858 : i32 to index
      %swap3A_860 = tpu.vector_load %arg10[%swap3A_859] {strides = array<i32>} : memref<16384xi32, #tpu.memory_space<vmem>>, vector<16xi32>,
      tpu.vector_store %arg10[%swap3A_859], %add3A_854 {strides = array<i32>} : memref<16384xi32, #tpu.memory_space<vmem>>, vector<16xi32>,
      %add3A_861 = vector.broadcast %mul3A_20 : i32 to vector<16xi32>
      %add3A_862 = arith.addi %select_n3A_846, %add3A_861 : vector<16xi32>
      %mul3A_863 = arith.constant 64 : i32
      %mul3A_864 = arith.muli %mul3A_42, %mul3A_863 : i32
      %add3A_865 = arith.constant 16 : i32
      %add3A_866 = arith.addi %mul3A_864, %add3A_865 : i32
      %swap3A_867 = arith.index_cast %add3A_866 : i32 to index
      %swap3A_868 = tpu.vector_load %arg10[%swap3A_867] {strides = array<i32>} : memref<16384xi32, #tpu.memory_space<vmem>>, vector<16xi32>,
      tpu.vector_store %arg10[%swap3A_867], %add3A_862 {strides = array<i32>} : memref<16384xi32, #tpu.memory_space<vmem>>, vector<16xi32>,
      %add3A_869 = vector.broadcast %mul3A_20 : i32 to vector<16xi32>
      %add3A_870 = arith.addi %select_n3A_849, %add3A_869 : vector<16xi32>
      %mul3A_871 = arith.constant 64 : i32
      %mul3A_872 = arith.muli %mul3A_42, %mul3A_871 : i32
      %add3A_873 = arith.constant 32 : i32
      %add3A_874 = arith.addi %mul3A_872, %add3A_873 : i32
      %swap3A_875 = arith.index_cast %add3A_874 : i32 to index
      %swap3A_876 = tpu.vector_load %arg10[%swap3A_875] {strides = array<i32>} : memref<16384xi32, #tpu.memory_space<vmem>>, vector<16xi32>,
      tpu.vector_store %arg10[%swap3A_875], %add3A_870 {strides = array<i32>} : memref<16384xi32, #tpu.memory_space<vmem>>, vector<16xi32>,
      %add3A_877 = vector.broadcast %mul3A_20 : i32 to vector<16xi32>
      %add3A_878 = arith.addi %select_n3A_852, %add3A_877 : vector<16xi32>
      %mul3A_879 = arith.constant 64 : i32
      %mul3A_880 = arith.muli %mul3A_42, %mul3A_879 : i32
      %add3A_881 = arith.constant 48 : i32
      %add3A_882 = arith.addi %mul3A_880, %add3A_881 : i32
      %swap3A_883 = arith.index_cast %add3A_882 : i32 to index
      %swap3A_884 = tpu.vector_load %arg10[%swap3A_883] {strides = array<i32>} : memref<16384xi32, #tpu.memory_space<vmem>>, vector<16xi32>,
      tpu.vector_store %arg10[%swap3A_883], %add3A_878 {strides = array<i32>} : memref<16384xi32, #tpu.memory_space<vmem>>, vector<16xi32>,
      %add3A_885 = arith.constant 1 : i32
      %add3A_886 = arith.addi %mul3A_42, %add3A_885 : i32
      %add3A_887 = arith.constant 3 : i32
      %add3A_888 = arith.addi %mul3A_42, %add3A_887 : i32
      %add3A_889 = arith.addi %mul3A_2, %add3A_886 : i32
      %mul3A_890 = arith.constant 8192 : i32
      %mul3A_891 = arith.muli %add3A_889, %mul3A_890 : i32
      %dma_wait3A_892 = tpu.memref_slice %arg2[%mul3A_891] : memref<67108864xf32, #tpu.memory_space<hbm>> -> memref<8192xf32, #tpu.memory_space<hbm>>
      %dma_wait3A_893 = tpu.memref_slice %arg2[%mul3A_891] : memref<67108864xf32, #tpu.memory_space<hbm>> -> memref<8192xf32, #tpu.memory_space<hbm>>
      tpu.wait_dma2 semaphore(%arg12 : memref<!tpu.dma_semaphore, #tpu.memory_space<semaphore_mem>>) src(%dma_wait3A_893 : memref<8192xf32, #tpu.memory_space<hbm>>) dst(%arg6 : memref<8192xf32, #tpu.memory_space<vmem>>)
      %mul3A_894 = arith.constant 16 : i32
      %mul3A_895 = arith.muli %add3A_886, %mul3A_894 : i32
      %get3A_896 = arith.index_cast %mul3A_895 : i32 to index
      %get3A_897 = tpu.vector_load %arg9[%get3A_896] {strides = array<i32>} : memref<4096xf32, #tpu.memory_space<vmem>>, vector<16xf32>,
      %swap3A_898 = arith.constant 0 : index
      %swap3A_899 = tpu.vector_load %arg7[%swap3A_898] {strides = array<i32>} : memref<256xf32, #tpu.memory_space<vmem>>, vector<16xf32>,
      tpu.vector_store %arg7[%swap3A_898], %broadcast_in_dim3A_32 {strides = array<i32>} : memref<256xf32, #tpu.memory_space<vmem>>, vector<16xf32>,
      %swap3A_900 = arith.constant 16 : index
      %swap3A_901 = tpu.vector_load %arg7[%swap3A_900] {strides = array<i32>} : memref<256xf32, #tpu.memory_space<vmem>>, vector<16xf32>,
      tpu.vector_store %arg7[%swap3A_900], %broadcast_in_dim3A_32 {strides = array<i32>} : memref<256xf32, #tpu.memory_space<vmem>>, vector<16xf32>,
      %swap3A_902 = arith.constant 32 : index
      %swap3A_903 = tpu.vector_load %arg7[%swap3A_902] {strides = array<i32>} : memref<256xf32, #tpu.memory_space<vmem>>, vector<16xf32>,
      tpu.vector_store %arg7[%swap3A_902], %broadcast_in_dim3A_32 {strides = array<i32>} : memref<256xf32, #tpu.memory_space<vmem>>, vector<16xf32>,
      %swap3A_904 = arith.constant 48 : index
      %swap3A_905 = tpu.vector_load %arg7[%swap3A_904] {strides = array<i32>} : memref<256xf32, #tpu.memory_space<vmem>>, vector<16xf32>,
      tpu.vector_store %arg7[%swap3A_904], %broadcast_in_dim3A_32 {strides = array<i32>} : memref<256xf32, #tpu.memory_space<vmem>>, vector<16xf32>,
      %swap3A_906 = arith.constant 64 : index
      %swap3A_907 = tpu.vector_load %arg7[%swap3A_906] {strides = array<i32>} : memref<256xf32, #tpu.memory_space<vmem>>, vector<16xf32>,
      tpu.vector_store %arg7[%swap3A_906], %broadcast_in_dim3A_32 {strides = array<i32>} : memref<256xf32, #tpu.memory_space<vmem>>, vector<16xf32>,
      %swap3A_908 = arith.constant 80 : index
      %swap3A_909 = tpu.vector_load %arg7[%swap3A_908] {strides = array<i32>} : memref<256xf32, #tpu.memory_space<vmem>>, vector<16xf32>,
      tpu.vector_store %arg7[%swap3A_908], %broadcast_in_dim3A_32 {strides = array<i32>} : memref<256xf32, #tpu.memory_space<vmem>>, vector<16xf32>,
      %swap3A_910 = arith.constant 96 : index
      %swap3A_911 = tpu.vector_load %arg7[%swap3A_910] {strides = array<i32>} : memref<256xf32, #tpu.memory_space<vmem>>, vector<16xf32>,
      tpu.vector_store %arg7[%swap3A_910], %broadcast_in_dim3A_32 {strides = array<i32>} : memref<256xf32, #tpu.memory_space<vmem>>, vector<16xf32>,
      %swap3A_912 = arith.constant 112 : index
      %swap3A_913 = tpu.vector_load %arg7[%swap3A_912] {strides = array<i32>} : memref<256xf32, #tpu.memory_space<vmem>>, vector<16xf32>,
      tpu.vector_store %arg7[%swap3A_912], %broadcast_in_dim3A_32 {strides = array<i32>} : memref<256xf32, #tpu.memory_space<vmem>>, vector<16xf32>,
      %swap3A_914 = arith.constant 128 : index
      %swap3A_915 = tpu.vector_load %arg7[%swap3A_914] {strides = array<i32>} : memref<256xf32, #tpu.memory_space<vmem>>, vector<16xf32>,
      tpu.vector_store %arg7[%swap3A_914], %broadcast_in_dim3A_32 {strides = array<i32>} : memref<256xf32, #tpu.memory_space<vmem>>, vector<16xf32>,
      %swap3A_916 = arith.constant 144 : index
      %swap3A_917 = tpu.vector_load %arg7[%swap3A_916] {strides = array<i32>} : memref<256xf32, #tpu.memory_space<vmem>>, vector<16xf32>,
      tpu.vector_store %arg7[%swap3A_916], %broadcast_in_dim3A_32 {strides = array<i32>} : memref<256xf32, #tpu.memory_space<vmem>>, vector<16xf32>,
      %swap3A_918 = arith.constant 160 : index
      %swap3A_919 = tpu.vector_load %arg7[%swap3A_918] {strides = array<i32>} : memref<256xf32, #tpu.memory_space<vmem>>, vector<16xf32>,
      tpu.vector_store %arg7[%swap3A_918], %broadcast_in_dim3A_32 {strides = array<i32>} : memref<256xf32, #tpu.memory_space<vmem>>, vector<16xf32>,
      %swap3A_920 = arith.constant 176 : index
      %swap3A_921 = tpu.vector_load %arg7[%swap3A_920] {strides = array<i32>} : memref<256xf32, #tpu.memory_space<vmem>>, vector<16xf32>,
      tpu.vector_store %arg7[%swap3A_920], %broadcast_in_dim3A_32 {strides = array<i32>} : memref<256xf32, #tpu.memory_space<vmem>>, vector<16xf32>,
      %swap3A_922 = arith.constant 192 : index
      %swap3A_923 = tpu.vector_load %arg7[%swap3A_922] {strides = array<i32>} : memref<256xf32, #tpu.memory_space<vmem>>, vector<16xf32>,
      tpu.vector_store %arg7[%swap3A_922], %broadcast_in_dim3A_32 {strides = array<i32>} : memref<256xf32, #tpu.memory_space<vmem>>, vector<16xf32>,
      %swap3A_924 = arith.constant 208 : index
      %swap3A_925 = tpu.vector_load %arg7[%swap3A_924] {strides = array<i32>} : memref<256xf32, #tpu.memory_space<vmem>>, vector<16xf32>,
      tpu.vector_store %arg7[%swap3A_924], %broadcast_in_dim3A_32 {strides = array<i32>} : memref<256xf32, #tpu.memory_space<vmem>>, vector<16xf32>,
      %swap3A_926 = arith.constant 224 : index
      %swap3A_927 = tpu.vector_load %arg7[%swap3A_926] {strides = array<i32>} : memref<256xf32, #tpu.memory_space<vmem>>, vector<16xf32>,
      tpu.vector_store %arg7[%swap3A_926], %broadcast_in_dim3A_32 {strides = array<i32>} : memref<256xf32, #tpu.memory_space<vmem>>, vector<16xf32>,
      %swap3A_928 = arith.constant 240 : index
      %swap3A_929 = tpu.vector_load %arg7[%swap3A_928] {strides = array<i32>} : memref<256xf32, #tpu.memory_space<vmem>>, vector<16xf32>,
      tpu.vector_store %arg7[%swap3A_928], %broadcast_in_dim3A_32 {strides = array<i32>} : memref<256xf32, #tpu.memory_space<vmem>>, vector<16xf32>,
      %scan3A_930 = arith.constant 0 : i32
      %scan3A_931 = arith.constant 0 : i32
      %scan3A_932 = arith.constant 512 : i32
      %scan3A_933 = arith.addi %scan3A_931, %scan3A_932 : i32
      %scan3A_934 = arith.constant 1 : i32
      %scan3A_935 = scf.for %scan3A_1738 = %scan3A_931 to %scan3A_933 step %scan3A_934 iter_args(%scan3A_1739 = %scan3A_930) -> (i32)  : i32 {
        %mul3A_1740 = arith.constant 16 : i32
        %mul3A_1741 = arith.muli %scan3A_1738, %mul3A_1740 : i32
        %get3A_1742 = arith.index_cast %mul3A_1741 : i32 to index
        %get3A_1743 = tpu.vector_load %arg6[%get3A_1742] {strides = array<i32>} : memref<8192xf32, #tpu.memory_space<vmem>>, vector<16xf32>,
        %le3A_1744 = arith.cmpf ole, %get3A_1743, %get3A_897 : vector<16xf32>
        %jit3A_1745 = arith.constant 0x7F800000 : f32
        %broadcast_in_dim3A_1746 = vector.broadcast %jit3A_1745 : f32 to vector<16xf32>
        %select_n3A_1747 = arith.select %le3A_1744, %get3A_1743, %broadcast_in_dim3A_1746 : vector<16xi1>, vector<16xf32>
        %mul3A_1748 = arith.constant 16 : i32
        %mul3A_1749 = arith.muli %scan3A_1738, %mul3A_1748 : i32
        %add3A_1750 = vector.broadcast %mul3A_1749 : i32 to vector<16xi32>
        %add3A_1751 = arith.addi %iota3A, %add3A_1750 : vector<16xi32>
        %masked_sort3A_1752 = arith.constant dense<true> : vector<16xi1>
        %masked_sort3A_1753, %masked_sort3A_1754, %masked_sort3A_1755 = tpu.sort %select_n3A_1747, %add3A_1751 masked %masked_sort3A_1752 : (vector<16xf32>, vector<16xi32>, vector<16xi1>) -> (vector<16xi1>, vector<16xf32>, vector<16xi32>)
        %min3A = arith.constant 240 : i32
        %min3A_1756 = arith.minsi %scan3A_1739, %min3A : i32
        %swap3A_1757 = arith.index_cast %min3A_1756 : i32 to index
        %swap3A_1758 = tpu.vector_load %arg7[%swap3A_1757] {strides = array<i32>} : memref<256xf32, #tpu.memory_space<vmem>>, vector<16xf32>,
        tpu.vector_store %arg7[%swap3A_1757], %masked_sort3A_1754 {strides = array<i32>} : memref<256xf32, #tpu.memory_space<vmem>>, vector<16xf32>,
        %swap3A_1759 = arith.index_cast %min3A_1756 : i32 to index
        %swap3A_1760 = tpu.vector_load %arg8[%swap3A_1759] {strides = array<i32>} : memref<256xi32, #tpu.memory_space<vmem>>, vector<16xi32>,
        tpu.vector_store %arg8[%swap3A_1759], %masked_sort3A_1755 {strides = array<i32>} : memref<256xi32, #tpu.memory_space<vmem>>, vector<16xi32>,
        %convert_element_type3A_1761 = arith.extui %le3A_1744 : vector<16xi1> to vector<16xi32>
        %reduce_sum3A = arith.constant true
        %reduce_sum3A_1762 = vector.broadcast %reduce_sum3A : i1 to vector<16xi1>
        %reduce_sum3A_1763 = tpu.scan <sum>, %convert_element_type3A_1761 masked %reduce_sum3A_1762 : vector<16xi32>, vector<16xi1> -> vector<16xi32>
        %reduce_sum3A_1764 = vector.extract %reduce_sum3A_1763[15] : i32 from vector<16xi32>
        %add3A_1765 = arith.addi %scan3A_1739, %reduce_sum3A_1764 : i32
        scf.yield %add3A_1765 : i32
      }
      %scan3A_936 = arith.constant 512 : i32
      %lt3A_937 = arith.constant 256 : i32
      %lt3A_938 = arith.cmpi slt, %add3A_888, %lt3A_937 : i32
      %convert_element_type3A_939 = arith.extui %lt3A_938 : i1 to i32
      %cond3A_940 = arith.constant 0 : i32
      %cond3A_941 = arith.cmpi ne, %convert_element_type3A_939, %cond3A_940 : i32
      scf.if %cond3A_941 {
        %add3A_1738 = arith.addi %mul3A_2, %add3A_888 : i32
        %mul3A_1739 = arith.constant 8192 : i32
        %mul3A_1740 = arith.muli %add3A_1738, %mul3A_1739 : i32
        %dma_start3A_1741 = tpu.memref_slice %arg2[%mul3A_1740] : memref<67108864xf32, #tpu.memory_space<hbm>> -> memref<8192xf32, #tpu.memory_space<hbm>>
        %dma_start3A_1742 = tpu.memref_slice %arg2[%mul3A_1740] : memref<67108864xf32, #tpu.memory_space<hbm>> -> memref<8192xf32, #tpu.memory_space<hbm>>
        tpu.enqueue_dma source(%dma_start3A_1742 : memref<8192xf32, #tpu.memory_space<hbm>>) target(%arg6 : memref<8192xf32, #tpu.memory_space<vmem>>) target_semaphore(%arg12 : memref<!tpu.dma_semaphore, #tpu.memory_space<semaphore_mem>>)
      } else {
      }
      %get3A_942 = arith.constant 0 : index
      %get3A_943 = tpu.vector_load %arg7[%get3A_942] {strides = array<i32>} : memref<256xf32, #tpu.memory_space<vmem>>, vector<16xf32>,
      %get3A_944 = arith.constant 0 : index
      %get3A_945 = tpu.vector_load %arg8[%get3A_944] {strides = array<i32>} : memref<256xi32, #tpu.memory_space<vmem>>, vector<16xi32>,
      %masked_sort3A_946 = arith.constant dense<true> : vector<16xi1>
      %masked_sort3A_947, %masked_sort3A_948, %masked_sort3A_949 = tpu.sort %get3A_943, %get3A_945 masked %masked_sort3A_946 : (vector<16xf32>, vector<16xi32>, vector<16xi1>) -> (vector<16xi1>, vector<16xf32>, vector<16xi32>)
      %get3A_950 = arith.constant 16 : index
      %get3A_951 = tpu.vector_load %arg7[%get3A_950] {strides = array<i32>} : memref<256xf32, #tpu.memory_space<vmem>>, vector<16xf32>,
      %get3A_952 = arith.constant 16 : index
      %get3A_953 = tpu.vector_load %arg8[%get3A_952] {strides = array<i32>} : memref<256xi32, #tpu.memory_space<vmem>>, vector<16xi32>,
      %masked_sort3A_954 = arith.constant dense<true> : vector<16xi1>
      %masked_sort3A_955, %masked_sort3A_956, %masked_sort3A_957 = tpu.sort %get3A_951, %get3A_953 masked %masked_sort3A_954 : (vector<16xf32>, vector<16xi32>, vector<16xi1>) -> (vector<16xi1>, vector<16xf32>, vector<16xi32>)
      %get3A_958 = arith.constant 32 : index
      %get3A_959 = tpu.vector_load %arg7[%get3A_958] {strides = array<i32>} : memref<256xf32, #tpu.memory_space<vmem>>, vector<16xf32>,
      %get3A_960 = arith.constant 32 : index
      %get3A_961 = tpu.vector_load %arg8[%get3A_960] {strides = array<i32>} : memref<256xi32, #tpu.memory_space<vmem>>, vector<16xi32>,
      %masked_sort3A_962 = arith.constant dense<true> : vector<16xi1>
      %masked_sort3A_963, %masked_sort3A_964, %masked_sort3A_965 = tpu.sort %get3A_959, %get3A_961 masked %masked_sort3A_962 : (vector<16xf32>, vector<16xi32>, vector<16xi1>) -> (vector<16xi1>, vector<16xf32>, vector<16xi32>)
      %get3A_966 = arith.constant 48 : index
      %get3A_967 = tpu.vector_load %arg7[%get3A_966] {strides = array<i32>} : memref<256xf32, #tpu.memory_space<vmem>>, vector<16xf32>,
      %get3A_968 = arith.constant 48 : index
      %get3A_969 = tpu.vector_load %arg8[%get3A_968] {strides = array<i32>} : memref<256xi32, #tpu.memory_space<vmem>>, vector<16xi32>,
      %masked_sort3A_970 = arith.constant dense<true> : vector<16xi1>
      %masked_sort3A_971, %masked_sort3A_972, %masked_sort3A_973 = tpu.sort %get3A_967, %get3A_969 masked %masked_sort3A_970 : (vector<16xf32>, vector<16xi32>, vector<16xi1>) -> (vector<16xi1>, vector<16xf32>, vector<16xi32>)
      %get3A_974 = arith.constant 64 : index
      %get3A_975 = tpu.vector_load %arg7[%get3A_974] {strides = array<i32>} : memref<256xf32, #tpu.memory_space<vmem>>, vector<16xf32>,
      %get3A_976 = arith.constant 64 : index
      %get3A_977 = tpu.vector_load %arg8[%get3A_976] {strides = array<i32>} : memref<256xi32, #tpu.memory_space<vmem>>, vector<16xi32>,
      %masked_sort3A_978 = arith.constant dense<true> : vector<16xi1>
      %masked_sort3A_979, %masked_sort3A_980, %masked_sort3A_981 = tpu.sort %get3A_975, %get3A_977 masked %masked_sort3A_978 : (vector<16xf32>, vector<16xi32>, vector<16xi1>) -> (vector<16xi1>, vector<16xf32>, vector<16xi32>)
      %get3A_982 = arith.constant 80 : index
      %get3A_983 = tpu.vector_load %arg7[%get3A_982] {strides = array<i32>} : memref<256xf32, #tpu.memory_space<vmem>>, vector<16xf32>,
      %get3A_984 = arith.constant 80 : index
      %get3A_985 = tpu.vector_load %arg8[%get3A_984] {strides = array<i32>} : memref<256xi32, #tpu.memory_space<vmem>>, vector<16xi32>,
      %masked_sort3A_986 = arith.constant dense<true> : vector<16xi1>
      %masked_sort3A_987, %masked_sort3A_988, %masked_sort3A_989 = tpu.sort %get3A_983, %get3A_985 masked %masked_sort3A_986 : (vector<16xf32>, vector<16xi32>, vector<16xi1>) -> (vector<16xi1>, vector<16xf32>, vector<16xi32>)
      %get3A_990 = arith.constant 96 : index
      %get3A_991 = tpu.vector_load %arg7[%get3A_990] {strides = array<i32>} : memref<256xf32, #tpu.memory_space<vmem>>, vector<16xf32>,
      %get3A_992 = arith.constant 96 : index
      %get3A_993 = tpu.vector_load %arg8[%get3A_992] {strides = array<i32>} : memref<256xi32, #tpu.memory_space<vmem>>, vector<16xi32>,
      %masked_sort3A_994 = arith.constant dense<true> : vector<16xi1>
      %masked_sort3A_995, %masked_sort3A_996, %masked_sort3A_997 = tpu.sort %get3A_991, %get3A_993 masked %masked_sort3A_994 : (vector<16xf32>, vector<16xi32>, vector<16xi1>) -> (vector<16xi1>, vector<16xf32>, vector<16xi32>)
      %get3A_998 = arith.constant 112 : index
      %get3A_999 = tpu.vector_load %arg7[%get3A_998] {strides = array<i32>} : memref<256xf32, #tpu.memory_space<vmem>>, vector<16xf32>,
      %get3A_1000 = arith.constant 112 : index
      %get3A_1001 = tpu.vector_load %arg8[%get3A_1000] {strides = array<i32>} : memref<256xi32, #tpu.memory_space<vmem>>, vector<16xi32>,
      %masked_sort3A_1002 = arith.constant dense<true> : vector<16xi1>
      %masked_sort3A_1003, %masked_sort3A_1004, %masked_sort3A_1005 = tpu.sort %get3A_999, %get3A_1001 masked %masked_sort3A_1002 : (vector<16xf32>, vector<16xi32>, vector<16xi1>) -> (vector<16xi1>, vector<16xf32>, vector<16xi32>)
      %get3A_1006 = arith.constant 128 : index
      %get3A_1007 = tpu.vector_load %arg7[%get3A_1006] {strides = array<i32>} : memref<256xf32, #tpu.memory_space<vmem>>, vector<16xf32>,
      %get3A_1008 = arith.constant 128 : index
      %get3A_1009 = tpu.vector_load %arg8[%get3A_1008] {strides = array<i32>} : memref<256xi32, #tpu.memory_space<vmem>>, vector<16xi32>,
      %masked_sort3A_1010 = arith.constant dense<true> : vector<16xi1>
      %masked_sort3A_1011, %masked_sort3A_1012, %masked_sort3A_1013 = tpu.sort %get3A_1007, %get3A_1009 masked %masked_sort3A_1010 : (vector<16xf32>, vector<16xi32>, vector<16xi1>) -> (vector<16xi1>, vector<16xf32>, vector<16xi32>)
      %get3A_1014 = arith.constant 144 : index
      %get3A_1015 = tpu.vector_load %arg7[%get3A_1014] {strides = array<i32>} : memref<256xf32, #tpu.memory_space<vmem>>, vector<16xf32>,
      %get3A_1016 = arith.constant 144 : index
      %get3A_1017 = tpu.vector_load %arg8[%get3A_1016] {strides = array<i32>} : memref<256xi32, #tpu.memory_space<vmem>>, vector<16xi32>,
      %masked_sort3A_1018 = arith.constant dense<true> : vector<16xi1>
      %masked_sort3A_1019, %masked_sort3A_1020, %masked_sort3A_1021 = tpu.sort %get3A_1015, %get3A_1017 masked %masked_sort3A_1018 : (vector<16xf32>, vector<16xi32>, vector<16xi1>) -> (vector<16xi1>, vector<16xf32>, vector<16xi32>)
      %get3A_1022 = arith.constant 160 : index
      %get3A_1023 = tpu.vector_load %arg7[%get3A_1022] {strides = array<i32>} : memref<256xf32, #tpu.memory_space<vmem>>, vector<16xf32>,
      %get3A_1024 = arith.constant 160 : index
      %get3A_1025 = tpu.vector_load %arg8[%get3A_1024] {strides = array<i32>} : memref<256xi32, #tpu.memory_space<vmem>>, vector<16xi32>,
      %masked_sort3A_1026 = arith.constant dense<true> : vector<16xi1>
      %masked_sort3A_1027, %masked_sort3A_1028, %masked_sort3A_1029 = tpu.sort %get3A_1023, %get3A_1025 masked %masked_sort3A_1026 : (vector<16xf32>, vector<16xi32>, vector<16xi1>) -> (vector<16xi1>, vector<16xf32>, vector<16xi32>)
      %get3A_1030 = arith.constant 176 : index
      %get3A_1031 = tpu.vector_load %arg7[%get3A_1030] {strides = array<i32>} : memref<256xf32, #tpu.memory_space<vmem>>, vector<16xf32>,
      %get3A_1032 = arith.constant 176 : index
      %get3A_1033 = tpu.vector_load %arg8[%get3A_1032] {strides = array<i32>} : memref<256xi32, #tpu.memory_space<vmem>>, vector<16xi32>,
      %masked_sort3A_1034 = arith.constant dense<true> : vector<16xi1>
      %masked_sort3A_1035, %masked_sort3A_1036, %masked_sort3A_1037 = tpu.sort %get3A_1031, %get3A_1033 masked %masked_sort3A_1034 : (vector<16xf32>, vector<16xi32>, vector<16xi1>) -> (vector<16xi1>, vector<16xf32>, vector<16xi32>)
      %get3A_1038 = arith.constant 192 : index
      %get3A_1039 = tpu.vector_load %arg7[%get3A_1038] {strides = array<i32>} : memref<256xf32, #tpu.memory_space<vmem>>, vector<16xf32>,
      %get3A_1040 = arith.constant 192 : index
      %get3A_1041 = tpu.vector_load %arg8[%get3A_1040] {strides = array<i32>} : memref<256xi32, #tpu.memory_space<vmem>>, vector<16xi32>,
      %masked_sort3A_1042 = arith.constant dense<true> : vector<16xi1>
      %masked_sort3A_1043, %masked_sort3A_1044, %masked_sort3A_1045 = tpu.sort %get3A_1039, %get3A_1041 masked %masked_sort3A_1042 : (vector<16xf32>, vector<16xi32>, vector<16xi1>) -> (vector<16xi1>, vector<16xf32>, vector<16xi32>)
      %get3A_1046 = arith.constant 208 : index
      %get3A_1047 = tpu.vector_load %arg7[%get3A_1046] {strides = array<i32>} : memref<256xf32, #tpu.memory_space<vmem>>, vector<16xf32>,
      %get3A_1048 = arith.constant 208 : index
      %get3A_1049 = tpu.vector_load %arg8[%get3A_1048] {strides = array<i32>} : memref<256xi32, #tpu.memory_space<vmem>>, vector<16xi32>,
      %masked_sort3A_1050 = arith.constant dense<true> : vector<16xi1>
      %masked_sort3A_1051, %masked_sort3A_1052, %masked_sort3A_1053 = tpu.sort %get3A_1047, %get3A_1049 masked %masked_sort3A_1050 : (vector<16xf32>, vector<16xi32>, vector<16xi1>) -> (vector<16xi1>, vector<16xf32>, vector<16xi32>)
      %get3A_1054 = arith.constant 224 : index
      %get3A_1055 = tpu.vector_load %arg7[%get3A_1054] {strides = array<i32>} : memref<256xf32, #tpu.memory_space<vmem>>, vector<16xf32>,
      %get3A_1056 = arith.constant 224 : index
      %get3A_1057 = tpu.vector_load %arg8[%get3A_1056] {strides = array<i32>} : memref<256xi32, #tpu.memory_space<vmem>>, vector<16xi32>,
      %masked_sort3A_1058 = arith.constant dense<true> : vector<16xi1>
      %masked_sort3A_1059, %masked_sort3A_1060, %masked_sort3A_1061 = tpu.sort %get3A_1055, %get3A_1057 masked %masked_sort3A_1058 : (vector<16xf32>, vector<16xi32>, vector<16xi1>) -> (vector<16xi1>, vector<16xf32>, vector<16xi32>)
      %get3A_1062 = arith.constant 240 : index
      %get3A_1063 = tpu.vector_load %arg7[%get3A_1062] {strides = array<i32>} : memref<256xf32, #tpu.memory_space<vmem>>, vector<16xf32>,
      %get3A_1064 = arith.constant 240 : index
      %get3A_1065 = tpu.vector_load %arg8[%get3A_1064] {strides = array<i32>} : memref<256xi32, #tpu.memory_space<vmem>>, vector<16xi32>,
      %masked_sort3A_1066 = arith.constant dense<true> : vector<16xi1>
      %masked_sort3A_1067, %masked_sort3A_1068, %masked_sort3A_1069 = tpu.sort %get3A_1063, %get3A_1065 masked %masked_sort3A_1066 : (vector<16xf32>, vector<16xi32>, vector<16xi1>) -> (vector<16xi1>, vector<16xf32>, vector<16xi32>)
      %rev3A_1070 = arith.constant 15 : i32
      %rev3A_1071 = vector.broadcast %rev3A_1070 : i32 to vector<16xi32>
      %rev3A_1072 = tpu.iota {dimensions = array<i32: 0>} : vector<16xi32>
      %rev3A_1073 = arith.subi %rev3A_1071, %rev3A_1072 : vector<16xi32>
      %rev3A_1074 = tpu.dynamic_gather %masked_sort3A_956[%rev3A_1073] in [0] : vector<16xf32>, vector<16xi32> -> vector<16xf32>
      %rev3A_1075 = arith.constant 15 : i32
      %rev3A_1076 = vector.broadcast %rev3A_1075 : i32 to vector<16xi32>
      %rev3A_1077 = tpu.iota {dimensions = array<i32: 0>} : vector<16xi32>
      %rev3A_1078 = arith.subi %rev3A_1076, %rev3A_1077 : vector<16xi32>
      %rev3A_1079 = tpu.dynamic_gather %masked_sort3A_957[%rev3A_1078] in [0] : vector<16xi32>, vector<16xi32> -> vector<16xi32>
      %le3A_1080 = arith.cmpf ole, %masked_sort3A_948, %rev3A_1074 : vector<16xf32>
      %select_n3A_1081 = arith.select %le3A_1080, %masked_sort3A_948, %rev3A_1074 : vector<16xi1>, vector<16xf32>
      %select_n3A_1082 = arith.select %le3A_1080, %masked_sort3A_949, %rev3A_1079 : vector<16xi1>, vector<16xi32>
      %select_n3A_1083 = arith.select %le3A_1080, %rev3A_1074, %masked_sort3A_948 : vector<16xi1>, vector<16xf32>
      %select_n3A_1084 = arith.select %le3A_1080, %rev3A_1079, %masked_sort3A_949 : vector<16xi1>, vector<16xi32>
      %masked_sort3A_1085 = arith.constant dense<true> : vector<16xi1>
      %masked_sort3A_1086, %masked_sort3A_1087, %masked_sort3A_1088 = tpu.sort %select_n3A_1081, %select_n3A_1082 masked %masked_sort3A_1085 : (vector<16xf32>, vector<16xi32>, vector<16xi1>) -> (vector<16xi1>, vector<16xf32>, vector<16xi32>)
      %masked_sort3A_1089 = arith.constant dense<true> : vector<16xi1>
      %masked_sort3A_1090, %masked_sort3A_1091, %masked_sort3A_1092 = tpu.sort %select_n3A_1083, %select_n3A_1084 masked %masked_sort3A_1089 : (vector<16xf32>, vector<16xi32>, vector<16xi1>) -> (vector<16xi1>, vector<16xf32>, vector<16xi32>)
      %rev3A_1093 = arith.constant 15 : i32
      %rev3A_1094 = vector.broadcast %rev3A_1093 : i32 to vector<16xi32>
      %rev3A_1095 = tpu.iota {dimensions = array<i32: 0>} : vector<16xi32>
      %rev3A_1096 = arith.subi %rev3A_1094, %rev3A_1095 : vector<16xi32>
      %rev3A_1097 = tpu.dynamic_gather %masked_sort3A_972[%rev3A_1096] in [0] : vector<16xf32>, vector<16xi32> -> vector<16xf32>
      %rev3A_1098 = arith.constant 15 : i32
      %rev3A_1099 = vector.broadcast %rev3A_1098 : i32 to vector<16xi32>
      %rev3A_1100 = tpu.iota {dimensions = array<i32: 0>} : vector<16xi32>
      %rev3A_1101 = arith.subi %rev3A_1099, %rev3A_1100 : vector<16xi32>
      %rev3A_1102 = tpu.dynamic_gather %masked_sort3A_973[%rev3A_1101] in [0] : vector<16xi32>, vector<16xi32> -> vector<16xi32>
      %le3A_1103 = arith.cmpf ole, %masked_sort3A_964, %rev3A_1097 : vector<16xf32>
      %select_n3A_1104 = arith.select %le3A_1103, %masked_sort3A_964, %rev3A_1097 : vector<16xi1>, vector<16xf32>
      %select_n3A_1105 = arith.select %le3A_1103, %masked_sort3A_965, %rev3A_1102 : vector<16xi1>, vector<16xi32>
      %select_n3A_1106 = arith.select %le3A_1103, %rev3A_1097, %masked_sort3A_964 : vector<16xi1>, vector<16xf32>
      %select_n3A_1107 = arith.select %le3A_1103, %rev3A_1102, %masked_sort3A_965 : vector<16xi1>, vector<16xi32>
      %masked_sort3A_1108 = arith.constant dense<true> : vector<16xi1>
      %masked_sort3A_1109, %masked_sort3A_1110, %masked_sort3A_1111 = tpu.sort %select_n3A_1104, %select_n3A_1105 masked %masked_sort3A_1108 : (vector<16xf32>, vector<16xi32>, vector<16xi1>) -> (vector<16xi1>, vector<16xf32>, vector<16xi32>)
      %masked_sort3A_1112 = arith.constant dense<true> : vector<16xi1>
      %masked_sort3A_1113, %masked_sort3A_1114, %masked_sort3A_1115 = tpu.sort %select_n3A_1106, %select_n3A_1107 masked %masked_sort3A_1112 : (vector<16xf32>, vector<16xi32>, vector<16xi1>) -> (vector<16xi1>, vector<16xf32>, vector<16xi32>)
      %rev3A_1116 = arith.constant 15 : i32
      %rev3A_1117 = vector.broadcast %rev3A_1116 : i32 to vector<16xi32>
      %rev3A_1118 = tpu.iota {dimensions = array<i32: 0>} : vector<16xi32>
      %rev3A_1119 = arith.subi %rev3A_1117, %rev3A_1118 : vector<16xi32>
      %rev3A_1120 = tpu.dynamic_gather %masked_sort3A_988[%rev3A_1119] in [0] : vector<16xf32>, vector<16xi32> -> vector<16xf32>
      %rev3A_1121 = arith.constant 15 : i32
      %rev3A_1122 = vector.broadcast %rev3A_1121 : i32 to vector<16xi32>
      %rev3A_1123 = tpu.iota {dimensions = array<i32: 0>} : vector<16xi32>
      %rev3A_1124 = arith.subi %rev3A_1122, %rev3A_1123 : vector<16xi32>
      %rev3A_1125 = tpu.dynamic_gather %masked_sort3A_989[%rev3A_1124] in [0] : vector<16xi32>, vector<16xi32> -> vector<16xi32>
      %le3A_1126 = arith.cmpf ole, %masked_sort3A_980, %rev3A_1120 : vector<16xf32>
      %select_n3A_1127 = arith.select %le3A_1126, %masked_sort3A_980, %rev3A_1120 : vector<16xi1>, vector<16xf32>
      %select_n3A_1128 = arith.select %le3A_1126, %masked_sort3A_981, %rev3A_1125 : vector<16xi1>, vector<16xi32>
      %select_n3A_1129 = arith.select %le3A_1126, %rev3A_1120, %masked_sort3A_980 : vector<16xi1>, vector<16xf32>
      %select_n3A_1130 = arith.select %le3A_1126, %rev3A_1125, %masked_sort3A_981 : vector<16xi1>, vector<16xi32>
      %masked_sort3A_1131 = arith.constant dense<true> : vector<16xi1>
      %masked_sort3A_1132, %masked_sort3A_1133, %masked_sort3A_1134 = tpu.sort %select_n3A_1127, %select_n3A_1128 masked %masked_sort3A_1131 : (vector<16xf32>, vector<16xi32>, vector<16xi1>) -> (vector<16xi1>, vector<16xf32>, vector<16xi32>)
      %masked_sort3A_1135 = arith.constant dense<true> : vector<16xi1>
      %masked_sort3A_1136, %masked_sort3A_1137, %masked_sort3A_1138 = tpu.sort %select_n3A_1129, %select_n3A_1130 masked %masked_sort3A_1135 : (vector<16xf32>, vector<16xi32>, vector<16xi1>) -> (vector<16xi1>, vector<16xf32>, vector<16xi32>)
      %rev3A_1139 = arith.constant 15 : i32
      %rev3A_1140 = vector.broadcast %rev3A_1139 : i32 to vector<16xi32>
      %rev3A_1141 = tpu.iota {dimensions = array<i32: 0>} : vector<16xi32>
      %rev3A_1142 = arith.subi %rev3A_1140, %rev3A_1141 : vector<16xi32>
      %rev3A_1143 = tpu.dynamic_gather %masked_sort3A_1004[%rev3A_1142] in [0] : vector<16xf32>, vector<16xi32> -> vector<16xf32>
      %rev3A_1144 = arith.constant 15 : i32
      %rev3A_1145 = vector.broadcast %rev3A_1144 : i32 to vector<16xi32>
      %rev3A_1146 = tpu.iota {dimensions = array<i32: 0>} : vector<16xi32>
      %rev3A_1147 = arith.subi %rev3A_1145, %rev3A_1146 : vector<16xi32>
      %rev3A_1148 = tpu.dynamic_gather %masked_sort3A_1005[%rev3A_1147] in [0] : vector<16xi32>, vector<16xi32> -> vector<16xi32>
      %le3A_1149 = arith.cmpf ole, %masked_sort3A_996, %rev3A_1143 : vector<16xf32>
      %select_n3A_1150 = arith.select %le3A_1149, %masked_sort3A_996, %rev3A_1143 : vector<16xi1>, vector<16xf32>
      %select_n3A_1151 = arith.select %le3A_1149, %masked_sort3A_997, %rev3A_1148 : vector<16xi1>, vector<16xi32>
      %select_n3A_1152 = arith.select %le3A_1149, %rev3A_1143, %masked_sort3A_996 : vector<16xi1>, vector<16xf32>
      %select_n3A_1153 = arith.select %le3A_1149, %rev3A_1148, %masked_sort3A_997 : vector<16xi1>, vector<16xi32>
      %masked_sort3A_1154 = arith.constant dense<true> : vector<16xi1>
      %masked_sort3A_1155, %masked_sort3A_1156, %masked_sort3A_1157 = tpu.sort %select_n3A_1150, %select_n3A_1151 masked %masked_sort3A_1154 : (vector<16xf32>, vector<16xi32>, vector<16xi1>) -> (vector<16xi1>, vector<16xf32>, vector<16xi32>)
      %masked_sort3A_1158 = arith.constant dense<true> : vector<16xi1>
      %masked_sort3A_1159, %masked_sort3A_1160, %masked_sort3A_1161 = tpu.sort %select_n3A_1152, %select_n3A_1153 masked %masked_sort3A_1158 : (vector<16xf32>, vector<16xi32>, vector<16xi1>) -> (vector<16xi1>, vector<16xf32>, vector<16xi32>)
      %rev3A_1162 = arith.constant 15 : i32
      %rev3A_1163 = vector.broadcast %rev3A_1162 : i32 to vector<16xi32>
      %rev3A_1164 = tpu.iota {dimensions = array<i32: 0>} : vector<16xi32>
      %rev3A_1165 = arith.subi %rev3A_1163, %rev3A_1164 : vector<16xi32>
      %rev3A_1166 = tpu.dynamic_gather %masked_sort3A_1020[%rev3A_1165] in [0] : vector<16xf32>, vector<16xi32> -> vector<16xf32>
      %rev3A_1167 = arith.constant 15 : i32
      %rev3A_1168 = vector.broadcast %rev3A_1167 : i32 to vector<16xi32>
      %rev3A_1169 = tpu.iota {dimensions = array<i32: 0>} : vector<16xi32>
      %rev3A_1170 = arith.subi %rev3A_1168, %rev3A_1169 : vector<16xi32>
      %rev3A_1171 = tpu.dynamic_gather %masked_sort3A_1021[%rev3A_1170] in [0] : vector<16xi32>, vector<16xi32> -> vector<16xi32>
      %le3A_1172 = arith.cmpf ole, %masked_sort3A_1012, %rev3A_1166 : vector<16xf32>
      %select_n3A_1173 = arith.select %le3A_1172, %masked_sort3A_1012, %rev3A_1166 : vector<16xi1>, vector<16xf32>
      %select_n3A_1174 = arith.select %le3A_1172, %masked_sort3A_1013, %rev3A_1171 : vector<16xi1>, vector<16xi32>
      %select_n3A_1175 = arith.select %le3A_1172, %rev3A_1166, %masked_sort3A_1012 : vector<16xi1>, vector<16xf32>
      %select_n3A_1176 = arith.select %le3A_1172, %rev3A_1171, %masked_sort3A_1013 : vector<16xi1>, vector<16xi32>
      %masked_sort3A_1177 = arith.constant dense<true> : vector<16xi1>
      %masked_sort3A_1178, %masked_sort3A_1179, %masked_sort3A_1180 = tpu.sort %select_n3A_1173, %select_n3A_1174 masked %masked_sort3A_1177 : (vector<16xf32>, vector<16xi32>, vector<16xi1>) -> (vector<16xi1>, vector<16xf32>, vector<16xi32>)
      %masked_sort3A_1181 = arith.constant dense<true> : vector<16xi1>
      %masked_sort3A_1182, %masked_sort3A_1183, %masked_sort3A_1184 = tpu.sort %select_n3A_1175, %select_n3A_1176 masked %masked_sort3A_1181 : (vector<16xf32>, vector<16xi32>, vector<16xi1>) -> (vector<16xi1>, vector<16xf32>, vector<16xi32>)
      %rev3A_1185 = arith.constant 15 : i32
      %rev3A_1186 = vector.broadcast %rev3A_1185 : i32 to vector<16xi32>
      %rev3A_1187 = tpu.iota {dimensions = array<i32: 0>} : vector<16xi32>
      %rev3A_1188 = arith.subi %rev3A_1186, %rev3A_1187 : vector<16xi32>
      %rev3A_1189 = tpu.dynamic_gather %masked_sort3A_1036[%rev3A_1188] in [0] : vector<16xf32>, vector<16xi32> -> vector<16xf32>
      %rev3A_1190 = arith.constant 15 : i32
      %rev3A_1191 = vector.broadcast %rev3A_1190 : i32 to vector<16xi32>
      %rev3A_1192 = tpu.iota {dimensions = array<i32: 0>} : vector<16xi32>
      %rev3A_1193 = arith.subi %rev3A_1191, %rev3A_1192 : vector<16xi32>
      %rev3A_1194 = tpu.dynamic_gather %masked_sort3A_1037[%rev3A_1193] in [0] : vector<16xi32>, vector<16xi32> -> vector<16xi32>
      %le3A_1195 = arith.cmpf ole, %masked_sort3A_1028, %rev3A_1189 : vector<16xf32>
      %select_n3A_1196 = arith.select %le3A_1195, %masked_sort3A_1028, %rev3A_1189 : vector<16xi1>, vector<16xf32>
      %select_n3A_1197 = arith.select %le3A_1195, %masked_sort3A_1029, %rev3A_1194 : vector<16xi1>, vector<16xi32>
      %select_n3A_1198 = arith.select %le3A_1195, %rev3A_1189, %masked_sort3A_1028 : vector<16xi1>, vector<16xf32>
      %select_n3A_1199 = arith.select %le3A_1195, %rev3A_1194, %masked_sort3A_1029 : vector<16xi1>, vector<16xi32>
      %masked_sort3A_1200 = arith.constant dense<true> : vector<16xi1>
      %masked_sort3A_1201, %masked_sort3A_1202, %masked_sort3A_1203 = tpu.sort %select_n3A_1196, %select_n3A_1197 masked %masked_sort3A_1200 : (vector<16xf32>, vector<16xi32>, vector<16xi1>) -> (vector<16xi1>, vector<16xf32>, vector<16xi32>)
      %masked_sort3A_1204 = arith.constant dense<true> : vector<16xi1>
      %masked_sort3A_1205, %masked_sort3A_1206, %masked_sort3A_1207 = tpu.sort %select_n3A_1198, %select_n3A_1199 masked %masked_sort3A_1204 : (vector<16xf32>, vector<16xi32>, vector<16xi1>) -> (vector<16xi1>, vector<16xf32>, vector<16xi32>)
      %rev3A_1208 = arith.constant 15 : i32
      %rev3A_1209 = vector.broadcast %rev3A_1208 : i32 to vector<16xi32>
      %rev3A_1210 = tpu.iota {dimensions = array<i32: 0>} : vector<16xi32>
      %rev3A_1211 = arith.subi %rev3A_1209, %rev3A_1210 : vector<16xi32>
      %rev3A_1212 = tpu.dynamic_gather %masked_sort3A_1052[%rev3A_1211] in [0] : vector<16xf32>, vector<16xi32> -> vector<16xf32>
      %rev3A_1213 = arith.constant 15 : i32
      %rev3A_1214 = vector.broadcast %rev3A_1213 : i32 to vector<16xi32>
      %rev3A_1215 = tpu.iota {dimensions = array<i32: 0>} : vector<16xi32>
      %rev3A_1216 = arith.subi %rev3A_1214, %rev3A_1215 : vector<16xi32>
      %rev3A_1217 = tpu.dynamic_gather %masked_sort3A_1053[%rev3A_1216] in [0] : vector<16xi32>, vector<16xi32> -> vector<16xi32>
      %le3A_1218 = arith.cmpf ole, %masked_sort3A_1044, %rev3A_1212 : vector<16xf32>
      %select_n3A_1219 = arith.select %le3A_1218, %masked_sort3A_1044, %rev3A_1212 : vector<16xi1>, vector<16xf32>
      %select_n3A_1220 = arith.select %le3A_1218, %masked_sort3A_1045, %rev3A_1217 : vector<16xi1>, vector<16xi32>
      %select_n3A_1221 = arith.select %le3A_1218, %rev3A_1212, %masked_sort3A_1044 : vector<16xi1>, vector<16xf32>
      %select_n3A_1222 = arith.select %le3A_1218, %rev3A_1217, %masked_sort3A_1045 : vector<16xi1>, vector<16xi32>
      %masked_sort3A_1223 = arith.constant dense<true> : vector<16xi1>
      %masked_sort3A_1224, %masked_sort3A_1225, %masked_sort3A_1226 = tpu.sort %select_n3A_1219, %select_n3A_1220 masked %masked_sort3A_1223 : (vector<16xf32>, vector<16xi32>, vector<16xi1>) -> (vector<16xi1>, vector<16xf32>, vector<16xi32>)
      %masked_sort3A_1227 = arith.constant dense<true> : vector<16xi1>
      %masked_sort3A_1228, %masked_sort3A_1229, %masked_sort3A_1230 = tpu.sort %select_n3A_1221, %select_n3A_1222 masked %masked_sort3A_1227 : (vector<16xf32>, vector<16xi32>, vector<16xi1>) -> (vector<16xi1>, vector<16xf32>, vector<16xi32>)
      %rev3A_1231 = arith.constant 15 : i32
      %rev3A_1232 = vector.broadcast %rev3A_1231 : i32 to vector<16xi32>
      %rev3A_1233 = tpu.iota {dimensions = array<i32: 0>} : vector<16xi32>
      %rev3A_1234 = arith.subi %rev3A_1232, %rev3A_1233 : vector<16xi32>
      %rev3A_1235 = tpu.dynamic_gather %masked_sort3A_1068[%rev3A_1234] in [0] : vector<16xf32>, vector<16xi32> -> vector<16xf32>
      %rev3A_1236 = arith.constant 15 : i32
      %rev3A_1237 = vector.broadcast %rev3A_1236 : i32 to vector<16xi32>
      %rev3A_1238 = tpu.iota {dimensions = array<i32: 0>} : vector<16xi32>
      %rev3A_1239 = arith.subi %rev3A_1237, %rev3A_1238 : vector<16xi32>
      %rev3A_1240 = tpu.dynamic_gather %masked_sort3A_1069[%rev3A_1239] in [0] : vector<16xi32>, vector<16xi32> -> vector<16xi32>
      %le3A_1241 = arith.cmpf ole, %masked_sort3A_1060, %rev3A_1235 : vector<16xf32>
      %select_n3A_1242 = arith.select %le3A_1241, %masked_sort3A_1060, %rev3A_1235 : vector<16xi1>, vector<16xf32>
      %select_n3A_1243 = arith.select %le3A_1241, %masked_sort3A_1061, %rev3A_1240 : vector<16xi1>, vector<16xi32>
      %select_n3A_1244 = arith.select %le3A_1241, %rev3A_1235, %masked_sort3A_1060 : vector<16xi1>, vector<16xf32>
      %select_n3A_1245 = arith.select %le3A_1241, %rev3A_1240, %masked_sort3A_1061 : vector<16xi1>, vector<16xi32>
      %masked_sort3A_1246 = arith.constant dense<true> : vector<16xi1>
      %masked_sort3A_1247, %masked_sort3A_1248, %masked_sort3A_1249 = tpu.sort %select_n3A_1242, %select_n3A_1243 masked %masked_sort3A_1246 : (vector<16xf32>, vector<16xi32>, vector<16xi1>) -> (vector<16xi1>, vector<16xf32>, vector<16xi32>)
      %masked_sort3A_1250 = arith.constant dense<true> : vector<16xi1>
      %masked_sort3A_1251, %masked_sort3A_1252, %masked_sort3A_1253 = tpu.sort %select_n3A_1244, %select_n3A_1245 masked %masked_sort3A_1250 : (vector<16xf32>, vector<16xi32>, vector<16xi1>) -> (vector<16xi1>, vector<16xf32>, vector<16xi32>)
      %rev3A_1254 = arith.constant 15 : i32
      %rev3A_1255 = vector.broadcast %rev3A_1254 : i32 to vector<16xi32>
      %rev3A_1256 = tpu.iota {dimensions = array<i32: 0>} : vector<16xi32>
      %rev3A_1257 = arith.subi %rev3A_1255, %rev3A_1256 : vector<16xi32>
      %rev3A_1258 = tpu.dynamic_gather %masked_sort3A_1114[%rev3A_1257] in [0] : vector<16xf32>, vector<16xi32> -> vector<16xf32>
      %rev3A_1259 = arith.constant 15 : i32
      %rev3A_1260 = vector.broadcast %rev3A_1259 : i32 to vector<16xi32>
      %rev3A_1261 = tpu.iota {dimensions = array<i32: 0>} : vector<16xi32>
      %rev3A_1262 = arith.subi %rev3A_1260, %rev3A_1261 : vector<16xi32>
      %rev3A_1263 = tpu.dynamic_gather %masked_sort3A_1110[%rev3A_1262] in [0] : vector<16xf32>, vector<16xi32> -> vector<16xf32>
      %rev3A_1264 = arith.constant 15 : i32
      %rev3A_1265 = vector.broadcast %rev3A_1264 : i32 to vector<16xi32>
      %rev3A_1266 = tpu.iota {dimensions = array<i32: 0>} : vector<16xi32>
      %rev3A_1267 = arith.subi %rev3A_1265, %rev3A_1266 : vector<16xi32>
      %rev3A_1268 = tpu.dynamic_gather %masked_sort3A_1115[%rev3A_1267] in [0] : vector<16xi32>, vector<16xi32> -> vector<16xi32>
      %rev3A_1269 = arith.constant 15 : i32
      %rev3A_1270 = vector.broadcast %rev3A_1269 : i32 to vector<16xi32>
      %rev3A_1271 = tpu.iota {dimensions = array<i32: 0>} : vector<16xi32>
      %rev3A_1272 = arith.subi %rev3A_1270, %rev3A_1271 : vector<16xi32>
      %rev3A_1273 = tpu.dynamic_gather %masked_sort3A_1111[%rev3A_1272] in [0] : vector<16xi32>, vector<16xi32> -> vector<16xi32>
      %le3A_1274 = arith.cmpf ole, %masked_sort3A_1087, %rev3A_1258 : vector<16xf32>
      %select_n3A_1275 = arith.select %le3A_1274, %masked_sort3A_1087, %rev3A_1258 : vector<16xi1>, vector<16xf32>
      %select_n3A_1276 = arith.select %le3A_1274, %masked_sort3A_1088, %rev3A_1268 : vector<16xi1>, vector<16xi32>
      %select_n3A_1277 = arith.select %le3A_1274, %rev3A_1258, %masked_sort3A_1087 : vector<16xi1>, vector<16xf32>
      %select_n3A_1278 = arith.select %le3A_1274, %rev3A_1268, %masked_sort3A_1088 : vector<16xi1>, vector<16xi32>
      %le3A_1279 = arith.cmpf ole, %masked_sort3A_1091, %rev3A_1263 : vector<16xf32>
      %select_n3A_1280 = arith.select %le3A_1279, %masked_sort3A_1091, %rev3A_1263 : vector<16xi1>, vector<16xf32>
      %select_n3A_1281 = arith.select %le3A_1279, %masked_sort3A_1092, %rev3A_1273 : vector<16xi1>, vector<16xi32>
      %select_n3A_1282 = arith.select %le3A_1279, %rev3A_1263, %masked_sort3A_1091 : vector<16xi1>, vector<16xf32>
      %select_n3A_1283 = arith.select %le3A_1279, %rev3A_1273, %masked_sort3A_1092 : vector<16xi1>, vector<16xi32>
      %le3A_1284 = arith.cmpf ole, %select_n3A_1275, %select_n3A_1280 : vector<16xf32>
      %select_n3A_1285 = arith.select %le3A_1284, %select_n3A_1275, %select_n3A_1280 : vector<16xi1>, vector<16xf32>
      %select_n3A_1286 = arith.select %le3A_1284, %select_n3A_1280, %select_n3A_1275 : vector<16xi1>, vector<16xf32>
      %select_n3A_1287 = arith.select %le3A_1284, %select_n3A_1276, %select_n3A_1281 : vector<16xi1>, vector<16xi32>
      %select_n3A_1288 = arith.select %le3A_1284, %select_n3A_1281, %select_n3A_1276 : vector<16xi1>, vector<16xi32>
      %masked_sort3A_1289 = arith.constant dense<true> : vector<16xi1>
      %masked_sort3A_1290, %masked_sort3A_1291, %masked_sort3A_1292 = tpu.sort %select_n3A_1285, %select_n3A_1287 masked %masked_sort3A_1289 : (vector<16xf32>, vector<16xi32>, vector<16xi1>) -> (vector<16xi1>, vector<16xf32>, vector<16xi32>)
      %masked_sort3A_1293 = arith.constant dense<true> : vector<16xi1>
      %masked_sort3A_1294, %masked_sort3A_1295, %masked_sort3A_1296 = tpu.sort %select_n3A_1286, %select_n3A_1288 masked %masked_sort3A_1293 : (vector<16xf32>, vector<16xi32>, vector<16xi1>) -> (vector<16xi1>, vector<16xf32>, vector<16xi32>)
      %le3A_1297 = arith.cmpf ole, %select_n3A_1277, %select_n3A_1282 : vector<16xf32>
      %select_n3A_1298 = arith.select %le3A_1297, %select_n3A_1277, %select_n3A_1282 : vector<16xi1>, vector<16xf32>
      %select_n3A_1299 = arith.select %le3A_1297, %select_n3A_1282, %select_n3A_1277 : vector<16xi1>, vector<16xf32>
      %select_n3A_1300 = arith.select %le3A_1297, %select_n3A_1278, %select_n3A_1283 : vector<16xi1>, vector<16xi32>
      %select_n3A_1301 = arith.select %le3A_1297, %select_n3A_1283, %select_n3A_1278 : vector<16xi1>, vector<16xi32>
      %masked_sort3A_1302 = arith.constant dense<true> : vector<16xi1>
      %masked_sort3A_1303, %masked_sort3A_1304, %masked_sort3A_1305 = tpu.sort %select_n3A_1298, %select_n3A_1300 masked %masked_sort3A_1302 : (vector<16xf32>, vector<16xi32>, vector<16xi1>) -> (vector<16xi1>, vector<16xf32>, vector<16xi32>)
      %masked_sort3A_1306 = arith.constant dense<true> : vector<16xi1>
      %masked_sort3A_1307, %masked_sort3A_1308, %masked_sort3A_1309 = tpu.sort %select_n3A_1299, %select_n3A_1301 masked %masked_sort3A_1306 : (vector<16xf32>, vector<16xi32>, vector<16xi1>) -> (vector<16xi1>, vector<16xf32>, vector<16xi32>)
      %rev3A_1310 = arith.constant 15 : i32
      %rev3A_1311 = vector.broadcast %rev3A_1310 : i32 to vector<16xi32>
      %rev3A_1312 = tpu.iota {dimensions = array<i32: 0>} : vector<16xi32>
      %rev3A_1313 = arith.subi %rev3A_1311, %rev3A_1312 : vector<16xi32>
      %rev3A_1314 = tpu.dynamic_gather %masked_sort3A_1160[%rev3A_1313] in [0] : vector<16xf32>, vector<16xi32> -> vector<16xf32>
      %rev3A_1315 = arith.constant 15 : i32
      %rev3A_1316 = vector.broadcast %rev3A_1315 : i32 to vector<16xi32>
      %rev3A_1317 = tpu.iota {dimensions = array<i32: 0>} : vector<16xi32>
      %rev3A_1318 = arith.subi %rev3A_1316, %rev3A_1317 : vector<16xi32>
      %rev3A_1319 = tpu.dynamic_gather %masked_sort3A_1156[%rev3A_1318] in [0] : vector<16xf32>, vector<16xi32> -> vector<16xf32>
      %rev3A_1320 = arith.constant 15 : i32
      %rev3A_1321 = vector.broadcast %rev3A_1320 : i32 to vector<16xi32>
      %rev3A_1322 = tpu.iota {dimensions = array<i32: 0>} : vector<16xi32>
      %rev3A_1323 = arith.subi %rev3A_1321, %rev3A_1322 : vector<16xi32>
      %rev3A_1324 = tpu.dynamic_gather %masked_sort3A_1161[%rev3A_1323] in [0] : vector<16xi32>, vector<16xi32> -> vector<16xi32>
      %rev3A_1325 = arith.constant 15 : i32
      %rev3A_1326 = vector.broadcast %rev3A_1325 : i32 to vector<16xi32>
      %rev3A_1327 = tpu.iota {dimensions = array<i32: 0>} : vector<16xi32>
      %rev3A_1328 = arith.subi %rev3A_1326, %rev3A_1327 : vector<16xi32>
      %rev3A_1329 = tpu.dynamic_gather %masked_sort3A_1157[%rev3A_1328] in [0] : vector<16xi32>, vector<16xi32> -> vector<16xi32>
      %le3A_1330 = arith.cmpf ole, %masked_sort3A_1133, %rev3A_1314 : vector<16xf32>
      %select_n3A_1331 = arith.select %le3A_1330, %masked_sort3A_1133, %rev3A_1314 : vector<16xi1>, vector<16xf32>
      %select_n3A_1332 = arith.select %le3A_1330, %masked_sort3A_1134, %rev3A_1324 : vector<16xi1>, vector<16xi32>
      %select_n3A_1333 = arith.select %le3A_1330, %rev3A_1314, %masked_sort3A_1133 : vector<16xi1>, vector<16xf32>
      %select_n3A_1334 = arith.select %le3A_1330, %rev3A_1324, %masked_sort3A_1134 : vector<16xi1>, vector<16xi32>
      %le3A_1335 = arith.cmpf ole, %masked_sort3A_1137, %rev3A_1319 : vector<16xf32>
      %select_n3A_1336 = arith.select %le3A_1335, %masked_sort3A_1137, %rev3A_1319 : vector<16xi1>, vector<16xf32>
      %select_n3A_1337 = arith.select %le3A_1335, %masked_sort3A_1138, %rev3A_1329 : vector<16xi1>, vector<16xi32>
      %select_n3A_1338 = arith.select %le3A_1335, %rev3A_1319, %masked_sort3A_1137 : vector<16xi1>, vector<16xf32>
      %select_n3A_1339 = arith.select %le3A_1335, %rev3A_1329, %masked_sort3A_1138 : vector<16xi1>, vector<16xi32>
      %le3A_1340 = arith.cmpf ole, %select_n3A_1331, %select_n3A_1336 : vector<16xf32>
      %select_n3A_1341 = arith.select %le3A_1340, %select_n3A_1331, %select_n3A_1336 : vector<16xi1>, vector<16xf32>
      %select_n3A_1342 = arith.select %le3A_1340, %select_n3A_1336, %select_n3A_1331 : vector<16xi1>, vector<16xf32>
      %select_n3A_1343 = arith.select %le3A_1340, %select_n3A_1332, %select_n3A_1337 : vector<16xi1>, vector<16xi32>
      %select_n3A_1344 = arith.select %le3A_1340, %select_n3A_1337, %select_n3A_1332 : vector<16xi1>, vector<16xi32>
      %masked_sort3A_1345 = arith.constant dense<true> : vector<16xi1>
      %masked_sort3A_1346, %masked_sort3A_1347, %masked_sort3A_1348 = tpu.sort %select_n3A_1341, %select_n3A_1343 masked %masked_sort3A_1345 : (vector<16xf32>, vector<16xi32>, vector<16xi1>) -> (vector<16xi1>, vector<16xf32>, vector<16xi32>)
      %masked_sort3A_1349 = arith.constant dense<true> : vector<16xi1>
      %masked_sort3A_1350, %masked_sort3A_1351, %masked_sort3A_1352 = tpu.sort %select_n3A_1342, %select_n3A_1344 masked %masked_sort3A_1349 : (vector<16xf32>, vector<16xi32>, vector<16xi1>) -> (vector<16xi1>, vector<16xf32>, vector<16xi32>)
      %le3A_1353 = arith.cmpf ole, %select_n3A_1333, %select_n3A_1338 : vector<16xf32>
      %select_n3A_1354 = arith.select %le3A_1353, %select_n3A_1333, %select_n3A_1338 : vector<16xi1>, vector<16xf32>
      %select_n3A_1355 = arith.select %le3A_1353, %select_n3A_1338, %select_n3A_1333 : vector<16xi1>, vector<16xf32>
      %select_n3A_1356 = arith.select %le3A_1353, %select_n3A_1334, %select_n3A_1339 : vector<16xi1>, vector<16xi32>
      %select_n3A_1357 = arith.select %le3A_1353, %select_n3A_1339, %select_n3A_1334 : vector<16xi1>, vector<16xi32>
      %masked_sort3A_1358 = arith.constant dense<true> : vector<16xi1>
      %masked_sort3A_1359, %masked_sort3A_1360, %masked_sort3A_1361 = tpu.sort %select_n3A_1354, %select_n3A_1356 masked %masked_sort3A_1358 : (vector<16xf32>, vector<16xi32>, vector<16xi1>) -> (vector<16xi1>, vector<16xf32>, vector<16xi32>)
      %masked_sort3A_1362 = arith.constant dense<true> : vector<16xi1>
      %masked_sort3A_1363, %masked_sort3A_1364, %masked_sort3A_1365 = tpu.sort %select_n3A_1355, %select_n3A_1357 masked %masked_sort3A_1362 : (vector<16xf32>, vector<16xi32>, vector<16xi1>) -> (vector<16xi1>, vector<16xf32>, vector<16xi32>)
      %rev3A_1366 = arith.constant 15 : i32
      %rev3A_1367 = vector.broadcast %rev3A_1366 : i32 to vector<16xi32>
      %rev3A_1368 = tpu.iota {dimensions = array<i32: 0>} : vector<16xi32>
      %rev3A_1369 = arith.subi %rev3A_1367, %rev3A_1368 : vector<16xi32>
      %rev3A_1370 = tpu.dynamic_gather %masked_sort3A_1206[%rev3A_1369] in [0] : vector<16xf32>, vector<16xi32> -> vector<16xf32>
      %rev3A_1371 = arith.constant 15 : i32
      %rev3A_1372 = vector.broadcast %rev3A_1371 : i32 to vector<16xi32>
      %rev3A_1373 = tpu.iota {dimensions = array<i32: 0>} : vector<16xi32>
      %rev3A_1374 = arith.subi %rev3A_1372, %rev3A_1373 : vector<16xi32>
      %rev3A_1375 = tpu.dynamic_gather %masked_sort3A_1202[%rev3A_1374] in [0] : vector<16xf32>, vector<16xi32> -> vector<16xf32>
      %rev3A_1376 = arith.constant 15 : i32
      %rev3A_1377 = vector.broadcast %rev3A_1376 : i32 to vector<16xi32>
      %rev3A_1378 = tpu.iota {dimensions = array<i32: 0>} : vector<16xi32>
      %rev3A_1379 = arith.subi %rev3A_1377, %rev3A_1378 : vector<16xi32>
      %rev3A_1380 = tpu.dynamic_gather %masked_sort3A_1207[%rev3A_1379] in [0] : vector<16xi32>, vector<16xi32> -> vector<16xi32>
      %rev3A_1381 = arith.constant 15 : i32
      %rev3A_1382 = vector.broadcast %rev3A_1381 : i32 to vector<16xi32>
      %rev3A_1383 = tpu.iota {dimensions = array<i32: 0>} : vector<16xi32>
      %rev3A_1384 = arith.subi %rev3A_1382, %rev3A_1383 : vector<16xi32>
      %rev3A_1385 = tpu.dynamic_gather %masked_sort3A_1203[%rev3A_1384] in [0] : vector<16xi32>, vector<16xi32> -> vector<16xi32>
      %le3A_1386 = arith.cmpf ole, %masked_sort3A_1179, %rev3A_1370 : vector<16xf32>
      %select_n3A_1387 = arith.select %le3A_1386, %masked_sort3A_1179, %rev3A_1370 : vector<16xi1>, vector<16xf32>
      %select_n3A_1388 = arith.select %le3A_1386, %masked_sort3A_1180, %rev3A_1380 : vector<16xi1>, vector<16xi32>
      %select_n3A_1389 = arith.select %le3A_1386, %rev3A_1370, %masked_sort3A_1179 : vector<16xi1>, vector<16xf32>
      %select_n3A_1390 = arith.select %le3A_1386, %rev3A_1380, %masked_sort3A_1180 : vector<16xi1>, vector<16xi32>
      %le3A_1391 = arith.cmpf ole, %masked_sort3A_1183, %rev3A_1375 : vector<16xf32>
      %select_n3A_1392 = arith.select %le3A_1391, %masked_sort3A_1183, %rev3A_1375 : vector<16xi1>, vector<16xf32>
      %select_n3A_1393 = arith.select %le3A_1391, %masked_sort3A_1184, %rev3A_1385 : vector<16xi1>, vector<16xi32>
      %select_n3A_1394 = arith.select %le3A_1391, %rev3A_1375, %masked_sort3A_1183 : vector<16xi1>, vector<16xf32>
      %select_n3A_1395 = arith.select %le3A_1391, %rev3A_1385, %masked_sort3A_1184 : vector<16xi1>, vector<16xi32>
      %le3A_1396 = arith.cmpf ole, %select_n3A_1387, %select_n3A_1392 : vector<16xf32>
      %select_n3A_1397 = arith.select %le3A_1396, %select_n3A_1387, %select_n3A_1392 : vector<16xi1>, vector<16xf32>
      %select_n3A_1398 = arith.select %le3A_1396, %select_n3A_1392, %select_n3A_1387 : vector<16xi1>, vector<16xf32>
      %select_n3A_1399 = arith.select %le3A_1396, %select_n3A_1388, %select_n3A_1393 : vector<16xi1>, vector<16xi32>
      %select_n3A_1400 = arith.select %le3A_1396, %select_n3A_1393, %select_n3A_1388 : vector<16xi1>, vector<16xi32>
      %masked_sort3A_1401 = arith.constant dense<true> : vector<16xi1>
      %masked_sort3A_1402, %masked_sort3A_1403, %masked_sort3A_1404 = tpu.sort %select_n3A_1397, %select_n3A_1399 masked %masked_sort3A_1401 : (vector<16xf32>, vector<16xi32>, vector<16xi1>) -> (vector<16xi1>, vector<16xf32>, vector<16xi32>)
      %masked_sort3A_1405 = arith.constant dense<true> : vector<16xi1>
      %masked_sort3A_1406, %masked_sort3A_1407, %masked_sort3A_1408 = tpu.sort %select_n3A_1398, %select_n3A_1400 masked %masked_sort3A_1405 : (vector<16xf32>, vector<16xi32>, vector<16xi1>) -> (vector<16xi1>, vector<16xf32>, vector<16xi32>)
      %le3A_1409 = arith.cmpf ole, %select_n3A_1389, %select_n3A_1394 : vector<16xf32>
      %select_n3A_1410 = arith.select %le3A_1409, %select_n3A_1389, %select_n3A_1394 : vector<16xi1>, vector<16xf32>
      %select_n3A_1411 = arith.select %le3A_1409, %select_n3A_1394, %select_n3A_1389 : vector<16xi1>, vector<16xf32>
      %select_n3A_1412 = arith.select %le3A_1409, %select_n3A_1390, %select_n3A_1395 : vector<16xi1>, vector<16xi32>
      %select_n3A_1413 = arith.select %le3A_1409, %select_n3A_1395, %select_n3A_1390 : vector<16xi1>, vector<16xi32>
      %masked_sort3A_1414 = arith.constant dense<true> : vector<16xi1>
      %masked_sort3A_1415, %masked_sort3A_1416, %masked_sort3A_1417 = tpu.sort %select_n3A_1410, %select_n3A_1412 masked %masked_sort3A_1414 : (vector<16xf32>, vector<16xi32>, vector<16xi1>) -> (vector<16xi1>, vector<16xf32>, vector<16xi32>)
      %masked_sort3A_1418 = arith.constant dense<true> : vector<16xi1>
      %masked_sort3A_1419, %masked_sort3A_1420, %masked_sort3A_1421 = tpu.sort %select_n3A_1411, %select_n3A_1413 masked %masked_sort3A_1418 : (vector<16xf32>, vector<16xi32>, vector<16xi1>) -> (vector<16xi1>, vector<16xf32>, vector<16xi32>)
      %rev3A_1422 = arith.constant 15 : i32
      %rev3A_1423 = vector.broadcast %rev3A_1422 : i32 to vector<16xi32>
      %rev3A_1424 = tpu.iota {dimensions = array<i32: 0>} : vector<16xi32>
      %rev3A_1425 = arith.subi %rev3A_1423, %rev3A_1424 : vector<16xi32>
      %rev3A_1426 = tpu.dynamic_gather %masked_sort3A_1252[%rev3A_1425] in [0] : vector<16xf32>, vector<16xi32> -> vector<16xf32>
      %rev3A_1427 = arith.constant 15 : i32
      %rev3A_1428 = vector.broadcast %rev3A_1427 : i32 to vector<16xi32>
      %rev3A_1429 = tpu.iota {dimensions = array<i32: 0>} : vector<16xi32>
      %rev3A_1430 = arith.subi %rev3A_1428, %rev3A_1429 : vector<16xi32>
      %rev3A_1431 = tpu.dynamic_gather %masked_sort3A_1248[%rev3A_1430] in [0] : vector<16xf32>, vector<16xi32> -> vector<16xf32>
      %rev3A_1432 = arith.constant 15 : i32
      %rev3A_1433 = vector.broadcast %rev3A_1432 : i32 to vector<16xi32>
      %rev3A_1434 = tpu.iota {dimensions = array<i32: 0>} : vector<16xi32>
      %rev3A_1435 = arith.subi %rev3A_1433, %rev3A_1434 : vector<16xi32>
      %rev3A_1436 = tpu.dynamic_gather %masked_sort3A_1253[%rev3A_1435] in [0] : vector<16xi32>, vector<16xi32> -> vector<16xi32>
      %rev3A_1437 = arith.constant 15 : i32
      %rev3A_1438 = vector.broadcast %rev3A_1437 : i32 to vector<16xi32>
      %rev3A_1439 = tpu.iota {dimensions = array<i32: 0>} : vector<16xi32>
      %rev3A_1440 = arith.subi %rev3A_1438, %rev3A_1439 : vector<16xi32>
      %rev3A_1441 = tpu.dynamic_gather %masked_sort3A_1249[%rev3A_1440] in [0] : vector<16xi32>, vector<16xi32> -> vector<16xi32>
      %le3A_1442 = arith.cmpf ole, %masked_sort3A_1225, %rev3A_1426 : vector<16xf32>
      %select_n3A_1443 = arith.select %le3A_1442, %masked_sort3A_1225, %rev3A_1426 : vector<16xi1>, vector<16xf32>
      %select_n3A_1444 = arith.select %le3A_1442, %masked_sort3A_1226, %rev3A_1436 : vector<16xi1>, vector<16xi32>
      %select_n3A_1445 = arith.select %le3A_1442, %rev3A_1426, %masked_sort3A_1225 : vector<16xi1>, vector<16xf32>
      %select_n3A_1446 = arith.select %le3A_1442, %rev3A_1436, %masked_sort3A_1226 : vector<16xi1>, vector<16xi32>
      %le3A_1447 = arith.cmpf ole, %masked_sort3A_1229, %rev3A_1431 : vector<16xf32>
      %select_n3A_1448 = arith.select %le3A_1447, %masked_sort3A_1229, %rev3A_1431 : vector<16xi1>, vector<16xf32>
      %select_n3A_1449 = arith.select %le3A_1447, %masked_sort3A_1230, %rev3A_1441 : vector<16xi1>, vector<16xi32>
      %select_n3A_1450 = arith.select %le3A_1447, %rev3A_1431, %masked_sort3A_1229 : vector<16xi1>, vector<16xf32>
      %select_n3A_1451 = arith.select %le3A_1447, %rev3A_1441, %masked_sort3A_1230 : vector<16xi1>, vector<16xi32>
      %le3A_1452 = arith.cmpf ole, %select_n3A_1443, %select_n3A_1448 : vector<16xf32>
      %select_n3A_1453 = arith.select %le3A_1452, %select_n3A_1443, %select_n3A_1448 : vector<16xi1>, vector<16xf32>
      %select_n3A_1454 = arith.select %le3A_1452, %select_n3A_1448, %select_n3A_1443 : vector<16xi1>, vector<16xf32>
      %select_n3A_1455 = arith.select %le3A_1452, %select_n3A_1444, %select_n3A_1449 : vector<16xi1>, vector<16xi32>
      %select_n3A_1456 = arith.select %le3A_1452, %select_n3A_1449, %select_n3A_1444 : vector<16xi1>, vector<16xi32>
      %masked_sort3A_1457 = arith.constant dense<true> : vector<16xi1>
      %masked_sort3A_1458, %masked_sort3A_1459, %masked_sort3A_1460 = tpu.sort %select_n3A_1453, %select_n3A_1455 masked %masked_sort3A_1457 : (vector<16xf32>, vector<16xi32>, vector<16xi1>) -> (vector<16xi1>, vector<16xf32>, vector<16xi32>)
      %masked_sort3A_1461 = arith.constant dense<true> : vector<16xi1>
      %masked_sort3A_1462, %masked_sort3A_1463, %masked_sort3A_1464 = tpu.sort %select_n3A_1454, %select_n3A_1456 masked %masked_sort3A_1461 : (vector<16xf32>, vector<16xi32>, vector<16xi1>) -> (vector<16xi1>, vector<16xf32>, vector<16xi32>)
      %le3A_1465 = arith.cmpf ole, %select_n3A_1445, %select_n3A_1450 : vector<16xf32>
      %select_n3A_1466 = arith.select %le3A_1465, %select_n3A_1445, %select_n3A_1450 : vector<16xi1>, vector<16xf32>
      %select_n3A_1467 = arith.select %le3A_1465, %select_n3A_1450, %select_n3A_1445 : vector<16xi1>, vector<16xf32>
      %select_n3A_1468 = arith.select %le3A_1465, %select_n3A_1446, %select_n3A_1451 : vector<16xi1>, vector<16xi32>
      %select_n3A_1469 = arith.select %le3A_1465, %select_n3A_1451, %select_n3A_1446 : vector<16xi1>, vector<16xi32>
      %masked_sort3A_1470 = arith.constant dense<true> : vector<16xi1>
      %masked_sort3A_1471, %masked_sort3A_1472, %masked_sort3A_1473 = tpu.sort %select_n3A_1466, %select_n3A_1468 masked %masked_sort3A_1470 : (vector<16xf32>, vector<16xi32>, vector<16xi1>) -> (vector<16xi1>, vector<16xf32>, vector<16xi32>)
      %masked_sort3A_1474 = arith.constant dense<true> : vector<16xi1>
      %masked_sort3A_1475, %masked_sort3A_1476, %masked_sort3A_1477 = tpu.sort %select_n3A_1467, %select_n3A_1469 masked %masked_sort3A_1474 : (vector<16xf32>, vector<16xi32>, vector<16xi1>) -> (vector<16xi1>, vector<16xf32>, vector<16xi32>)
      %rev3A_1478 = arith.constant 15 : i32
      %rev3A_1479 = vector.broadcast %rev3A_1478 : i32 to vector<16xi32>
      %rev3A_1480 = tpu.iota {dimensions = array<i32: 0>} : vector<16xi32>
      %rev3A_1481 = arith.subi %rev3A_1479, %rev3A_1480 : vector<16xi32>
      %rev3A_1482 = tpu.dynamic_gather %masked_sort3A_1364[%rev3A_1481] in [0] : vector<16xf32>, vector<16xi32> -> vector<16xf32>
      %rev3A_1483 = arith.constant 15 : i32
      %rev3A_1484 = vector.broadcast %rev3A_1483 : i32 to vector<16xi32>
      %rev3A_1485 = tpu.iota {dimensions = array<i32: 0>} : vector<16xi32>
      %rev3A_1486 = arith.subi %rev3A_1484, %rev3A_1485 : vector<16xi32>
      %rev3A_1487 = tpu.dynamic_gather %masked_sort3A_1360[%rev3A_1486] in [0] : vector<16xf32>, vector<16xi32> -> vector<16xf32>
      %rev3A_1488 = arith.constant 15 : i32
      %rev3A_1489 = vector.broadcast %rev3A_1488 : i32 to vector<16xi32>
      %rev3A_1490 = tpu.iota {dimensions = array<i32: 0>} : vector<16xi32>
      %rev3A_1491 = arith.subi %rev3A_1489, %rev3A_1490 : vector<16xi32>
      %rev3A_1492 = tpu.dynamic_gather %masked_sort3A_1351[%rev3A_1491] in [0] : vector<16xf32>, vector<16xi32> -> vector<16xf32>
      %rev3A_1493 = arith.constant 15 : i32
      %rev3A_1494 = vector.broadcast %rev3A_1493 : i32 to vector<16xi32>
      %rev3A_1495 = tpu.iota {dimensions = array<i32: 0>} : vector<16xi32>
      %rev3A_1496 = arith.subi %rev3A_1494, %rev3A_1495 : vector<16xi32>
      %rev3A_1497 = tpu.dynamic_gather %masked_sort3A_1347[%rev3A_1496] in [0] : vector<16xf32>, vector<16xi32> -> vector<16xf32>
      %rev3A_1498 = arith.constant 15 : i32
      %rev3A_1499 = vector.broadcast %rev3A_1498 : i32 to vector<16xi32>
      %rev3A_1500 = tpu.iota {dimensions = array<i32: 0>} : vector<16xi32>
      %rev3A_1501 = arith.subi %rev3A_1499, %rev3A_1500 : vector<16xi32>
      %rev3A_1502 = tpu.dynamic_gather %masked_sort3A_1365[%rev3A_1501] in [0] : vector<16xi32>, vector<16xi32> -> vector<16xi32>
      %rev3A_1503 = arith.constant 15 : i32
      %rev3A_1504 = vector.broadcast %rev3A_1503 : i32 to vector<16xi32>
      %rev3A_1505 = tpu.iota {dimensions = array<i32: 0>} : vector<16xi32>
      %rev3A_1506 = arith.subi %rev3A_1504, %rev3A_1505 : vector<16xi32>
      %rev3A_1507 = tpu.dynamic_gather %masked_sort3A_1361[%rev3A_1506] in [0] : vector<16xi32>, vector<16xi32> -> vector<16xi32>
      %rev3A_1508 = arith.constant 15 : i32
      %rev3A_1509 = vector.broadcast %rev3A_1508 : i32 to vector<16xi32>
      %rev3A_1510 = tpu.iota {dimensions = array<i32: 0>} : vector<16xi32>
      %rev3A_1511 = arith.subi %rev3A_1509, %rev3A_1510 : vector<16xi32>
      %rev3A_1512 = tpu.dynamic_gather %masked_sort3A_1352[%rev3A_1511] in [0] : vector<16xi32>, vector<16xi32> -> vector<16xi32>
      %rev3A_1513 = arith.constant 15 : i32
      %rev3A_1514 = vector.broadcast %rev3A_1513 : i32 to vector<16xi32>
      %rev3A_1515 = tpu.iota {dimensions = array<i32: 0>} : vector<16xi32>
      %rev3A_1516 = arith.subi %rev3A_1514, %rev3A_1515 : vector<16xi32>
      %rev3A_1517 = tpu.dynamic_gather %masked_sort3A_1348[%rev3A_1516] in [0] : vector<16xi32>, vector<16xi32> -> vector<16xi32>
      %le3A_1518 = arith.cmpf ole, %masked_sort3A_1291, %rev3A_1482 : vector<16xf32>
      %select_n3A_1519 = arith.select %le3A_1518, %masked_sort3A_1291, %rev3A_1482 : vector<16xi1>, vector<16xf32>
      %select_n3A_1520 = arith.select %le3A_1518, %masked_sort3A_1292, %rev3A_1502 : vector<16xi1>, vector<16xi32>
      %le3A_1521 = arith.cmpf ole, %masked_sort3A_1295, %rev3A_1487 : vector<16xf32>
      %select_n3A_1522 = arith.select %le3A_1521, %masked_sort3A_1295, %rev3A_1487 : vector<16xi1>, vector<16xf32>
      %select_n3A_1523 = arith.select %le3A_1521, %masked_sort3A_1296, %rev3A_1507 : vector<16xi1>, vector<16xi32>
      %le3A_1524 = arith.cmpf ole, %masked_sort3A_1304, %rev3A_1492 : vector<16xf32>
      %select_n3A_1525 = arith.select %le3A_1524, %masked_sort3A_1304, %rev3A_1492 : vector<16xi1>, vector<16xf32>
      %select_n3A_1526 = arith.select %le3A_1524, %masked_sort3A_1305, %rev3A_1512 : vector<16xi1>, vector<16xi32>
      %le3A_1527 = arith.cmpf ole, %masked_sort3A_1308, %rev3A_1497 : vector<16xf32>
      %select_n3A_1528 = arith.select %le3A_1527, %masked_sort3A_1308, %rev3A_1497 : vector<16xi1>, vector<16xf32>
      %select_n3A_1529 = arith.select %le3A_1527, %masked_sort3A_1309, %rev3A_1517 : vector<16xi1>, vector<16xi32>
      %le3A_1530 = arith.cmpf ole, %select_n3A_1519, %select_n3A_1525 : vector<16xf32>
      %select_n3A_1531 = arith.select %le3A_1530, %select_n3A_1519, %select_n3A_1525 : vector<16xi1>, vector<16xf32>
      %select_n3A_1532 = arith.select %le3A_1530, %select_n3A_1525, %select_n3A_1519 : vector<16xi1>, vector<16xf32>
      %select_n3A_1533 = arith.select %le3A_1530, %select_n3A_1520, %select_n3A_1526 : vector<16xi1>, vector<16xi32>
      %select_n3A_1534 = arith.select %le3A_1530, %select_n3A_1526, %select_n3A_1520 : vector<16xi1>, vector<16xi32>
      %le3A_1535 = arith.cmpf ole, %select_n3A_1522, %select_n3A_1528 : vector<16xf32>
      %select_n3A_1536 = arith.select %le3A_1535, %select_n3A_1522, %select_n3A_1528 : vector<16xi1>, vector<16xf32>
      %select_n3A_1537 = arith.select %le3A_1535, %select_n3A_1528, %select_n3A_1522 : vector<16xi1>, vector<16xf32>
      %select_n3A_1538 = arith.select %le3A_1535, %select_n3A_1523, %select_n3A_1529 : vector<16xi1>, vector<16xi32>
      %select_n3A_1539 = arith.select %le3A_1535, %select_n3A_1529, %select_n3A_1523 : vector<16xi1>, vector<16xi32>
      %le3A_1540 = arith.cmpf ole, %select_n3A_1531, %select_n3A_1536 : vector<16xf32>
      %select_n3A_1541 = arith.select %le3A_1540, %select_n3A_1531, %select_n3A_1536 : vector<16xi1>, vector<16xf32>
      %select_n3A_1542 = arith.select %le3A_1540, %select_n3A_1536, %select_n3A_1531 : vector<16xi1>, vector<16xf32>
      %select_n3A_1543 = arith.select %le3A_1540, %select_n3A_1533, %select_n3A_1538 : vector<16xi1>, vector<16xi32>
      %select_n3A_1544 = arith.select %le3A_1540, %select_n3A_1538, %select_n3A_1533 : vector<16xi1>, vector<16xi32>
      %le3A_1545 = arith.cmpf ole, %select_n3A_1532, %select_n3A_1537 : vector<16xf32>
      %select_n3A_1546 = arith.select %le3A_1545, %select_n3A_1532, %select_n3A_1537 : vector<16xi1>, vector<16xf32>
      %select_n3A_1547 = arith.select %le3A_1545, %select_n3A_1537, %select_n3A_1532 : vector<16xi1>, vector<16xf32>
      %select_n3A_1548 = arith.select %le3A_1545, %select_n3A_1534, %select_n3A_1539 : vector<16xi1>, vector<16xi32>
      %select_n3A_1549 = arith.select %le3A_1545, %select_n3A_1539, %select_n3A_1534 : vector<16xi1>, vector<16xi32>
      %masked_sort3A_1550 = arith.constant dense<true> : vector<16xi1>
      %masked_sort3A_1551, %masked_sort3A_1552, %masked_sort3A_1553 = tpu.sort %select_n3A_1541, %select_n3A_1543 masked %masked_sort3A_1550 : (vector<16xf32>, vector<16xi32>, vector<16xi1>) -> (vector<16xi1>, vector<16xf32>, vector<16xi32>)
      %masked_sort3A_1554 = arith.constant dense<true> : vector<16xi1>
      %masked_sort3A_1555, %masked_sort3A_1556, %masked_sort3A_1557 = tpu.sort %select_n3A_1542, %select_n3A_1544 masked %masked_sort3A_1554 : (vector<16xf32>, vector<16xi32>, vector<16xi1>) -> (vector<16xi1>, vector<16xf32>, vector<16xi32>)
      %masked_sort3A_1558 = arith.constant dense<true> : vector<16xi1>
      %masked_sort3A_1559, %masked_sort3A_1560, %masked_sort3A_1561 = tpu.sort %select_n3A_1546, %select_n3A_1548 masked %masked_sort3A_1558 : (vector<16xf32>, vector<16xi32>, vector<16xi1>) -> (vector<16xi1>, vector<16xf32>, vector<16xi32>)
      %masked_sort3A_1562 = arith.constant dense<true> : vector<16xi1>
      %masked_sort3A_1563, %masked_sort3A_1564, %masked_sort3A_1565 = tpu.sort %select_n3A_1547, %select_n3A_1549 masked %masked_sort3A_1562 : (vector<16xf32>, vector<16xi32>, vector<16xi1>) -> (vector<16xi1>, vector<16xf32>, vector<16xi32>)
      %rev3A_1566 = arith.constant 15 : i32
      %rev3A_1567 = vector.broadcast %rev3A_1566 : i32 to vector<16xi32>
      %rev3A_1568 = tpu.iota {dimensions = array<i32: 0>} : vector<16xi32>
      %rev3A_1569 = arith.subi %rev3A_1567, %rev3A_1568 : vector<16xi32>
      %rev3A_1570 = tpu.dynamic_gather %masked_sort3A_1476[%rev3A_1569] in [0] : vector<16xf32>, vector<16xi32> -> vector<16xf32>
      %rev3A_1571 = arith.constant 15 : i32
      %rev3A_1572 = vector.broadcast %rev3A_1571 : i32 to vector<16xi32>
      %rev3A_1573 = tpu.iota {dimensions = array<i32: 0>} : vector<16xi32>
      %rev3A_1574 = arith.subi %rev3A_1572, %rev3A_1573 : vector<16xi32>
      %rev3A_1575 = tpu.dynamic_gather %masked_sort3A_1472[%rev3A_1574] in [0] : vector<16xf32>, vector<16xi32> -> vector<16xf32>
      %rev3A_1576 = arith.constant 15 : i32
      %rev3A_1577 = vector.broadcast %rev3A_1576 : i32 to vector<16xi32>
      %rev3A_1578 = tpu.iota {dimensions = array<i32: 0>} : vector<16xi32>
      %rev3A_1579 = arith.subi %rev3A_1577, %rev3A_1578 : vector<16xi32>
      %rev3A_1580 = tpu.dynamic_gather %masked_sort3A_1463[%rev3A_1579] in [0] : vector<16xf32>, vector<16xi32> -> vector<16xf32>
      %rev3A_1581 = arith.constant 15 : i32
      %rev3A_1582 = vector.broadcast %rev3A_1581 : i32 to vector<16xi32>
      %rev3A_1583 = tpu.iota {dimensions = array<i32: 0>} : vector<16xi32>
      %rev3A_1584 = arith.subi %rev3A_1582, %rev3A_1583 : vector<16xi32>
      %rev3A_1585 = tpu.dynamic_gather %masked_sort3A_1459[%rev3A_1584] in [0] : vector<16xf32>, vector<16xi32> -> vector<16xf32>
      %rev3A_1586 = arith.constant 15 : i32
      %rev3A_1587 = vector.broadcast %rev3A_1586 : i32 to vector<16xi32>
      %rev3A_1588 = tpu.iota {dimensions = array<i32: 0>} : vector<16xi32>
      %rev3A_1589 = arith.subi %rev3A_1587, %rev3A_1588 : vector<16xi32>
      %rev3A_1590 = tpu.dynamic_gather %masked_sort3A_1477[%rev3A_1589] in [0] : vector<16xi32>, vector<16xi32> -> vector<16xi32>
      %rev3A_1591 = arith.constant 15 : i32
      %rev3A_1592 = vector.broadcast %rev3A_1591 : i32 to vector<16xi32>
      %rev3A_1593 = tpu.iota {dimensions = array<i32: 0>} : vector<16xi32>
      %rev3A_1594 = arith.subi %rev3A_1592, %rev3A_1593 : vector<16xi32>
      %rev3A_1595 = tpu.dynamic_gather %masked_sort3A_1473[%rev3A_1594] in [0] : vector<16xi32>, vector<16xi32> -> vector<16xi32>
      %rev3A_1596 = arith.constant 15 : i32
      %rev3A_1597 = vector.broadcast %rev3A_1596 : i32 to vector<16xi32>
      %rev3A_1598 = tpu.iota {dimensions = array<i32: 0>} : vector<16xi32>
      %rev3A_1599 = arith.subi %rev3A_1597, %rev3A_1598 : vector<16xi32>
      %rev3A_1600 = tpu.dynamic_gather %masked_sort3A_1464[%rev3A_1599] in [0] : vector<16xi32>, vector<16xi32> -> vector<16xi32>
      %rev3A_1601 = arith.constant 15 : i32
      %rev3A_1602 = vector.broadcast %rev3A_1601 : i32 to vector<16xi32>
      %rev3A_1603 = tpu.iota {dimensions = array<i32: 0>} : vector<16xi32>
      %rev3A_1604 = arith.subi %rev3A_1602, %rev3A_1603 : vector<16xi32>
      %rev3A_1605 = tpu.dynamic_gather %masked_sort3A_1460[%rev3A_1604] in [0] : vector<16xi32>, vector<16xi32> -> vector<16xi32>
      %le3A_1606 = arith.cmpf ole, %masked_sort3A_1403, %rev3A_1570 : vector<16xf32>
      %select_n3A_1607 = arith.select %le3A_1606, %masked_sort3A_1403, %rev3A_1570 : vector<16xi1>, vector<16xf32>
      %select_n3A_1608 = arith.select %le3A_1606, %masked_sort3A_1404, %rev3A_1590 : vector<16xi1>, vector<16xi32>
      %le3A_1609 = arith.cmpf ole, %masked_sort3A_1407, %rev3A_1575 : vector<16xf32>
      %select_n3A_1610 = arith.select %le3A_1609, %masked_sort3A_1407, %rev3A_1575 : vector<16xi1>, vector<16xf32>
      %select_n3A_1611 = arith.select %le3A_1609, %masked_sort3A_1408, %rev3A_1595 : vector<16xi1>, vector<16xi32>
      %le3A_1612 = arith.cmpf ole, %masked_sort3A_1416, %rev3A_1580 : vector<16xf32>
      %select_n3A_1613 = arith.select %le3A_1612, %masked_sort3A_1416, %rev3A_1580 : vector<16xi1>, vector<16xf32>
      %select_n3A_1614 = arith.select %le3A_1612, %masked_sort3A_1417, %rev3A_1600 : vector<16xi1>, vector<16xi32>
      %le3A_1615 = arith.cmpf ole, %masked_sort3A_1420, %rev3A_1585 : vector<16xf32>
      %select_n3A_1616 = arith.select %le3A_1615, %masked_sort3A_1420, %rev3A_1585 : vector<16xi1>, vector<16xf32>
      %select_n3A_1617 = arith.select %le3A_1615, %masked_sort3A_1421, %rev3A_1605 : vector<16xi1>, vector<16xi32>
      %le3A_1618 = arith.cmpf ole, %select_n3A_1607, %select_n3A_1613 : vector<16xf32>
      %select_n3A_1619 = arith.select %le3A_1618, %select_n3A_1607, %select_n3A_1613 : vector<16xi1>, vector<16xf32>
      %select_n3A_1620 = arith.select %le3A_1618, %select_n3A_1613, %select_n3A_1607 : vector<16xi1>, vector<16xf32>
      %select_n3A_1621 = arith.select %le3A_1618, %select_n3A_1608, %select_n3A_1614 : vector<16xi1>, vector<16xi32>
      %select_n3A_1622 = arith.select %le3A_1618, %select_n3A_1614, %select_n3A_1608 : vector<16xi1>, vector<16xi32>
      %le3A_1623 = arith.cmpf ole, %select_n3A_1610, %select_n3A_1616 : vector<16xf32>
      %select_n3A_1624 = arith.select %le3A_1623, %select_n3A_1610, %select_n3A_1616 : vector<16xi1>, vector<16xf32>
      %select_n3A_1625 = arith.select %le3A_1623, %select_n3A_1616, %select_n3A_1610 : vector<16xi1>, vector<16xf32>
      %select_n3A_1626 = arith.select %le3A_1623, %select_n3A_1611, %select_n3A_1617 : vector<16xi1>, vector<16xi32>
      %select_n3A_1627 = arith.select %le3A_1623, %select_n3A_1617, %select_n3A_1611 : vector<16xi1>, vector<16xi32>
      %le3A_1628 = arith.cmpf ole, %select_n3A_1619, %select_n3A_1624 : vector<16xf32>
      %select_n3A_1629 = arith.select %le3A_1628, %select_n3A_1619, %select_n3A_1624 : vector<16xi1>, vector<16xf32>
      %select_n3A_1630 = arith.select %le3A_1628, %select_n3A_1624, %select_n3A_1619 : vector<16xi1>, vector<16xf32>
      %select_n3A_1631 = arith.select %le3A_1628, %select_n3A_1621, %select_n3A_1626 : vector<16xi1>, vector<16xi32>
      %select_n3A_1632 = arith.select %le3A_1628, %select_n3A_1626, %select_n3A_1621 : vector<16xi1>, vector<16xi32>
      %le3A_1633 = arith.cmpf ole, %select_n3A_1620, %select_n3A_1625 : vector<16xf32>
      %select_n3A_1634 = arith.select %le3A_1633, %select_n3A_1620, %select_n3A_1625 : vector<16xi1>, vector<16xf32>
      %select_n3A_1635 = arith.select %le3A_1633, %select_n3A_1625, %select_n3A_1620 : vector<16xi1>, vector<16xf32>
      %select_n3A_1636 = arith.select %le3A_1633, %select_n3A_1622, %select_n3A_1627 : vector<16xi1>, vector<16xi32>
      %select_n3A_1637 = arith.select %le3A_1633, %select_n3A_1627, %select_n3A_1622 : vector<16xi1>, vector<16xi32>
      %masked_sort3A_1638 = arith.constant dense<true> : vector<16xi1>
      %masked_sort3A_1639, %masked_sort3A_1640, %masked_sort3A_1641 = tpu.sort %select_n3A_1629, %select_n3A_1631 masked %masked_sort3A_1638 : (vector<16xf32>, vector<16xi32>, vector<16xi1>) -> (vector<16xi1>, vector<16xf32>, vector<16xi32>)
      %masked_sort3A_1642 = arith.constant dense<true> : vector<16xi1>
      %masked_sort3A_1643, %masked_sort3A_1644, %masked_sort3A_1645 = tpu.sort %select_n3A_1630, %select_n3A_1632 masked %masked_sort3A_1642 : (vector<16xf32>, vector<16xi32>, vector<16xi1>) -> (vector<16xi1>, vector<16xf32>, vector<16xi32>)
      %masked_sort3A_1646 = arith.constant dense<true> : vector<16xi1>
      %masked_sort3A_1647, %masked_sort3A_1648, %masked_sort3A_1649 = tpu.sort %select_n3A_1634, %select_n3A_1636 masked %masked_sort3A_1646 : (vector<16xf32>, vector<16xi32>, vector<16xi1>) -> (vector<16xi1>, vector<16xf32>, vector<16xi32>)
      %masked_sort3A_1650 = arith.constant dense<true> : vector<16xi1>
      %masked_sort3A_1651, %masked_sort3A_1652, %masked_sort3A_1653 = tpu.sort %select_n3A_1635, %select_n3A_1637 masked %masked_sort3A_1650 : (vector<16xf32>, vector<16xi32>, vector<16xi1>) -> (vector<16xi1>, vector<16xf32>, vector<16xi32>)
      %rev3A_1654 = arith.constant 15 : i32
      %rev3A_1655 = vector.broadcast %rev3A_1654 : i32 to vector<16xi32>
      %rev3A_1656 = tpu.iota {dimensions = array<i32: 0>} : vector<16xi32>
      %rev3A_1657 = arith.subi %rev3A_1655, %rev3A_1656 : vector<16xi32>
      %rev3A_1658 = tpu.dynamic_gather %masked_sort3A_1652[%rev3A_1657] in [0] : vector<16xf32>, vector<16xi32> -> vector<16xf32>
      %rev3A_1659 = arith.constant 15 : i32
      %rev3A_1660 = vector.broadcast %rev3A_1659 : i32 to vector<16xi32>
      %rev3A_1661 = tpu.iota {dimensions = array<i32: 0>} : vector<16xi32>
      %rev3A_1662 = arith.subi %rev3A_1660, %rev3A_1661 : vector<16xi32>
      %rev3A_1663 = tpu.dynamic_gather %masked_sort3A_1648[%rev3A_1662] in [0] : vector<16xf32>, vector<16xi32> -> vector<16xf32>
      %rev3A_1664 = arith.constant 15 : i32
      %rev3A_1665 = vector.broadcast %rev3A_1664 : i32 to vector<16xi32>
      %rev3A_1666 = tpu.iota {dimensions = array<i32: 0>} : vector<16xi32>
      %rev3A_1667 = arith.subi %rev3A_1665, %rev3A_1666 : vector<16xi32>
      %rev3A_1668 = tpu.dynamic_gather %masked_sort3A_1644[%rev3A_1667] in [0] : vector<16xf32>, vector<16xi32> -> vector<16xf32>
      %rev3A_1669 = arith.constant 15 : i32
      %rev3A_1670 = vector.broadcast %rev3A_1669 : i32 to vector<16xi32>
      %rev3A_1671 = tpu.iota {dimensions = array<i32: 0>} : vector<16xi32>
      %rev3A_1672 = arith.subi %rev3A_1670, %rev3A_1671 : vector<16xi32>
      %rev3A_1673 = tpu.dynamic_gather %masked_sort3A_1640[%rev3A_1672] in [0] : vector<16xf32>, vector<16xi32> -> vector<16xf32>
      %rev3A_1674 = arith.constant 15 : i32
      %rev3A_1675 = vector.broadcast %rev3A_1674 : i32 to vector<16xi32>
      %rev3A_1676 = tpu.iota {dimensions = array<i32: 0>} : vector<16xi32>
      %rev3A_1677 = arith.subi %rev3A_1675, %rev3A_1676 : vector<16xi32>
      %rev3A_1678 = tpu.dynamic_gather %masked_sort3A_1653[%rev3A_1677] in [0] : vector<16xi32>, vector<16xi32> -> vector<16xi32>
      %rev3A_1679 = arith.constant 15 : i32
      %rev3A_1680 = vector.broadcast %rev3A_1679 : i32 to vector<16xi32>
      %rev3A_1681 = tpu.iota {dimensions = array<i32: 0>} : vector<16xi32>
      %rev3A_1682 = arith.subi %rev3A_1680, %rev3A_1681 : vector<16xi32>
      %rev3A_1683 = tpu.dynamic_gather %masked_sort3A_1649[%rev3A_1682] in [0] : vector<16xi32>, vector<16xi32> -> vector<16xi32>
      %rev3A_1684 = arith.constant 15 : i32
      %rev3A_1685 = vector.broadcast %rev3A_1684 : i32 to vector<16xi32>
      %rev3A_1686 = tpu.iota {dimensions = array<i32: 0>} : vector<16xi32>
      %rev3A_1687 = arith.subi %rev3A_1685, %rev3A_1686 : vector<16xi32>
      %rev3A_1688 = tpu.dynamic_gather %masked_sort3A_1645[%rev3A_1687] in [0] : vector<16xi32>, vector<16xi32> -> vector<16xi32>
      %rev3A_1689 = arith.constant 15 : i32
      %rev3A_1690 = vector.broadcast %rev3A_1689 : i32 to vector<16xi32>
      %rev3A_1691 = tpu.iota {dimensions = array<i32: 0>} : vector<16xi32>
      %rev3A_1692 = arith.subi %rev3A_1690, %rev3A_1691 : vector<16xi32>
      %rev3A_1693 = tpu.dynamic_gather %masked_sort3A_1641[%rev3A_1692] in [0] : vector<16xi32>, vector<16xi32> -> vector<16xi32>
      %le3A_1694 = arith.cmpf ole, %masked_sort3A_1552, %rev3A_1658 : vector<16xf32>
      %select_n3A_1695 = arith.select %le3A_1694, %masked_sort3A_1552, %rev3A_1658 : vector<16xi1>, vector<16xf32>
      %select_n3A_1696 = arith.select %le3A_1694, %masked_sort3A_1553, %rev3A_1678 : vector<16xi1>, vector<16xi32>
      %le3A_1697 = arith.cmpf ole, %masked_sort3A_1556, %rev3A_1663 : vector<16xf32>
      %select_n3A_1698 = arith.select %le3A_1697, %masked_sort3A_1556, %rev3A_1663 : vector<16xi1>, vector<16xf32>
      %select_n3A_1699 = arith.select %le3A_1697, %masked_sort3A_1557, %rev3A_1683 : vector<16xi1>, vector<16xi32>
      %le3A_1700 = arith.cmpf ole, %masked_sort3A_1560, %rev3A_1668 : vector<16xf32>
      %select_n3A_1701 = arith.select %le3A_1700, %masked_sort3A_1560, %rev3A_1668 : vector<16xi1>, vector<16xf32>
      %select_n3A_1702 = arith.select %le3A_1700, %masked_sort3A_1561, %rev3A_1688 : vector<16xi1>, vector<16xi32>
      %le3A_1703 = arith.cmpf ole, %masked_sort3A_1564, %rev3A_1673 : vector<16xf32>
      %select_n3A_1704 = arith.select %le3A_1703, %masked_sort3A_1564, %rev3A_1673 : vector<16xi1>, vector<16xf32>
      %select_n3A_1705 = arith.select %le3A_1703, %masked_sort3A_1565, %rev3A_1693 : vector<16xi1>, vector<16xi32>
      %add3A_1706 = vector.broadcast %mul3A_20 : i32 to vector<16xi32>
      %add3A_1707 = arith.addi %select_n3A_1696, %add3A_1706 : vector<16xi32>
      %mul3A_1708 = arith.constant 64 : i32
      %mul3A_1709 = arith.muli %add3A_886, %mul3A_1708 : i32
      %add3A_1710 = arith.constant 0 : i32
      %add3A_1711 = arith.addi %mul3A_1709, %add3A_1710 : i32
      %swap3A_1712 = arith.index_cast %add3A_1711 : i32 to index
      %swap3A_1713 = tpu.vector_load %arg10[%swap3A_1712] {strides = array<i32>} : memref<16384xi32, #tpu.memory_space<vmem>>, vector<16xi32>,
      tpu.vector_store %arg10[%swap3A_1712], %add3A_1707 {strides = array<i32>} : memref<16384xi32, #tpu.memory_space<vmem>>, vector<16xi32>,
      %add3A_1714 = vector.broadcast %mul3A_20 : i32 to vector<16xi32>
      %add3A_1715 = arith.addi %select_n3A_1699, %add3A_1714 : vector<16xi32>
      %mul3A_1716 = arith.constant 64 : i32
      %mul3A_1717 = arith.muli %add3A_886, %mul3A_1716 : i32
      %add3A_1718 = arith.constant 16 : i32
      %add3A_1719 = arith.addi %mul3A_1717, %add3A_1718 : i32
      %swap3A_1720 = arith.index_cast %add3A_1719 : i32 to index
      %swap3A_1721 = tpu.vector_load %arg10[%swap3A_1720] {strides = array<i32>} : memref<16384xi32, #tpu.memory_space<vmem>>, vector<16xi32>,
      tpu.vector_store %arg10[%swap3A_1720], %add3A_1715 {strides = array<i32>} : memref<16384xi32, #tpu.memory_space<vmem>>, vector<16xi32>,
      %add3A_1722 = vector.broadcast %mul3A_20 : i32 to vector<16xi32>
      %add3A_1723 = arith.addi %select_n3A_1702, %add3A_1722 : vector<16xi32>
      %mul3A_1724 = arith.constant 64 : i32
      %mul3A_1725 = arith.muli %add3A_886, %mul3A_1724 : i32
      %add3A_1726 = arith.constant 32 : i32
      %add3A_1727 = arith.addi %mul3A_1725, %add3A_1726 : i32
      %swap3A_1728 = arith.index_cast %add3A_1727 : i32 to index
      %swap3A_1729 = tpu.vector_load %arg10[%swap3A_1728] {strides = array<i32>} : memref<16384xi32, #tpu.memory_space<vmem>>, vector<16xi32>,
      tpu.vector_store %arg10[%swap3A_1728], %add3A_1723 {strides = array<i32>} : memref<16384xi32, #tpu.memory_space<vmem>>, vector<16xi32>,
      %add3A_1730 = vector.broadcast %mul3A_20 : i32 to vector<16xi32>
      %add3A_1731 = arith.addi %select_n3A_1705, %add3A_1730 : vector<16xi32>
      %mul3A_1732 = arith.constant 64 : i32
      %mul3A_1733 = arith.muli %add3A_886, %mul3A_1732 : i32
      %add3A_1734 = arith.constant 48 : i32
      %add3A_1735 = arith.addi %mul3A_1733, %add3A_1734 : i32
      %swap3A_1736 = arith.index_cast %add3A_1735 : i32 to index
      %swap3A_1737 = tpu.vector_load %arg10[%swap3A_1736] {strides = array<i32>} : memref<16384xi32, #tpu.memory_space<vmem>>, vector<16xi32>,
      tpu.vector_store %arg10[%swap3A_1736], %add3A_1731 {strides = array<i32>} : memref<16384xi32, #tpu.memory_space<vmem>>, vector<16xi32>,
    }
    %scan3A_37 = arith.constant 128 : i32
    %mul3A_38 = arith.constant 64 : i32
    %mul3A_39 = arith.muli %mul3A_2, %mul3A_38 : i32
    "tpu.region"() ({
      %run_scoped3A = tpu.sem_alloc : memref<!tpu.dma_semaphore, #tpu.memory_space<semaphore_mem>>
      %dma_start3A_40 = tpu.memref_slice %arg4[%mul3A_39] : memref<524288xi32, #tpu.memory_space<hbm>> -> memref<16384xi32, #tpu.memory_space<hbm>>
      %dma_start3A_41 = tpu.memref_slice %arg4[%mul3A_39] : memref<524288xi32, #tpu.memory_space<hbm>> -> memref<16384xi32, #tpu.memory_space<hbm>>
      tpu.enqueue_dma source(%arg10 : memref<16384xi32, #tpu.memory_space<vmem>>) target(%dma_start3A_41 : memref<16384xi32, #tpu.memory_space<hbm>>) target_semaphore(%run_scoped3A : memref<!tpu.dma_semaphore, #tpu.memory_space<semaphore_mem>>)
      %dma_wait3A = tpu.memref_slice %arg4[%mul3A_39] : memref<524288xi32, #tpu.memory_space<hbm>> -> memref<16384xi32, #tpu.memory_space<hbm>>
      %dma_wait3A_42 = tpu.memref_slice %arg4[%mul3A_39] : memref<524288xi32, #tpu.memory_space<hbm>> -> memref<16384xi32, #tpu.memory_space<hbm>>
      tpu.wait_dma2 semaphore(%run_scoped3A : memref<!tpu.dma_semaphore, #tpu.memory_space<semaphore_mem>>) src(%arg10 : memref<16384xi32, #tpu.memory_space<vmem>>) dst(%dma_wait3A_42 : memref<16384xi32, #tpu.memory_space<hbm>>)
      tpu.yield
    }) : () -> ()
    return
  }
}

module attributes {stable_mosaic.version = 14 : i64} {
  func.func @_fps_body(%arg0: i32, %arg1: memref<4x3x8x1024xf32, #tpu.memory_space<vmem>>, %arg2: memref<4x8192x3xf32, #tpu.memory_space<vmem>>, %arg3: memref<4x8x256xi32, #tpu.memory_space<vmem>>) attributes {dimension_semantics = [#tpu.dimension_semantics<arbitrary>], iteration_bounds = array<i64: 1>, scalar_prefetch = 0 : i64, scratch_operands = 0 : i64, tpu.core_type = #tpu.core_type<tc>, window_params = [{transform_indices = @transform_0, window_bounds = array<i64: 4, 3, 8, 1024>}, {transform_indices = @transform_1, window_bounds = array<i64: 4, 8192, 3>}, {transform_indices = @transform_2, window_bounds = array<i64: 4, 8, 256>}]} {
    %iota3A = tpu.iota {dimensions = array<i32: 0>} : vector<8x1024xi32>
    %mul3A = arith.constant 1024 : i32
    %mul3A_0 = vector.broadcast %mul3A : i32 to vector<8x1024xi32>
    %mul3A_1 = arith.muli %iota3A, %mul3A_0 : vector<8x1024xi32>
    %iota3A_2 = tpu.iota {dimensions = array<i32: 1>} : vector<8x1024xi32>
    %add3A = arith.addi %mul3A_1, %iota3A_2 : vector<8x1024xi32>
    %iota3A_3 = tpu.iota {dimensions = array<i32: 0>} : vector<8x256xi32>
    %mul3A_4 = arith.constant 256 : i32
    %mul3A_5 = vector.broadcast %mul3A_4 : i32 to vector<8x256xi32>
    %mul3A_6 = arith.muli %iota3A_3, %mul3A_5 : vector<8x256xi32>
    %iota3A_7 = tpu.iota {dimensions = array<i32: 1>} : vector<8x256xi32>
    %add3A_8 = arith.addi %mul3A_6, %iota3A_7 : vector<8x256xi32>
    %broadcast_in_dim3A = arith.constant 1.000000e+10 : f32
    %broadcast_in_dim3A_9 = vector.broadcast %broadcast_in_dim3A : f32 to vector<8x1024xf32>
    %broadcast_in_dim3A_10 = arith.constant 0 : i32
    %broadcast_in_dim3A_11 = vector.broadcast %broadcast_in_dim3A_10 : i32 to vector<8x256xi32>
    %broadcast_in_dim3A_12 = arith.constant 0 : i32
    %broadcast_in_dim3A_13 = vector.broadcast %broadcast_in_dim3A_12 : i32 to vector<1x1xi32>
    %broadcast_in_dim3A_14 = arith.constant 1.000000e+10 : f32
    %broadcast_in_dim3A_15 = vector.broadcast %broadcast_in_dim3A_14 : f32 to vector<8x1024xf32>
    %broadcast_in_dim3A_16 = arith.constant 0 : i32
    %broadcast_in_dim3A_17 = vector.broadcast %broadcast_in_dim3A_16 : i32 to vector<8x256xi32>
    %broadcast_in_dim3A_18 = arith.constant 0 : i32
    %broadcast_in_dim3A_19 = vector.broadcast %broadcast_in_dim3A_18 : i32 to vector<1x1xi32>
    %broadcast_in_dim3A_20 = arith.constant 1.000000e+10 : f32
    %broadcast_in_dim3A_21 = vector.broadcast %broadcast_in_dim3A_20 : f32 to vector<8x1024xf32>
    %broadcast_in_dim3A_22 = arith.constant 0 : i32
    %broadcast_in_dim3A_23 = vector.broadcast %broadcast_in_dim3A_22 : i32 to vector<8x256xi32>
    %broadcast_in_dim3A_24 = arith.constant 0 : i32
    %broadcast_in_dim3A_25 = vector.broadcast %broadcast_in_dim3A_24 : i32 to vector<1x1xi32>
    %broadcast_in_dim3A_26 = arith.constant 1.000000e+10 : f32
    %broadcast_in_dim3A_27 = vector.broadcast %broadcast_in_dim3A_26 : f32 to vector<8x1024xf32>
    %broadcast_in_dim3A_28 = arith.constant 0 : i32
    %broadcast_in_dim3A_29 = vector.broadcast %broadcast_in_dim3A_28 : i32 to vector<8x256xi32>
    %broadcast_in_dim3A_30 = arith.constant 0 : i32
    %broadcast_in_dim3A_31 = vector.broadcast %broadcast_in_dim3A_30 : i32 to vector<1x1xi32>
    %scan3A = arith.constant 0 : i32
    %scan3A_32 = arith.constant 2048 : i32
    %scan3A_33 = arith.addi %scan3A, %scan3A_32 : i32
    %scan3A_34 = arith.constant 1 : i32
    %scan3A_35:12 = scf.for %scan3A_60 = %scan3A to %scan3A_33 step %scan3A_34 iter_args(%scan3A_61 = %broadcast_in_dim3A_9, %scan3A_62 = %broadcast_in_dim3A_11, %scan3A_63 = %broadcast_in_dim3A_13, %scan3A_64 = %broadcast_in_dim3A_15, %scan3A_65 = %broadcast_in_dim3A_17, %scan3A_66 = %broadcast_in_dim3A_19, %scan3A_67 = %broadcast_in_dim3A_21, %scan3A_68 = %broadcast_in_dim3A_23, %scan3A_69 = %broadcast_in_dim3A_25, %scan3A_70 = %broadcast_in_dim3A_27, %scan3A_71 = %broadcast_in_dim3A_29, %scan3A_72 = %broadcast_in_dim3A_31) -> (vector<8x1024xf32>, vector<8x256xi32>, vector<1x1xi32>, vector<8x1024xf32>, vector<8x256xi32>, vector<1x1xi32>, vector<8x1024xf32>, vector<8x256xi32>, vector<1x1xi32>, vector<8x1024xf32>, vector<8x256xi32>, vector<1x1xi32>)  : i32 {
      %get3A = arith.constant 0 : index
      %get3A_73 = arith.constant 0 : index
      %get3A_74 = arith.constant 0 : index
      %get3A_75 = arith.constant 0 : index
      %get3A_76 = vector.load %arg1[%get3A, %get3A_73, %get3A_74, %get3A_75] : memref<4x3x8x1024xf32, #tpu.memory_space<vmem>>, vector<1x1x8x1024xf32>
      %get3A_77 = vector.shape_cast %get3A_76 : vector<1x1x8x1024xf32> to vector<8x1024xf32>
      %get3A_78 = arith.constant 0 : index
      %get3A_79 = arith.constant 1 : index
      %get3A_80 = arith.constant 0 : index
      %get3A_81 = arith.constant 0 : index
      %get3A_82 = vector.load %arg1[%get3A_78, %get3A_79, %get3A_80, %get3A_81] : memref<4x3x8x1024xf32, #tpu.memory_space<vmem>>, vector<1x1x8x1024xf32>
      %get3A_83 = vector.shape_cast %get3A_82 : vector<1x1x8x1024xf32> to vector<8x1024xf32>
      %get3A_84 = arith.constant 0 : index
      %get3A_85 = arith.constant 2 : index
      %get3A_86 = arith.constant 0 : index
      %get3A_87 = arith.constant 0 : index
      %get3A_88 = vector.load %arg1[%get3A_84, %get3A_85, %get3A_86, %get3A_87] : memref<4x3x8x1024xf32, #tpu.memory_space<vmem>>, vector<1x1x8x1024xf32>
      %get3A_89 = vector.shape_cast %get3A_88 : vector<1x1x8x1024xf32> to vector<8x1024xf32>
      %eq3A = vector.broadcast %scan3A_60 : i32 to vector<8x256xi32>
      %eq3A_90 = arith.cmpi eq, %add3A_8, %eq3A : vector<8x256xi32>
      %broadcast_in_dim3A_91 = vector.shape_cast %scan3A_63 : vector<1x1xi32> to vector<1x1xi32>
      %broadcast_in_dim3A_92 = vector.broadcast %broadcast_in_dim3A_91 : vector<1x1xi32> to vector<8x256xi32>
      %select_n3A = arith.select %eq3A_90, %broadcast_in_dim3A_92, %scan3A_62 : vector<8x256xi1>, vector<8x256xi32>
      %eq3A_93 = vector.broadcast %scan3A_63 : vector<1x1xi32> to vector<8x1024xi32>
      %eq3A_94 = arith.cmpi eq, %add3A, %eq3A_93 : vector<8x1024xi32>
      %convert_element_type3A = arith.extui %eq3A_94 : vector<8x1024xi1> to vector<8x1024xi32>
      %convert_element_type3A_95 = arith.sitofp %convert_element_type3A : vector<8x1024xi32> to vector<8x1024xf32>
      %mul3A_96 = arith.mulf %get3A_77, %convert_element_type3A_95 : vector<8x1024xf32>
      %reduce_sum3A = vector.shape_cast %mul3A_96 : vector<8x1024xf32> to vector<1x8x1024xf32>
      %reduce_sum3A_97 = arith.constant dense<0.000000e+00> : vector<1xf32>
      %reduce_sum3A_98 = vector.multi_reduction <add>, %reduce_sum3A, %reduce_sum3A_97 [1, 2] : vector<1x8x1024xf32> to vector<1xf32>
      %reduce_sum3A_99 = vector.shape_cast %reduce_sum3A_98 : vector<1xf32> to vector<1x1x1xf32>
      %reduce_sum3A_100 = vector.extract %reduce_sum3A_99[0, 0, 0] : f32 from vector<1x1x1xf32>
      %broadcast_in_dim3A_101 = vector.broadcast %reduce_sum3A_100 : f32 to vector<1x1xf32>
      %mul3A_102 = arith.mulf %get3A_83, %convert_element_type3A_95 : vector<8x1024xf32>
      %reduce_sum3A_103 = vector.shape_cast %mul3A_102 : vector<8x1024xf32> to vector<1x8x1024xf32>
      %reduce_sum3A_104 = arith.constant dense<0.000000e+00> : vector<1xf32>
      %reduce_sum3A_105 = vector.multi_reduction <add>, %reduce_sum3A_103, %reduce_sum3A_104 [1, 2] : vector<1x8x1024xf32> to vector<1xf32>
      %reduce_sum3A_106 = vector.shape_cast %reduce_sum3A_105 : vector<1xf32> to vector<1x1x1xf32>
      %reduce_sum3A_107 = vector.extract %reduce_sum3A_106[0, 0, 0] : f32 from vector<1x1x1xf32>
      %broadcast_in_dim3A_108 = vector.broadcast %reduce_sum3A_107 : f32 to vector<1x1xf32>
      %mul3A_109 = arith.mulf %get3A_89, %convert_element_type3A_95 : vector<8x1024xf32>
      %reduce_sum3A_110 = vector.shape_cast %mul3A_109 : vector<8x1024xf32> to vector<1x8x1024xf32>
      %reduce_sum3A_111 = arith.constant dense<0.000000e+00> : vector<1xf32>
      %reduce_sum3A_112 = vector.multi_reduction <add>, %reduce_sum3A_110, %reduce_sum3A_111 [1, 2] : vector<1x8x1024xf32> to vector<1xf32>
      %reduce_sum3A_113 = vector.shape_cast %reduce_sum3A_112 : vector<1xf32> to vector<1x1x1xf32>
      %reduce_sum3A_114 = vector.extract %reduce_sum3A_113[0, 0, 0] : f32 from vector<1x1x1xf32>
      %broadcast_in_dim3A_115 = vector.broadcast %reduce_sum3A_114 : f32 to vector<1x1xf32>
      %sub3A = vector.broadcast %broadcast_in_dim3A_101 : vector<1x1xf32> to vector<8x1024xf32>
      %sub3A_116 = arith.subf %get3A_77, %sub3A : vector<8x1024xf32>
      %sub3A_117 = vector.broadcast %broadcast_in_dim3A_108 : vector<1x1xf32> to vector<8x1024xf32>
      %sub3A_118 = arith.subf %get3A_83, %sub3A_117 : vector<8x1024xf32>
      %sub3A_119 = vector.broadcast %broadcast_in_dim3A_115 : vector<1x1xf32> to vector<8x1024xf32>
      %sub3A_120 = arith.subf %get3A_89, %sub3A_119 : vector<8x1024xf32>
      %mul3A_121 = arith.mulf %sub3A_116, %sub3A_116 : vector<8x1024xf32>
      %mul3A_122 = arith.mulf %sub3A_118, %sub3A_118 : vector<8x1024xf32>
      %add3A_123 = arith.addf %mul3A_121, %mul3A_122 : vector<8x1024xf32>
      %mul3A_124 = arith.mulf %sub3A_120, %sub3A_120 : vector<8x1024xf32>
      %add3A_125 = arith.addf %add3A_123, %mul3A_124 : vector<8x1024xf32>
      %min3A = arith.minimumf %scan3A_61, %add3A_125 : vector<8x1024xf32>
      %reduce_max3A = vector.shape_cast %min3A : vector<8x1024xf32> to vector<1x8x1024xf32>
      %reduce_max3A_126 = arith.constant dense<0xFF800000> : vector<1xf32>
      %reduce_max3A_127 = vector.multi_reduction <maximumf>, %reduce_max3A, %reduce_max3A_126 [1, 2] : vector<1x8x1024xf32> to vector<1xf32>
      %reduce_max3A_128 = vector.shape_cast %reduce_max3A_127 : vector<1xf32> to vector<1x1x1xf32>
      %reduce_max3A_129 = vector.extract %reduce_max3A_128[0, 0, 0] : f32 from vector<1x1x1xf32>
      %broadcast_in_dim3A_130 = vector.broadcast %reduce_max3A_129 : f32 to vector<1x1xf32>
      %eq3A_131 = vector.broadcast %broadcast_in_dim3A_130 : vector<1x1xf32> to vector<8x1024xf32>
      %eq3A_132 = arith.cmpf oeq, %min3A, %eq3A_131 : vector<8x1024xf32>
      %jit3A = arith.constant 1073741824 : i32
      %broadcast_in_dim3A_133 = vector.broadcast %jit3A : i32 to vector<8x1024xi32>
      %select_n3A_134 = arith.select %eq3A_132, %add3A, %broadcast_in_dim3A_133 : vector<8x1024xi1>, vector<8x1024xi32>
      %reduce_min3A = vector.shape_cast %select_n3A_134 : vector<8x1024xi32> to vector<1x8x1024xi32>
      %reduce_min3A_135 = arith.constant dense<2147483647> : vector<1xi32>
      %reduce_min3A_136 = vector.multi_reduction <minsi>, %reduce_min3A, %reduce_min3A_135 [1, 2] : vector<1x8x1024xi32> to vector<1xi32>
      %reduce_min3A_137 = vector.shape_cast %reduce_min3A_136 : vector<1xi32> to vector<1x1x1xi32>
      %reduce_min3A_138 = vector.extract %reduce_min3A_137[0, 0, 0] : i32 from vector<1x1x1xi32>
      %broadcast_in_dim3A_139 = vector.broadcast %reduce_min3A_138 : i32 to vector<1x1xi32>
      %get3A_140 = arith.constant 1 : index
      %get3A_141 = arith.constant 0 : index
      %get3A_142 = arith.constant 0 : index
      %get3A_143 = arith.constant 0 : index
      %get3A_144 = vector.load %arg1[%get3A_140, %get3A_141, %get3A_142, %get3A_143] : memref<4x3x8x1024xf32, #tpu.memory_space<vmem>>, vector<1x1x8x1024xf32>
      %get3A_145 = vector.shape_cast %get3A_144 : vector<1x1x8x1024xf32> to vector<8x1024xf32>
      %get3A_146 = arith.constant 1 : index
      %get3A_147 = arith.constant 1 : index
      %get3A_148 = arith.constant 0 : index
      %get3A_149 = arith.constant 0 : index
      %get3A_150 = vector.load %arg1[%get3A_146, %get3A_147, %get3A_148, %get3A_149] : memref<4x3x8x1024xf32, #tpu.memory_space<vmem>>, vector<1x1x8x1024xf32>
      %get3A_151 = vector.shape_cast %get3A_150 : vector<1x1x8x1024xf32> to vector<8x1024xf32>
      %get3A_152 = arith.constant 1 : index
      %get3A_153 = arith.constant 2 : index
      %get3A_154 = arith.constant 0 : index
      %get3A_155 = arith.constant 0 : index
      %get3A_156 = vector.load %arg1[%get3A_152, %get3A_153, %get3A_154, %get3A_155] : memref<4x3x8x1024xf32, #tpu.memory_space<vmem>>, vector<1x1x8x1024xf32>
      %get3A_157 = vector.shape_cast %get3A_156 : vector<1x1x8x1024xf32> to vector<8x1024xf32>
      %eq3A_158 = vector.broadcast %scan3A_60 : i32 to vector<8x256xi32>
      %eq3A_159 = arith.cmpi eq, %add3A_8, %eq3A_158 : vector<8x256xi32>
      %broadcast_in_dim3A_160 = vector.shape_cast %scan3A_66 : vector<1x1xi32> to vector<1x1xi32>
      %broadcast_in_dim3A_161 = vector.broadcast %broadcast_in_dim3A_160 : vector<1x1xi32> to vector<8x256xi32>
      %select_n3A_162 = arith.select %eq3A_159, %broadcast_in_dim3A_161, %scan3A_65 : vector<8x256xi1>, vector<8x256xi32>
      %eq3A_163 = vector.broadcast %scan3A_66 : vector<1x1xi32> to vector<8x1024xi32>
      %eq3A_164 = arith.cmpi eq, %add3A, %eq3A_163 : vector<8x1024xi32>
      %convert_element_type3A_165 = arith.extui %eq3A_164 : vector<8x1024xi1> to vector<8x1024xi32>
      %convert_element_type3A_166 = arith.sitofp %convert_element_type3A_165 : vector<8x1024xi32> to vector<8x1024xf32>
      %mul3A_167 = arith.mulf %get3A_145, %convert_element_type3A_166 : vector<8x1024xf32>
      %reduce_sum3A_168 = vector.shape_cast %mul3A_167 : vector<8x1024xf32> to vector<1x8x1024xf32>
      %reduce_sum3A_169 = arith.constant dense<0.000000e+00> : vector<1xf32>
      %reduce_sum3A_170 = vector.multi_reduction <add>, %reduce_sum3A_168, %reduce_sum3A_169 [1, 2] : vector<1x8x1024xf32> to vector<1xf32>
      %reduce_sum3A_171 = vector.shape_cast %reduce_sum3A_170 : vector<1xf32> to vector<1x1x1xf32>
      %reduce_sum3A_172 = vector.extract %reduce_sum3A_171[0, 0, 0] : f32 from vector<1x1x1xf32>
      %broadcast_in_dim3A_173 = vector.broadcast %reduce_sum3A_172 : f32 to vector<1x1xf32>
      %mul3A_174 = arith.mulf %get3A_151, %convert_element_type3A_166 : vector<8x1024xf32>
      %reduce_sum3A_175 = vector.shape_cast %mul3A_174 : vector<8x1024xf32> to vector<1x8x1024xf32>
      %reduce_sum3A_176 = arith.constant dense<0.000000e+00> : vector<1xf32>
      %reduce_sum3A_177 = vector.multi_reduction <add>, %reduce_sum3A_175, %reduce_sum3A_176 [1, 2] : vector<1x8x1024xf32> to vector<1xf32>
      %reduce_sum3A_178 = vector.shape_cast %reduce_sum3A_177 : vector<1xf32> to vector<1x1x1xf32>
      %reduce_sum3A_179 = vector.extract %reduce_sum3A_178[0, 0, 0] : f32 from vector<1x1x1xf32>
      %broadcast_in_dim3A_180 = vector.broadcast %reduce_sum3A_179 : f32 to vector<1x1xf32>
      %mul3A_181 = arith.mulf %get3A_157, %convert_element_type3A_166 : vector<8x1024xf32>
      %reduce_sum3A_182 = vector.shape_cast %mul3A_181 : vector<8x1024xf32> to vector<1x8x1024xf32>
      %reduce_sum3A_183 = arith.constant dense<0.000000e+00> : vector<1xf32>
      %reduce_sum3A_184 = vector.multi_reduction <add>, %reduce_sum3A_182, %reduce_sum3A_183 [1, 2] : vector<1x8x1024xf32> to vector<1xf32>
      %reduce_sum3A_185 = vector.shape_cast %reduce_sum3A_184 : vector<1xf32> to vector<1x1x1xf32>
      %reduce_sum3A_186 = vector.extract %reduce_sum3A_185[0, 0, 0] : f32 from vector<1x1x1xf32>
      %broadcast_in_dim3A_187 = vector.broadcast %reduce_sum3A_186 : f32 to vector<1x1xf32>
      %sub3A_188 = vector.broadcast %broadcast_in_dim3A_173 : vector<1x1xf32> to vector<8x1024xf32>
      %sub3A_189 = arith.subf %get3A_145, %sub3A_188 : vector<8x1024xf32>
      %sub3A_190 = vector.broadcast %broadcast_in_dim3A_180 : vector<1x1xf32> to vector<8x1024xf32>
      %sub3A_191 = arith.subf %get3A_151, %sub3A_190 : vector<8x1024xf32>
      %sub3A_192 = vector.broadcast %broadcast_in_dim3A_187 : vector<1x1xf32> to vector<8x1024xf32>
      %sub3A_193 = arith.subf %get3A_157, %sub3A_192 : vector<8x1024xf32>
      %mul3A_194 = arith.mulf %sub3A_189, %sub3A_189 : vector<8x1024xf32>
      %mul3A_195 = arith.mulf %sub3A_191, %sub3A_191 : vector<8x1024xf32>
      %add3A_196 = arith.addf %mul3A_194, %mul3A_195 : vector<8x1024xf32>
      %mul3A_197 = arith.mulf %sub3A_193, %sub3A_193 : vector<8x1024xf32>
      %add3A_198 = arith.addf %add3A_196, %mul3A_197 : vector<8x1024xf32>
      %min3A_199 = arith.minimumf %scan3A_64, %add3A_198 : vector<8x1024xf32>
      %reduce_max3A_200 = vector.shape_cast %min3A_199 : vector<8x1024xf32> to vector<1x8x1024xf32>
      %reduce_max3A_201 = arith.constant dense<0xFF800000> : vector<1xf32>
      %reduce_max3A_202 = vector.multi_reduction <maximumf>, %reduce_max3A_200, %reduce_max3A_201 [1, 2] : vector<1x8x1024xf32> to vector<1xf32>
      %reduce_max3A_203 = vector.shape_cast %reduce_max3A_202 : vector<1xf32> to vector<1x1x1xf32>
      %reduce_max3A_204 = vector.extract %reduce_max3A_203[0, 0, 0] : f32 from vector<1x1x1xf32>
      %broadcast_in_dim3A_205 = vector.broadcast %reduce_max3A_204 : f32 to vector<1x1xf32>
      %eq3A_206 = vector.broadcast %broadcast_in_dim3A_205 : vector<1x1xf32> to vector<8x1024xf32>
      %eq3A_207 = arith.cmpf oeq, %min3A_199, %eq3A_206 : vector<8x1024xf32>
      %jit3A_208 = arith.constant 1073741824 : i32
      %broadcast_in_dim3A_209 = vector.broadcast %jit3A_208 : i32 to vector<8x1024xi32>
      %select_n3A_210 = arith.select %eq3A_207, %add3A, %broadcast_in_dim3A_209 : vector<8x1024xi1>, vector<8x1024xi32>
      %reduce_min3A_211 = vector.shape_cast %select_n3A_210 : vector<8x1024xi32> to vector<1x8x1024xi32>
      %reduce_min3A_212 = arith.constant dense<2147483647> : vector<1xi32>
      %reduce_min3A_213 = vector.multi_reduction <minsi>, %reduce_min3A_211, %reduce_min3A_212 [1, 2] : vector<1x8x1024xi32> to vector<1xi32>
      %reduce_min3A_214 = vector.shape_cast %reduce_min3A_213 : vector<1xi32> to vector<1x1x1xi32>
      %reduce_min3A_215 = vector.extract %reduce_min3A_214[0, 0, 0] : i32 from vector<1x1x1xi32>
      %broadcast_in_dim3A_216 = vector.broadcast %reduce_min3A_215 : i32 to vector<1x1xi32>
      %get3A_217 = arith.constant 2 : index
      %get3A_218 = arith.constant 0 : index
      %get3A_219 = arith.constant 0 : index
      %get3A_220 = arith.constant 0 : index
      %get3A_221 = vector.load %arg1[%get3A_217, %get3A_218, %get3A_219, %get3A_220] : memref<4x3x8x1024xf32, #tpu.memory_space<vmem>>, vector<1x1x8x1024xf32>
      %get3A_222 = vector.shape_cast %get3A_221 : vector<1x1x8x1024xf32> to vector<8x1024xf32>
      %get3A_223 = arith.constant 2 : index
      %get3A_224 = arith.constant 1 : index
      %get3A_225 = arith.constant 0 : index
      %get3A_226 = arith.constant 0 : index
      %get3A_227 = vector.load %arg1[%get3A_223, %get3A_224, %get3A_225, %get3A_226] : memref<4x3x8x1024xf32, #tpu.memory_space<vmem>>, vector<1x1x8x1024xf32>
      %get3A_228 = vector.shape_cast %get3A_227 : vector<1x1x8x1024xf32> to vector<8x1024xf32>
      %get3A_229 = arith.constant 2 : index
      %get3A_230 = arith.constant 2 : index
      %get3A_231 = arith.constant 0 : index
      %get3A_232 = arith.constant 0 : index
      %get3A_233 = vector.load %arg1[%get3A_229, %get3A_230, %get3A_231, %get3A_232] : memref<4x3x8x1024xf32, #tpu.memory_space<vmem>>, vector<1x1x8x1024xf32>
      %get3A_234 = vector.shape_cast %get3A_233 : vector<1x1x8x1024xf32> to vector<8x1024xf32>
      %eq3A_235 = vector.broadcast %scan3A_60 : i32 to vector<8x256xi32>
      %eq3A_236 = arith.cmpi eq, %add3A_8, %eq3A_235 : vector<8x256xi32>
      %broadcast_in_dim3A_237 = vector.shape_cast %scan3A_69 : vector<1x1xi32> to vector<1x1xi32>
      %broadcast_in_dim3A_238 = vector.broadcast %broadcast_in_dim3A_237 : vector<1x1xi32> to vector<8x256xi32>
      %select_n3A_239 = arith.select %eq3A_236, %broadcast_in_dim3A_238, %scan3A_68 : vector<8x256xi1>, vector<8x256xi32>
      %eq3A_240 = vector.broadcast %scan3A_69 : vector<1x1xi32> to vector<8x1024xi32>
      %eq3A_241 = arith.cmpi eq, %add3A, %eq3A_240 : vector<8x1024xi32>
      %convert_element_type3A_242 = arith.extui %eq3A_241 : vector<8x1024xi1> to vector<8x1024xi32>
      %convert_element_type3A_243 = arith.sitofp %convert_element_type3A_242 : vector<8x1024xi32> to vector<8x1024xf32>
      %mul3A_244 = arith.mulf %get3A_222, %convert_element_type3A_243 : vector<8x1024xf32>
      %reduce_sum3A_245 = vector.shape_cast %mul3A_244 : vector<8x1024xf32> to vector<1x8x1024xf32>
      %reduce_sum3A_246 = arith.constant dense<0.000000e+00> : vector<1xf32>
      %reduce_sum3A_247 = vector.multi_reduction <add>, %reduce_sum3A_245, %reduce_sum3A_246 [1, 2] : vector<1x8x1024xf32> to vector<1xf32>
      %reduce_sum3A_248 = vector.shape_cast %reduce_sum3A_247 : vector<1xf32> to vector<1x1x1xf32>
      %reduce_sum3A_249 = vector.extract %reduce_sum3A_248[0, 0, 0] : f32 from vector<1x1x1xf32>
      %broadcast_in_dim3A_250 = vector.broadcast %reduce_sum3A_249 : f32 to vector<1x1xf32>
      %mul3A_251 = arith.mulf %get3A_228, %convert_element_type3A_243 : vector<8x1024xf32>
      %reduce_sum3A_252 = vector.shape_cast %mul3A_251 : vector<8x1024xf32> to vector<1x8x1024xf32>
      %reduce_sum3A_253 = arith.constant dense<0.000000e+00> : vector<1xf32>
      %reduce_sum3A_254 = vector.multi_reduction <add>, %reduce_sum3A_252, %reduce_sum3A_253 [1, 2] : vector<1x8x1024xf32> to vector<1xf32>
      %reduce_sum3A_255 = vector.shape_cast %reduce_sum3A_254 : vector<1xf32> to vector<1x1x1xf32>
      %reduce_sum3A_256 = vector.extract %reduce_sum3A_255[0, 0, 0] : f32 from vector<1x1x1xf32>
      %broadcast_in_dim3A_257 = vector.broadcast %reduce_sum3A_256 : f32 to vector<1x1xf32>
      %mul3A_258 = arith.mulf %get3A_234, %convert_element_type3A_243 : vector<8x1024xf32>
      %reduce_sum3A_259 = vector.shape_cast %mul3A_258 : vector<8x1024xf32> to vector<1x8x1024xf32>
      %reduce_sum3A_260 = arith.constant dense<0.000000e+00> : vector<1xf32>
      %reduce_sum3A_261 = vector.multi_reduction <add>, %reduce_sum3A_259, %reduce_sum3A_260 [1, 2] : vector<1x8x1024xf32> to vector<1xf32>
      %reduce_sum3A_262 = vector.shape_cast %reduce_sum3A_261 : vector<1xf32> to vector<1x1x1xf32>
      %reduce_sum3A_263 = vector.extract %reduce_sum3A_262[0, 0, 0] : f32 from vector<1x1x1xf32>
      %broadcast_in_dim3A_264 = vector.broadcast %reduce_sum3A_263 : f32 to vector<1x1xf32>
      %sub3A_265 = vector.broadcast %broadcast_in_dim3A_250 : vector<1x1xf32> to vector<8x1024xf32>
      %sub3A_266 = arith.subf %get3A_222, %sub3A_265 : vector<8x1024xf32>
      %sub3A_267 = vector.broadcast %broadcast_in_dim3A_257 : vector<1x1xf32> to vector<8x1024xf32>
      %sub3A_268 = arith.subf %get3A_228, %sub3A_267 : vector<8x1024xf32>
      %sub3A_269 = vector.broadcast %broadcast_in_dim3A_264 : vector<1x1xf32> to vector<8x1024xf32>
      %sub3A_270 = arith.subf %get3A_234, %sub3A_269 : vector<8x1024xf32>
      %mul3A_271 = arith.mulf %sub3A_266, %sub3A_266 : vector<8x1024xf32>
      %mul3A_272 = arith.mulf %sub3A_268, %sub3A_268 : vector<8x1024xf32>
      %add3A_273 = arith.addf %mul3A_271, %mul3A_272 : vector<8x1024xf32>
      %mul3A_274 = arith.mulf %sub3A_270, %sub3A_270 : vector<8x1024xf32>
      %add3A_275 = arith.addf %add3A_273, %mul3A_274 : vector<8x1024xf32>
      %min3A_276 = arith.minimumf %scan3A_67, %add3A_275 : vector<8x1024xf32>
      %reduce_max3A_277 = vector.shape_cast %min3A_276 : vector<8x1024xf32> to vector<1x8x1024xf32>
      %reduce_max3A_278 = arith.constant dense<0xFF800000> : vector<1xf32>
      %reduce_max3A_279 = vector.multi_reduction <maximumf>, %reduce_max3A_277, %reduce_max3A_278 [1, 2] : vector<1x8x1024xf32> to vector<1xf32>
      %reduce_max3A_280 = vector.shape_cast %reduce_max3A_279 : vector<1xf32> to vector<1x1x1xf32>
      %reduce_max3A_281 = vector.extract %reduce_max3A_280[0, 0, 0] : f32 from vector<1x1x1xf32>
      %broadcast_in_dim3A_282 = vector.broadcast %reduce_max3A_281 : f32 to vector<1x1xf32>
      %eq3A_283 = vector.broadcast %broadcast_in_dim3A_282 : vector<1x1xf32> to vector<8x1024xf32>
      %eq3A_284 = arith.cmpf oeq, %min3A_276, %eq3A_283 : vector<8x1024xf32>
      %jit3A_285 = arith.constant 1073741824 : i32
      %broadcast_in_dim3A_286 = vector.broadcast %jit3A_285 : i32 to vector<8x1024xi32>
      %select_n3A_287 = arith.select %eq3A_284, %add3A, %broadcast_in_dim3A_286 : vector<8x1024xi1>, vector<8x1024xi32>
      %reduce_min3A_288 = vector.shape_cast %select_n3A_287 : vector<8x1024xi32> to vector<1x8x1024xi32>
      %reduce_min3A_289 = arith.constant dense<2147483647> : vector<1xi32>
      %reduce_min3A_290 = vector.multi_reduction <minsi>, %reduce_min3A_288, %reduce_min3A_289 [1, 2] : vector<1x8x1024xi32> to vector<1xi32>
      %reduce_min3A_291 = vector.shape_cast %reduce_min3A_290 : vector<1xi32> to vector<1x1x1xi32>
      %reduce_min3A_292 = vector.extract %reduce_min3A_291[0, 0, 0] : i32 from vector<1x1x1xi32>
      %broadcast_in_dim3A_293 = vector.broadcast %reduce_min3A_292 : i32 to vector<1x1xi32>
      %get3A_294 = arith.constant 3 : index
      %get3A_295 = arith.constant 0 : index
      %get3A_296 = arith.constant 0 : index
      %get3A_297 = arith.constant 0 : index
      %get3A_298 = vector.load %arg1[%get3A_294, %get3A_295, %get3A_296, %get3A_297] : memref<4x3x8x1024xf32, #tpu.memory_space<vmem>>, vector<1x1x8x1024xf32>
      %get3A_299 = vector.shape_cast %get3A_298 : vector<1x1x8x1024xf32> to vector<8x1024xf32>
      %get3A_300 = arith.constant 3 : index
      %get3A_301 = arith.constant 1 : index
      %get3A_302 = arith.constant 0 : index
      %get3A_303 = arith.constant 0 : index
      %get3A_304 = vector.load %arg1[%get3A_300, %get3A_301, %get3A_302, %get3A_303] : memref<4x3x8x1024xf32, #tpu.memory_space<vmem>>, vector<1x1x8x1024xf32>
      %get3A_305 = vector.shape_cast %get3A_304 : vector<1x1x8x1024xf32> to vector<8x1024xf32>
      %get3A_306 = arith.constant 3 : index
      %get3A_307 = arith.constant 2 : index
      %get3A_308 = arith.constant 0 : index
      %get3A_309 = arith.constant 0 : index
      %get3A_310 = vector.load %arg1[%get3A_306, %get3A_307, %get3A_308, %get3A_309] : memref<4x3x8x1024xf32, #tpu.memory_space<vmem>>, vector<1x1x8x1024xf32>
      %get3A_311 = vector.shape_cast %get3A_310 : vector<1x1x8x1024xf32> to vector<8x1024xf32>
      %eq3A_312 = vector.broadcast %scan3A_60 : i32 to vector<8x256xi32>
      %eq3A_313 = arith.cmpi eq, %add3A_8, %eq3A_312 : vector<8x256xi32>
      %broadcast_in_dim3A_314 = vector.shape_cast %scan3A_72 : vector<1x1xi32> to vector<1x1xi32>
      %broadcast_in_dim3A_315 = vector.broadcast %broadcast_in_dim3A_314 : vector<1x1xi32> to vector<8x256xi32>
      %select_n3A_316 = arith.select %eq3A_313, %broadcast_in_dim3A_315, %scan3A_71 : vector<8x256xi1>, vector<8x256xi32>
      %eq3A_317 = vector.broadcast %scan3A_72 : vector<1x1xi32> to vector<8x1024xi32>
      %eq3A_318 = arith.cmpi eq, %add3A, %eq3A_317 : vector<8x1024xi32>
      %convert_element_type3A_319 = arith.extui %eq3A_318 : vector<8x1024xi1> to vector<8x1024xi32>
      %convert_element_type3A_320 = arith.sitofp %convert_element_type3A_319 : vector<8x1024xi32> to vector<8x1024xf32>
      %mul3A_321 = arith.mulf %get3A_299, %convert_element_type3A_320 : vector<8x1024xf32>
      %reduce_sum3A_322 = vector.shape_cast %mul3A_321 : vector<8x1024xf32> to vector<1x8x1024xf32>
      %reduce_sum3A_323 = arith.constant dense<0.000000e+00> : vector<1xf32>
      %reduce_sum3A_324 = vector.multi_reduction <add>, %reduce_sum3A_322, %reduce_sum3A_323 [1, 2] : vector<1x8x1024xf32> to vector<1xf32>
      %reduce_sum3A_325 = vector.shape_cast %reduce_sum3A_324 : vector<1xf32> to vector<1x1x1xf32>
      %reduce_sum3A_326 = vector.extract %reduce_sum3A_325[0, 0, 0] : f32 from vector<1x1x1xf32>
      %broadcast_in_dim3A_327 = vector.broadcast %reduce_sum3A_326 : f32 to vector<1x1xf32>
      %mul3A_328 = arith.mulf %get3A_305, %convert_element_type3A_320 : vector<8x1024xf32>
      %reduce_sum3A_329 = vector.shape_cast %mul3A_328 : vector<8x1024xf32> to vector<1x8x1024xf32>
      %reduce_sum3A_330 = arith.constant dense<0.000000e+00> : vector<1xf32>
      %reduce_sum3A_331 = vector.multi_reduction <add>, %reduce_sum3A_329, %reduce_sum3A_330 [1, 2] : vector<1x8x1024xf32> to vector<1xf32>
      %reduce_sum3A_332 = vector.shape_cast %reduce_sum3A_331 : vector<1xf32> to vector<1x1x1xf32>
      %reduce_sum3A_333 = vector.extract %reduce_sum3A_332[0, 0, 0] : f32 from vector<1x1x1xf32>
      %broadcast_in_dim3A_334 = vector.broadcast %reduce_sum3A_333 : f32 to vector<1x1xf32>
      %mul3A_335 = arith.mulf %get3A_311, %convert_element_type3A_320 : vector<8x1024xf32>
      %reduce_sum3A_336 = vector.shape_cast %mul3A_335 : vector<8x1024xf32> to vector<1x8x1024xf32>
      %reduce_sum3A_337 = arith.constant dense<0.000000e+00> : vector<1xf32>
      %reduce_sum3A_338 = vector.multi_reduction <add>, %reduce_sum3A_336, %reduce_sum3A_337 [1, 2] : vector<1x8x1024xf32> to vector<1xf32>
      %reduce_sum3A_339 = vector.shape_cast %reduce_sum3A_338 : vector<1xf32> to vector<1x1x1xf32>
      %reduce_sum3A_340 = vector.extract %reduce_sum3A_339[0, 0, 0] : f32 from vector<1x1x1xf32>
      %broadcast_in_dim3A_341 = vector.broadcast %reduce_sum3A_340 : f32 to vector<1x1xf32>
      %sub3A_342 = vector.broadcast %broadcast_in_dim3A_327 : vector<1x1xf32> to vector<8x1024xf32>
      %sub3A_343 = arith.subf %get3A_299, %sub3A_342 : vector<8x1024xf32>
      %sub3A_344 = vector.broadcast %broadcast_in_dim3A_334 : vector<1x1xf32> to vector<8x1024xf32>
      %sub3A_345 = arith.subf %get3A_305, %sub3A_344 : vector<8x1024xf32>
      %sub3A_346 = vector.broadcast %broadcast_in_dim3A_341 : vector<1x1xf32> to vector<8x1024xf32>
      %sub3A_347 = arith.subf %get3A_311, %sub3A_346 : vector<8x1024xf32>
      %mul3A_348 = arith.mulf %sub3A_343, %sub3A_343 : vector<8x1024xf32>
      %mul3A_349 = arith.mulf %sub3A_345, %sub3A_345 : vector<8x1024xf32>
      %add3A_350 = arith.addf %mul3A_348, %mul3A_349 : vector<8x1024xf32>
      %mul3A_351 = arith.mulf %sub3A_347, %sub3A_347 : vector<8x1024xf32>
      %add3A_352 = arith.addf %add3A_350, %mul3A_351 : vector<8x1024xf32>
      %min3A_353 = arith.minimumf %scan3A_70, %add3A_352 : vector<8x1024xf32>
      %reduce_max3A_354 = vector.shape_cast %min3A_353 : vector<8x1024xf32> to vector<1x8x1024xf32>
      %reduce_max3A_355 = arith.constant dense<0xFF800000> : vector<1xf32>
      %reduce_max3A_356 = vector.multi_reduction <maximumf>, %reduce_max3A_354, %reduce_max3A_355 [1, 2] : vector<1x8x1024xf32> to vector<1xf32>
      %reduce_max3A_357 = vector.shape_cast %reduce_max3A_356 : vector<1xf32> to vector<1x1x1xf32>
      %reduce_max3A_358 = vector.extract %reduce_max3A_357[0, 0, 0] : f32 from vector<1x1x1xf32>
      %broadcast_in_dim3A_359 = vector.broadcast %reduce_max3A_358 : f32 to vector<1x1xf32>
      %eq3A_360 = vector.broadcast %broadcast_in_dim3A_359 : vector<1x1xf32> to vector<8x1024xf32>
      %eq3A_361 = arith.cmpf oeq, %min3A_353, %eq3A_360 : vector<8x1024xf32>
      %jit3A_362 = arith.constant 1073741824 : i32
      %broadcast_in_dim3A_363 = vector.broadcast %jit3A_362 : i32 to vector<8x1024xi32>
      %select_n3A_364 = arith.select %eq3A_361, %add3A, %broadcast_in_dim3A_363 : vector<8x1024xi1>, vector<8x1024xi32>
      %reduce_min3A_365 = vector.shape_cast %select_n3A_364 : vector<8x1024xi32> to vector<1x8x1024xi32>
      %reduce_min3A_366 = arith.constant dense<2147483647> : vector<1xi32>
      %reduce_min3A_367 = vector.multi_reduction <minsi>, %reduce_min3A_365, %reduce_min3A_366 [1, 2] : vector<1x8x1024xi32> to vector<1xi32>
      %reduce_min3A_368 = vector.shape_cast %reduce_min3A_367 : vector<1xi32> to vector<1x1x1xi32>
      %reduce_min3A_369 = vector.extract %reduce_min3A_368[0, 0, 0] : i32 from vector<1x1x1xi32>
      %broadcast_in_dim3A_370 = vector.broadcast %reduce_min3A_369 : i32 to vector<1x1xi32>
      scf.yield %min3A, %select_n3A, %broadcast_in_dim3A_139, %min3A_199, %select_n3A_162, %broadcast_in_dim3A_216, %min3A_276, %select_n3A_239, %broadcast_in_dim3A_293, %min3A_353, %select_n3A_316, %broadcast_in_dim3A_370 : vector<8x1024xf32>, vector<8x256xi32>, vector<1x1xi32>, vector<8x1024xf32>, vector<8x256xi32>, vector<1x1xi32>, vector<8x1024xf32>, vector<8x256xi32>, vector<1x1xi32>, vector<8x1024xf32>, vector<8x256xi32>, vector<1x1xi32>
    }
    %scan3A_36 = arith.constant 2048 : i32
    %swap3A = arith.constant 0 : index
    %swap3A_37 = arith.constant 0 : index
    %swap3A_38 = arith.constant 0 : index
    %swap3A_39 = vector.load %arg3[%swap3A, %swap3A_37, %swap3A_38] : memref<4x8x256xi32, #tpu.memory_space<vmem>>, vector<1x8x256xi32>
    %swap3A_40 = vector.shape_cast %swap3A_39 : vector<1x8x256xi32> to vector<8x256xi32>
    %swap3A_41 = vector.shape_cast %scan3A_35#1 : vector<8x256xi32> to vector<1x8x256xi32>
    tpu.vector_store %arg3[%swap3A, %swap3A_37, %swap3A_38], %swap3A_41 {strides = array<i32>} : memref<4x8x256xi32, #tpu.memory_space<vmem>>, vector<1x8x256xi32>,
    %swap3A_42 = arith.constant 1 : index
    %swap3A_43 = arith.constant 0 : index
    %swap3A_44 = arith.constant 0 : index
    %swap3A_45 = vector.load %arg3[%swap3A_42, %swap3A_43, %swap3A_44] : memref<4x8x256xi32, #tpu.memory_space<vmem>>, vector<1x8x256xi32>
    %swap3A_46 = vector.shape_cast %swap3A_45 : vector<1x8x256xi32> to vector<8x256xi32>
    %swap3A_47 = vector.shape_cast %scan3A_35#4 : vector<8x256xi32> to vector<1x8x256xi32>
    tpu.vector_store %arg3[%swap3A_42, %swap3A_43, %swap3A_44], %swap3A_47 {strides = array<i32>} : memref<4x8x256xi32, #tpu.memory_space<vmem>>, vector<1x8x256xi32>,
    %swap3A_48 = arith.constant 2 : index
    %swap3A_49 = arith.constant 0 : index
    %swap3A_50 = arith.constant 0 : index
    %swap3A_51 = vector.load %arg3[%swap3A_48, %swap3A_49, %swap3A_50] : memref<4x8x256xi32, #tpu.memory_space<vmem>>, vector<1x8x256xi32>
    %swap3A_52 = vector.shape_cast %swap3A_51 : vector<1x8x256xi32> to vector<8x256xi32>
    %swap3A_53 = vector.shape_cast %scan3A_35#7 : vector<8x256xi32> to vector<1x8x256xi32>
    tpu.vector_store %arg3[%swap3A_48, %swap3A_49, %swap3A_50], %swap3A_53 {strides = array<i32>} : memref<4x8x256xi32, #tpu.memory_space<vmem>>, vector<1x8x256xi32>,
    %swap3A_54 = arith.constant 3 : index
    %swap3A_55 = arith.constant 0 : index
    %swap3A_56 = arith.constant 0 : index
    %swap3A_57 = vector.load %arg3[%swap3A_54, %swap3A_55, %swap3A_56] : memref<4x8x256xi32, #tpu.memory_space<vmem>>, vector<1x8x256xi32>
    %swap3A_58 = vector.shape_cast %swap3A_57 : vector<1x8x256xi32> to vector<8x256xi32>
    %swap3A_59 = vector.shape_cast %scan3A_35#10 : vector<8x256xi32> to vector<1x8x256xi32>
    tpu.vector_store %arg3[%swap3A_54, %swap3A_55, %swap3A_56], %swap3A_59 {strides = array<i32>} : memref<4x8x256xi32, #tpu.memory_space<vmem>>, vector<1x8x256xi32>,
    return
  }
  func.func @transform_0(%arg0: i32) -> (i32, i32, i32, i32) {
    %c0_i32 = arith.constant 0 : i32
    %c0_i32_0 = arith.constant 0 : i32
    %c0_i32_1 = arith.constant 0 : i32
    %c0_i32_2 = arith.constant 0 : i32
    return %arg0, %c0_i32, %c0_i32_0, %c0_i32_1 : i32, i32, i32, i32
  }
  func.func @transform_1(%arg0: i32) -> (i32, i32, i32) {
    %c0_i32 = arith.constant 0 : i32
    %c0_i32_0 = arith.constant 0 : i32
    %c0_i32_1 = arith.constant 0 : i32
    return %arg0, %c0_i32, %c0_i32_0 : i32, i32, i32
  }
  func.func @transform_2(%arg0: i32) -> (i32, i32, i32) {
    %c0_i32 = arith.constant 0 : i32
    %c0_i32_0 = arith.constant 0 : i32
    %c0_i32_1 = arith.constant 0 : i32
    return %arg0, %c0_i32, %c0_i32_0 : i32, i32, i32
  }
}

module attributes {stable_mosaic.version = 14 : i64} {
  func.func @_dist_body(%arg0: i32, %arg1: i32, %arg2: memref<1x128x8xf32, #tpu.memory_space<vmem>>, %arg3: memref<1x8x128xf32, #tpu.memory_space<vmem>>, %arg4: memref<1x8x8192xf32, #tpu.memory_space<vmem>>, %arg5: memref<1x8192x8xf32, #tpu.memory_space<vmem>>, %arg6: memref<1x128x8192xf32, #tpu.memory_space<vmem>>, %arg7: memref<1x1x128xf32, #tpu.memory_space<vmem>>) attributes {dimension_semantics = [#tpu.dimension_semantics<arbitrary>, #tpu.dimension_semantics<arbitrary>], iteration_bounds = array<i64: 4, 16>, scalar_prefetch = 0 : i64, scratch_operands = 0 : i64, tpu.core_type = #tpu.core_type<tc>, window_params = [{transform_indices = @transform_0, window_bounds = array<i64: 1, 128, 8>}, {transform_indices = @transform_1, window_bounds = array<i64: 1, 8, 128>}, {transform_indices = @transform_2, window_bounds = array<i64: 1, 8, 8192>}, {transform_indices = @transform_3, window_bounds = array<i64: 1, 8192, 8>}, {transform_indices = @transform_4, window_bounds = array<i64: 1, 128, 8192>}, {transform_indices = @transform_5, window_bounds = array<i64: 1, 1, 128>}]} {
    %get3A = arith.constant 0 : index
    %get3A_0 = arith.constant 0 : index
    %get3A_1 = arith.constant 0 : index
    %get3A_2 = vector.load %arg2[%get3A, %get3A_0, %get3A_1] : memref<1x128x8xf32, #tpu.memory_space<vmem>>, vector<1x128x8xf32>
    %get3A_3 = vector.shape_cast %get3A_2 : vector<1x128x8xf32> to vector<128x8xf32>
    %get3A_4 = arith.constant 0 : index
    %get3A_5 = arith.constant 0 : index
    %get3A_6 = arith.constant 0 : index
    %get3A_7 = vector.load %arg4[%get3A_4, %get3A_5, %get3A_6] : memref<1x8x8192xf32, #tpu.memory_space<vmem>>, vector<1x8x8192xf32>
    %get3A_8 = vector.shape_cast %get3A_7 : vector<1x8x8192xf32> to vector<8x8192xf32>
    %dot_general3A = arith.constant dense<0.000000e+00> : vector<128x8192xf32>
    %dot_general3A_9 = tpu.matmul %get3A_3, %get3A_8, %dot_general3A {dimension_numbers = #tpu.dot_dimension_numbers<[1], [0], [0], [1], [0, 0, 1, 1], [], []>, transpose_lhs_hint = false} : vector<128x8xf32>, vector<8x8192xf32>, vector<128x8192xf32> -> vector<128x8192xf32>
    %mul3A = arith.mulf %get3A_3, %get3A_3 : vector<128x8xf32>
    %reduce_sum3A = arith.constant dense<0.000000e+00> : vector<128xf32>
    %reduce_sum3A_10 = vector.multi_reduction <add>, %mul3A, %reduce_sum3A [1] : vector<128x8xf32> to vector<128xf32>
    %broadcast_in_dim3A = vector.shape_cast %reduce_sum3A_10 : vector<128xf32> to vector<128x1xf32>
    %mul3A_11 = arith.mulf %get3A_8, %get3A_8 : vector<8x8192xf32>
    %reduce_sum3A_12 = arith.constant dense<0.000000e+00> : vector<8192xf32>
    %reduce_sum3A_13 = vector.multi_reduction <add>, %mul3A_11, %reduce_sum3A_12 [0] : vector<8x8192xf32> to vector<8192xf32>
    %broadcast_in_dim3A_14 = vector.shape_cast %reduce_sum3A_13 : vector<8192xf32> to vector<1x8192xf32>
    %mul3A_15 = arith.constant -2.000000e+00 : f32
    %mul3A_16 = vector.broadcast %mul3A_15 : f32 to vector<128x8192xf32>
    %mul3A_17 = arith.mulf %mul3A_16, %dot_general3A_9 : vector<128x8192xf32>
    %add3A = vector.broadcast %broadcast_in_dim3A : vector<128x1xf32> to vector<128x8192xf32>
    %add3A_18 = arith.addf %mul3A_17, %add3A : vector<128x8192xf32>
    %add3A_19 = vector.broadcast %broadcast_in_dim3A_14 : vector<1x8192xf32> to vector<128x8192xf32>
    %add3A_20 = arith.addf %add3A_18, %add3A_19 : vector<128x8192xf32>
    %swap3A = arith.constant 0 : index
    %swap3A_21 = arith.constant 0 : index
    %swap3A_22 = arith.constant 0 : index
    %swap3A_23 = vector.load %arg6[%swap3A, %swap3A_21, %swap3A_22] : memref<1x128x8192xf32, #tpu.memory_space<vmem>>, vector<1x128x8192xf32>
    %swap3A_24 = vector.shape_cast %swap3A_23 : vector<1x128x8192xf32> to vector<128x8192xf32>
    %swap3A_25 = vector.shape_cast %add3A_20 : vector<128x8192xf32> to vector<1x128x8192xf32>
    tpu.vector_store %arg6[%swap3A, %swap3A_21, %swap3A_22], %swap3A_25 {strides = array<i32>} : memref<1x128x8192xf32, #tpu.memory_space<vmem>>, vector<1x128x8192xf32>,
    %get3A_26 = arith.constant 0 : index
    %get3A_27 = arith.constant 0 : index
    %get3A_28 = arith.constant 0 : index
    %get3A_29 = vector.load %arg3[%get3A_26, %get3A_27, %get3A_28] : memref<1x8x128xf32, #tpu.memory_space<vmem>>, vector<1x8x128xf32>
    %get3A_30 = vector.shape_cast %get3A_29 : vector<1x8x128xf32> to vector<8x128xf32>
    %get3A_31 = arith.constant 0 : index
    %get3A_32 = arith.constant 0 : index
    %get3A_33 = arith.constant 0 : index
    %get3A_34 = vector.load %arg5[%get3A_31, %get3A_32, %get3A_33] : memref<1x8192x8xf32, #tpu.memory_space<vmem>>, vector<1x8192x8xf32>
    %get3A_35 = vector.shape_cast %get3A_34 : vector<1x8192x8xf32> to vector<8192x8xf32>
    %dot_general3A_36 = arith.constant dense<0.000000e+00> : vector<8192x128xf32>
    %dot_general3A_37 = tpu.matmul %get3A_35, %get3A_30, %dot_general3A_36 {dimension_numbers = #tpu.dot_dimension_numbers<[1], [0], [0], [1], [0, 0, 1, 1], [], []>, transpose_lhs_hint = false} : vector<8192x8xf32>, vector<8x128xf32>, vector<8192x128xf32> -> vector<8192x128xf32>
    %mul3A_38 = arith.mulf %get3A_35, %get3A_35 : vector<8192x8xf32>
    %reduce_sum3A_39 = arith.constant dense<0.000000e+00> : vector<8192xf32>
    %reduce_sum3A_40 = vector.multi_reduction <add>, %mul3A_38, %reduce_sum3A_39 [1] : vector<8192x8xf32> to vector<8192xf32>
    %broadcast_in_dim3A_41 = vector.shape_cast %reduce_sum3A_40 : vector<8192xf32> to vector<8192x1xf32>
    %mul3A_42 = arith.mulf %get3A_30, %get3A_30 : vector<8x128xf32>
    %reduce_sum3A_43 = arith.constant dense<0.000000e+00> : vector<128xf32>
    %reduce_sum3A_44 = vector.multi_reduction <add>, %mul3A_42, %reduce_sum3A_43 [0] : vector<8x128xf32> to vector<128xf32>
    %broadcast_in_dim3A_45 = vector.shape_cast %reduce_sum3A_44 : vector<128xf32> to vector<1x128xf32>
    %mul3A_46 = arith.constant -2.000000e+00 : f32
    %mul3A_47 = vector.broadcast %mul3A_46 : f32 to vector<8192x128xf32>
    %mul3A_48 = arith.mulf %mul3A_47, %dot_general3A_37 : vector<8192x128xf32>
    %add3A_49 = vector.broadcast %broadcast_in_dim3A_41 : vector<8192x1xf32> to vector<8192x128xf32>
    %add3A_50 = arith.addf %mul3A_48, %add3A_49 : vector<8192x128xf32>
    %add3A_51 = vector.broadcast %broadcast_in_dim3A_45 : vector<1x128xf32> to vector<8192x128xf32>
    %add3A_52 = arith.addf %add3A_50, %add3A_51 : vector<8192x128xf32>
    %reshape3A = vector.shape_cast %add3A_52 : vector<8192x128xf32> to vector<128x64x128xf32>
    %reduce_min3A = arith.constant dense<0x7F800000> : vector<128x128xf32>
    %reduce_min3A_53 = vector.multi_reduction <minimumf>, %reshape3A, %reduce_min3A [1] : vector<128x64x128xf32> to vector<128x128xf32>
    %iota3A = tpu.iota {dimensions = array<i32: 0>} : vector<128x1xi32>
    %reshape3A_54 = vector.shape_cast %reduce_min3A_53 : vector<128x128xf32> to vector<64x2x1x128xf32>
    %slice3A = vector.extract_strided_slice %reshape3A_54 {offsets = [0, 1, 0, 0], sizes = [64, 1, 1, 128], strides = [1, 1, 1, 1]} : vector<64x2x1x128xf32> to vector<64x1x1x128xf32>
    %slice3A_55 = vector.extract_strided_slice %reshape3A_54 {offsets = [0, 0, 0, 0], sizes = [64, 1, 1, 128], strides = [1, 1, 1, 1]} : vector<64x2x1x128xf32> to vector<64x1x1x128xf32>
    %concatenate3A = tpu.concatenate %slice3A, %slice3A_55 in 1 : vector<64x1x1x128xf32>, vector<64x1x1x128xf32> -> vector<64x2x1x128xf32>
    %reshape3A_56 = vector.shape_cast %concatenate3A : vector<64x2x1x128xf32> to vector<128x128xf32>
    %and3A = arith.constant 1 : i32
    %and3A_57 = vector.broadcast %and3A : i32 to vector<128x1xi32>
    %and3A_58 = arith.andi %iota3A, %and3A_57 : vector<128x1xi32>
    %eq3A = arith.constant 0 : i32
    %eq3A_59 = vector.broadcast %eq3A : i32 to vector<128x1xi32>
    %eq3A_60 = arith.cmpi eq, %and3A_58, %eq3A_59 : vector<128x1xi32>
    %and3A_61 = arith.constant 2 : i32
    %and3A_62 = vector.broadcast %and3A_61 : i32 to vector<128x1xi32>
    %and3A_63 = arith.andi %iota3A, %and3A_62 : vector<128x1xi32>
    %eq3A_64 = arith.constant 0 : i32
    %eq3A_65 = vector.broadcast %eq3A_64 : i32 to vector<128x1xi32>
    %eq3A_66 = arith.cmpi eq, %and3A_63, %eq3A_65 : vector<128x1xi32>
    %eq3A_67 = arith.xori %eq3A_60, %eq3A_66 : vector<128x1xi1>
    %eq3A_68 = arith.constant dense<true> : vector<128x1xi1>
    %eq3A_69 = arith.xori %eq3A_67, %eq3A_68 : vector<128x1xi1>
    %min3A = arith.minimumf %reduce_min3A_53, %reshape3A_56 : vector<128x128xf32>
    %max3A = arith.maximumf %reduce_min3A_53, %reshape3A_56 : vector<128x128xf32>
    %broadcast_in_dim3A_70 = vector.shape_cast %eq3A_69 : vector<128x1xi1> to vector<128x1xi1>
    %broadcast_in_dim3A_71 = vector.broadcast %broadcast_in_dim3A_70 : vector<128x1xi1> to vector<128x128xi1>
    %select_n3A = arith.select %broadcast_in_dim3A_71, %min3A, %max3A : vector<128x128xi1>, vector<128x128xf32>
    %reshape3A_72 = vector.shape_cast %select_n3A : vector<128x128xf32> to vector<32x2x2x128xf32>
    %slice3A_73 = vector.extract_strided_slice %reshape3A_72 {offsets = [0, 1, 0, 0], sizes = [32, 1, 2, 128], strides = [1, 1, 1, 1]} : vector<32x2x2x128xf32> to vector<32x1x2x128xf32>
    %slice3A_74 = vector.extract_strided_slice %reshape3A_72 {offsets = [0, 0, 0, 0], sizes = [32, 1, 2, 128], strides = [1, 1, 1, 1]} : vector<32x2x2x128xf32> to vector<32x1x2x128xf32>
    %concatenate3A_75 = tpu.concatenate %slice3A_73, %slice3A_74 in 1 : vector<32x1x2x128xf32>, vector<32x1x2x128xf32> -> vector<32x2x2x128xf32>
    %reshape3A_76 = vector.shape_cast %concatenate3A_75 : vector<32x2x2x128xf32> to vector<128x128xf32>
    %and3A_77 = arith.constant 2 : i32
    %and3A_78 = vector.broadcast %and3A_77 : i32 to vector<128x1xi32>
    %and3A_79 = arith.andi %iota3A, %and3A_78 : vector<128x1xi32>
    %eq3A_80 = arith.constant 0 : i32
    %eq3A_81 = vector.broadcast %eq3A_80 : i32 to vector<128x1xi32>
    %eq3A_82 = arith.cmpi eq, %and3A_79, %eq3A_81 : vector<128x1xi32>
    %and3A_83 = arith.constant 4 : i32
    %and3A_84 = vector.broadcast %and3A_83 : i32 to vector<128x1xi32>
    %and3A_85 = arith.andi %iota3A, %and3A_84 : vector<128x1xi32>
    %eq3A_86 = arith.constant 0 : i32
    %eq3A_87 = vector.broadcast %eq3A_86 : i32 to vector<128x1xi32>
    %eq3A_88 = arith.cmpi eq, %and3A_85, %eq3A_87 : vector<128x1xi32>
    %eq3A_89 = arith.xori %eq3A_82, %eq3A_88 : vector<128x1xi1>
    %eq3A_90 = arith.constant dense<true> : vector<128x1xi1>
    %eq3A_91 = arith.xori %eq3A_89, %eq3A_90 : vector<128x1xi1>
    %min3A_92 = arith.minimumf %select_n3A, %reshape3A_76 : vector<128x128xf32>
    %max3A_93 = arith.maximumf %select_n3A, %reshape3A_76 : vector<128x128xf32>
    %broadcast_in_dim3A_94 = vector.shape_cast %eq3A_91 : vector<128x1xi1> to vector<128x1xi1>
    %broadcast_in_dim3A_95 = vector.broadcast %broadcast_in_dim3A_94 : vector<128x1xi1> to vector<128x128xi1>
    %select_n3A_96 = arith.select %broadcast_in_dim3A_95, %min3A_92, %max3A_93 : vector<128x128xi1>, vector<128x128xf32>
    %reshape3A_97 = vector.shape_cast %select_n3A_96 : vector<128x128xf32> to vector<64x2x1x128xf32>
    %slice3A_98 = vector.extract_strided_slice %reshape3A_97 {offsets = [0, 1, 0, 0], sizes = [64, 1, 1, 128], strides = [1, 1, 1, 1]} : vector<64x2x1x128xf32> to vector<64x1x1x128xf32>
    %slice3A_99 = vector.extract_strided_slice %reshape3A_97 {offsets = [0, 0, 0, 0], sizes = [64, 1, 1, 128], strides = [1, 1, 1, 1]} : vector<64x2x1x128xf32> to vector<64x1x1x128xf32>
    %concatenate3A_100 = tpu.concatenate %slice3A_98, %slice3A_99 in 1 : vector<64x1x1x128xf32>, vector<64x1x1x128xf32> -> vector<64x2x1x128xf32>
    %reshape3A_101 = vector.shape_cast %concatenate3A_100 : vector<64x2x1x128xf32> to vector<128x128xf32>
    %and3A_102 = arith.constant 1 : i32
    %and3A_103 = vector.broadcast %and3A_102 : i32 to vector<128x1xi32>
    %and3A_104 = arith.andi %iota3A, %and3A_103 : vector<128x1xi32>
    %eq3A_105 = arith.constant 0 : i32
    %eq3A_106 = vector.broadcast %eq3A_105 : i32 to vector<128x1xi32>
    %eq3A_107 = arith.cmpi eq, %and3A_104, %eq3A_106 : vector<128x1xi32>
    %and3A_108 = arith.constant 4 : i32
    %and3A_109 = vector.broadcast %and3A_108 : i32 to vector<128x1xi32>
    %and3A_110 = arith.andi %iota3A, %and3A_109 : vector<128x1xi32>
    %eq3A_111 = arith.constant 0 : i32
    %eq3A_112 = vector.broadcast %eq3A_111 : i32 to vector<128x1xi32>
    %eq3A_113 = arith.cmpi eq, %and3A_110, %eq3A_112 : vector<128x1xi32>
    %eq3A_114 = arith.xori %eq3A_107, %eq3A_113 : vector<128x1xi1>
    %eq3A_115 = arith.constant dense<true> : vector<128x1xi1>
    %eq3A_116 = arith.xori %eq3A_114, %eq3A_115 : vector<128x1xi1>
    %min3A_117 = arith.minimumf %select_n3A_96, %reshape3A_101 : vector<128x128xf32>
    %max3A_118 = arith.maximumf %select_n3A_96, %reshape3A_101 : vector<128x128xf32>
    %broadcast_in_dim3A_119 = vector.shape_cast %eq3A_116 : vector<128x1xi1> to vector<128x1xi1>
    %broadcast_in_dim3A_120 = vector.broadcast %broadcast_in_dim3A_119 : vector<128x1xi1> to vector<128x128xi1>
    %select_n3A_121 = arith.select %broadcast_in_dim3A_120, %min3A_117, %max3A_118 : vector<128x128xi1>, vector<128x128xf32>
    %reshape3A_122 = vector.shape_cast %select_n3A_121 : vector<128x128xf32> to vector<16x2x4x128xf32>
    %slice3A_123 = vector.extract_strided_slice %reshape3A_122 {offsets = [0, 1, 0, 0], sizes = [16, 1, 4, 128], strides = [1, 1, 1, 1]} : vector<16x2x4x128xf32> to vector<16x1x4x128xf32>
    %slice3A_124 = vector.extract_strided_slice %reshape3A_122 {offsets = [0, 0, 0, 0], sizes = [16, 1, 4, 128], strides = [1, 1, 1, 1]} : vector<16x2x4x128xf32> to vector<16x1x4x128xf32>
    %concatenate3A_125 = tpu.concatenate %slice3A_123, %slice3A_124 in 1 : vector<16x1x4x128xf32>, vector<16x1x4x128xf32> -> vector<16x2x4x128xf32>
    %reshape3A_126 = vector.shape_cast %concatenate3A_125 : vector<16x2x4x128xf32> to vector<128x128xf32>
    %and3A_127 = arith.constant 4 : i32
    %and3A_128 = vector.broadcast %and3A_127 : i32 to vector<128x1xi32>
    %and3A_129 = arith.andi %iota3A, %and3A_128 : vector<128x1xi32>
    %eq3A_130 = arith.constant 0 : i32
    %eq3A_131 = vector.broadcast %eq3A_130 : i32 to vector<128x1xi32>
    %eq3A_132 = arith.cmpi eq, %and3A_129, %eq3A_131 : vector<128x1xi32>
    %and3A_133 = arith.constant 8 : i32
    %and3A_134 = vector.broadcast %and3A_133 : i32 to vector<128x1xi32>
    %and3A_135 = arith.andi %iota3A, %and3A_134 : vector<128x1xi32>
    %eq3A_136 = arith.constant 0 : i32
    %eq3A_137 = vector.broadcast %eq3A_136 : i32 to vector<128x1xi32>
    %eq3A_138 = arith.cmpi eq, %and3A_135, %eq3A_137 : vector<128x1xi32>
    %eq3A_139 = arith.xori %eq3A_132, %eq3A_138 : vector<128x1xi1>
    %eq3A_140 = arith.constant dense<true> : vector<128x1xi1>
    %eq3A_141 = arith.xori %eq3A_139, %eq3A_140 : vector<128x1xi1>
    %min3A_142 = arith.minimumf %select_n3A_121, %reshape3A_126 : vector<128x128xf32>
    %max3A_143 = arith.maximumf %select_n3A_121, %reshape3A_126 : vector<128x128xf32>
    %broadcast_in_dim3A_144 = vector.shape_cast %eq3A_141 : vector<128x1xi1> to vector<128x1xi1>
    %broadcast_in_dim3A_145 = vector.broadcast %broadcast_in_dim3A_144 : vector<128x1xi1> to vector<128x128xi1>
    %select_n3A_146 = arith.select %broadcast_in_dim3A_145, %min3A_142, %max3A_143 : vector<128x128xi1>, vector<128x128xf32>
    %reshape3A_147 = vector.shape_cast %select_n3A_146 : vector<128x128xf32> to vector<32x2x2x128xf32>
    %slice3A_148 = vector.extract_strided_slice %reshape3A_147 {offsets = [0, 1, 0, 0], sizes = [32, 1, 2, 128], strides = [1, 1, 1, 1]} : vector<32x2x2x128xf32> to vector<32x1x2x128xf32>
    %slice3A_149 = vector.extract_strided_slice %reshape3A_147 {offsets = [0, 0, 0, 0], sizes = [32, 1, 2, 128], strides = [1, 1, 1, 1]} : vector<32x2x2x128xf32> to vector<32x1x2x128xf32>
    %concatenate3A_150 = tpu.concatenate %slice3A_148, %slice3A_149 in 1 : vector<32x1x2x128xf32>, vector<32x1x2x128xf32> -> vector<32x2x2x128xf32>
    %reshape3A_151 = vector.shape_cast %concatenate3A_150 : vector<32x2x2x128xf32> to vector<128x128xf32>
    %and3A_152 = arith.constant 2 : i32
    %and3A_153 = vector.broadcast %and3A_152 : i32 to vector<128x1xi32>
    %and3A_154 = arith.andi %iota3A, %and3A_153 : vector<128x1xi32>
    %eq3A_155 = arith.constant 0 : i32
    %eq3A_156 = vector.broadcast %eq3A_155 : i32 to vector<128x1xi32>
    %eq3A_157 = arith.cmpi eq, %and3A_154, %eq3A_156 : vector<128x1xi32>
    %and3A_158 = arith.constant 8 : i32
    %and3A_159 = vector.broadcast %and3A_158 : i32 to vector<128x1xi32>
    %and3A_160 = arith.andi %iota3A, %and3A_159 : vector<128x1xi32>
    %eq3A_161 = arith.constant 0 : i32
    %eq3A_162 = vector.broadcast %eq3A_161 : i32 to vector<128x1xi32>
    %eq3A_163 = arith.cmpi eq, %and3A_160, %eq3A_162 : vector<128x1xi32>
    %eq3A_164 = arith.xori %eq3A_157, %eq3A_163 : vector<128x1xi1>
    %eq3A_165 = arith.constant dense<true> : vector<128x1xi1>
    %eq3A_166 = arith.xori %eq3A_164, %eq3A_165 : vector<128x1xi1>
    %min3A_167 = arith.minimumf %select_n3A_146, %reshape3A_151 : vector<128x128xf32>
    %max3A_168 = arith.maximumf %select_n3A_146, %reshape3A_151 : vector<128x128xf32>
    %broadcast_in_dim3A_169 = vector.shape_cast %eq3A_166 : vector<128x1xi1> to vector<128x1xi1>
    %broadcast_in_dim3A_170 = vector.broadcast %broadcast_in_dim3A_169 : vector<128x1xi1> to vector<128x128xi1>
    %select_n3A_171 = arith.select %broadcast_in_dim3A_170, %min3A_167, %max3A_168 : vector<128x128xi1>, vector<128x128xf32>
    %reshape3A_172 = vector.shape_cast %select_n3A_171 : vector<128x128xf32> to vector<64x2x1x128xf32>
    %slice3A_173 = vector.extract_strided_slice %reshape3A_172 {offsets = [0, 1, 0, 0], sizes = [64, 1, 1, 128], strides = [1, 1, 1, 1]} : vector<64x2x1x128xf32> to vector<64x1x1x128xf32>
    %slice3A_174 = vector.extract_strided_slice %reshape3A_172 {offsets = [0, 0, 0, 0], sizes = [64, 1, 1, 128], strides = [1, 1, 1, 1]} : vector<64x2x1x128xf32> to vector<64x1x1x128xf32>
    %concatenate3A_175 = tpu.concatenate %slice3A_173, %slice3A_174 in 1 : vector<64x1x1x128xf32>, vector<64x1x1x128xf32> -> vector<64x2x1x128xf32>
    %reshape3A_176 = vector.shape_cast %concatenate3A_175 : vector<64x2x1x128xf32> to vector<128x128xf32>
    %and3A_177 = arith.constant 1 : i32
    %and3A_178 = vector.broadcast %and3A_177 : i32 to vector<128x1xi32>
    %and3A_179 = arith.andi %iota3A, %and3A_178 : vector<128x1xi32>
    %eq3A_180 = arith.constant 0 : i32
    %eq3A_181 = vector.broadcast %eq3A_180 : i32 to vector<128x1xi32>
    %eq3A_182 = arith.cmpi eq, %and3A_179, %eq3A_181 : vector<128x1xi32>
    %and3A_183 = arith.constant 8 : i32
    %and3A_184 = vector.broadcast %and3A_183 : i32 to vector<128x1xi32>
    %and3A_185 = arith.andi %iota3A, %and3A_184 : vector<128x1xi32>
    %eq3A_186 = arith.constant 0 : i32
    %eq3A_187 = vector.broadcast %eq3A_186 : i32 to vector<128x1xi32>
    %eq3A_188 = arith.cmpi eq, %and3A_185, %eq3A_187 : vector<128x1xi32>
    %eq3A_189 = arith.xori %eq3A_182, %eq3A_188 : vector<128x1xi1>
    %eq3A_190 = arith.constant dense<true> : vector<128x1xi1>
    %eq3A_191 = arith.xori %eq3A_189, %eq3A_190 : vector<128x1xi1>
    %min3A_192 = arith.minimumf %select_n3A_171, %reshape3A_176 : vector<128x128xf32>
    %max3A_193 = arith.maximumf %select_n3A_171, %reshape3A_176 : vector<128x128xf32>
    %broadcast_in_dim3A_194 = vector.shape_cast %eq3A_191 : vector<128x1xi1> to vector<128x1xi1>
    %broadcast_in_dim3A_195 = vector.broadcast %broadcast_in_dim3A_194 : vector<128x1xi1> to vector<128x128xi1>
    %select_n3A_196 = arith.select %broadcast_in_dim3A_195, %min3A_192, %max3A_193 : vector<128x128xi1>, vector<128x128xf32>
    %reshape3A_197 = vector.shape_cast %select_n3A_196 : vector<128x128xf32> to vector<8x2x8x128xf32>
    %slice3A_198 = vector.extract_strided_slice %reshape3A_197 {offsets = [0, 1, 0, 0], sizes = [8, 1, 8, 128], strides = [1, 1, 1, 1]} : vector<8x2x8x128xf32> to vector<8x1x8x128xf32>
    %slice3A_199 = vector.extract_strided_slice %reshape3A_197 {offsets = [0, 0, 0, 0], sizes = [8, 1, 8, 128], strides = [1, 1, 1, 1]} : vector<8x2x8x128xf32> to vector<8x1x8x128xf32>
    %concatenate3A_200 = tpu.concatenate %slice3A_198, %slice3A_199 in 1 : vector<8x1x8x128xf32>, vector<8x1x8x128xf32> -> vector<8x2x8x128xf32>
    %reshape3A_201 = vector.shape_cast %concatenate3A_200 : vector<8x2x8x128xf32> to vector<128x128xf32>
    %and3A_202 = arith.constant 8 : i32
    %and3A_203 = vector.broadcast %and3A_202 : i32 to vector<128x1xi32>
    %and3A_204 = arith.andi %iota3A, %and3A_203 : vector<128x1xi32>
    %eq3A_205 = arith.constant 0 : i32
    %eq3A_206 = vector.broadcast %eq3A_205 : i32 to vector<128x1xi32>
    %eq3A_207 = arith.cmpi eq, %and3A_204, %eq3A_206 : vector<128x1xi32>
    %and3A_208 = arith.constant 16 : i32
    %and3A_209 = vector.broadcast %and3A_208 : i32 to vector<128x1xi32>
    %and3A_210 = arith.andi %iota3A, %and3A_209 : vector<128x1xi32>
    %eq3A_211 = arith.constant 0 : i32
    %eq3A_212 = vector.broadcast %eq3A_211 : i32 to vector<128x1xi32>
    %eq3A_213 = arith.cmpi eq, %and3A_210, %eq3A_212 : vector<128x1xi32>
    %eq3A_214 = arith.xori %eq3A_207, %eq3A_213 : vector<128x1xi1>
    %eq3A_215 = arith.constant dense<true> : vector<128x1xi1>
    %eq3A_216 = arith.xori %eq3A_214, %eq3A_215 : vector<128x1xi1>
    %min3A_217 = arith.minimumf %select_n3A_196, %reshape3A_201 : vector<128x128xf32>
    %max3A_218 = arith.maximumf %select_n3A_196, %reshape3A_201 : vector<128x128xf32>
    %broadcast_in_dim3A_219 = vector.shape_cast %eq3A_216 : vector<128x1xi1> to vector<128x1xi1>
    %broadcast_in_dim3A_220 = vector.broadcast %broadcast_in_dim3A_219 : vector<128x1xi1> to vector<128x128xi1>
    %select_n3A_221 = arith.select %broadcast_in_dim3A_220, %min3A_217, %max3A_218 : vector<128x128xi1>, vector<128x128xf32>
    %reshape3A_222 = vector.shape_cast %select_n3A_221 : vector<128x128xf32> to vector<16x2x4x128xf32>
    %slice3A_223 = vector.extract_strided_slice %reshape3A_222 {offsets = [0, 1, 0, 0], sizes = [16, 1, 4, 128], strides = [1, 1, 1, 1]} : vector<16x2x4x128xf32> to vector<16x1x4x128xf32>
    %slice3A_224 = vector.extract_strided_slice %reshape3A_222 {offsets = [0, 0, 0, 0], sizes = [16, 1, 4, 128], strides = [1, 1, 1, 1]} : vector<16x2x4x128xf32> to vector<16x1x4x128xf32>
    %concatenate3A_225 = tpu.concatenate %slice3A_223, %slice3A_224 in 1 : vector<16x1x4x128xf32>, vector<16x1x4x128xf32> -> vector<16x2x4x128xf32>
    %reshape3A_226 = vector.shape_cast %concatenate3A_225 : vector<16x2x4x128xf32> to vector<128x128xf32>
    %and3A_227 = arith.constant 4 : i32
    %and3A_228 = vector.broadcast %and3A_227 : i32 to vector<128x1xi32>
    %and3A_229 = arith.andi %iota3A, %and3A_228 : vector<128x1xi32>
    %eq3A_230 = arith.constant 0 : i32
    %eq3A_231 = vector.broadcast %eq3A_230 : i32 to vector<128x1xi32>
    %eq3A_232 = arith.cmpi eq, %and3A_229, %eq3A_231 : vector<128x1xi32>
    %and3A_233 = arith.constant 16 : i32
    %and3A_234 = vector.broadcast %and3A_233 : i32 to vector<128x1xi32>
    %and3A_235 = arith.andi %iota3A, %and3A_234 : vector<128x1xi32>
    %eq3A_236 = arith.constant 0 : i32
    %eq3A_237 = vector.broadcast %eq3A_236 : i32 to vector<128x1xi32>
    %eq3A_238 = arith.cmpi eq, %and3A_235, %eq3A_237 : vector<128x1xi32>
    %eq3A_239 = arith.xori %eq3A_232, %eq3A_238 : vector<128x1xi1>
    %eq3A_240 = arith.constant dense<true> : vector<128x1xi1>
    %eq3A_241 = arith.xori %eq3A_239, %eq3A_240 : vector<128x1xi1>
    %min3A_242 = arith.minimumf %select_n3A_221, %reshape3A_226 : vector<128x128xf32>
    %max3A_243 = arith.maximumf %select_n3A_221, %reshape3A_226 : vector<128x128xf32>
    %broadcast_in_dim3A_244 = vector.shape_cast %eq3A_241 : vector<128x1xi1> to vector<128x1xi1>
    %broadcast_in_dim3A_245 = vector.broadcast %broadcast_in_dim3A_244 : vector<128x1xi1> to vector<128x128xi1>
    %select_n3A_246 = arith.select %broadcast_in_dim3A_245, %min3A_242, %max3A_243 : vector<128x128xi1>, vector<128x128xf32>
    %reshape3A_247 = vector.shape_cast %select_n3A_246 : vector<128x128xf32> to vector<32x2x2x128xf32>
    %slice3A_248 = vector.extract_strided_slice %reshape3A_247 {offsets = [0, 1, 0, 0], sizes = [32, 1, 2, 128], strides = [1, 1, 1, 1]} : vector<32x2x2x128xf32> to vector<32x1x2x128xf32>
    %slice3A_249 = vector.extract_strided_slice %reshape3A_247 {offsets = [0, 0, 0, 0], sizes = [32, 1, 2, 128], strides = [1, 1, 1, 1]} : vector<32x2x2x128xf32> to vector<32x1x2x128xf32>
    %concatenate3A_250 = tpu.concatenate %slice3A_248, %slice3A_249 in 1 : vector<32x1x2x128xf32>, vector<32x1x2x128xf32> -> vector<32x2x2x128xf32>
    %reshape3A_251 = vector.shape_cast %concatenate3A_250 : vector<32x2x2x128xf32> to vector<128x128xf32>
    %and3A_252 = arith.constant 2 : i32
    %and3A_253 = vector.broadcast %and3A_252 : i32 to vector<128x1xi32>
    %and3A_254 = arith.andi %iota3A, %and3A_253 : vector<128x1xi32>
    %eq3A_255 = arith.constant 0 : i32
    %eq3A_256 = vector.broadcast %eq3A_255 : i32 to vector<128x1xi32>
    %eq3A_257 = arith.cmpi eq, %and3A_254, %eq3A_256 : vector<128x1xi32>
    %and3A_258 = arith.constant 16 : i32
    %and3A_259 = vector.broadcast %and3A_258 : i32 to vector<128x1xi32>
    %and3A_260 = arith.andi %iota3A, %and3A_259 : vector<128x1xi32>
    %eq3A_261 = arith.constant 0 : i32
    %eq3A_262 = vector.broadcast %eq3A_261 : i32 to vector<128x1xi32>
    %eq3A_263 = arith.cmpi eq, %and3A_260, %eq3A_262 : vector<128x1xi32>
    %eq3A_264 = arith.xori %eq3A_257, %eq3A_263 : vector<128x1xi1>
    %eq3A_265 = arith.constant dense<true> : vector<128x1xi1>
    %eq3A_266 = arith.xori %eq3A_264, %eq3A_265 : vector<128x1xi1>
    %min3A_267 = arith.minimumf %select_n3A_246, %reshape3A_251 : vector<128x128xf32>
    %max3A_268 = arith.maximumf %select_n3A_246, %reshape3A_251 : vector<128x128xf32>
    %broadcast_in_dim3A_269 = vector.shape_cast %eq3A_266 : vector<128x1xi1> to vector<128x1xi1>
    %broadcast_in_dim3A_270 = vector.broadcast %broadcast_in_dim3A_269 : vector<128x1xi1> to vector<128x128xi1>
    %select_n3A_271 = arith.select %broadcast_in_dim3A_270, %min3A_267, %max3A_268 : vector<128x128xi1>, vector<128x128xf32>
    %reshape3A_272 = vector.shape_cast %select_n3A_271 : vector<128x128xf32> to vector<64x2x1x128xf32>
    %slice3A_273 = vector.extract_strided_slice %reshape3A_272 {offsets = [0, 1, 0, 0], sizes = [64, 1, 1, 128], strides = [1, 1, 1, 1]} : vector<64x2x1x128xf32> to vector<64x1x1x128xf32>
    %slice3A_274 = vector.extract_strided_slice %reshape3A_272 {offsets = [0, 0, 0, 0], sizes = [64, 1, 1, 128], strides = [1, 1, 1, 1]} : vector<64x2x1x128xf32> to vector<64x1x1x128xf32>
    %concatenate3A_275 = tpu.concatenate %slice3A_273, %slice3A_274 in 1 : vector<64x1x1x128xf32>, vector<64x1x1x128xf32> -> vector<64x2x1x128xf32>
    %reshape3A_276 = vector.shape_cast %concatenate3A_275 : vector<64x2x1x128xf32> to vector<128x128xf32>
    %and3A_277 = arith.constant 1 : i32
    %and3A_278 = vector.broadcast %and3A_277 : i32 to vector<128x1xi32>
    %and3A_279 = arith.andi %iota3A, %and3A_278 : vector<128x1xi32>
    %eq3A_280 = arith.constant 0 : i32
    %eq3A_281 = vector.broadcast %eq3A_280 : i32 to vector<128x1xi32>
    %eq3A_282 = arith.cmpi eq, %and3A_279, %eq3A_281 : vector<128x1xi32>
    %and3A_283 = arith.constant 16 : i32
    %and3A_284 = vector.broadcast %and3A_283 : i32 to vector<128x1xi32>
    %and3A_285 = arith.andi %iota3A, %and3A_284 : vector<128x1xi32>
    %eq3A_286 = arith.constant 0 : i32
    %eq3A_287 = vector.broadcast %eq3A_286 : i32 to vector<128x1xi32>
    %eq3A_288 = arith.cmpi eq, %and3A_285, %eq3A_287 : vector<128x1xi32>
    %eq3A_289 = arith.xori %eq3A_282, %eq3A_288 : vector<128x1xi1>
    %eq3A_290 = arith.constant dense<true> : vector<128x1xi1>
    %eq3A_291 = arith.xori %eq3A_289, %eq3A_290 : vector<128x1xi1>
    %min3A_292 = arith.minimumf %select_n3A_271, %reshape3A_276 : vector<128x128xf32>
    %max3A_293 = arith.maximumf %select_n3A_271, %reshape3A_276 : vector<128x128xf32>
    %broadcast_in_dim3A_294 = vector.shape_cast %eq3A_291 : vector<128x1xi1> to vector<128x1xi1>
    %broadcast_in_dim3A_295 = vector.broadcast %broadcast_in_dim3A_294 : vector<128x1xi1> to vector<128x128xi1>
    %select_n3A_296 = arith.select %broadcast_in_dim3A_295, %min3A_292, %max3A_293 : vector<128x128xi1>, vector<128x128xf32>
    %reshape3A_297 = vector.shape_cast %select_n3A_296 : vector<128x128xf32> to vector<4x2x16x128xf32>
    %slice3A_298 = vector.extract_strided_slice %reshape3A_297 {offsets = [0, 1, 0, 0], sizes = [4, 1, 16, 128], strides = [1, 1, 1, 1]} : vector<4x2x16x128xf32> to vector<4x1x16x128xf32>
    %slice3A_299 = vector.extract_strided_slice %reshape3A_297 {offsets = [0, 0, 0, 0], sizes = [4, 1, 16, 128], strides = [1, 1, 1, 1]} : vector<4x2x16x128xf32> to vector<4x1x16x128xf32>
    %concatenate3A_300 = tpu.concatenate %slice3A_298, %slice3A_299 in 1 : vector<4x1x16x128xf32>, vector<4x1x16x128xf32> -> vector<4x2x16x128xf32>
    %reshape3A_301 = vector.shape_cast %concatenate3A_300 : vector<4x2x16x128xf32> to vector<128x128xf32>
    %and3A_302 = arith.constant 16 : i32
    %and3A_303 = vector.broadcast %and3A_302 : i32 to vector<128x1xi32>
    %and3A_304 = arith.andi %iota3A, %and3A_303 : vector<128x1xi32>
    %eq3A_305 = arith.constant 0 : i32
    %eq3A_306 = vector.broadcast %eq3A_305 : i32 to vector<128x1xi32>
    %eq3A_307 = arith.cmpi eq, %and3A_304, %eq3A_306 : vector<128x1xi32>
    %and3A_308 = arith.constant 32 : i32
    %and3A_309 = vector.broadcast %and3A_308 : i32 to vector<128x1xi32>
    %and3A_310 = arith.andi %iota3A, %and3A_309 : vector<128x1xi32>
    %eq3A_311 = arith.constant 0 : i32
    %eq3A_312 = vector.broadcast %eq3A_311 : i32 to vector<128x1xi32>
    %eq3A_313 = arith.cmpi eq, %and3A_310, %eq3A_312 : vector<128x1xi32>
    %eq3A_314 = arith.xori %eq3A_307, %eq3A_313 : vector<128x1xi1>
    %eq3A_315 = arith.constant dense<true> : vector<128x1xi1>
    %eq3A_316 = arith.xori %eq3A_314, %eq3A_315 : vector<128x1xi1>
    %min3A_317 = arith.minimumf %select_n3A_296, %reshape3A_301 : vector<128x128xf32>
    %max3A_318 = arith.maximumf %select_n3A_296, %reshape3A_301 : vector<128x128xf32>
    %broadcast_in_dim3A_319 = vector.shape_cast %eq3A_316 : vector<128x1xi1> to vector<128x1xi1>
    %broadcast_in_dim3A_320 = vector.broadcast %broadcast_in_dim3A_319 : vector<128x1xi1> to vector<128x128xi1>
    %select_n3A_321 = arith.select %broadcast_in_dim3A_320, %min3A_317, %max3A_318 : vector<128x128xi1>, vector<128x128xf32>
    %reshape3A_322 = vector.shape_cast %select_n3A_321 : vector<128x128xf32> to vector<8x2x8x128xf32>
    %slice3A_323 = vector.extract_strided_slice %reshape3A_322 {offsets = [0, 1, 0, 0], sizes = [8, 1, 8, 128], strides = [1, 1, 1, 1]} : vector<8x2x8x128xf32> to vector<8x1x8x128xf32>
    %slice3A_324 = vector.extract_strided_slice %reshape3A_322 {offsets = [0, 0, 0, 0], sizes = [8, 1, 8, 128], strides = [1, 1, 1, 1]} : vector<8x2x8x128xf32> to vector<8x1x8x128xf32>
    %concatenate3A_325 = tpu.concatenate %slice3A_323, %slice3A_324 in 1 : vector<8x1x8x128xf32>, vector<8x1x8x128xf32> -> vector<8x2x8x128xf32>
    %reshape3A_326 = vector.shape_cast %concatenate3A_325 : vector<8x2x8x128xf32> to vector<128x128xf32>
    %and3A_327 = arith.constant 8 : i32
    %and3A_328 = vector.broadcast %and3A_327 : i32 to vector<128x1xi32>
    %and3A_329 = arith.andi %iota3A, %and3A_328 : vector<128x1xi32>
    %eq3A_330 = arith.constant 0 : i32
    %eq3A_331 = vector.broadcast %eq3A_330 : i32 to vector<128x1xi32>
    %eq3A_332 = arith.cmpi eq, %and3A_329, %eq3A_331 : vector<128x1xi32>
    %and3A_333 = arith.constant 32 : i32
    %and3A_334 = vector.broadcast %and3A_333 : i32 to vector<128x1xi32>
    %and3A_335 = arith.andi %iota3A, %and3A_334 : vector<128x1xi32>
    %eq3A_336 = arith.constant 0 : i32
    %eq3A_337 = vector.broadcast %eq3A_336 : i32 to vector<128x1xi32>
    %eq3A_338 = arith.cmpi eq, %and3A_335, %eq3A_337 : vector<128x1xi32>
    %eq3A_339 = arith.xori %eq3A_332, %eq3A_338 : vector<128x1xi1>
    %eq3A_340 = arith.constant dense<true> : vector<128x1xi1>
    %eq3A_341 = arith.xori %eq3A_339, %eq3A_340 : vector<128x1xi1>
    %min3A_342 = arith.minimumf %select_n3A_321, %reshape3A_326 : vector<128x128xf32>
    %max3A_343 = arith.maximumf %select_n3A_321, %reshape3A_326 : vector<128x128xf32>
    %broadcast_in_dim3A_344 = vector.shape_cast %eq3A_341 : vector<128x1xi1> to vector<128x1xi1>
    %broadcast_in_dim3A_345 = vector.broadcast %broadcast_in_dim3A_344 : vector<128x1xi1> to vector<128x128xi1>
    %select_n3A_346 = arith.select %broadcast_in_dim3A_345, %min3A_342, %max3A_343 : vector<128x128xi1>, vector<128x128xf32>
    %reshape3A_347 = vector.shape_cast %select_n3A_346 : vector<128x128xf32> to vector<16x2x4x128xf32>
    %slice3A_348 = vector.extract_strided_slice %reshape3A_347 {offsets = [0, 1, 0, 0], sizes = [16, 1, 4, 128], strides = [1, 1, 1, 1]} : vector<16x2x4x128xf32> to vector<16x1x4x128xf32>
    %slice3A_349 = vector.extract_strided_slice %reshape3A_347 {offsets = [0, 0, 0, 0], sizes = [16, 1, 4, 128], strides = [1, 1, 1, 1]} : vector<16x2x4x128xf32> to vector<16x1x4x128xf32>
    %concatenate3A_350 = tpu.concatenate %slice3A_348, %slice3A_349 in 1 : vector<16x1x4x128xf32>, vector<16x1x4x128xf32> -> vector<16x2x4x128xf32>
    %reshape3A_351 = vector.shape_cast %concatenate3A_350 : vector<16x2x4x128xf32> to vector<128x128xf32>
    %and3A_352 = arith.constant 4 : i32
    %and3A_353 = vector.broadcast %and3A_352 : i32 to vector<128x1xi32>
    %and3A_354 = arith.andi %iota3A, %and3A_353 : vector<128x1xi32>
    %eq3A_355 = arith.constant 0 : i32
    %eq3A_356 = vector.broadcast %eq3A_355 : i32 to vector<128x1xi32>
    %eq3A_357 = arith.cmpi eq, %and3A_354, %eq3A_356 : vector<128x1xi32>
    %and3A_358 = arith.constant 32 : i32
    %and3A_359 = vector.broadcast %and3A_358 : i32 to vector<128x1xi32>
    %and3A_360 = arith.andi %iota3A, %and3A_359 : vector<128x1xi32>
    %eq3A_361 = arith.constant 0 : i32
    %eq3A_362 = vector.broadcast %eq3A_361 : i32 to vector<128x1xi32>
    %eq3A_363 = arith.cmpi eq, %and3A_360, %eq3A_362 : vector<128x1xi32>
    %eq3A_364 = arith.xori %eq3A_357, %eq3A_363 : vector<128x1xi1>
    %eq3A_365 = arith.constant dense<true> : vector<128x1xi1>
    %eq3A_366 = arith.xori %eq3A_364, %eq3A_365 : vector<128x1xi1>
    %min3A_367 = arith.minimumf %select_n3A_346, %reshape3A_351 : vector<128x128xf32>
    %max3A_368 = arith.maximumf %select_n3A_346, %reshape3A_351 : vector<128x128xf32>
    %broadcast_in_dim3A_369 = vector.shape_cast %eq3A_366 : vector<128x1xi1> to vector<128x1xi1>
    %broadcast_in_dim3A_370 = vector.broadcast %broadcast_in_dim3A_369 : vector<128x1xi1> to vector<128x128xi1>
    %select_n3A_371 = arith.select %broadcast_in_dim3A_370, %min3A_367, %max3A_368 : vector<128x128xi1>, vector<128x128xf32>
    %reshape3A_372 = vector.shape_cast %select_n3A_371 : vector<128x128xf32> to vector<32x2x2x128xf32>
    %slice3A_373 = vector.extract_strided_slice %reshape3A_372 {offsets = [0, 1, 0, 0], sizes = [32, 1, 2, 128], strides = [1, 1, 1, 1]} : vector<32x2x2x128xf32> to vector<32x1x2x128xf32>
    %slice3A_374 = vector.extract_strided_slice %reshape3A_372 {offsets = [0, 0, 0, 0], sizes = [32, 1, 2, 128], strides = [1, 1, 1, 1]} : vector<32x2x2x128xf32> to vector<32x1x2x128xf32>
    %concatenate3A_375 = tpu.concatenate %slice3A_373, %slice3A_374 in 1 : vector<32x1x2x128xf32>, vector<32x1x2x128xf32> -> vector<32x2x2x128xf32>
    %reshape3A_376 = vector.shape_cast %concatenate3A_375 : vector<32x2x2x128xf32> to vector<128x128xf32>
    %and3A_377 = arith.constant 2 : i32
    %and3A_378 = vector.broadcast %and3A_377 : i32 to vector<128x1xi32>
    %and3A_379 = arith.andi %iota3A, %and3A_378 : vector<128x1xi32>
    %eq3A_380 = arith.constant 0 : i32
    %eq3A_381 = vector.broadcast %eq3A_380 : i32 to vector<128x1xi32>
    %eq3A_382 = arith.cmpi eq, %and3A_379, %eq3A_381 : vector<128x1xi32>
    %and3A_383 = arith.constant 32 : i32
    %and3A_384 = vector.broadcast %and3A_383 : i32 to vector<128x1xi32>
    %and3A_385 = arith.andi %iota3A, %and3A_384 : vector<128x1xi32>
    %eq3A_386 = arith.constant 0 : i32
    %eq3A_387 = vector.broadcast %eq3A_386 : i32 to vector<128x1xi32>
    %eq3A_388 = arith.cmpi eq, %and3A_385, %eq3A_387 : vector<128x1xi32>
    %eq3A_389 = arith.xori %eq3A_382, %eq3A_388 : vector<128x1xi1>
    %eq3A_390 = arith.constant dense<true> : vector<128x1xi1>
    %eq3A_391 = arith.xori %eq3A_389, %eq3A_390 : vector<128x1xi1>
    %min3A_392 = arith.minimumf %select_n3A_371, %reshape3A_376 : vector<128x128xf32>
    %max3A_393 = arith.maximumf %select_n3A_371, %reshape3A_376 : vector<128x128xf32>
    %broadcast_in_dim3A_394 = vector.shape_cast %eq3A_391 : vector<128x1xi1> to vector<128x1xi1>
    %broadcast_in_dim3A_395 = vector.broadcast %broadcast_in_dim3A_394 : vector<128x1xi1> to vector<128x128xi1>
    %select_n3A_396 = arith.select %broadcast_in_dim3A_395, %min3A_392, %max3A_393 : vector<128x128xi1>, vector<128x128xf32>
    %reshape3A_397 = vector.shape_cast %select_n3A_396 : vector<128x128xf32> to vector<64x2x1x128xf32>
    %slice3A_398 = vector.extract_strided_slice %reshape3A_397 {offsets = [0, 1, 0, 0], sizes = [64, 1, 1, 128], strides = [1, 1, 1, 1]} : vector<64x2x1x128xf32> to vector<64x1x1x128xf32>
    %slice3A_399 = vector.extract_strided_slice %reshape3A_397 {offsets = [0, 0, 0, 0], sizes = [64, 1, 1, 128], strides = [1, 1, 1, 1]} : vector<64x2x1x128xf32> to vector<64x1x1x128xf32>
    %concatenate3A_400 = tpu.concatenate %slice3A_398, %slice3A_399 in 1 : vector<64x1x1x128xf32>, vector<64x1x1x128xf32> -> vector<64x2x1x128xf32>
    %reshape3A_401 = vector.shape_cast %concatenate3A_400 : vector<64x2x1x128xf32> to vector<128x128xf32>
    %and3A_402 = arith.constant 1 : i32
    %and3A_403 = vector.broadcast %and3A_402 : i32 to vector<128x1xi32>
    %and3A_404 = arith.andi %iota3A, %and3A_403 : vector<128x1xi32>
    %eq3A_405 = arith.constant 0 : i32
    %eq3A_406 = vector.broadcast %eq3A_405 : i32 to vector<128x1xi32>
    %eq3A_407 = arith.cmpi eq, %and3A_404, %eq3A_406 : vector<128x1xi32>
    %and3A_408 = arith.constant 32 : i32
    %and3A_409 = vector.broadcast %and3A_408 : i32 to vector<128x1xi32>
    %and3A_410 = arith.andi %iota3A, %and3A_409 : vector<128x1xi32>
    %eq3A_411 = arith.constant 0 : i32
    %eq3A_412 = vector.broadcast %eq3A_411 : i32 to vector<128x1xi32>
    %eq3A_413 = arith.cmpi eq, %and3A_410, %eq3A_412 : vector<128x1xi32>
    %eq3A_414 = arith.xori %eq3A_407, %eq3A_413 : vector<128x1xi1>
    %eq3A_415 = arith.constant dense<true> : vector<128x1xi1>
    %eq3A_416 = arith.xori %eq3A_414, %eq3A_415 : vector<128x1xi1>
    %min3A_417 = arith.minimumf %select_n3A_396, %reshape3A_401 : vector<128x128xf32>
    %max3A_418 = arith.maximumf %select_n3A_396, %reshape3A_401 : vector<128x128xf32>
    %broadcast_in_dim3A_419 = vector.shape_cast %eq3A_416 : vector<128x1xi1> to vector<128x1xi1>
    %broadcast_in_dim3A_420 = vector.broadcast %broadcast_in_dim3A_419 : vector<128x1xi1> to vector<128x128xi1>
    %select_n3A_421 = arith.select %broadcast_in_dim3A_420, %min3A_417, %max3A_418 : vector<128x128xi1>, vector<128x128xf32>
    %reshape3A_422 = vector.shape_cast %select_n3A_421 : vector<128x128xf32> to vector<2x2x32x128xf32>
    %slice3A_423 = vector.extract_strided_slice %reshape3A_422 {offsets = [0, 1, 0, 0], sizes = [2, 1, 32, 128], strides = [1, 1, 1, 1]} : vector<2x2x32x128xf32> to vector<2x1x32x128xf32>
    %slice3A_424 = vector.extract_strided_slice %reshape3A_422 {offsets = [0, 0, 0, 0], sizes = [2, 1, 32, 128], strides = [1, 1, 1, 1]} : vector<2x2x32x128xf32> to vector<2x1x32x128xf32>
    %concatenate3A_425 = tpu.concatenate %slice3A_423, %slice3A_424 in 1 : vector<2x1x32x128xf32>, vector<2x1x32x128xf32> -> vector<2x2x32x128xf32>
    %reshape3A_426 = vector.shape_cast %concatenate3A_425 : vector<2x2x32x128xf32> to vector<128x128xf32>
    %and3A_427 = arith.constant 32 : i32
    %and3A_428 = vector.broadcast %and3A_427 : i32 to vector<128x1xi32>
    %and3A_429 = arith.andi %iota3A, %and3A_428 : vector<128x1xi32>
    %eq3A_430 = arith.constant 0 : i32
    %eq3A_431 = vector.broadcast %eq3A_430 : i32 to vector<128x1xi32>
    %eq3A_432 = arith.cmpi eq, %and3A_429, %eq3A_431 : vector<128x1xi32>
    %and3A_433 = arith.constant 64 : i32
    %and3A_434 = vector.broadcast %and3A_433 : i32 to vector<128x1xi32>
    %and3A_435 = arith.andi %iota3A, %and3A_434 : vector<128x1xi32>
    %eq3A_436 = arith.constant 0 : i32
    %eq3A_437 = vector.broadcast %eq3A_436 : i32 to vector<128x1xi32>
    %eq3A_438 = arith.cmpi eq, %and3A_435, %eq3A_437 : vector<128x1xi32>
    %eq3A_439 = arith.xori %eq3A_432, %eq3A_438 : vector<128x1xi1>
    %eq3A_440 = arith.constant dense<true> : vector<128x1xi1>
    %eq3A_441 = arith.xori %eq3A_439, %eq3A_440 : vector<128x1xi1>
    %min3A_442 = arith.minimumf %select_n3A_421, %reshape3A_426 : vector<128x128xf32>
    %max3A_443 = arith.maximumf %select_n3A_421, %reshape3A_426 : vector<128x128xf32>
    %broadcast_in_dim3A_444 = vector.shape_cast %eq3A_441 : vector<128x1xi1> to vector<128x1xi1>
    %broadcast_in_dim3A_445 = vector.broadcast %broadcast_in_dim3A_444 : vector<128x1xi1> to vector<128x128xi1>
    %select_n3A_446 = arith.select %broadcast_in_dim3A_445, %min3A_442, %max3A_443 : vector<128x128xi1>, vector<128x128xf32>
    %reshape3A_447 = vector.shape_cast %select_n3A_446 : vector<128x128xf32> to vector<4x2x16x128xf32>
    %slice3A_448 = vector.extract_strided_slice %reshape3A_447 {offsets = [0, 1, 0, 0], sizes = [4, 1, 16, 128], strides = [1, 1, 1, 1]} : vector<4x2x16x128xf32> to vector<4x1x16x128xf32>
    %slice3A_449 = vector.extract_strided_slice %reshape3A_447 {offsets = [0, 0, 0, 0], sizes = [4, 1, 16, 128], strides = [1, 1, 1, 1]} : vector<4x2x16x128xf32> to vector<4x1x16x128xf32>
    %concatenate3A_450 = tpu.concatenate %slice3A_448, %slice3A_449 in 1 : vector<4x1x16x128xf32>, vector<4x1x16x128xf32> -> vector<4x2x16x128xf32>
    %reshape3A_451 = vector.shape_cast %concatenate3A_450 : vector<4x2x16x128xf32> to vector<128x128xf32>
    %and3A_452 = arith.constant 16 : i32
    %and3A_453 = vector.broadcast %and3A_452 : i32 to vector<128x1xi32>
    %and3A_454 = arith.andi %iota3A, %and3A_453 : vector<128x1xi32>
    %eq3A_455 = arith.constant 0 : i32
    %eq3A_456 = vector.broadcast %eq3A_455 : i32 to vector<128x1xi32>
    %eq3A_457 = arith.cmpi eq, %and3A_454, %eq3A_456 : vector<128x1xi32>
    %and3A_458 = arith.constant 64 : i32
    %and3A_459 = vector.broadcast %and3A_458 : i32 to vector<128x1xi32>
    %and3A_460 = arith.andi %iota3A, %and3A_459 : vector<128x1xi32>
    %eq3A_461 = arith.constant 0 : i32
    %eq3A_462 = vector.broadcast %eq3A_461 : i32 to vector<128x1xi32>
    %eq3A_463 = arith.cmpi eq, %and3A_460, %eq3A_462 : vector<128x1xi32>
    %eq3A_464 = arith.xori %eq3A_457, %eq3A_463 : vector<128x1xi1>
    %eq3A_465 = arith.constant dense<true> : vector<128x1xi1>
    %eq3A_466 = arith.xori %eq3A_464, %eq3A_465 : vector<128x1xi1>
    %min3A_467 = arith.minimumf %select_n3A_446, %reshape3A_451 : vector<128x128xf32>
    %max3A_468 = arith.maximumf %select_n3A_446, %reshape3A_451 : vector<128x128xf32>
    %broadcast_in_dim3A_469 = vector.shape_cast %eq3A_466 : vector<128x1xi1> to vector<128x1xi1>
    %broadcast_in_dim3A_470 = vector.broadcast %broadcast_in_dim3A_469 : vector<128x1xi1> to vector<128x128xi1>
    %select_n3A_471 = arith.select %broadcast_in_dim3A_470, %min3A_467, %max3A_468 : vector<128x128xi1>, vector<128x128xf32>
    %reshape3A_472 = vector.shape_cast %select_n3A_471 : vector<128x128xf32> to vector<8x2x8x128xf32>
    %slice3A_473 = vector.extract_strided_slice %reshape3A_472 {offsets = [0, 1, 0, 0], sizes = [8, 1, 8, 128], strides = [1, 1, 1, 1]} : vector<8x2x8x128xf32> to vector<8x1x8x128xf32>
    %slice3A_474 = vector.extract_strided_slice %reshape3A_472 {offsets = [0, 0, 0, 0], sizes = [8, 1, 8, 128], strides = [1, 1, 1, 1]} : vector<8x2x8x128xf32> to vector<8x1x8x128xf32>
    %concatenate3A_475 = tpu.concatenate %slice3A_473, %slice3A_474 in 1 : vector<8x1x8x128xf32>, vector<8x1x8x128xf32> -> vector<8x2x8x128xf32>
    %reshape3A_476 = vector.shape_cast %concatenate3A_475 : vector<8x2x8x128xf32> to vector<128x128xf32>
    %and3A_477 = arith.constant 8 : i32
    %and3A_478 = vector.broadcast %and3A_477 : i32 to vector<128x1xi32>
    %and3A_479 = arith.andi %iota3A, %and3A_478 : vector<128x1xi32>
    %eq3A_480 = arith.constant 0 : i32
    %eq3A_481 = vector.broadcast %eq3A_480 : i32 to vector<128x1xi32>
    %eq3A_482 = arith.cmpi eq, %and3A_479, %eq3A_481 : vector<128x1xi32>
    %and3A_483 = arith.constant 64 : i32
    %and3A_484 = vector.broadcast %and3A_483 : i32 to vector<128x1xi32>
    %and3A_485 = arith.andi %iota3A, %and3A_484 : vector<128x1xi32>
    %eq3A_486 = arith.constant 0 : i32
    %eq3A_487 = vector.broadcast %eq3A_486 : i32 to vector<128x1xi32>
    %eq3A_488 = arith.cmpi eq, %and3A_485, %eq3A_487 : vector<128x1xi32>
    %eq3A_489 = arith.xori %eq3A_482, %eq3A_488 : vector<128x1xi1>
    %eq3A_490 = arith.constant dense<true> : vector<128x1xi1>
    %eq3A_491 = arith.xori %eq3A_489, %eq3A_490 : vector<128x1xi1>
    %min3A_492 = arith.minimumf %select_n3A_471, %reshape3A_476 : vector<128x128xf32>
    %max3A_493 = arith.maximumf %select_n3A_471, %reshape3A_476 : vector<128x128xf32>
    %broadcast_in_dim3A_494 = vector.shape_cast %eq3A_491 : vector<128x1xi1> to vector<128x1xi1>
    %broadcast_in_dim3A_495 = vector.broadcast %broadcast_in_dim3A_494 : vector<128x1xi1> to vector<128x128xi1>
    %select_n3A_496 = arith.select %broadcast_in_dim3A_495, %min3A_492, %max3A_493 : vector<128x128xi1>, vector<128x128xf32>
    %reshape3A_497 = vector.shape_cast %select_n3A_496 : vector<128x128xf32> to vector<16x2x4x128xf32>
    %slice3A_498 = vector.extract_strided_slice %reshape3A_497 {offsets = [0, 1, 0, 0], sizes = [16, 1, 4, 128], strides = [1, 1, 1, 1]} : vector<16x2x4x128xf32> to vector<16x1x4x128xf32>
    %slice3A_499 = vector.extract_strided_slice %reshape3A_497 {offsets = [0, 0, 0, 0], sizes = [16, 1, 4, 128], strides = [1, 1, 1, 1]} : vector<16x2x4x128xf32> to vector<16x1x4x128xf32>
    %concatenate3A_500 = tpu.concatenate %slice3A_498, %slice3A_499 in 1 : vector<16x1x4x128xf32>, vector<16x1x4x128xf32> -> vector<16x2x4x128xf32>
    %reshape3A_501 = vector.shape_cast %concatenate3A_500 : vector<16x2x4x128xf32> to vector<128x128xf32>
    %and3A_502 = arith.constant 4 : i32
    %and3A_503 = vector.broadcast %and3A_502 : i32 to vector<128x1xi32>
    %and3A_504 = arith.andi %iota3A, %and3A_503 : vector<128x1xi32>
    %eq3A_505 = arith.constant 0 : i32
    %eq3A_506 = vector.broadcast %eq3A_505 : i32 to vector<128x1xi32>
    %eq3A_507 = arith.cmpi eq, %and3A_504, %eq3A_506 : vector<128x1xi32>
    %and3A_508 = arith.constant 64 : i32
    %and3A_509 = vector.broadcast %and3A_508 : i32 to vector<128x1xi32>
    %and3A_510 = arith.andi %iota3A, %and3A_509 : vector<128x1xi32>
    %eq3A_511 = arith.constant 0 : i32
    %eq3A_512 = vector.broadcast %eq3A_511 : i32 to vector<128x1xi32>
    %eq3A_513 = arith.cmpi eq, %and3A_510, %eq3A_512 : vector<128x1xi32>
    %eq3A_514 = arith.xori %eq3A_507, %eq3A_513 : vector<128x1xi1>
    %eq3A_515 = arith.constant dense<true> : vector<128x1xi1>
    %eq3A_516 = arith.xori %eq3A_514, %eq3A_515 : vector<128x1xi1>
    %min3A_517 = arith.minimumf %select_n3A_496, %reshape3A_501 : vector<128x128xf32>
    %max3A_518 = arith.maximumf %select_n3A_496, %reshape3A_501 : vector<128x128xf32>
    %broadcast_in_dim3A_519 = vector.shape_cast %eq3A_516 : vector<128x1xi1> to vector<128x1xi1>
    %broadcast_in_dim3A_520 = vector.broadcast %broadcast_in_dim3A_519 : vector<128x1xi1> to vector<128x128xi1>
    %select_n3A_521 = arith.select %broadcast_in_dim3A_520, %min3A_517, %max3A_518 : vector<128x128xi1>, vector<128x128xf32>
    %reshape3A_522 = vector.shape_cast %select_n3A_521 : vector<128x128xf32> to vector<32x2x2x128xf32>
    %slice3A_523 = vector.extract_strided_slice %reshape3A_522 {offsets = [0, 1, 0, 0], sizes = [32, 1, 2, 128], strides = [1, 1, 1, 1]} : vector<32x2x2x128xf32> to vector<32x1x2x128xf32>
    %slice3A_524 = vector.extract_strided_slice %reshape3A_522 {offsets = [0, 0, 0, 0], sizes = [32, 1, 2, 128], strides = [1, 1, 1, 1]} : vector<32x2x2x128xf32> to vector<32x1x2x128xf32>
    %concatenate3A_525 = tpu.concatenate %slice3A_523, %slice3A_524 in 1 : vector<32x1x2x128xf32>, vector<32x1x2x128xf32> -> vector<32x2x2x128xf32>
    %reshape3A_526 = vector.shape_cast %concatenate3A_525 : vector<32x2x2x128xf32> to vector<128x128xf32>
    %and3A_527 = arith.constant 2 : i32
    %and3A_528 = vector.broadcast %and3A_527 : i32 to vector<128x1xi32>
    %and3A_529 = arith.andi %iota3A, %and3A_528 : vector<128x1xi32>
    %eq3A_530 = arith.constant 0 : i32
    %eq3A_531 = vector.broadcast %eq3A_530 : i32 to vector<128x1xi32>
    %eq3A_532 = arith.cmpi eq, %and3A_529, %eq3A_531 : vector<128x1xi32>
    %and3A_533 = arith.constant 64 : i32
    %and3A_534 = vector.broadcast %and3A_533 : i32 to vector<128x1xi32>
    %and3A_535 = arith.andi %iota3A, %and3A_534 : vector<128x1xi32>
    %eq3A_536 = arith.constant 0 : i32
    %eq3A_537 = vector.broadcast %eq3A_536 : i32 to vector<128x1xi32>
    %eq3A_538 = arith.cmpi eq, %and3A_535, %eq3A_537 : vector<128x1xi32>
    %eq3A_539 = arith.xori %eq3A_532, %eq3A_538 : vector<128x1xi1>
    %eq3A_540 = arith.constant dense<true> : vector<128x1xi1>
    %eq3A_541 = arith.xori %eq3A_539, %eq3A_540 : vector<128x1xi1>
    %min3A_542 = arith.minimumf %select_n3A_521, %reshape3A_526 : vector<128x128xf32>
    %max3A_543 = arith.maximumf %select_n3A_521, %reshape3A_526 : vector<128x128xf32>
    %broadcast_in_dim3A_544 = vector.shape_cast %eq3A_541 : vector<128x1xi1> to vector<128x1xi1>
    %broadcast_in_dim3A_545 = vector.broadcast %broadcast_in_dim3A_544 : vector<128x1xi1> to vector<128x128xi1>
    %select_n3A_546 = arith.select %broadcast_in_dim3A_545, %min3A_542, %max3A_543 : vector<128x128xi1>, vector<128x128xf32>
    %reshape3A_547 = vector.shape_cast %select_n3A_546 : vector<128x128xf32> to vector<64x2x1x128xf32>
    %slice3A_548 = vector.extract_strided_slice %reshape3A_547 {offsets = [0, 1, 0, 0], sizes = [64, 1, 1, 128], strides = [1, 1, 1, 1]} : vector<64x2x1x128xf32> to vector<64x1x1x128xf32>
    %slice3A_549 = vector.extract_strided_slice %reshape3A_547 {offsets = [0, 0, 0, 0], sizes = [64, 1, 1, 128], strides = [1, 1, 1, 1]} : vector<64x2x1x128xf32> to vector<64x1x1x128xf32>
    %concatenate3A_550 = tpu.concatenate %slice3A_548, %slice3A_549 in 1 : vector<64x1x1x128xf32>, vector<64x1x1x128xf32> -> vector<64x2x1x128xf32>
    %reshape3A_551 = vector.shape_cast %concatenate3A_550 : vector<64x2x1x128xf32> to vector<128x128xf32>
    %and3A_552 = arith.constant 1 : i32
    %and3A_553 = vector.broadcast %and3A_552 : i32 to vector<128x1xi32>
    %and3A_554 = arith.andi %iota3A, %and3A_553 : vector<128x1xi32>
    %eq3A_555 = arith.constant 0 : i32
    %eq3A_556 = vector.broadcast %eq3A_555 : i32 to vector<128x1xi32>
    %eq3A_557 = arith.cmpi eq, %and3A_554, %eq3A_556 : vector<128x1xi32>
    %and3A_558 = arith.constant 64 : i32
    %and3A_559 = vector.broadcast %and3A_558 : i32 to vector<128x1xi32>
    %and3A_560 = arith.andi %iota3A, %and3A_559 : vector<128x1xi32>
    %eq3A_561 = arith.constant 0 : i32
    %eq3A_562 = vector.broadcast %eq3A_561 : i32 to vector<128x1xi32>
    %eq3A_563 = arith.cmpi eq, %and3A_560, %eq3A_562 : vector<128x1xi32>
    %eq3A_564 = arith.xori %eq3A_557, %eq3A_563 : vector<128x1xi1>
    %eq3A_565 = arith.constant dense<true> : vector<128x1xi1>
    %eq3A_566 = arith.xori %eq3A_564, %eq3A_565 : vector<128x1xi1>
    %min3A_567 = arith.minimumf %select_n3A_546, %reshape3A_551 : vector<128x128xf32>
    %max3A_568 = arith.maximumf %select_n3A_546, %reshape3A_551 : vector<128x128xf32>
    %broadcast_in_dim3A_569 = vector.shape_cast %eq3A_566 : vector<128x1xi1> to vector<128x1xi1>
    %broadcast_in_dim3A_570 = vector.broadcast %broadcast_in_dim3A_569 : vector<128x1xi1> to vector<128x128xi1>
    %select_n3A_571 = arith.select %broadcast_in_dim3A_570, %min3A_567, %max3A_568 : vector<128x128xi1>, vector<128x128xf32>
    %reshape3A_572 = vector.shape_cast %select_n3A_571 : vector<128x128xf32> to vector<1x2x64x128xf32>
    %slice3A_573 = vector.extract_strided_slice %reshape3A_572 {offsets = [0, 1, 0, 0], sizes = [1, 1, 64, 128], strides = [1, 1, 1, 1]} : vector<1x2x64x128xf32> to vector<1x1x64x128xf32>
    %slice3A_574 = vector.extract_strided_slice %reshape3A_572 {offsets = [0, 0, 0, 0], sizes = [1, 1, 64, 128], strides = [1, 1, 1, 1]} : vector<1x2x64x128xf32> to vector<1x1x64x128xf32>
    %concatenate3A_575 = tpu.concatenate %slice3A_573, %slice3A_574 in 1 : vector<1x1x64x128xf32>, vector<1x1x64x128xf32> -> vector<1x2x64x128xf32>
    %reshape3A_576 = vector.shape_cast %concatenate3A_575 : vector<1x2x64x128xf32> to vector<128x128xf32>
    %and3A_577 = arith.constant 64 : i32
    %and3A_578 = vector.broadcast %and3A_577 : i32 to vector<128x1xi32>
    %and3A_579 = arith.andi %iota3A, %and3A_578 : vector<128x1xi32>
    %eq3A_580 = arith.constant 0 : i32
    %eq3A_581 = vector.broadcast %eq3A_580 : i32 to vector<128x1xi32>
    %eq3A_582 = arith.cmpi eq, %and3A_579, %eq3A_581 : vector<128x1xi32>
    %and3A_583 = arith.constant 128 : i32
    %and3A_584 = vector.broadcast %and3A_583 : i32 to vector<128x1xi32>
    %and3A_585 = arith.andi %iota3A, %and3A_584 : vector<128x1xi32>
    %eq3A_586 = arith.constant 0 : i32
    %eq3A_587 = vector.broadcast %eq3A_586 : i32 to vector<128x1xi32>
    %eq3A_588 = arith.cmpi eq, %and3A_585, %eq3A_587 : vector<128x1xi32>
    %eq3A_589 = arith.xori %eq3A_582, %eq3A_588 : vector<128x1xi1>
    %eq3A_590 = arith.constant dense<true> : vector<128x1xi1>
    %eq3A_591 = arith.xori %eq3A_589, %eq3A_590 : vector<128x1xi1>
    %min3A_592 = arith.minimumf %select_n3A_571, %reshape3A_576 : vector<128x128xf32>
    %max3A_593 = arith.maximumf %select_n3A_571, %reshape3A_576 : vector<128x128xf32>
    %broadcast_in_dim3A_594 = vector.shape_cast %eq3A_591 : vector<128x1xi1> to vector<128x1xi1>
    %broadcast_in_dim3A_595 = vector.broadcast %broadcast_in_dim3A_594 : vector<128x1xi1> to vector<128x128xi1>
    %select_n3A_596 = arith.select %broadcast_in_dim3A_595, %min3A_592, %max3A_593 : vector<128x128xi1>, vector<128x128xf32>
    %reshape3A_597 = vector.shape_cast %select_n3A_596 : vector<128x128xf32> to vector<2x2x32x128xf32>
    %slice3A_598 = vector.extract_strided_slice %reshape3A_597 {offsets = [0, 1, 0, 0], sizes = [2, 1, 32, 128], strides = [1, 1, 1, 1]} : vector<2x2x32x128xf32> to vector<2x1x32x128xf32>
    %slice3A_599 = vector.extract_strided_slice %reshape3A_597 {offsets = [0, 0, 0, 0], sizes = [2, 1, 32, 128], strides = [1, 1, 1, 1]} : vector<2x2x32x128xf32> to vector<2x1x32x128xf32>
    %concatenate3A_600 = tpu.concatenate %slice3A_598, %slice3A_599 in 1 : vector<2x1x32x128xf32>, vector<2x1x32x128xf32> -> vector<2x2x32x128xf32>
    %reshape3A_601 = vector.shape_cast %concatenate3A_600 : vector<2x2x32x128xf32> to vector<128x128xf32>
    %and3A_602 = arith.constant 32 : i32
    %and3A_603 = vector.broadcast %and3A_602 : i32 to vector<128x1xi32>
    %and3A_604 = arith.andi %iota3A, %and3A_603 : vector<128x1xi32>
    %eq3A_605 = arith.constant 0 : i32
    %eq3A_606 = vector.broadcast %eq3A_605 : i32 to vector<128x1xi32>
    %eq3A_607 = arith.cmpi eq, %and3A_604, %eq3A_606 : vector<128x1xi32>
    %and3A_608 = arith.constant 128 : i32
    %and3A_609 = vector.broadcast %and3A_608 : i32 to vector<128x1xi32>
    %and3A_610 = arith.andi %iota3A, %and3A_609 : vector<128x1xi32>
    %eq3A_611 = arith.constant 0 : i32
    %eq3A_612 = vector.broadcast %eq3A_611 : i32 to vector<128x1xi32>
    %eq3A_613 = arith.cmpi eq, %and3A_610, %eq3A_612 : vector<128x1xi32>
    %eq3A_614 = arith.xori %eq3A_607, %eq3A_613 : vector<128x1xi1>
    %eq3A_615 = arith.constant dense<true> : vector<128x1xi1>
    %eq3A_616 = arith.xori %eq3A_614, %eq3A_615 : vector<128x1xi1>
    %min3A_617 = arith.minimumf %select_n3A_596, %reshape3A_601 : vector<128x128xf32>
    %max3A_618 = arith.maximumf %select_n3A_596, %reshape3A_601 : vector<128x128xf32>
    %broadcast_in_dim3A_619 = vector.shape_cast %eq3A_616 : vector<128x1xi1> to vector<128x1xi1>
    %broadcast_in_dim3A_620 = vector.broadcast %broadcast_in_dim3A_619 : vector<128x1xi1> to vector<128x128xi1>
    %select_n3A_621 = arith.select %broadcast_in_dim3A_620, %min3A_617, %max3A_618 : vector<128x128xi1>, vector<128x128xf32>
    %reshape3A_622 = vector.shape_cast %select_n3A_621 : vector<128x128xf32> to vector<4x2x16x128xf32>
    %slice3A_623 = vector.extract_strided_slice %reshape3A_622 {offsets = [0, 1, 0, 0], sizes = [4, 1, 16, 128], strides = [1, 1, 1, 1]} : vector<4x2x16x128xf32> to vector<4x1x16x128xf32>
    %slice3A_624 = vector.extract_strided_slice %reshape3A_622 {offsets = [0, 0, 0, 0], sizes = [4, 1, 16, 128], strides = [1, 1, 1, 1]} : vector<4x2x16x128xf32> to vector<4x1x16x128xf32>
    %concatenate3A_625 = tpu.concatenate %slice3A_623, %slice3A_624 in 1 : vector<4x1x16x128xf32>, vector<4x1x16x128xf32> -> vector<4x2x16x128xf32>
    %reshape3A_626 = vector.shape_cast %concatenate3A_625 : vector<4x2x16x128xf32> to vector<128x128xf32>
    %and3A_627 = arith.constant 16 : i32
    %and3A_628 = vector.broadcast %and3A_627 : i32 to vector<128x1xi32>
    %and3A_629 = arith.andi %iota3A, %and3A_628 : vector<128x1xi32>
    %eq3A_630 = arith.constant 0 : i32
    %eq3A_631 = vector.broadcast %eq3A_630 : i32 to vector<128x1xi32>
    %eq3A_632 = arith.cmpi eq, %and3A_629, %eq3A_631 : vector<128x1xi32>
    %and3A_633 = arith.constant 128 : i32
    %and3A_634 = vector.broadcast %and3A_633 : i32 to vector<128x1xi32>
    %and3A_635 = arith.andi %iota3A, %and3A_634 : vector<128x1xi32>
    %eq3A_636 = arith.constant 0 : i32
    %eq3A_637 = vector.broadcast %eq3A_636 : i32 to vector<128x1xi32>
    %eq3A_638 = arith.cmpi eq, %and3A_635, %eq3A_637 : vector<128x1xi32>
    %eq3A_639 = arith.xori %eq3A_632, %eq3A_638 : vector<128x1xi1>
    %eq3A_640 = arith.constant dense<true> : vector<128x1xi1>
    %eq3A_641 = arith.xori %eq3A_639, %eq3A_640 : vector<128x1xi1>
    %min3A_642 = arith.minimumf %select_n3A_621, %reshape3A_626 : vector<128x128xf32>
    %max3A_643 = arith.maximumf %select_n3A_621, %reshape3A_626 : vector<128x128xf32>
    %broadcast_in_dim3A_644 = vector.shape_cast %eq3A_641 : vector<128x1xi1> to vector<128x1xi1>
    %broadcast_in_dim3A_645 = vector.broadcast %broadcast_in_dim3A_644 : vector<128x1xi1> to vector<128x128xi1>
    %select_n3A_646 = arith.select %broadcast_in_dim3A_645, %min3A_642, %max3A_643 : vector<128x128xi1>, vector<128x128xf32>
    %reshape3A_647 = vector.shape_cast %select_n3A_646 : vector<128x128xf32> to vector<8x2x8x128xf32>
    %slice3A_648 = vector.extract_strided_slice %reshape3A_647 {offsets = [0, 1, 0, 0], sizes = [8, 1, 8, 128], strides = [1, 1, 1, 1]} : vector<8x2x8x128xf32> to vector<8x1x8x128xf32>
    %slice3A_649 = vector.extract_strided_slice %reshape3A_647 {offsets = [0, 0, 0, 0], sizes = [8, 1, 8, 128], strides = [1, 1, 1, 1]} : vector<8x2x8x128xf32> to vector<8x1x8x128xf32>
    %concatenate3A_650 = tpu.concatenate %slice3A_648, %slice3A_649 in 1 : vector<8x1x8x128xf32>, vector<8x1x8x128xf32> -> vector<8x2x8x128xf32>
    %reshape3A_651 = vector.shape_cast %concatenate3A_650 : vector<8x2x8x128xf32> to vector<128x128xf32>
    %and3A_652 = arith.constant 8 : i32
    %and3A_653 = vector.broadcast %and3A_652 : i32 to vector<128x1xi32>
    %and3A_654 = arith.andi %iota3A, %and3A_653 : vector<128x1xi32>
    %eq3A_655 = arith.constant 0 : i32
    %eq3A_656 = vector.broadcast %eq3A_655 : i32 to vector<128x1xi32>
    %eq3A_657 = arith.cmpi eq, %and3A_654, %eq3A_656 : vector<128x1xi32>
    %and3A_658 = arith.constant 128 : i32
    %and3A_659 = vector.broadcast %and3A_658 : i32 to vector<128x1xi32>
    %and3A_660 = arith.andi %iota3A, %and3A_659 : vector<128x1xi32>
    %eq3A_661 = arith.constant 0 : i32
    %eq3A_662 = vector.broadcast %eq3A_661 : i32 to vector<128x1xi32>
    %eq3A_663 = arith.cmpi eq, %and3A_660, %eq3A_662 : vector<128x1xi32>
    %eq3A_664 = arith.xori %eq3A_657, %eq3A_663 : vector<128x1xi1>
    %eq3A_665 = arith.constant dense<true> : vector<128x1xi1>
    %eq3A_666 = arith.xori %eq3A_664, %eq3A_665 : vector<128x1xi1>
    %min3A_667 = arith.minimumf %select_n3A_646, %reshape3A_651 : vector<128x128xf32>
    %max3A_668 = arith.maximumf %select_n3A_646, %reshape3A_651 : vector<128x128xf32>
    %broadcast_in_dim3A_669 = vector.shape_cast %eq3A_666 : vector<128x1xi1> to vector<128x1xi1>
    %broadcast_in_dim3A_670 = vector.broadcast %broadcast_in_dim3A_669 : vector<128x1xi1> to vector<128x128xi1>
    %select_n3A_671 = arith.select %broadcast_in_dim3A_670, %min3A_667, %max3A_668 : vector<128x128xi1>, vector<128x128xf32>
    %reshape3A_672 = vector.shape_cast %select_n3A_671 : vector<128x128xf32> to vector<16x2x4x128xf32>
    %slice3A_673 = vector.extract_strided_slice %reshape3A_672 {offsets = [0, 1, 0, 0], sizes = [16, 1, 4, 128], strides = [1, 1, 1, 1]} : vector<16x2x4x128xf32> to vector<16x1x4x128xf32>
    %slice3A_674 = vector.extract_strided_slice %reshape3A_672 {offsets = [0, 0, 0, 0], sizes = [16, 1, 4, 128], strides = [1, 1, 1, 1]} : vector<16x2x4x128xf32> to vector<16x1x4x128xf32>
    %concatenate3A_675 = tpu.concatenate %slice3A_673, %slice3A_674 in 1 : vector<16x1x4x128xf32>, vector<16x1x4x128xf32> -> vector<16x2x4x128xf32>
    %reshape3A_676 = vector.shape_cast %concatenate3A_675 : vector<16x2x4x128xf32> to vector<128x128xf32>
    %and3A_677 = arith.constant 4 : i32
    %and3A_678 = vector.broadcast %and3A_677 : i32 to vector<128x1xi32>
    %and3A_679 = arith.andi %iota3A, %and3A_678 : vector<128x1xi32>
    %eq3A_680 = arith.constant 0 : i32
    %eq3A_681 = vector.broadcast %eq3A_680 : i32 to vector<128x1xi32>
    %eq3A_682 = arith.cmpi eq, %and3A_679, %eq3A_681 : vector<128x1xi32>
    %and3A_683 = arith.constant 128 : i32
    %and3A_684 = vector.broadcast %and3A_683 : i32 to vector<128x1xi32>
    %and3A_685 = arith.andi %iota3A, %and3A_684 : vector<128x1xi32>
    %eq3A_686 = arith.constant 0 : i32
    %eq3A_687 = vector.broadcast %eq3A_686 : i32 to vector<128x1xi32>
    %eq3A_688 = arith.cmpi eq, %and3A_685, %eq3A_687 : vector<128x1xi32>
    %eq3A_689 = arith.xori %eq3A_682, %eq3A_688 : vector<128x1xi1>
    %eq3A_690 = arith.constant dense<true> : vector<128x1xi1>
    %eq3A_691 = arith.xori %eq3A_689, %eq3A_690 : vector<128x1xi1>
    %min3A_692 = arith.minimumf %select_n3A_671, %reshape3A_676 : vector<128x128xf32>
    %max3A_693 = arith.maximumf %select_n3A_671, %reshape3A_676 : vector<128x128xf32>
    %broadcast_in_dim3A_694 = vector.shape_cast %eq3A_691 : vector<128x1xi1> to vector<128x1xi1>
    %broadcast_in_dim3A_695 = vector.broadcast %broadcast_in_dim3A_694 : vector<128x1xi1> to vector<128x128xi1>
    %select_n3A_696 = arith.select %broadcast_in_dim3A_695, %min3A_692, %max3A_693 : vector<128x128xi1>, vector<128x128xf32>
    %reshape3A_697 = vector.shape_cast %select_n3A_696 : vector<128x128xf32> to vector<32x2x2x128xf32>
    %slice3A_698 = vector.extract_strided_slice %reshape3A_697 {offsets = [0, 1, 0, 0], sizes = [32, 1, 2, 128], strides = [1, 1, 1, 1]} : vector<32x2x2x128xf32> to vector<32x1x2x128xf32>
    %slice3A_699 = vector.extract_strided_slice %reshape3A_697 {offsets = [0, 0, 0, 0], sizes = [32, 1, 2, 128], strides = [1, 1, 1, 1]} : vector<32x2x2x128xf32> to vector<32x1x2x128xf32>
    %concatenate3A_700 = tpu.concatenate %slice3A_698, %slice3A_699 in 1 : vector<32x1x2x128xf32>, vector<32x1x2x128xf32> -> vector<32x2x2x128xf32>
    %reshape3A_701 = vector.shape_cast %concatenate3A_700 : vector<32x2x2x128xf32> to vector<128x128xf32>
    %and3A_702 = arith.constant 2 : i32
    %and3A_703 = vector.broadcast %and3A_702 : i32 to vector<128x1xi32>
    %and3A_704 = arith.andi %iota3A, %and3A_703 : vector<128x1xi32>
    %eq3A_705 = arith.constant 0 : i32
    %eq3A_706 = vector.broadcast %eq3A_705 : i32 to vector<128x1xi32>
    %eq3A_707 = arith.cmpi eq, %and3A_704, %eq3A_706 : vector<128x1xi32>
    %and3A_708 = arith.constant 128 : i32
    %and3A_709 = vector.broadcast %and3A_708 : i32 to vector<128x1xi32>
    %and3A_710 = arith.andi %iota3A, %and3A_709 : vector<128x1xi32>
    %eq3A_711 = arith.constant 0 : i32
    %eq3A_712 = vector.broadcast %eq3A_711 : i32 to vector<128x1xi32>
    %eq3A_713 = arith.cmpi eq, %and3A_710, %eq3A_712 : vector<128x1xi32>
    %eq3A_714 = arith.xori %eq3A_707, %eq3A_713 : vector<128x1xi1>
    %eq3A_715 = arith.constant dense<true> : vector<128x1xi1>
    %eq3A_716 = arith.xori %eq3A_714, %eq3A_715 : vector<128x1xi1>
    %min3A_717 = arith.minimumf %select_n3A_696, %reshape3A_701 : vector<128x128xf32>
    %max3A_718 = arith.maximumf %select_n3A_696, %reshape3A_701 : vector<128x128xf32>
    %broadcast_in_dim3A_719 = vector.shape_cast %eq3A_716 : vector<128x1xi1> to vector<128x1xi1>
    %broadcast_in_dim3A_720 = vector.broadcast %broadcast_in_dim3A_719 : vector<128x1xi1> to vector<128x128xi1>
    %select_n3A_721 = arith.select %broadcast_in_dim3A_720, %min3A_717, %max3A_718 : vector<128x128xi1>, vector<128x128xf32>
    %reshape3A_722 = vector.shape_cast %select_n3A_721 : vector<128x128xf32> to vector<64x2x1x128xf32>
    %slice3A_723 = vector.extract_strided_slice %reshape3A_722 {offsets = [0, 1, 0, 0], sizes = [64, 1, 1, 128], strides = [1, 1, 1, 1]} : vector<64x2x1x128xf32> to vector<64x1x1x128xf32>
    %slice3A_724 = vector.extract_strided_slice %reshape3A_722 {offsets = [0, 0, 0, 0], sizes = [64, 1, 1, 128], strides = [1, 1, 1, 1]} : vector<64x2x1x128xf32> to vector<64x1x1x128xf32>
    %concatenate3A_725 = tpu.concatenate %slice3A_723, %slice3A_724 in 1 : vector<64x1x1x128xf32>, vector<64x1x1x128xf32> -> vector<64x2x1x128xf32>
    %reshape3A_726 = vector.shape_cast %concatenate3A_725 : vector<64x2x1x128xf32> to vector<128x128xf32>
    %and3A_727 = arith.constant 1 : i32
    %and3A_728 = vector.broadcast %and3A_727 : i32 to vector<128x1xi32>
    %and3A_729 = arith.andi %iota3A, %and3A_728 : vector<128x1xi32>
    %eq3A_730 = arith.constant 0 : i32
    %eq3A_731 = vector.broadcast %eq3A_730 : i32 to vector<128x1xi32>
    %eq3A_732 = arith.cmpi eq, %and3A_729, %eq3A_731 : vector<128x1xi32>
    %and3A_733 = arith.constant 128 : i32
    %and3A_734 = vector.broadcast %and3A_733 : i32 to vector<128x1xi32>
    %and3A_735 = arith.andi %iota3A, %and3A_734 : vector<128x1xi32>
    %eq3A_736 = arith.constant 0 : i32
    %eq3A_737 = vector.broadcast %eq3A_736 : i32 to vector<128x1xi32>
    %eq3A_738 = arith.cmpi eq, %and3A_735, %eq3A_737 : vector<128x1xi32>
    %eq3A_739 = arith.xori %eq3A_732, %eq3A_738 : vector<128x1xi1>
    %eq3A_740 = arith.constant dense<true> : vector<128x1xi1>
    %eq3A_741 = arith.xori %eq3A_739, %eq3A_740 : vector<128x1xi1>
    %min3A_742 = arith.minimumf %select_n3A_721, %reshape3A_726 : vector<128x128xf32>
    %max3A_743 = arith.maximumf %select_n3A_721, %reshape3A_726 : vector<128x128xf32>
    %broadcast_in_dim3A_744 = vector.shape_cast %eq3A_741 : vector<128x1xi1> to vector<128x1xi1>
    %broadcast_in_dim3A_745 = vector.broadcast %broadcast_in_dim3A_744 : vector<128x1xi1> to vector<128x128xi1>
    %select_n3A_746 = arith.select %broadcast_in_dim3A_745, %min3A_742, %max3A_743 : vector<128x128xi1>, vector<128x128xf32>
    %slice3A_747 = vector.extract_strided_slice %select_n3A_746 {offsets = [63, 0], sizes = [1, 128], strides = [1, 1]} : vector<128x128xf32> to vector<1x128xf32>
    %swap3A_748 = arith.constant 0 : index
    %swap3A_749 = arith.constant 0 : index
    %swap3A_750 = arith.constant 0 : index
    %swap3A_751 = vector.load %arg7[%swap3A_748, %swap3A_749, %swap3A_750] : memref<1x1x128xf32, #tpu.memory_space<vmem>>, vector<1x1x128xf32>
    %swap3A_752 = vector.shape_cast %swap3A_751 : vector<1x1x128xf32> to vector<1x128xf32>
    %swap3A_753 = vector.shape_cast %slice3A_747 : vector<1x128xf32> to vector<1x1x128xf32>
    tpu.vector_store %arg7[%swap3A_748, %swap3A_749, %swap3A_750], %swap3A_753 {strides = array<i32>} : memref<1x1x128xf32, #tpu.memory_space<vmem>>, vector<1x1x128xf32>,
    return
  }
  func.func @transform_0(%arg0: i32, %arg1: i32) -> (i32, i32, i32) {
    %c0_i32 = arith.constant 0 : i32
    %c0_i32_0 = arith.constant 0 : i32
    return %arg0, %arg1, %c0_i32 : i32, i32, i32
  }
  func.func @transform_1(%arg0: i32, %arg1: i32) -> (i32, i32, i32) {
    %c0_i32 = arith.constant 0 : i32
    %c0_i32_0 = arith.constant 0 : i32
    return %arg0, %c0_i32, %arg1 : i32, i32, i32
  }
  func.func @transform_2(%arg0: i32, %arg1: i32) -> (i32, i32, i32) {
    %c0_i32 = arith.constant 0 : i32
    %c0_i32_0 = arith.constant 0 : i32
    %c0_i32_1 = arith.constant 0 : i32
    return %arg0, %c0_i32, %c0_i32_0 : i32, i32, i32
  }
  func.func @transform_3(%arg0: i32, %arg1: i32) -> (i32, i32, i32) {
    %c0_i32 = arith.constant 0 : i32
    %c0_i32_0 = arith.constant 0 : i32
    %c0_i32_1 = arith.constant 0 : i32
    return %arg0, %c0_i32, %c0_i32_0 : i32, i32, i32
  }
  func.func @transform_4(%arg0: i32, %arg1: i32) -> (i32, i32, i32) {
    %c0_i32 = arith.constant 0 : i32
    %c0_i32_0 = arith.constant 0 : i32
    return %arg0, %arg1, %c0_i32 : i32, i32, i32
  }
  func.func @transform_5(%arg0: i32, %arg1: i32) -> (i32, i32, i32) {
    %mul3A = arith.constant 16 : i32
    %mul3A_0 = arith.muli %arg0, %mul3A : i32
    %add3A = arith.addi %mul3A_0, %arg1 : i32
    %c0_i32 = arith.constant 0 : i32
    %c0_i32_1 = arith.constant 0 : i32
    %c0_i32_2 = arith.constant 0 : i32
    return %add3A, %c0_i32, %c0_i32_1 : i32, i32, i32
  }
}

module attributes {stable_mosaic.version = 14 : i64} {
  func.func @_stats1_body(%arg0: i32, %arg1: i32, %arg2: memref<1x128x64x32xf32, #tpu.memory_space<vmem>>, %arg3: memref<1x128x32xf32, #tpu.memory_space<vmem>>, %arg4: memref<32x64xf32, #tpu.memory_space<vmem>>, %arg5: memref<32x64xf32, #tpu.memory_space<vmem>>, %arg6: memref<64xf32, #tpu.memory_space<vmem>>, %arg7: memref<1x64xf32, #tpu.memory_space<vmem>>, %arg8: memref<1x64xf32, #tpu.memory_space<vmem>>, %arg9: memref<8x64xf32, #tpu.memory_space<vmem>>, %arg10: memref<8x64xf32, #tpu.memory_space<vmem>>) attributes {dimension_semantics = [#tpu.dimension_semantics<arbitrary>, #tpu.dimension_semantics<arbitrary>], iteration_bounds = array<i64: 4, 16>, scalar_prefetch = 0 : i64, scratch_operands = 2 : i64, tpu.core_type = #tpu.core_type<tc>, window_params = [{transform_indices = @transform_0, window_bounds = array<i64: 1, 128, 64, 32>}, {transform_indices = @transform_1, window_bounds = array<i64: 1, 128, 32>}, {pipeline_mode = #tpu.pipeline_mode<synchronous>, transform_indices = @transform_2, window_bounds = array<i64: 32, 64>}, {pipeline_mode = #tpu.pipeline_mode<synchronous>, transform_indices = @transform_3, window_bounds = array<i64: 32, 64>}, {pipeline_mode = #tpu.pipeline_mode<synchronous>, transform_indices = @transform_4, window_bounds = array<i64: 64>}, {pipeline_mode = #tpu.pipeline_mode<synchronous>, transform_indices = @transform_5, window_bounds = array<i64: 1, 64>}, {pipeline_mode = #tpu.pipeline_mode<synchronous>, transform_indices = @transform_6, window_bounds = array<i64: 1, 64>}]} {
    %mul3A = arith.constant 16 : i32
    %mul3A_0 = arith.muli %arg0, %mul3A : i32
    %add3A = arith.addi %mul3A_0, %arg1 : i32
    %get3A = arith.constant 0 : index
    %get3A_1 = arith.constant 0 : index
    %get3A_2 = arith.constant 0 : index
    %get3A_3 = arith.constant 0 : index
    %get3A_4 = vector.load %arg2[%get3A, %get3A_1, %get3A_2, %get3A_3] : memref<1x128x64x32xf32, #tpu.memory_space<vmem>>, vector<1x128x64x32xf32>
    %get3A_5 = vector.shape_cast %get3A_4 : vector<1x128x64x32xf32> to vector<128x64x32xf32>
    %get3A_6 = arith.constant 0 : index
    %get3A_7 = arith.constant 0 : index
    %get3A_8 = arith.constant 0 : index
    %get3A_9 = vector.load %arg3[%get3A_6, %get3A_7, %get3A_8] : memref<1x128x32xf32, #tpu.memory_space<vmem>>, vector<1x128x32xf32>
    %get3A_10 = vector.shape_cast %get3A_9 : vector<1x128x32xf32> to vector<128x32xf32>
    %get3A_11 = arith.constant 0 : index
    %get3A_12 = arith.constant 0 : index
    %get3A_13 = vector.load %arg4[%get3A_11, %get3A_12] : memref<32x64xf32, #tpu.memory_space<vmem>>, vector<32x64xf32>
    %get3A_14 = arith.constant 0 : index
    %get3A_15 = arith.constant 0 : index
    %get3A_16 = vector.load %arg5[%get3A_14, %get3A_15] : memref<32x64xf32, #tpu.memory_space<vmem>>, vector<32x64xf32>
    %reshape3A = vector.shape_cast %get3A_5 : vector<128x64x32xf32> to vector<8192x32xf32>
    %dot_general3A = arith.constant dense<0.000000e+00> : vector<8192x64xf32>
    %dot_general3A_17 = tpu.matmul %reshape3A, %get3A_13, %dot_general3A {dimension_numbers = #tpu.dot_dimension_numbers<[1], [0], [0], [1], [0, 0, 1, 1], [], []>, transpose_lhs_hint = false} : vector<8192x32xf32>, vector<32x64xf32>, vector<8192x64xf32> -> vector<8192x64xf32>
    %get3A_18 = arith.constant 0 : index
    %get3A_19 = vector.load %arg6[%get3A_18] : memref<64xf32, #tpu.memory_space<vmem>>, vector<64xf32>
    %dot_general3A_20 = arith.constant dense<0.000000e+00> : vector<128x64xf32>
    %dot_general3A_21 = tpu.matmul %get3A_10, %get3A_16, %dot_general3A_20 {dimension_numbers = #tpu.dot_dimension_numbers<[1], [0], [0], [1], [0, 0, 1, 1], [], []>, transpose_lhs_hint = false} : vector<128x32xf32>, vector<32x64xf32>, vector<128x64xf32> -> vector<128x64xf32>
    %broadcast_in_dim3A = vector.shape_cast %get3A_19 : vector<64xf32> to vector<1x64xf32>
    %sub3A = vector.broadcast %broadcast_in_dim3A : vector<1x64xf32> to vector<128x64xf32>
    %sub3A_22 = arith.subf %sub3A, %dot_general3A_21 : vector<128x64xf32>
    %reshape3A_23 = vector.shape_cast %dot_general3A_17 : vector<8192x64xf32> to vector<128x64x64xf32>
    %broadcast_in_dim3A_24 = vector.shape_cast %sub3A_22 : vector<128x64xf32> to vector<128x1x64xf32>
    %add3A_25 = vector.broadcast %broadcast_in_dim3A_24 : vector<128x1x64xf32> to vector<128x64x64xf32>
    %add3A_26 = arith.addf %reshape3A_23, %add3A_25 : vector<128x64x64xf32>
    %reduce_sum3A = arith.constant dense<0.000000e+00> : vector<64xf32>
    %reduce_sum3A_27 = vector.multi_reduction <add>, %add3A_26, %reduce_sum3A [0, 1] : vector<128x64x64xf32> to vector<64xf32>
    %broadcast_in_dim3A_28 = vector.shape_cast %reduce_sum3A_27 : vector<64xf32> to vector<1x64xf32>
    %mul3A_29 = arith.mulf %add3A_26, %add3A_26 : vector<128x64x64xf32>
    %reduce_sum3A_30 = arith.constant dense<0.000000e+00> : vector<64xf32>
    %reduce_sum3A_31 = vector.multi_reduction <add>, %mul3A_29, %reduce_sum3A_30 [0, 1] : vector<128x64x64xf32> to vector<64xf32>
    %broadcast_in_dim3A_32 = vector.shape_cast %reduce_sum3A_31 : vector<64xf32> to vector<1x64xf32>
    %eq3A = arith.constant 0 : i32
    %eq3A_33 = arith.cmpi eq, %add3A, %eq3A : i32
    %convert_element_type3A = arith.extui %eq3A_33 : i1 to i32
    %cond3A = arith.constant 0 : i32
    %cond3A_34 = arith.cmpi ne, %convert_element_type3A, %cond3A : i32
    scf.if %cond3A_34 {
      %broadcast_in_dim3A_53 = arith.constant 0.000000e+00 : f32
      %broadcast_in_dim3A_54 = vector.broadcast %broadcast_in_dim3A_53 : f32 to vector<8x64xf32>
      %swap3A_55 = arith.constant 0 : index
      %swap3A_56 = arith.constant 0 : index
      %swap3A_57 = vector.load %arg9[%swap3A_55, %swap3A_56] : memref<8x64xf32, #tpu.memory_space<vmem>>, vector<8x64xf32>
      tpu.vector_store %arg9[%swap3A_55, %swap3A_56], %broadcast_in_dim3A_54 {strides = array<i32>} : memref<8x64xf32, #tpu.memory_space<vmem>>, vector<8x64xf32>,
      %broadcast_in_dim3A_58 = arith.constant 0.000000e+00 : f32
      %broadcast_in_dim3A_59 = vector.broadcast %broadcast_in_dim3A_58 : f32 to vector<8x64xf32>
      %swap3A_60 = arith.constant 0 : index
      %swap3A_61 = arith.constant 0 : index
      %swap3A_62 = vector.load %arg10[%swap3A_60, %swap3A_61] : memref<8x64xf32, #tpu.memory_space<vmem>>, vector<8x64xf32>
      tpu.vector_store %arg10[%swap3A_60, %swap3A_61], %broadcast_in_dim3A_59 {strides = array<i32>} : memref<8x64xf32, #tpu.memory_space<vmem>>, vector<8x64xf32>,
    } else {
    }
    %get3A_35 = arith.constant 0 : index
    %get3A_36 = arith.constant 0 : index
    %get3A_37 = vector.load %arg9[%get3A_35, %get3A_36] : memref<8x64xf32, #tpu.memory_space<vmem>>, vector<1x64xf32>
    %add3A_38 = arith.addf %get3A_37, %broadcast_in_dim3A_28 : vector<1x64xf32>
    %swap3A = arith.constant 0 : index
    %swap3A_39 = arith.constant 0 : index
    %swap3A_40 = vector.load %arg9[%swap3A, %swap3A_39] : memref<8x64xf32, #tpu.memory_space<vmem>>, vector<1x64xf32>
    tpu.vector_store %arg9[%swap3A, %swap3A_39], %add3A_38 {strides = array<i32>} : memref<8x64xf32, #tpu.memory_space<vmem>>, vector<1x64xf32>,
    %get3A_41 = arith.constant 0 : index
    %get3A_42 = arith.constant 0 : index
    %get3A_43 = vector.load %arg10[%get3A_41, %get3A_42] : memref<8x64xf32, #tpu.memory_space<vmem>>, vector<1x64xf32>
    %add3A_44 = arith.addf %get3A_43, %broadcast_in_dim3A_32 : vector<1x64xf32>
    %swap3A_45 = arith.constant 0 : index
    %swap3A_46 = arith.constant 0 : index
    %swap3A_47 = vector.load %arg10[%swap3A_45, %swap3A_46] : memref<8x64xf32, #tpu.memory_space<vmem>>, vector<1x64xf32>
    tpu.vector_store %arg10[%swap3A_45, %swap3A_46], %add3A_44 {strides = array<i32>} : memref<8x64xf32, #tpu.memory_space<vmem>>, vector<1x64xf32>,
    %eq3A_48 = arith.constant 63 : i32
    %eq3A_49 = arith.cmpi eq, %add3A, %eq3A_48 : i32
    %convert_element_type3A_50 = arith.extui %eq3A_49 : i1 to i32
    %cond3A_51 = arith.constant 0 : i32
    %cond3A_52 = arith.cmpi ne, %convert_element_type3A_50, %cond3A_51 : i32
    scf.if %cond3A_52 {
      %get3A_53 = arith.constant 0 : index
      %get3A_54 = arith.constant 0 : index
      %get3A_55 = vector.load %arg9[%get3A_53, %get3A_54] : memref<8x64xf32, #tpu.memory_space<vmem>>, vector<1x64xf32>
      %swap3A_56 = arith.constant 0 : index
      %swap3A_57 = arith.constant 0 : index
      %swap3A_58 = vector.load %arg7[%swap3A_56, %swap3A_57] : memref<1x64xf32, #tpu.memory_space<vmem>>, vector<1x64xf32>
      tpu.vector_store %arg7[%swap3A_56, %swap3A_57], %get3A_55 {strides = array<i32>} : memref<1x64xf32, #tpu.memory_space<vmem>>, vector<1x64xf32>,
      %get3A_59 = arith.constant 0 : index
      %get3A_60 = arith.constant 0 : index
      %get3A_61 = vector.load %arg10[%get3A_59, %get3A_60] : memref<8x64xf32, #tpu.memory_space<vmem>>, vector<1x64xf32>
      %swap3A_62 = arith.constant 0 : index
      %swap3A_63 = arith.constant 0 : index
      %swap3A_64 = vector.load %arg8[%swap3A_62, %swap3A_63] : memref<1x64xf32, #tpu.memory_space<vmem>>, vector<1x64xf32>
      tpu.vector_store %arg8[%swap3A_62, %swap3A_63], %get3A_61 {strides = array<i32>} : memref<1x64xf32, #tpu.memory_space<vmem>>, vector<1x64xf32>,
    } else {
    }
    return
  }
  func.func @transform_0(%arg0: i32, %arg1: i32) -> (i32, i32, i32, i32) {
    %c0_i32 = arith.constant 0 : i32
    %c0_i32_0 = arith.constant 0 : i32
    %c0_i32_1 = arith.constant 0 : i32
    return %arg0, %arg1, %c0_i32, %c0_i32_0 : i32, i32, i32, i32
  }
  func.func @transform_1(%arg0: i32, %arg1: i32) -> (i32, i32, i32) {
    %c0_i32 = arith.constant 0 : i32
    %c0_i32_0 = arith.constant 0 : i32
    return %arg0, %arg1, %c0_i32 : i32, i32, i32
  }
  func.func @transform_2(%arg0: i32, %arg1: i32) -> (i32, i32) {
    %c0_i32 = arith.constant 0 : i32
    %c0_i32_0 = arith.constant 0 : i32
    %c0_i32_1 = arith.constant 0 : i32
    return %c0_i32, %c0_i32_0 : i32, i32
  }
  func.func @transform_3(%arg0: i32, %arg1: i32) -> (i32, i32) {
    %c0_i32 = arith.constant 0 : i32
    %c0_i32_0 = arith.constant 0 : i32
    %c0_i32_1 = arith.constant 0 : i32
    return %c0_i32, %c0_i32_0 : i32, i32
  }
  func.func @transform_4(%arg0: i32, %arg1: i32) -> i32 {
    %c0_i32 = arith.constant 0 : i32
    %c0_i32_0 = arith.constant 0 : i32
    return %c0_i32 : i32
  }
  func.func @transform_5(%arg0: i32, %arg1: i32) -> (i32, i32) {
    %c0_i32 = arith.constant 0 : i32
    %c0_i32_0 = arith.constant 0 : i32
    %c0_i32_1 = arith.constant 0 : i32
    return %c0_i32, %c0_i32_0 : i32, i32
  }
  func.func @transform_6(%arg0: i32, %arg1: i32) -> (i32, i32) {
    %c0_i32 = arith.constant 0 : i32
    %c0_i32_0 = arith.constant 0 : i32
    %c0_i32_1 = arith.constant 0 : i32
    return %c0_i32, %c0_i32_0 : i32, i32
  }
}

module attributes {stable_mosaic.version = 14 : i64} {
  func.func @_layer2_body(%arg0: i32, %arg1: i32, %arg2: memref<1x128x64x32xf32, #tpu.memory_space<vmem>>, %arg3: memref<1x128x32xf32, #tpu.memory_space<vmem>>, %arg4: memref<32x64xf32, #tpu.memory_space<vmem>>, %arg5: memref<32x64xf32, #tpu.memory_space<vmem>>, %arg6: memref<64xf32, #tpu.memory_space<vmem>>, %arg7: memref<64xf32, #tpu.memory_space<vmem>>, %arg8: memref<64xf32, #tpu.memory_space<vmem>>, %arg9: memref<64x64xf32, #tpu.memory_space<vmem>>, %arg10: memref<64xf32, #tpu.memory_space<vmem>>, %arg11: memref<1x128x64xf32, #tpu.memory_space<vmem>>, %arg12: memref<1x128x64xf32, #tpu.memory_space<vmem>>, %arg13: memref<1x64xf32, #tpu.memory_space<vmem>>, %arg14: memref<1x64xf32, #tpu.memory_space<vmem>>, %arg15: memref<8x64xf32, #tpu.memory_space<vmem>>, %arg16: memref<8x64xf32, #tpu.memory_space<vmem>>) attributes {dimension_semantics = [#tpu.dimension_semantics<arbitrary>, #tpu.dimension_semantics<arbitrary>], iteration_bounds = array<i64: 4, 16>, scalar_prefetch = 0 : i64, scratch_operands = 2 : i64, tpu.core_type = #tpu.core_type<tc>, window_params = [{transform_indices = @transform_0, window_bounds = array<i64: 1, 128, 64, 32>}, {transform_indices = @transform_1, window_bounds = array<i64: 1, 128, 32>}, {pipeline_mode = #tpu.pipeline_mode<synchronous>, transform_indices = @transform_2, window_bounds = array<i64: 32, 64>}, {pipeline_mode = #tpu.pipeline_mode<synchronous>, transform_indices = @transform_3, window_bounds = array<i64: 32, 64>}, {pipeline_mode = #tpu.pipeline_mode<synchronous>, transform_indices = @transform_4, window_bounds = array<i64: 64>}, {pipeline_mode = #tpu.pipeline_mode<synchronous>, transform_indices = @transform_5, window_bounds = array<i64: 64>}, {pipeline_mode = #tpu.pipeline_mode<synchronous>, transform_indices = @transform_6, window_bounds = array<i64: 64>}, {pipeline_mode = #tpu.pipeline_mode<synchronous>, transform_indices = @transform_7, window_bounds = array<i64: 64, 64>}, {pipeline_mode = #tpu.pipeline_mode<synchronous>, transform_indices = @transform_8, window_bounds = array<i64: 64>}, {transform_indices = @transform_9, window_bounds = array<i64: 1, 128, 64>}, {transform_indices = @transform_10, window_bounds = array<i64: 1, 128, 64>}, {pipeline_mode = #tpu.pipeline_mode<synchronous>, transform_indices = @transform_11, window_bounds = array<i64: 1, 64>}, {pipeline_mode = #tpu.pipeline_mode<synchronous>, transform_indices = @transform_12, window_bounds = array<i64: 1, 64>}]} {
    %mul3A = arith.constant 16 : i32
    %mul3A_0 = arith.muli %arg0, %mul3A : i32
    %add3A = arith.addi %mul3A_0, %arg1 : i32
    %get3A = arith.constant 0 : index
    %get3A_1 = arith.constant 0 : index
    %get3A_2 = arith.constant 0 : index
    %get3A_3 = arith.constant 0 : index
    %get3A_4 = vector.load %arg2[%get3A, %get3A_1, %get3A_2, %get3A_3] : memref<1x128x64x32xf32, #tpu.memory_space<vmem>>, vector<1x128x64x32xf32>
    %get3A_5 = vector.shape_cast %get3A_4 : vector<1x128x64x32xf32> to vector<128x64x32xf32>
    %get3A_6 = arith.constant 0 : index
    %get3A_7 = arith.constant 0 : index
    %get3A_8 = arith.constant 0 : index
    %get3A_9 = vector.load %arg3[%get3A_6, %get3A_7, %get3A_8] : memref<1x128x32xf32, #tpu.memory_space<vmem>>, vector<1x128x32xf32>
    %get3A_10 = vector.shape_cast %get3A_9 : vector<1x128x32xf32> to vector<128x32xf32>
    %reshape3A = vector.shape_cast %get3A_5 : vector<128x64x32xf32> to vector<8192x32xf32>
    %get3A_11 = arith.constant 0 : index
    %get3A_12 = arith.constant 0 : index
    %get3A_13 = vector.load %arg4[%get3A_11, %get3A_12] : memref<32x64xf32, #tpu.memory_space<vmem>>, vector<32x64xf32>
    %dot_general3A = arith.constant dense<0.000000e+00> : vector<8192x64xf32>
    %dot_general3A_14 = tpu.matmul %reshape3A, %get3A_13, %dot_general3A {dimension_numbers = #tpu.dot_dimension_numbers<[1], [0], [0], [1], [0, 0, 1, 1], [], []>, transpose_lhs_hint = false} : vector<8192x32xf32>, vector<32x64xf32>, vector<8192x64xf32> -> vector<8192x64xf32>
    %get3A_15 = arith.constant 0 : index
    %get3A_16 = vector.load %arg6[%get3A_15] : memref<64xf32, #tpu.memory_space<vmem>>, vector<64xf32>
    %get3A_17 = arith.constant 0 : index
    %get3A_18 = arith.constant 0 : index
    %get3A_19 = vector.load %arg5[%get3A_17, %get3A_18] : memref<32x64xf32, #tpu.memory_space<vmem>>, vector<32x64xf32>
    %dot_general3A_20 = arith.constant dense<0.000000e+00> : vector<128x64xf32>
    %dot_general3A_21 = tpu.matmul %get3A_10, %get3A_19, %dot_general3A_20 {dimension_numbers = #tpu.dot_dimension_numbers<[1], [0], [0], [1], [0, 0, 1, 1], [], []>, transpose_lhs_hint = false} : vector<128x32xf32>, vector<32x64xf32>, vector<128x64xf32> -> vector<128x64xf32>
    %broadcast_in_dim3A = vector.shape_cast %get3A_16 : vector<64xf32> to vector<1x64xf32>
    %sub3A = vector.broadcast %broadcast_in_dim3A : vector<1x64xf32> to vector<128x64xf32>
    %sub3A_22 = arith.subf %sub3A, %dot_general3A_21 : vector<128x64xf32>
    %reshape3A_23 = vector.shape_cast %dot_general3A_14 : vector<8192x64xf32> to vector<128x64x64xf32>
    %broadcast_in_dim3A_24 = vector.shape_cast %sub3A_22 : vector<128x64xf32> to vector<128x1x64xf32>
    %add3A_25 = vector.broadcast %broadcast_in_dim3A_24 : vector<128x1x64xf32> to vector<128x64x64xf32>
    %add3A_26 = arith.addf %reshape3A_23, %add3A_25 : vector<128x64x64xf32>
    %get3A_27 = arith.constant 0 : index
    %get3A_28 = vector.load %arg8[%get3A_27] : memref<64xf32, #tpu.memory_space<vmem>>, vector<64xf32>
    %broadcast_in_dim3A_29 = vector.shape_cast %get3A_28 : vector<64xf32> to vector<1x64xf32>
    %broadcast_in_dim3A_30 = vector.shape_cast %broadcast_in_dim3A_29 : vector<1x64xf32> to vector<1x1x64xf32>
    %mul3A_31 = vector.broadcast %broadcast_in_dim3A_30 : vector<1x1x64xf32> to vector<128x64x64xf32>
    %mul3A_32 = arith.mulf %add3A_26, %mul3A_31 : vector<128x64x64xf32>
    %get3A_33 = arith.constant 0 : index
    %get3A_34 = vector.load %arg7[%get3A_33] : memref<64xf32, #tpu.memory_space<vmem>>, vector<64xf32>
    %broadcast_in_dim3A_35 = vector.shape_cast %get3A_34 : vector<64xf32> to vector<1x64xf32>
    %broadcast_in_dim3A_36 = vector.shape_cast %broadcast_in_dim3A_35 : vector<1x64xf32> to vector<1x1x64xf32>
    %add3A_37 = vector.broadcast %broadcast_in_dim3A_36 : vector<1x1x64xf32> to vector<128x64x64xf32>
    %add3A_38 = arith.addf %mul3A_32, %add3A_37 : vector<128x64x64xf32>
    %max3A = arith.constant 0.000000e+00 : f32
    %max3A_39 = vector.broadcast %max3A : f32 to vector<128x64x64xf32>
    %max3A_40 = arith.maximumf %add3A_38, %max3A_39 : vector<128x64x64xf32>
    %reshape3A_41 = vector.shape_cast %max3A_40 : vector<128x64x64xf32> to vector<8192x64xf32>
    %get3A_42 = arith.constant 0 : index
    %get3A_43 = arith.constant 0 : index
    %get3A_44 = vector.load %arg9[%get3A_42, %get3A_43] : memref<64x64xf32, #tpu.memory_space<vmem>>, vector<64x64xf32>
    %dot_general3A_45 = arith.constant dense<0.000000e+00> : vector<8192x64xf32>
    %dot_general3A_46 = tpu.matmul %reshape3A_41, %get3A_44, %dot_general3A_45 {dimension_numbers = #tpu.dot_dimension_numbers<[1], [0], [0], [1], [0, 0, 1, 1], [], []>, transpose_lhs_hint = false} : vector<8192x64xf32>, vector<64x64xf32>, vector<8192x64xf32> -> vector<8192x64xf32>
    %get3A_47 = arith.constant 0 : index
    %get3A_48 = vector.load %arg10[%get3A_47] : memref<64xf32, #tpu.memory_space<vmem>>, vector<64xf32>
    %broadcast_in_dim3A_49 = vector.shape_cast %get3A_48 : vector<64xf32> to vector<1x64xf32>
    %add3A_50 = vector.broadcast %broadcast_in_dim3A_49 : vector<1x64xf32> to vector<8192x64xf32>
    %add3A_51 = arith.addf %dot_general3A_46, %add3A_50 : vector<8192x64xf32>
    %reduce_sum3A = arith.constant dense<0.000000e+00> : vector<64xf32>
    %reduce_sum3A_52 = vector.multi_reduction <add>, %add3A_51, %reduce_sum3A [0] : vector<8192x64xf32> to vector<64xf32>
    %broadcast_in_dim3A_53 = vector.shape_cast %reduce_sum3A_52 : vector<64xf32> to vector<1x64xf32>
    %mul3A_54 = arith.mulf %add3A_51, %add3A_51 : vector<8192x64xf32>
    %reduce_sum3A_55 = arith.constant dense<0.000000e+00> : vector<64xf32>
    %reduce_sum3A_56 = vector.multi_reduction <add>, %mul3A_54, %reduce_sum3A_55 [0] : vector<8192x64xf32> to vector<64xf32>
    %broadcast_in_dim3A_57 = vector.shape_cast %reduce_sum3A_56 : vector<64xf32> to vector<1x64xf32>
    %reshape3A_58 = vector.shape_cast %add3A_51 : vector<8192x64xf32> to vector<128x64x64xf32>
    %reduce_max3A = arith.constant dense<0xFF800000> : vector<128x64xf32>
    %reduce_max3A_59 = vector.multi_reduction <maximumf>, %reshape3A_58, %reduce_max3A [1] : vector<128x64x64xf32> to vector<128x64xf32>
    %swap3A = arith.constant 0 : index
    %swap3A_60 = arith.constant 0 : index
    %swap3A_61 = arith.constant 0 : index
    %swap3A_62 = vector.load %arg11[%swap3A, %swap3A_60, %swap3A_61] : memref<1x128x64xf32, #tpu.memory_space<vmem>>, vector<1x128x64xf32>
    %swap3A_63 = vector.shape_cast %swap3A_62 : vector<1x128x64xf32> to vector<128x64xf32>
    %swap3A_64 = vector.shape_cast %reduce_max3A_59 : vector<128x64xf32> to vector<1x128x64xf32>
    tpu.vector_store %arg11[%swap3A, %swap3A_60, %swap3A_61], %swap3A_64 {strides = array<i32>} : memref<1x128x64xf32, #tpu.memory_space<vmem>>, vector<1x128x64xf32>,
    %reduce_min3A = arith.constant dense<0x7F800000> : vector<128x64xf32>
    %reduce_min3A_65 = vector.multi_reduction <minimumf>, %reshape3A_58, %reduce_min3A [1] : vector<128x64x64xf32> to vector<128x64xf32>
    %swap3A_66 = arith.constant 0 : index
    %swap3A_67 = arith.constant 0 : index
    %swap3A_68 = arith.constant 0 : index
    %swap3A_69 = vector.load %arg12[%swap3A_66, %swap3A_67, %swap3A_68] : memref<1x128x64xf32, #tpu.memory_space<vmem>>, vector<1x128x64xf32>
    %swap3A_70 = vector.shape_cast %swap3A_69 : vector<1x128x64xf32> to vector<128x64xf32>
    %swap3A_71 = vector.shape_cast %reduce_min3A_65 : vector<128x64xf32> to vector<1x128x64xf32>
    tpu.vector_store %arg12[%swap3A_66, %swap3A_67, %swap3A_68], %swap3A_71 {strides = array<i32>} : memref<1x128x64xf32, #tpu.memory_space<vmem>>, vector<1x128x64xf32>,
    %eq3A = arith.constant 0 : i32
    %eq3A_72 = arith.cmpi eq, %add3A, %eq3A : i32
    %convert_element_type3A = arith.extui %eq3A_72 : i1 to i32
    %cond3A = arith.constant 0 : i32
    %cond3A_73 = arith.cmpi ne, %convert_element_type3A, %cond3A : i32
    scf.if %cond3A_73 {
      %broadcast_in_dim3A_93 = arith.constant 0.000000e+00 : f32
      %broadcast_in_dim3A_94 = vector.broadcast %broadcast_in_dim3A_93 : f32 to vector<8x64xf32>
      %swap3A_95 = arith.constant 0 : index
      %swap3A_96 = arith.constant 0 : index
      %swap3A_97 = vector.load %arg15[%swap3A_95, %swap3A_96] : memref<8x64xf32, #tpu.memory_space<vmem>>, vector<8x64xf32>
      tpu.vector_store %arg15[%swap3A_95, %swap3A_96], %broadcast_in_dim3A_94 {strides = array<i32>} : memref<8x64xf32, #tpu.memory_space<vmem>>, vector<8x64xf32>,
      %broadcast_in_dim3A_98 = arith.constant 0.000000e+00 : f32
      %broadcast_in_dim3A_99 = vector.broadcast %broadcast_in_dim3A_98 : f32 to vector<8x64xf32>
      %swap3A_100 = arith.constant 0 : index
      %swap3A_101 = arith.constant 0 : index
      %swap3A_102 = vector.load %arg16[%swap3A_100, %swap3A_101] : memref<8x64xf32, #tpu.memory_space<vmem>>, vector<8x64xf32>
      tpu.vector_store %arg16[%swap3A_100, %swap3A_101], %broadcast_in_dim3A_99 {strides = array<i32>} : memref<8x64xf32, #tpu.memory_space<vmem>>, vector<8x64xf32>,
    } else {
    }
    %get3A_74 = arith.constant 0 : index
    %get3A_75 = arith.constant 0 : index
    %get3A_76 = vector.load %arg15[%get3A_74, %get3A_75] : memref<8x64xf32, #tpu.memory_space<vmem>>, vector<1x64xf32>
    %add3A_77 = arith.addf %get3A_76, %broadcast_in_dim3A_53 : vector<1x64xf32>
    %swap3A_78 = arith.constant 0 : index
    %swap3A_79 = arith.constant 0 : index
    %swap3A_80 = vector.load %arg15[%swap3A_78, %swap3A_79] : memref<8x64xf32, #tpu.memory_space<vmem>>, vector<1x64xf32>
    tpu.vector_store %arg15[%swap3A_78, %swap3A_79], %add3A_77 {strides = array<i32>} : memref<8x64xf32, #tpu.memory_space<vmem>>, vector<1x64xf32>,
    %get3A_81 = arith.constant 0 : index
    %get3A_82 = arith.constant 0 : index
    %get3A_83 = vector.load %arg16[%get3A_81, %get3A_82] : memref<8x64xf32, #tpu.memory_space<vmem>>, vector<1x64xf32>
    %add3A_84 = arith.addf %get3A_83, %broadcast_in_dim3A_57 : vector<1x64xf32>
    %swap3A_85 = arith.constant 0 : index
    %swap3A_86 = arith.constant 0 : index
    %swap3A_87 = vector.load %arg16[%swap3A_85, %swap3A_86] : memref<8x64xf32, #tpu.memory_space<vmem>>, vector<1x64xf32>
    tpu.vector_store %arg16[%swap3A_85, %swap3A_86], %add3A_84 {strides = array<i32>} : memref<8x64xf32, #tpu.memory_space<vmem>>, vector<1x64xf32>,
    %eq3A_88 = arith.constant 63 : i32
    %eq3A_89 = arith.cmpi eq, %add3A, %eq3A_88 : i32
    %convert_element_type3A_90 = arith.extui %eq3A_89 : i1 to i32
    %cond3A_91 = arith.constant 0 : i32
    %cond3A_92 = arith.cmpi ne, %convert_element_type3A_90, %cond3A_91 : i32
    scf.if %cond3A_92 {
      %get3A_93 = arith.constant 0 : index
      %get3A_94 = arith.constant 0 : index
      %get3A_95 = vector.load %arg15[%get3A_93, %get3A_94] : memref<8x64xf32, #tpu.memory_space<vmem>>, vector<1x64xf32>
      %swap3A_96 = arith.constant 0 : index
      %swap3A_97 = arith.constant 0 : index
      %swap3A_98 = vector.load %arg13[%swap3A_96, %swap3A_97] : memref<1x64xf32, #tpu.memory_space<vmem>>, vector<1x64xf32>
      tpu.vector_store %arg13[%swap3A_96, %swap3A_97], %get3A_95 {strides = array<i32>} : memref<1x64xf32, #tpu.memory_space<vmem>>, vector<1x64xf32>,
      %get3A_99 = arith.constant 0 : index
      %get3A_100 = arith.constant 0 : index
      %get3A_101 = vector.load %arg16[%get3A_99, %get3A_100] : memref<8x64xf32, #tpu.memory_space<vmem>>, vector<1x64xf32>
      %swap3A_102 = arith.constant 0 : index
      %swap3A_103 = arith.constant 0 : index
      %swap3A_104 = vector.load %arg14[%swap3A_102, %swap3A_103] : memref<1x64xf32, #tpu.memory_space<vmem>>, vector<1x64xf32>
      tpu.vector_store %arg14[%swap3A_102, %swap3A_103], %get3A_101 {strides = array<i32>} : memref<1x64xf32, #tpu.memory_space<vmem>>, vector<1x64xf32>,
    } else {
    }
    return
  }
  func.func @transform_0(%arg0: i32, %arg1: i32) -> (i32, i32, i32, i32) {
    %c0_i32 = arith.constant 0 : i32
    %c0_i32_0 = arith.constant 0 : i32
    %c0_i32_1 = arith.constant 0 : i32
    return %arg0, %arg1, %c0_i32, %c0_i32_0 : i32, i32, i32, i32
  }
  func.func @transform_1(%arg0: i32, %arg1: i32) -> (i32, i32, i32) {
    %c0_i32 = arith.constant 0 : i32
    %c0_i32_0 = arith.constant 0 : i32
    return %arg0, %arg1, %c0_i32 : i32, i32, i32
  }
  func.func @transform_2(%arg0: i32, %arg1: i32) -> (i32, i32) {
    %c0_i32 = arith.constant 0 : i32
    %c0_i32_0 = arith.constant 0 : i32
    %c0_i32_1 = arith.constant 0 : i32
    return %c0_i32, %c0_i32_0 : i32, i32
  }
  func.func @transform_3(%arg0: i32, %arg1: i32) -> (i32, i32) {
    %c0_i32 = arith.constant 0 : i32
    %c0_i32_0 = arith.constant 0 : i32
    %c0_i32_1 = arith.constant 0 : i32
    return %c0_i32, %c0_i32_0 : i32, i32
  }
  func.func @transform_4(%arg0: i32, %arg1: i32) -> i32 {
    %c0_i32 = arith.constant 0 : i32
    %c0_i32_0 = arith.constant 0 : i32
    return %c0_i32 : i32
  }
  func.func @transform_5(%arg0: i32, %arg1: i32) -> i32 {
    %c0_i32 = arith.constant 0 : i32
    %c0_i32_0 = arith.constant 0 : i32
    return %c0_i32 : i32
  }
  func.func @transform_6(%arg0: i32, %arg1: i32) -> i32 {
    %c0_i32 = arith.constant 0 : i32
    %c0_i32_0 = arith.constant 0 : i32
    return %c0_i32 : i32
  }
  func.func @transform_7(%arg0: i32, %arg1: i32) -> (i32, i32) {
    %c0_i32 = arith.constant 0 : i32
    %c0_i32_0 = arith.constant 0 : i32
    %c0_i32_1 = arith.constant 0 : i32
    return %c0_i32, %c0_i32_0 : i32, i32
  }
  func.func @transform_8(%arg0: i32, %arg1: i32) -> i32 {
    %c0_i32 = arith.constant 0 : i32
    %c0_i32_0 = arith.constant 0 : i32
    return %c0_i32 : i32
  }
  func.func @transform_9(%arg0: i32, %arg1: i32) -> (i32, i32, i32) {
    %c0_i32 = arith.constant 0 : i32
    %c0_i32_0 = arith.constant 0 : i32
    return %arg0, %arg1, %c0_i32 : i32, i32, i32
  }
  func.func @transform_10(%arg0: i32, %arg1: i32) -> (i32, i32, i32) {
    %c0_i32 = arith.constant 0 : i32
    %c0_i32_0 = arith.constant 0 : i32
    return %arg0, %arg1, %c0_i32 : i32, i32, i32
  }
  func.func @transform_11(%arg0: i32, %arg1: i32) -> (i32, i32) {
    %c0_i32 = arith.constant 0 : i32
    %c0_i32_0 = arith.constant 0 : i32
    %c0_i32_1 = arith.constant 0 : i32
    return %c0_i32, %c0_i32_0 : i32, i32
  }
  func.func @transform_12(%arg0: i32, %arg1: i32) -> (i32, i32) {
    %c0_i32 = arith.constant 0 : i32
    %c0_i32_0 = arith.constant 0 : i32
    %c0_i32_1 = arith.constant 0 : i32
    return %c0_i32, %c0_i32_0 : i32, i32
  }
}

module attributes {stable_mosaic.version = 14 : i64} {
  func.func @_final_body(%arg0: i32, %arg1: memref<1x2048x64xf32, #tpu.memory_space<vmem>>, %arg2: memref<1x2048x64xf32, #tpu.memory_space<vmem>>, %arg3: memref<64xf32, #tpu.memory_space<vmem>>, %arg4: memref<64xf32, #tpu.memory_space<vmem>>, %arg5: memref<1x2048x64xf32, #tpu.memory_space<vmem>>) attributes {dimension_semantics = [#tpu.dimension_semantics<arbitrary>], iteration_bounds = array<i64: 4>, scalar_prefetch = 0 : i64, scratch_operands = 0 : i64, tpu.core_type = #tpu.core_type<tc>, window_params = [{transform_indices = @transform_0, window_bounds = array<i64: 1, 2048, 64>}, {transform_indices = @transform_1, window_bounds = array<i64: 1, 2048, 64>}, {pipeline_mode = #tpu.pipeline_mode<synchronous>, transform_indices = @transform_2, window_bounds = array<i64: 64>}, {pipeline_mode = #tpu.pipeline_mode<synchronous>, transform_indices = @transform_3, window_bounds = array<i64: 64>}, {transform_indices = @transform_4, window_bounds = array<i64: 1, 2048, 64>}]} {
    %get3A = arith.constant 0 : index
    %get3A_0 = arith.constant 0 : index
    %get3A_1 = arith.constant 0 : index
    %get3A_2 = vector.load %arg1[%get3A, %get3A_0, %get3A_1] : memref<1x2048x64xf32, #tpu.memory_space<vmem>>, vector<1x2048x64xf32>
    %get3A_3 = arith.constant 0 : index
    %get3A_4 = vector.load %arg4[%get3A_3] : memref<64xf32, #tpu.memory_space<vmem>>, vector<64xf32>
    %broadcast_in_dim3A = vector.shape_cast %get3A_4 : vector<64xf32> to vector<1x1x64xf32>
    %mul3A = vector.broadcast %broadcast_in_dim3A : vector<1x1x64xf32> to vector<1x2048x64xf32>
    %mul3A_5 = arith.mulf %get3A_2, %mul3A : vector<1x2048x64xf32>
    %get3A_6 = arith.constant 0 : index
    %get3A_7 = vector.load %arg3[%get3A_6] : memref<64xf32, #tpu.memory_space<vmem>>, vector<64xf32>
    %broadcast_in_dim3A_8 = vector.shape_cast %get3A_7 : vector<64xf32> to vector<1x1x64xf32>
    %add3A = vector.broadcast %broadcast_in_dim3A_8 : vector<1x1x64xf32> to vector<1x2048x64xf32>
    %add3A_9 = arith.addf %mul3A_5, %add3A : vector<1x2048x64xf32>
    %get3A_10 = arith.constant 0 : index
    %get3A_11 = arith.constant 0 : index
    %get3A_12 = arith.constant 0 : index
    %get3A_13 = vector.load %arg2[%get3A_10, %get3A_11, %get3A_12] : memref<1x2048x64xf32, #tpu.memory_space<vmem>>, vector<1x2048x64xf32>
    %get3A_14 = arith.constant 0 : index
    %get3A_15 = vector.load %arg4[%get3A_14] : memref<64xf32, #tpu.memory_space<vmem>>, vector<64xf32>
    %broadcast_in_dim3A_16 = vector.shape_cast %get3A_15 : vector<64xf32> to vector<1x1x64xf32>
    %mul3A_17 = vector.broadcast %broadcast_in_dim3A_16 : vector<1x1x64xf32> to vector<1x2048x64xf32>
    %mul3A_18 = arith.mulf %get3A_13, %mul3A_17 : vector<1x2048x64xf32>
    %get3A_19 = arith.constant 0 : index
    %get3A_20 = vector.load %arg3[%get3A_19] : memref<64xf32, #tpu.memory_space<vmem>>, vector<64xf32>
    %broadcast_in_dim3A_21 = vector.shape_cast %get3A_20 : vector<64xf32> to vector<1x1x64xf32>
    %add3A_22 = vector.broadcast %broadcast_in_dim3A_21 : vector<1x1x64xf32> to vector<1x2048x64xf32>
    %add3A_23 = arith.addf %mul3A_18, %add3A_22 : vector<1x2048x64xf32>
    %max3A = arith.maximumf %add3A_9, %add3A_23 : vector<1x2048x64xf32>
    %max3A_24 = arith.constant 0.000000e+00 : f32
    %max3A_25 = vector.broadcast %max3A_24 : f32 to vector<1x2048x64xf32>
    %max3A_26 = arith.maximumf %max3A, %max3A_25 : vector<1x2048x64xf32>
    %swap3A = arith.constant 0 : index
    %swap3A_27 = arith.constant 0 : index
    %swap3A_28 = arith.constant 0 : index
    %swap3A_29 = vector.load %arg5[%swap3A, %swap3A_27, %swap3A_28] : memref<1x2048x64xf32, #tpu.memory_space<vmem>>, vector<1x2048x64xf32>
    tpu.vector_store %arg5[%swap3A, %swap3A_27, %swap3A_28], %max3A_26 {strides = array<i32>} : memref<1x2048x64xf32, #tpu.memory_space<vmem>>, vector<1x2048x64xf32>,
    return
  }
  func.func @transform_0(%arg0: i32) -> (i32, i32, i32) {
    %c0_i32 = arith.constant 0 : i32
    %c0_i32_0 = arith.constant 0 : i32
    %c0_i32_1 = arith.constant 0 : i32
    return %arg0, %c0_i32, %c0_i32_0 : i32, i32, i32
  }
  func.func @transform_1(%arg0: i32) -> (i32, i32, i32) {
    %c0_i32 = arith.constant 0 : i32
    %c0_i32_0 = arith.constant 0 : i32
    %c0_i32_1 = arith.constant 0 : i32
    return %arg0, %c0_i32, %c0_i32_0 : i32, i32, i32
  }
  func.func @transform_2(%arg0: i32) -> i32 {
    %c0_i32 = arith.constant 0 : i32
    %c0_i32_0 = arith.constant 0 : i32
    return %c0_i32 : i32
  }
  func.func @transform_3(%arg0: i32) -> i32 {
    %c0_i32 = arith.constant 0 : i32
    %c0_i32_0 = arith.constant 0 : i32
    return %c0_i32 : i32
  }
  func.func @transform_4(%arg0: i32) -> (i32, i32, i32) {
    %c0_i32 = arith.constant 0 : i32
    %c0_i32_0 = arith.constant 0 : i32
    %c0_i32_1 = arith.constant 0 : i32
    return %arg0, %c0_i32, %c0_i32_0 : i32, i32, i32
  }
}

</mosaic_0001>

<sc_bundles>
// kernel: gather_offload_async_start.1
scs
__scs_entry_jumppad:
0x0: {  	(pc) =	sbr.rel $0x88, $3  }
0x1: {  	(tag) =	ssettag $0x0;
	lr =	simm.s32 $0x1  }
0x2: {  	[smem:$0x3F97] =	sst lr;
	_ =	strace $0xD0000000  }
0x3: {  	_ = 	snop  }
0x4: {  	_ = 	snop  }
0x5: {  	_ = 	snop  }
0x6: {  	_ = 	snop  }
0x7: {  	_ = 	snop  }
__scs_overlays_trampoline_lowered:
0x8: {  	[smem:$0x3FA6] =	sst s0  }
0x9: {  	[smem:$0x3FA7] =	sst s1  }
0xa: {  	[smem:$0x3FA8] =	sst s2  }
0xb: {  	[smem:$0x3FA9] =	sst s3  }
0xc: {  	[smem:$0x3FAA] =	sst s4  }
0xd: {  	[smem:$0x3FAB] =	sst s5  }
0xe: {  	[smem:$0x3FAC] =	sst s6  }
0xf: {  	[smem:$0x3FAD] =	sst s7  }
0x10: {  	[smem:$0x3FAE] =	sst s8  }
0x11: {  	[smem:$0x3FAF] =	sst s9;
	s0 =	simm.s32 @!p0 $0x0  }
0x12: {  	s1 =	sld [smem:$0x3F95];
	s0 =	simm.s32 @p0 $0x1  }
0x13: {  	[smem:$0x3FB0] =	sst s0;
	s0 =	simm.s32 @!p1 $0x0  }
0x14: {  	s2 =	sld [smem:$0x3F94];
	s0 =	simm.s32 @p1 $0x1  }
0x15: {  	[smem:$0x3FB1] =	sst s0;
	s0 =	simm.s32 @!p2 $0x0  }
0x16: {  	s3 =	sld [smem:$0x3FDB];
	s0 =	simm.s32 @p2 $0x1  }
0x17: {  	s4 =	simm.s32 $0x1BF5;
	[smem:$0x3FB3] =	sst s0  }
0x18: {  	s0 =	sld [smem:$0x3F96];
	_ =	swait.ge [sflag:s4], $0x0  }
0x19: {  	s7 =	sld [smem:$0x3F97]  }
0x1a: {  	s8 =	sadd.s32 $0xFFFFE003, lr  }
0x1b: {  	s9 =	sadd.s32 $0xFFFFFEF7, lr;
	s5 =	simm.s32 $0xFFFFFFFF;
	p2 =	slt.u32 s8, $0xFFFFF086  }
0x1c: {  	p1 =	slt.u32 s9, $0xF7A;
	s5 =	simm.s32 @!p2 $0x0  }
0x1d: {  	s5 =	simm.s32 @p1 $0x1;
	p0 =	seq.s32 s7, s2  }
0x1e: {  	s7 =	smul.u32 @!p0 $0xF7A, s2;
	p2 =	seq.s32 @!p0 s5, $0x0  }
0x1f: {  	s9 =	smul.u32 $0xF7A, s1;
	s8 =	simm.s32 @!p0 $0x1BF5;
	p2 =	por !p2, p0  }
0x20: {  	[sflag:s8] =	ssyncset.s32 @!p0 $0xFFFFF086;
	s6 =	sadd.s32 @!p0 s3, s7;
	s7 =	simm.s32 @!p0 $0x108  }
0x21: {  	s3 =	sadd.s32 s3, s9;
	s6 =	sadd.s32 @!p0 $0x88, s6;
	s7 =	simm.s32 @p2 $0x1082  }
0x22: {  	[simem:s7], [sflag:s8] =	dma.local @!p0 [hbm:s6], $0xF7A  }
0x23: {  	s9 =	sor.u32 $0xD0000000, s2;
	s6 =	simm.s32 $0x108;
	_ =	swait.ge @!p0 [sflag:s8], $0x0  }
0x24: {  	s3 =	sadd.s32 $0x88, s3;
	s6 =	simm.s32 @!p1 $0x1082;
	[sflag:s4] =	ssyncset.s32 $0xFFFFF086  }
0x25: {  	[simem:s6], [sflag:s4] =	dma.local [hbm:s3], $0xF7A  }
0x26: {  	[smem:$0x3F97] =	sst s1;
	(tag) =	ssettag s2;
	_ =	strace s9  }
0x27: {  	s1 =	sld [smem:$0x3FA7]  }
0x28: {  	s2 =	sld [smem:$0x3FA8]  }
0x29: {  	s4 =	sld [smem:$0x3FAA]  }
0x2a: {  	p0 =	seq.s32 s5, $0x0;
	s5 =	sld [smem:$0x3FAB]  }
0x2b: {  	s6 =	sld [smem:$0x3FAC]  }
0x2c: {  	s7 =	sld [smem:$0x3FAD]  }
0x2d: {  	s3 =	simm.s32 $0x108;
	s8 =	sld [smem:$0x3FAE]  }
0x2e: {  	s3 =	simm.s32 @!p0 $0x1082;
	s9 =	sld [smem:$0x3FAF]  }
0x2f: {  	lr =	sadd.s32 s0, s3;
	s0 =	sld [smem:$0x3FA6]  }
0x30: {  	s3 =	sld [smem:$0x3FA9]  }
0x31: {  	[smem:$0x3FB2] =	sst s10  }
0x32: {  	s10 =	sld [smem:$0x3FB0];
	_ =	sdelay $0x3  }
0x33: {  	p0 =	seq.s32 s10, $0x1;
	s10 =	sld [smem:$0x3FB2];
	_ =	sdelay $0x3  }
0x34: {  	[smem:$0x3FB2] =	sst s10  }
0x35: {  	s10 =	sld [smem:$0x3FB1];
	_ =	sdelay $0x3  }
0x36: {  	p1 =	seq.s32 s10, $0x1;
	s10 =	sld [smem:$0x3FB2];
	_ =	sdelay $0x3  }
0x37: {  	[smem:$0x3FB2] =	sst s10  }
0x38: {  	s10 =	sld [smem:$0x3FB3]  }
0x39: {  	_ = 	snop;
	(pc) =	sbr.ind lr, $3  }
0x3a: {  	_ = 	snop  }
0x3b: {  	_ = 	snop  }
0x3c: {  	p2 =	seq.s32 s10, $0x1;
	s10 =	sld [smem:$0x3FB2]  }
0x3d: {  	_ =	shalt  }
0x3e: {  	_ =	shalt  }
0x3f: {  	_ =	shalt  }
0x40: {  	_ =	shalt  }
0x41: {  	_ =	shalt  }
0x42: {  	_ =	shalt  }
0x43: {  	_ =	shalt  }
0x44: {  	_ =	shalt  }
0x45: {  	_ =	shalt  }
0x46: {  	_ =	shalt  }
0x47: {  	_ =	shalt  }
0x48: {  	_ =	shalt  }
0x49: {  	_ =	shalt  }
0x4a: {  	_ =	shalt  }
0x4b: {  	_ =	shalt  }
0x4c: {  	_ =	shalt  }
0x4d: {  	_ =	shalt  }
0x4e: {  	_ =	shalt  }
0x4f: {  	_ =	shalt  }
0x50: {  	_ =	shalt  }
0x51: {  	_ =	shalt  }
0x52: {  	_ =	shalt  }
0x53: {  	_ =	shalt  }
0x54: {  	_ =	shalt  }
0x55: {  	_ =	shalt  }
0x56: {  	_ =	shalt  }
0x57: {  	_ =	shalt  }
0x58: {  	_ =	shalt  }
0x59: {  	_ =	shalt  }
0x5a: {  	_ =	shalt  }
0x5b: {  	_ =	shalt  }
0x5c: {  	_ =	shalt  }
0x5d: {  	_ =	shalt  }
0x5e: {  	_ =	shalt  }
0x5f: {  	_ =	shalt  }
0x60: {  	_ =	shalt  }
0x61: {  	_ =	shalt  }
0x62: {  	_ =	shalt  }
0x63: {  	_ =	shalt  }
0x64: {  	_ =	shalt  }
0x65: {  	_ =	shalt  }
0x66: {  	_ =	shalt  }
0x67: {  	_ =	shalt  }
0x68: {  	_ =	shalt  }
0x69: {  	_ =	shalt  }
0x6a: {  	_ =	shalt  }
0x6b: {  	_ =	shalt  }
0x6c: {  	_ =	shalt  }
0x6d: {  	_ =	shalt  }
0x6e: {  	_ =	shalt  }
0x6f: {  	_ =	shalt  }
0x70: {  	_ =	shalt  }
0x71: {  	_ =	shalt  }
0x72: {  	_ =	shalt  }
0x73: {  	_ =	shalt  }
0x74: {  	_ =	shalt  }
0x75: {  	_ =	shalt  }
0x76: {  	_ =	shalt  }
0x77: {  	_ =	shalt  }
0x78: {  	_ =	shalt  }
0x79: {  	_ =	shalt  }
0x7a: {  	_ =	shalt  }
0x7b: {  	_ =	shalt  }
0x7c: {  	_ =	shalt  }
0x7d: {  	_ =	shalt  }
0x7e: {  	_ =	shalt  }
0x7f: {  	_ =	shalt  }
0x80: {  	_ =	shalt  }
0x81: {  	_ =	shalt  }
0x82: {  	_ =	shalt  }
0x83: {  	_ =	shalt  }
0x84: {  	_ =	shalt  }
0x85: {  	_ =	shalt  }
0x86: {  	_ =	shalt  }
0x87: {  	_ =	shalt  }
.Lfunc_end0:
.L_simem_size_0:
called_computation.2_lowered:
.L_overlay_start_0:
0x88: {  	s2 =	sld [smem:$0x3FD9]  }
0x89: {  	s3 =	sld [smem:$0x3FFE];
	_ =	sdelay $0x1  }
0x8a: {  	s1 =	srdreg.scid  }
0x8b: {  	s0 =	sand.u32 $0x1, s1  }
0x8c: {  	s17 =	sshll.u32 s0, $0xA;
	s2 =	sadd.s32 s3, s2  }
0x8d: {  	s2 =	sadd.s32 s2, s17  }
0x8e: {  	[smem:$0x3FBE] =	sst s2  }
0x8f: {  	_ = 	snop  }
0x90: {  	(tm) =	ssettm $0x1  }
0x91: {  	s18 =	sld [smem:$0x3FFB];
	_ =	sdelay $0x3  }
0x92: {  	_ =	strace s18  }
0x93: {  	s2 =	sld [smem:$0x3FFC];
	_ =	sdelay $0x3  }
0x94: {  	_ =	strace s2  }
0x95: {  	s2 =	sld [smem:$0x3FFD];
	_ =	sdelay $0x3  }
0x96: {  	_ =	strace s2  }
0x97: {  	_ =	strace $0x8FFFFFFF  }
0x98: {  	s19 =	sld [smem:$0x3FDB];
	_ =	sdelay $0x1  }
0x99: {  	s20 =	simm.s32 $_scs_section_size  }
0x9a: {  	s4 =	simm.s32 $_size__tile_overlayer_lowered;
	s5 =	simm.s32 $_tile_overlayer_lowered  }
0x9b: {  	s6 =	simm.s32 $0x1BFF;
	s21 =	sshll.u32 s5, $0x1;
	s3 =	sadd.s32 s20, s19  }
0x9c: {  	s22 =	simm.s32 $0x0;
	s4 =	sshll.u32 s4, $0x1;
	s5 =	sadd.s32 s21, s3  }
0x9d: {  	[timem:s22], [sflag:s6] =	dma.local [hbm:s5], s4  }
0x9e: {  	_ =	swait.ge [sflag:s6], s4  }
0x9f: {  	s4 =	ssub.s32 $0x0, s4;
	[sflag:s6] =	ssyncset.done $0x0  }
0xa0: {  	[sflag:s6] =	ssyncadd.s32 s4;
	_ =	sdelay $0x1  }
0xa1: {  	s23 =	simm.s32 $0x1B8B  }
0xa2: {  	_ =	swait.ge [sflag:s23], $0x1  }
0xa3: {  	[sflag:s23] =	ssyncset.done $0x0  }
0xa4: {  	[sflag:s23] =	ssyncadd.s32 $0xFFFFFFFF  }
0xa5: {  	s4 =	sld [smem:$0x0]  }
0xa6: {  	s5 =	sand.u32 $0xFFFFFFFE, s1  }
0xa7: {  	p0 =	sne.s32 s1, s5  }
0xa8: {  	s5 =	sshll.u32 @p0 s5, $0xE  }
0xa9: {  	s5 =	sadd.s32 @p0 $0x11B8D, s5;
	s6 =	sshll.u32 @p0 s4, $0x11  }
0xaa: {  	s5 =	sor.u32 @p0 s6, s5  }
0xab: {  	[sflag:s5] =	ssyncadd.remote.s32 @p0 $0x1;
	_ =	sdelay $0x1  }
0xac: {  	s5 =	simm.s32 @p0 $0x1B8D  }
0xad: {  	_ =	swait.eq @p0 [sflag:s5], $0x1  }
0xae: {  	[sflag:s5] =	ssyncadd.s32 @p0 $0xFFFFFFFF  }
0xaf: {  	s6 =	sshll.u32 @!p0 s1, $0xE  }
0xb0: {  	s6 =	sor.u32 @!p0 $0x4000, s6;
	s5 =	simm.s32 @!p0 $0x1B8D  }
0xb1: {  	s4 =	sshll.u32 @!p0 s4, $0x11;
	s6 =	sadd.s32 @!p0 $0x11B8D, s6;
	_ =	swait.eq @!p0 [sflag:s5], $0x1  }
0xb2: {  	s4 =	sor.u32 @!p0 s4, s6;
	[sflag:s5] =	ssyncadd.s32 @!p0 $0xFFFFFFFF  }
0xb3: {  	s25 =	simm.s32 $0x1B8E;
	s24 =	sld [smem:$0x3FFE];
	[sflag:s4] =	ssyncadd.remote.s32 @!p0 $0x1  }
0xb4: {  	s26 =	simm.s32 $execute0_lowered;
	[smem:$0x3FD2] =	sst s25  }
0xb5: {  	s5 =	sshll.u32 s26, $0x1;
	_ =	strace $0x80000052;
	[dreg:$0x1] =	wrdreg $0xFFFFFFFF  }
0xb6: {  	s28 =	simm.s32 $_size_execute0_lowered;
	s3 =	sadd.s32 s3, s5;
	[dreg:$0x0] =	wrdreg $0x0  }
0xb7: {  	s5 =	sshll.u32 s28, $0x1;
	[dreg:$0x2] =	wrdreg s3  }
0xb8: {  	[dreg:$0x3] =	wrdreg s5  }
0xb9: {  	[dreg:$0x4] =	wrdreg $0xC0  }
0xba: {  	_ =	task [dreg:s22], $0x5FFFF  }
0xbb: {  	[dreg:$0x1] =	wrdreg $0xFFFFFFFF  }
0xbc: {  	[dreg:$0x0] =	wrdreg $0x60  }
0xbd: {  	[dreg:$0x2] =	wrdreg s24  }
0xbe: {  	[dreg:$0x3] =	wrdreg $0x9  }
0xbf: {  	_ =	task.clear_ibuf [dreg:s22], $0x4FFFF;
	_ =	strace $0x90000052  }
0xc0: {  	s29 =	simm.s32 $0x9;
	_ =	strace $0x80000054  }
0xc1: {  	_ =	swait.ge [sflag:s29], $0x1  }
0xc2: {  	[sflag:s29] =	ssyncadd.s32 $0xFFFFFFFF  }
0xc3: {  	_ =	strace $0x90000054  }
0xc4: {  	_ =	sfence  }
0xc5: {  	s30 =	sld [smem:$0x0];
	_ =	sdelay $0x2  }
0xc6: {  	s31 =	sshll.u32 s1, $0xD;
	s1 =	sshrl.u32 s1, $0x2  }
0xc7: {  	s4 =	sand.u32 $0x4000, s31;
	s1 =	sadd.s32 s1, s30  }
0xc8: {  	s0 =	sor.u32 s4, s0;
	s1 =	sshll.u32 s1, $0x11  }
0xc9: {  	s0 =	sor.u32 s1, s0  }
0xca: {  	s0 =	sadd.s32 $0x8F2B, s0  }
0xcb: {  	[sflag:s0] =	ssyncadd.remote.s32 $0x1  }
0xcc: {  	_ =	sfence.sel $0xFFFF  }
0xcd: {  	[dreg:$0x0] =	wrdreg $0xFFFFFFFF;
	(pc) =	sbr.abs _section_cstart, $3  }
0xce: {  	[dreg:$0x1] =	wrdreg $0xFFFFFFFF  }
0xcf: {  	_ =	task.clear_ibuf [dreg:s22], $0x2FFFF;
	_ =	strace $0x9FFFFFFF  }
0xd0: {  	(tm) =	ssettm $0x7FFFFFFF  }
0xd1: {  	_ =	shalt  }
tec
execute0_lowered:
.L_overlay_start_1:
0x0: {  	(tag) =	ssettag $0x1  }
0x1: {  	s7 =	rddreg [dreg:$0x0]  }
0x2: {  	s0 =	rddreg [dreg:$0x1];
	_ =	strace $0x80000053  }
0x3: {  	s1 =	srdreg.scid;
	s4 =	simm.s32 $0x1;
	s9 =	simm.s32 $0x3  }
0x4: {  	s12 =	simm.s32 $0x0;
	s10 =	simm.s32 $0x0;
	s5 =	sshll.u32 s1, $0x4  }
.Ltmp0:
0x5: {  	s1 =	stileid.u32;
	s5 =	sand.u32 $0x10, s5;
	(pc) =	sbr.rel .LBB2_1-.Ltmp0, $4  }
0x6: {  	s2 =	sadd.s32 $0xA4A00, s7;
	s3 =	sadd.s32 $0x84600, s7;
	s6 =	sor.u32 s1, s5  }
0x7: {  	[sflag:s4] =	ssyncpa.u1 $0x0;
	s5 =	simm.s32 $0x2;
	s6 =	sshll.u32 s6, $0x8  }
0x8: {  	s7 =	sadd.s32 $0x28600, s7;
	[sflag:s5] =	ssyncpa.u1 $0x0;
	s8 =	sadd.s32 $0x100, s6  }
0x9: {  	vm0 =	vmmov $0xff;
	vm1 =	vcmask $0x3F20;
	[sflag:s9] =	ssyncpa.u1 $0x0;
	s9 =	simm.s32 $0x100;
	s11 =	smov.u32 s6  }
.LBB2_9:
0xa: {  	p0 =	seq.s32 s10, $0x2  }
.Ltmp1:
0xb: {  	_ = 	snop;
	(pc) =	sbr.rel @p0 .LBB2_11-.Ltmp1, $1  }
0xc: {  	_ =	sdelay $0x3  }
.LBB2_10:
0xd: {  	s12 =	sadd.s32 $0x100, s11  }
0xe: {  	s13 =	smov.u32 s6;
	p0 =	slt.s32 s12, s8  }
0xf: {  	s13 =	smov.u32 @p0 s12  }
0x10: {  	s10 =	sadd.s32 $0x1, s10;
	s12 =	smov.u32 s11;
	s11 =	smov.u32 s13  }
.LBB2_1:
0x11: {  	p0 =	sne.s32 s10, $0x0  }
.Ltmp2:
0x12: {  	_ = 	snop;
	(pc) =	sbr.rel @!p0 .LBB2_2-.Ltmp2, $1  }
0x13: {  	_ =	sdelay $0x3  }
0x14: {  	s13 =	sand.u32 $0x1, s10  }
0x15: {  	p0 =	seq.s32 s13, $0x0  }
.Ltmp3:
0x16: {  	_ = 	snop;
	(pc) =	sbr.rel @p0 .LBB2_9-.Ltmp3, $1  }
0x17: {  	_ =	sdelay $0x3  }
0x18: {  	_ =	swait.ge [sflag:s5], $0x100  }
0x19: {  	[sflag:s5] =	ssyncset.done $0x0  }
0x1a: {  	s13 =	simm.s32 $0x0;
	[sflag:s5] =	ssyncadd.s32 $0xFFFFFF00  }
0x1b: {  	v0 =	vld.msk [tilespmem:s13+$0x100 ss:$0x1], $0xffff;
	_ =	sdelay $0x4  }
0x1c: {  	v1 =	vshll.u32 v0, $0x5  }
0x1d: {  	vm2 =	veq.s32 v0, $0x80000000;
	v0 =	vshll.u32 v0, $0x14;
	v1 =	vand.u32 $0xFFF80, v1  }
0x1e: {  	v0 =	vand.u32 $0x300000, v0;
	v1 =	vsel vm2, $0xFFFFFF80, v1  }
0x1f: {  	v0 =	vsel vm2, $0xFFF00000, v0;
	v2 =	vand.u32 $0xFFFFFC00, v1  }
0x20: {  	v1 =	vand.u32 $0x380, v1;
	v0 =	vadd.s32 v0, v2  }
0x21: {  	v0 =	vor.u32 v1, v0  }
0x22: {  	v0 =	vshrl.u32 v0, $0x3;
	_ =	sdelay $0x3  }
0x23: {  	s13 =	simm.s32 $0x8200  }
0x24: {  	[tilespmem:s13], [sflag:$0x1] =	stream.indirect_vreg.gather [hbm:s2], $0x80, v0, vm0, $0x38;
	[tilespmem:$0x10200] =	vst v63  }
0x25: {  	s14 =	simm.s32 $0x8600;
	s31 =	simm.s32 $0x10  }
0x26: {  	[tilespmem:s14], [sflag:$0x1] =	stream.indirect_vreg.gather [hbm:s2], $0x80, v0, vm1, $0x38;
	[tilespmem:$0x10200] =	vst v63  }
0x27: {  	s14 =	simm.s32 $0x80;
	v0 =	vld.msk [tilespmem:s31+$0x100 ss:$0x1], $0xffff  }
.LBB2_5:
0x28: {  	p0 =	sne.s32 s14, $0x3C0;
	_ =	sdelay $0x4  }
0x29: {  	v1 =	vshll.u32 v0, $0x5  }
0x2a: {  	vm2 =	veq.s32 v0, $0x80000000;
	v0 =	vshll.u32 v0, $0x14;
	v1 =	vand.u32 $0xFFF80, v1  }
0x2b: {  	v0 =	vand.u32 $0x300000, v0;
	v1 =	vsel vm2, $0xFFFFFF80, v1  }
0x2c: {  	v0 =	vsel vm2, $0xFFF00000, v0;
	v2 =	vand.u32 $0xFFFFFC00, v1  }
0x2d: {  	v1 =	vand.u32 $0x380, v1;
	v0 =	vadd.s32 v0, v2  }
0x2e: {  	v0 =	vor.u32 v1, v0  }
0x2f: {  	v0 =	vshrl.u32 v0, $0x3;
	_ =	sdelay $0x3  }
.Ltmp4:
0x30: {  	s13 =	sadd.s32 $0x800, s13;
	(pc) =	sbr.rel @p0 .LBB2_5-.Ltmp4, $4  }
0x31: {  	[tilespmem:s13], [sflag:$0x1] =	stream.indirect_vreg.gather [hbm:s2], $0x80, v0, vm0, $0x38;
	[tilespmem:$0x10200] =	vst v63  }
0x32: {  	s15 =	sshra.s32 s14, $0x2;
	s16 =	sadd.s32 $0x400, s13  }
0x33: {  	[tilespmem:s16], [sflag:$0x1] =	stream.indirect_vreg.gather [hbm:s2], $0x80, v0, vm1, $0x38;
	[tilespmem:$0x10200] =	vst v63  }
0x34: {  	s14 =	sadd.s32 $0x40, s14;
	v0 =	vld.msk [tilespmem:s15+$0x100 ss:$0x1], $0xffff  }
0x35: {  	_ =	sdelay $0x3  }
0x36: {  	v1 =	vshll.u32 v0, $0x5  }
0x37: {  	vm2 =	veq.s32 v0, $0x80000000;
	v63 =	vshll.u32 v0, $0x14;
	v1 =	vand.u32 $0xFFF80, v1  }
0x38: {  	v0 =	vand.u32 $0x300000, v63;
	v1 =	vsel vm2, $0xFFFFFF80, v1  }
0x39: {  	v0 =	vsel vm2, $0xFFF00000, v0;
	v2 =	vand.u32 $0xFFFFFC00, v1  }
0x3a: {  	v1 =	vand.u32 $0x380, v1;
	v0 =	vadd.s32 v0, v2  }
0x3b: {  	v0 =	vor.u32 v1, v0  }
0x3c: {  	v0 =	vshrl.u32 v0, $0x3;
	_ =	sdelay $0x3  }
0x3d: {  	s13 =	sadd.s32 $0x800, s13  }
0x3e: {  	[tilespmem:s13], [sflag:$0x1] =	stream.indirect_vreg.gather [hbm:s2], $0x80, v0, vm0, $0x38;
	[tilespmem:$0x10200] =	vst v63  }
0x3f: {  	s13 =	sadd.s32 $0x400, s13  }
0x40: {  	[tilespmem:s13], [sflag:$0x1] =	stream.indirect_vreg.gather [hbm:s2], $0x80, v0, vm1, $0x38;
	[tilespmem:$0x10200] =	vst v63  }
0x41: {  	s12 =	sshll.u32 s12, $0x4;
	s14 =	simm.s32 $0x80;
	_ =	swait.ge [sflag:s4], $0x8000  }
0x42: {  	s15 =	simm.s32 $0x8600;
	s12 =	sadd.s32 s12, s7;
	[sflag:s4] =	ssyncset.done $0x0  }
0x43: {  	s16 =	sadd.s32 $0x0, s12;
	s13 =	simm.s32 $0x8200;
	[sflag:s4] =	ssyncadd.s32 $0xFFFF8000  }
.LBB2_7:
0x44: {  	[hbm:s16] =	stream.linear.scatter [tilespmem:s13], [sflag:$0x3], $0x400, $0x38;
	[tilespmem:$0x10200] =	vst v63  }
0x45: {  	s16 =	smov.u32 s14;
	s13 =	smov.u32 s15;
	p0 =	sne.s32 s14, $0xF80  }
.Ltmp5:
0x46: {  	s14 =	sadd.s32 $0x80, s14;
	(pc) =	sbr.rel @p0 .LBB2_7-.Ltmp5, $2  }
0x47: {  	_ =	sdelay $0x2  }
0x48: {  	s15 =	sadd.s32 $0x400, s15;
	s16 =	sadd.s32 s16, s12  }
.Ltmp6:
0x49: {  	(pc) =	sbr.rel .LBB2_9-.Ltmp6, $2  }
0x4a: {  	_ =	sdelay $0x2  }
0x4b: {  	[hbm:s16] =	stream.linear.scatter [tilespmem:s13], [sflag:$0x3], $0x400, $0x38;
	[tilespmem:$0x10200] =	vst v63  }
.LBB2_2:
.Ltmp7:
0x4c: {  	(pc) =	sbr.rel .LBB2_10-.Ltmp7, $4  }
0x4d: {  	_ = 	snop  }
0x4e: {  	s12 =	sshrl.u32 s11, $0x3  }
0x4f: {  	s13 =	sand.u32 $0x7, s11;
	s12 =	sadd.s32 s3, s12  }
0x50: {  	[tilespmem:s9], [sflag:$0x2] =	stream.linear.gather [hbm4b:s12+s13], $0x100, $0x38;
	[tilespmem:$0x10200] =	vst v63  }
.LBB2_11:
0x51: {  	s2 =	simm.s32 $0x3  }
0x52: {  	_ =	swait.ge [sflag:s2], $0x8000  }
0x53: {  	[sflag:s2] =	ssyncset.done $0x0  }
0x54: {  	[sflag:s2] =	ssyncadd.s32 $0xFFFF8000  }
0x55: {  	_ =	sfence.sel $0x180000  }
0x56: {  	s3 =	simm.s32 $0x2;
	[bflag:$0x0] =	sbarrier.arrive $0xFFFF  }
0x57: {  	[sflag:s3] =	ssyncpa.u1 $0x1  }
0x58: {  	s31 =	simm.s32 $0x1;
	[sflag:s2] =	ssyncpa.u1 $0x1  }
0x59: {  	[sflag:s31] =	ssyncpa.u1 $0x1  }
0x5a: {  	p0 =	sne.s32 s1, $0x0;
	_ =	strace $0x90000053  }
0x5b: {  	s0 =	sadd.s32 @!p0 $0x100000, s0;
	[bflag:$0x2] =	sbarrier.arrive $0xFFFF  }
0x5c: {  	[sflag:s0] =	ssyncadd.tile.s32 @!p0 $0x1;
	_ =	shalt  }
.Lfunc_end2:
_tile_overlayer_lowered:
.L_overlay_start_2:
0x5d: {  	(tag) =	ssettag $0x2  }
0x5e: {  	s0 =	rddreg [dreg:$0x0];
	s2 =	stileid.u32  }
0x5f: {  	s1 =	rddreg [dreg:$0x1];
	p0 =	sne.s32 s2, $0x0  }
0x60: {  	s3 =	rddreg [dreg:$0x2];
	[bflag:$0x3] =	sbarrier.arrive $0xFFFF;
	s2 =	simm.s32 @!p0 $0x1C01  }
0x61: {  	[timem:s3], [sflag:s2] =	dma.local @!p0 [hbm:s0], s1  }
0x62: {  	s0 =	simm.s32 @!p0 $0x1  }
0x63: {  	_ =	swait.ge @!p0 [sflag:s0], s1  }
0x64: {  	s1 =	ssub.s32 @!p0 $0x0, s1;
	[sflag:s0] =	ssyncset.done @!p0 $0x0  }
0x65: {  	[sflag:s0] =	ssyncadd.s32 @!p0 s1  }
0x66: {  	[bflag:$0x3] =	sbarrier.arrive $0xFFFF  }
0x67: {  	_ =	shalt  }

// kernel: gather_offload_async_start
scs
__scs_entry_jumppad:
0x0: {  	(pc) =	sbr.rel $0x88, $3  }
0x1: {  	(tag) =	ssettag $0x0;
	lr =	simm.s32 $0x1  }
0x2: {  	[smem:$0x3F97] =	sst lr;
	_ =	strace $0xD0000000  }
0x3: {  	_ = 	snop  }
0x4: {  	_ = 	snop  }
0x5: {  	_ = 	snop  }
0x6: {  	_ = 	snop  }
0x7: {  	_ = 	snop  }
__scs_overlays_trampoline_lowered:
0x8: {  	[smem:$0x3FA6] =	sst s0  }
0x9: {  	[smem:$0x3FA7] =	sst s1  }
0xa: {  	[smem:$0x3FA8] =	sst s2  }
0xb: {  	[smem:$0x3FA9] =	sst s3  }
0xc: {  	[smem:$0x3FAA] =	sst s4  }
0xd: {  	[smem:$0x3FAB] =	sst s5  }
0xe: {  	[smem:$0x3FAC] =	sst s6  }
0xf: {  	[smem:$0x3FAD] =	sst s7  }
0x10: {  	[smem:$0x3FAE] =	sst s8  }
0x11: {  	[smem:$0x3FAF] =	sst s9;
	s0 =	simm.s32 @!p0 $0x0  }
0x12: {  	s1 =	sld [smem:$0x3F95];
	s0 =	simm.s32 @p0 $0x1  }
0x13: {  	[smem:$0x3FB0] =	sst s0;
	s0 =	simm.s32 @!p1 $0x0  }
0x14: {  	s2 =	sld [smem:$0x3F94];
	s0 =	simm.s32 @p1 $0x1  }
0x15: {  	[smem:$0x3FB1] =	sst s0;
	s0 =	simm.s32 @!p2 $0x0  }
0x16: {  	s3 =	sld [smem:$0x3FDB];
	s0 =	simm.s32 @p2 $0x1  }
0x17: {  	s4 =	simm.s32 $0x1BF5;
	[smem:$0x3FB3] =	sst s0  }
0x18: {  	s0 =	sld [smem:$0x3F96];
	_ =	swait.ge [sflag:s4], $0x0  }
0x19: {  	s7 =	sld [smem:$0x3F97]  }
0x1a: {  	s8 =	sadd.s32 $0xFFFFE003, lr  }
0x1b: {  	s9 =	sadd.s32 $0xFFFFFEF7, lr;
	s5 =	simm.s32 $0xFFFFFFFF;
	p2 =	slt.u32 s8, $0xFFFFF086  }
0x1c: {  	p1 =	slt.u32 s9, $0xF7A;
	s5 =	simm.s32 @!p2 $0x0  }
0x1d: {  	s5 =	simm.s32 @p1 $0x1;
	p0 =	seq.s32 s7, s2  }
0x1e: {  	s7 =	smul.u32 @!p0 $0xF7A, s2;
	p2 =	seq.s32 @!p0 s5, $0x0  }
0x1f: {  	s9 =	smul.u32 $0xF7A, s1;
	s8 =	simm.s32 @!p0 $0x1BF5;
	p2 =	por !p2, p0  }
0x20: {  	[sflag:s8] =	ssyncset.s32 @!p0 $0xFFFFF086;
	s6 =	sadd.s32 @!p0 s3, s7;
	s7 =	simm.s32 @!p0 $0x108  }
0x21: {  	s3 =	sadd.s32 s3, s9;
	s6 =	sadd.s32 @!p0 $0x88, s6;
	s7 =	simm.s32 @p2 $0x1082  }
0x22: {  	[simem:s7], [sflag:s8] =	dma.local @!p0 [hbm:s6], $0xF7A  }
0x23: {  	s9 =	sor.u32 $0xD0000000, s2;
	s6 =	simm.s32 $0x108;
	_ =	swait.ge @!p0 [sflag:s8], $0x0  }
0x24: {  	s3 =	sadd.s32 $0x88, s3;
	s6 =	simm.s32 @!p1 $0x1082;
	[sflag:s4] =	ssyncset.s32 $0xFFFFF086  }
0x25: {  	[simem:s6], [sflag:s4] =	dma.local [hbm:s3], $0xF7A  }
0x26: {  	[smem:$0x3F97] =	sst s1;
	(tag) =	ssettag s2;
	_ =	strace s9  }
0x27: {  	s1 =	sld [smem:$0x3FA7]  }
0x28: {  	s2 =	sld [smem:$0x3FA8]  }
0x29: {  	s4 =	sld [smem:$0x3FAA]  }
0x2a: {  	p0 =	seq.s32 s5, $0x0;
	s5 =	sld [smem:$0x3FAB]  }
0x2b: {  	s6 =	sld [smem:$0x3FAC]  }
0x2c: {  	s7 =	sld [smem:$0x3FAD]  }
0x2d: {  	s3 =	simm.s32 $0x108;
	s8 =	sld [smem:$0x3FAE]  }
0x2e: {  	s3 =	simm.s32 @!p0 $0x1082;
	s9 =	sld [smem:$0x3FAF]  }
0x2f: {  	lr =	sadd.s32 s0, s3;
	s0 =	sld [smem:$0x3FA6]  }
0x30: {  	s3 =	sld [smem:$0x3FA9]  }
0x31: {  	[smem:$0x3FB2] =	sst s10  }
0x32: {  	s10 =	sld [smem:$0x3FB0];
	_ =	sdelay $0x3  }
0x33: {  	p0 =	seq.s32 s10, $0x1;
	s10 =	sld [smem:$0x3FB2];
	_ =	sdelay $0x3  }
0x34: {  	[smem:$0x3FB2] =	sst s10  }
0x35: {  	s10 =	sld [smem:$0x3FB1];
	_ =	sdelay $0x3  }
0x36: {  	p1 =	seq.s32 s10, $0x1;
	s10 =	sld [smem:$0x3FB2];
	_ =	sdelay $0x3  }
0x37: {  	[smem:$0x3FB2] =	sst s10  }
0x38: {  	s10 =	sld [smem:$0x3FB3]  }
0x39: {  	_ = 	snop;
	(pc) =	sbr.ind lr, $3  }
0x3a: {  	_ = 	snop  }
0x3b: {  	_ = 	snop  }
0x3c: {  	p2 =	seq.s32 s10, $0x1;
	s10 =	sld [smem:$0x3FB2]  }
0x3d: {  	_ =	shalt  }
0x3e: {  	_ =	shalt  }
0x3f: {  	_ =	shalt  }
0x40: {  	_ =	shalt  }
0x41: {  	_ =	shalt  }
0x42: {  	_ =	shalt  }
0x43: {  	_ =	shalt  }
0x44: {  	_ =	shalt  }
0x45: {  	_ =	shalt  }
0x46: {  	_ =	shalt  }
0x47: {  	_ =	shalt  }
0x48: {  	_ =	shalt  }
0x49: {  	_ =	shalt  }
0x4a: {  	_ =	shalt  }
0x4b: {  	_ =	shalt  }
0x4c: {  	_ =	shalt  }
0x4d: {  	_ =	shalt  }
0x4e: {  	_ =	shalt  }
0x4f: {  	_ =	shalt  }
0x50: {  	_ =	shalt  }
0x51: {  	_ =	shalt  }
0x52: {  	_ =	shalt  }
0x53: {  	_ =	shalt  }
0x54: {  	_ =	shalt  }
0x55: {  	_ =	shalt  }
0x56: {  	_ =	shalt  }
0x57: {  	_ =	shalt  }
0x58: {  	_ =	shalt  }
0x59: {  	_ =	shalt  }
0x5a: {  	_ =	shalt  }
0x5b: {  	_ =	shalt  }
0x5c: {  	_ =	shalt  }
0x5d: {  	_ =	shalt  }
0x5e: {  	_ =	shalt  }
0x5f: {  	_ =	shalt  }
0x60: {  	_ =	shalt  }
0x61: {  	_ =	shalt  }
0x62: {  	_ =	shalt  }
0x63: {  	_ =	shalt  }
0x64: {  	_ =	shalt  }
0x65: {  	_ =	shalt  }
0x66: {  	_ =	shalt  }
0x67: {  	_ =	shalt  }
0x68: {  	_ =	shalt  }
0x69: {  	_ =	shalt  }
0x6a: {  	_ =	shalt  }
0x6b: {  	_ =	shalt  }
0x6c: {  	_ =	shalt  }
0x6d: {  	_ =	shalt  }
0x6e: {  	_ =	shalt  }
0x6f: {  	_ =	shalt  }
0x70: {  	_ =	shalt  }
0x71: {  	_ =	shalt  }
0x72: {  	_ =	shalt  }
0x73: {  	_ =	shalt  }
0x74: {  	_ =	shalt  }
0x75: {  	_ =	shalt  }
0x76: {  	_ =	shalt  }
0x77: {  	_ =	shalt  }
0x78: {  	_ =	shalt  }
0x79: {  	_ =	shalt  }
0x7a: {  	_ =	shalt  }
0x7b: {  	_ =	shalt  }
0x7c: {  	_ =	shalt  }
0x7d: {  	_ =	shalt  }
0x7e: {  	_ =	shalt  }
0x7f: {  	_ =	shalt  }
0x80: {  	_ =	shalt  }
0x81: {  	_ =	shalt  }
0x82: {  	_ =	shalt  }
0x83: {  	_ =	shalt  }
0x84: {  	_ =	shalt  }
0x85: {  	_ =	shalt  }
0x86: {  	_ =	shalt  }
0x87: {  	_ =	shalt  }
.Lfunc_end0:
.L_simem_size_0:
called_computation.1_lowered:
.L_overlay_start_0:
0x88: {  	s2 =	sld [smem:$0x3FD9]  }
0x89: {  	s3 =	sld [smem:$0x3FFE];
	_ =	sdelay $0x1  }
0x8a: {  	s1 =	srdreg.scid  }
0x8b: {  	s0 =	sand.u32 $0x1, s1  }
0x8c: {  	s16 =	sshll.u32 s0, $0xA;
	s2 =	sadd.s32 s3, s2  }
0x8d: {  	s2 =	sadd.s32 s2, s16  }
0x8e: {  	[smem:$0x3FBE] =	sst s2  }
0x8f: {  	_ = 	snop  }
0x90: {  	(tm) =	ssettm $0x1  }
0x91: {  	s17 =	sld [smem:$0x3FFB];
	_ =	sdelay $0x3  }
0x92: {  	_ =	strace s17  }
0x93: {  	s2 =	sld [smem:$0x3FFC];
	_ =	sdelay $0x3  }
0x94: {  	_ =	strace s2  }
0x95: {  	s2 =	sld [smem:$0x3FFD];
	_ =	sdelay $0x3  }
0x96: {  	_ =	strace s2  }
0x97: {  	_ =	strace $0x8FFFFFFF  }
0x98: {  	s18 =	sld [smem:$0x3FDB];
	_ =	sdelay $0x1  }
0x99: {  	s19 =	simm.s32 $_scs_section_size  }
0x9a: {  	s4 =	simm.s32 $_size__tile_overlayer_lowered;
	s5 =	simm.s32 $_tile_overlayer_lowered  }
0x9b: {  	s22 =	simm.s32 $0x1BFF;
	s21 =	sshll.u32 s5, $0x1;
	s2 =	sadd.s32 s19, s18  }
0x9c: {  	s6 =	simm.s32 $0x0;
	s20 =	sshll.u32 s4, $0x1;
	s4 =	sadd.s32 s21, s2  }
0x9d: {  	[timem:s6], [sflag:s22] =	dma.local [hbm:s4], s20  }
0x9e: {  	_ =	swait.ge [sflag:s22], s20  }
0x9f: {  	s3 =	ssub.s32 $0x0, s20;
	[sflag:s22] =	ssyncset.done $0x0  }
0xa0: {  	[sflag:s22] =	ssyncadd.s32 s3;
	_ =	sdelay $0x1  }
0xa1: {  	s23 =	simm.s32 $0x1B8B  }
0xa2: {  	_ =	swait.ge [sflag:s23], $0x1  }
0xa3: {  	[sflag:s23] =	ssyncset.done $0x0  }
0xa4: {  	s25 =	simm.s32 $0x1B8E;
	s24 =	sld [smem:$0x3FFE];
	[sflag:s23] =	ssyncadd.s32 $0xFFFFFFFF  }
0xa5: {  	s26 =	simm.s32 $execute0_lowered;
	[smem:$0x3FD2] =	sst s25  }
0xa6: {  	s4 =	sshll.u32 s26, $0x1;
	_ =	strace $0x80000046;
	[dreg:$0x1] =	wrdreg $0xFFFFFFFF  }
0xa7: {  	s28 =	simm.s32 $_size_execute0_lowered;
	s2 =	sadd.s32 s2, s4;
	[dreg:$0x0] =	wrdreg $0x0  }
0xa8: {  	s4 =	sshll.u32 s28, $0x1;
	[dreg:$0x2] =	wrdreg s2  }
0xa9: {  	[dreg:$0x3] =	wrdreg s4  }
0xaa: {  	[dreg:$0x4] =	wrdreg $0xC0  }
0xab: {  	_ =	task [dreg:s6], $0x5FFFF  }
0xac: {  	[dreg:$0x1] =	wrdreg $0xFFFFFFFF  }
0xad: {  	[dreg:$0x0] =	wrdreg $0x60  }
0xae: {  	[dreg:$0x2] =	wrdreg s24  }
0xaf: {  	[dreg:$0x3] =	wrdreg $0x9  }
0xb0: {  	_ =	task.clear_ibuf [dreg:s6], $0x4FFFF;
	_ =	strace $0x90000046  }
0xb1: {  	s29 =	simm.s32 $0x9;
	_ =	strace $0x80000048  }
0xb2: {  	_ =	swait.ge [sflag:s29], $0x1  }
0xb3: {  	[sflag:s29] =	ssyncadd.s32 $0xFFFFFFFF  }
0xb4: {  	_ =	strace $0x90000048  }
0xb5: {  	_ =	sfence  }
0xb6: {  	s30 =	sld [smem:$0x0];
	_ =	sdelay $0x2  }
0xb7: {  	s31 =	sshll.u32 s1, $0xD;
	s1 =	sshrl.u32 s1, $0x2  }
0xb8: {  	s3 =	sand.u32 $0x4000, s31;
	s1 =	sadd.s32 s1, s30  }
0xb9: {  	s0 =	sor.u32 s3, s0;
	s1 =	sshll.u32 s1, $0x11  }
0xba: {  	s0 =	sor.u32 s1, s0  }
0xbb: {  	s0 =	sadd.s32 $0x8F2B, s0  }
0xbc: {  	[sflag:s0] =	ssyncadd.remote.s32 $0x1  }
0xbd: {  	_ =	sfence.sel $0xFFFF  }
0xbe: {  	[dreg:$0x0] =	wrdreg $0xFFFFFFFF;
	(pc) =	sbr.abs _section_cstart, $3  }
0xbf: {  	[dreg:$0x1] =	wrdreg $0xFFFFFFFF  }
0xc0: {  	_ =	task.clear_ibuf [dreg:s6], $0x2FFFF;
	_ =	strace $0x9FFFFFFF  }
0xc1: {  	(tm) =	ssettm $0x7FFFFFFF  }
tec
execute0_lowered:
.L_overlay_start_1:
0x0: {  	(tag) =	ssettag $0x1  }
0x1: {  	s7 =	rddreg [dreg:$0x0]  }
0x2: {  	s0 =	rddreg [dreg:$0x1];
	_ =	strace $0x80000047  }
0x3: {  	s1 =	srdreg.scid;
	s4 =	simm.s32 $0x1;
	s9 =	simm.s32 $0x3  }
0x4: {  	s12 =	simm.s32 $0x0;
	s10 =	simm.s32 $0x0;
	s5 =	sshll.u32 s1, $0x4  }
.Ltmp0:
0x5: {  	s1 =	stileid.u32;
	s5 =	sand.u32 $0x10, s5;
	(pc) =	sbr.rel .LBB2_1-.Ltmp0, $4  }
0x6: {  	s2 =	sadd.s32 $0x4600, s7;
	s3 =	sadd.s32 $0x84600, s7;
	s6 =	sor.u32 s1, s5  }
0x7: {  	[sflag:s4] =	ssyncpa.u1 $0x0;
	s5 =	simm.s32 $0x2;
	s6 =	sshll.u32 s6, $0x8  }
0x8: {  	s7 =	sadd.s32 $0x84A00, s7;
	[sflag:s5] =	ssyncpa.u1 $0x0;
	s8 =	sadd.s32 $0x100, s6  }
0x9: {  	vm0 =	vmmov $0xff;
	vm1 =	vcmask $0x3F20;
	[sflag:s9] =	ssyncpa.u1 $0x0;
	s9 =	simm.s32 $0x100;
	s11 =	smov.u32 s6  }
.LBB2_9:
0xa: {  	p0 =	seq.s32 s10, $0x2  }
.Ltmp1:
0xb: {  	_ = 	snop;
	(pc) =	sbr.rel @p0 .LBB2_11-.Ltmp1, $1  }
0xc: {  	_ =	sdelay $0x3  }
.LBB2_10:
0xd: {  	s12 =	sadd.s32 $0x100, s11  }
0xe: {  	s13 =	smov.u32 s6;
	p0 =	slt.s32 s12, s8  }
0xf: {  	s13 =	smov.u32 @p0 s12  }
0x10: {  	s10 =	sadd.s32 $0x1, s10;
	s12 =	smov.u32 s11;
	s11 =	smov.u32 s13  }
.LBB2_1:
0x11: {  	p0 =	sne.s32 s10, $0x0  }
.Ltmp2:
0x12: {  	_ = 	snop;
	(pc) =	sbr.rel @!p0 .LBB2_2-.Ltmp2, $1  }
0x13: {  	_ =	sdelay $0x3  }
0x14: {  	s13 =	sand.u32 $0x1, s10  }
0x15: {  	p0 =	seq.s32 s13, $0x0  }
.Ltmp3:
0x16: {  	_ = 	snop;
	(pc) =	sbr.rel @p0 .LBB2_9-.Ltmp3, $1  }
0x17: {  	_ =	sdelay $0x3  }
0x18: {  	_ =	swait.ge [sflag:s5], $0x100  }
0x19: {  	[sflag:s5] =	ssyncset.done $0x0  }
0x1a: {  	s13 =	simm.s32 $0x0;
	[sflag:s5] =	ssyncadd.s32 $0xFFFFFF00  }
0x1b: {  	v0 =	vld.msk [tilespmem:s13+$0x100 ss:$0x1], $0xffff;
	_ =	sdelay $0x4  }
0x1c: {  	v1 =	vshll.u32 v0, $0x5  }
0x1d: {  	vm2 =	veq.s32 v0, $0x80000000;
	v0 =	vshll.u32 v0, $0x14;
	v1 =	vand.u32 $0xFFF80, v1  }
0x1e: {  	v0 =	vand.u32 $0x300000, v0;
	v1 =	vsel vm2, $0xFFFFFF80, v1  }
0x1f: {  	v0 =	vsel vm2, $0xFFF00000, v0;
	v2 =	vand.u32 $0xFFFFFC00, v1  }
0x20: {  	v1 =	vand.u32 $0x380, v1;
	v0 =	vadd.s32 v0, v2  }
0x21: {  	v0 =	vor.u32 v1, v0  }
0x22: {  	v0 =	vshrl.u32 v0, $0x3;
	_ =	sdelay $0x3  }
0x23: {  	s13 =	simm.s32 $0x8200  }
0x24: {  	[tilespmem:s13], [sflag:$0x1] =	stream.indirect_vreg.gather [hbm:s2], $0x80, v0, vm0, $0x38;
	[tilespmem:$0x10200] =	vst v63  }
0x25: {  	s14 =	simm.s32 $0x8600;
	s31 =	simm.s32 $0x10  }
0x26: {  	[tilespmem:s14], [sflag:$0x1] =	stream.indirect_vreg.gather [hbm:s2], $0x80, v0, vm1, $0x38;
	[tilespmem:$0x10200] =	vst v63  }
0x27: {  	s14 =	simm.s32 $0x80;
	v0 =	vld.msk [tilespmem:s31+$0x100 ss:$0x1], $0xffff  }
.LBB2_5:
0x28: {  	p0 =	sne.s32 s14, $0x3C0;
	_ =	sdelay $0x4  }
0x29: {  	v1 =	vshll.u32 v0, $0x5  }
0x2a: {  	vm2 =	veq.s32 v0, $0x80000000;
	v0 =	vshll.u32 v0, $0x14;
	v1 =	vand.u32 $0xFFF80, v1  }
0x2b: {  	v0 =	vand.u32 $0x300000, v0;
	v1 =	vsel vm2, $0xFFFFFF80, v1  }
0x2c: {  	v0 =	vsel vm2, $0xFFF00000, v0;
	v2 =	vand.u32 $0xFFFFFC00, v1  }
0x2d: {  	v1 =	vand.u32 $0x380, v1;
	v0 =	vadd.s32 v0, v2  }
0x2e: {  	v0 =	vor.u32 v1, v0  }
0x2f: {  	v0 =	vshrl.u32 v0, $0x3;
	_ =	sdelay $0x3  }
.Ltmp4:
0x30: {  	s13 =	sadd.s32 $0x800, s13;
	(pc) =	sbr.rel @p0 .LBB2_5-.Ltmp4, $4  }
0x31: {  	[tilespmem:s13], [sflag:$0x1] =	stream.indirect_vreg.gather [hbm:s2], $0x80, v0, vm0, $0x38;
	[tilespmem:$0x10200] =	vst v63  }
0x32: {  	s15 =	sshra.s32 s14, $0x2;
	s16 =	sadd.s32 $0x400, s13  }
0x33: {  	[tilespmem:s16], [sflag:$0x1] =	stream.indirect_vreg.gather [hbm:s2], $0x80, v0, vm1, $0x38;
	[tilespmem:$0x10200] =	vst v63  }
0x34: {  	s14 =	sadd.s32 $0x40, s14;
	v0 =	vld.msk [tilespmem:s15+$0x100 ss:$0x1], $0xffff  }
0x35: {  	_ =	sdelay $0x3  }
0x36: {  	v1 =	vshll.u32 v0, $0x5  }
0x37: {  	vm2 =	veq.s32 v0, $0x80000000;
	v63 =	vshll.u32 v0, $0x14;
	v1 =	vand.u32 $0xFFF80, v1  }
0x38: {  	v0 =	vand.u32 $0x300000, v63;
	v1 =	vsel vm2, $0xFFFFFF80, v1  }
0x39: {  	v0 =	vsel vm2, $0xFFF00000, v0;
	v2 =	vand.u32 $0xFFFFFC00, v1  }
0x3a: {  	v1 =	vand.u32 $0x380, v1;
	v0 =	vadd.s32 v0, v2  }
0x3b: {  	v0 =	vor.u32 v1, v0  }
0x3c: {  	v0 =	vshrl.u32 v0, $0x3;
	_ =	sdelay $0x3  }
0x3d: {  	s13 =	sadd.s32 $0x800, s13  }
0x3e: {  	[tilespmem:s13], [sflag:$0x1] =	stream.indirect_vreg.gather [hbm:s2], $0x80, v0, vm0, $0x38;
	[tilespmem:$0x10200] =	vst v63  }
0x3f: {  	s13 =	sadd.s32 $0x400, s13  }
0x40: {  	[tilespmem:s13], [sflag:$0x1] =	stream.indirect_vreg.gather [hbm:s2], $0x80, v0, vm1, $0x38;
	[tilespmem:$0x10200] =	vst v63  }
0x41: {  	s12 =	sshll.u32 s12, $0x4;
	s14 =	simm.s32 $0x80;
	_ =	swait.ge [sflag:s4], $0x8000  }
0x42: {  	s15 =	simm.s32 $0x8600;
	s12 =	sadd.s32 s12, s7;
	[sflag:s4] =	ssyncset.done $0x0  }
0x43: {  	s16 =	sadd.s32 $0x0, s12;
	s13 =	simm.s32 $0x8200;
	[sflag:s4] =	ssyncadd.s32 $0xFFFF8000  }
.LBB2_7:
0x44: {  	[hbm:s16] =	stream.linear.scatter [tilespmem:s13], [sflag:$0x3], $0x400, $0x38;
	[tilespmem:$0x10200] =	vst v63  }
0x45: {  	s16 =	smov.u32 s14;
	s13 =	smov.u32 s15;
	p0 =	sne.s32 s14, $0xF80  }
.Ltmp5:
0x46: {  	s14 =	sadd.s32 $0x80, s14;
	(pc) =	sbr.rel @p0 .LBB2_7-.Ltmp5, $2  }
0x47: {  	_ =	sdelay $0x2  }
0x48: {  	s15 =	sadd.s32 $0x400, s15;
	s16 =	sadd.s32 s16, s12  }
.Ltmp6:
0x49: {  	(pc) =	sbr.rel .LBB2_9-.Ltmp6, $2  }
0x4a: {  	_ =	sdelay $0x2  }
0x4b: {  	[hbm:s16] =	stream.linear.scatter [tilespmem:s13], [sflag:$0x3], $0x400, $0x38;
	[tilespmem:$0x10200] =	vst v63  }
.LBB2_2:
.Ltmp7:
0x4c: {  	(pc) =	sbr.rel .LBB2_10-.Ltmp7, $4  }
0x4d: {  	_ = 	snop  }
0x4e: {  	s12 =	sshrl.u32 s11, $0x3  }
0x4f: {  	s13 =	sand.u32 $0x7, s11;
	s12 =	sadd.s32 s3, s12  }
0x50: {  	[tilespmem:s9], [sflag:$0x2] =	stream.linear.gather [hbm4b:s12+s13], $0x100, $0x38;
	[tilespmem:$0x10200] =	vst v63  }
.LBB2_11:
0x51: {  	s2 =	simm.s32 $0x3  }
0x52: {  	_ =	swait.ge [sflag:s2], $0x8000  }
0x53: {  	[sflag:s2] =	ssyncset.done $0x0  }
0x54: {  	[sflag:s2] =	ssyncadd.s32 $0xFFFF8000  }
0x55: {  	_ =	sfence.sel $0x180000  }
0x56: {  	s3 =	simm.s32 $0x2;
	[bflag:$0x0] =	sbarrier.arrive $0xFFFF  }
0x57: {  	[sflag:s3] =	ssyncpa.u1 $0x1  }
0x58: {  	s31 =	simm.s32 $0x1;
	[sflag:s2] =	ssyncpa.u1 $0x1  }
0x59: {  	[sflag:s31] =	ssyncpa.u1 $0x1  }
0x5a: {  	p0 =	sne.s32 s1, $0x0;
	_ =	strace $0x90000047  }
0x5b: {  	s0 =	sadd.s32 @!p0 $0x100000, s0;
	[bflag:$0x2] =	sbarrier.arrive $0xFFFF  }
0x5c: {  	[sflag:s0] =	ssyncadd.tile.s32 @!p0 $0x1;
	_ =	shalt  }
.Lfunc_end2:
_tile_overlayer_lowered:
.L_overlay_start_2:
0x5d: {  	(tag) =	ssettag $0x2  }
0x5e: {  	s0 =	rddreg [dreg:$0x0];
	s2 =	stileid.u32  }
0x5f: {  	s1 =	rddreg [dreg:$0x1];
	p0 =	sne.s32 s2, $0x0  }
0x60: {  	s3 =	rddreg [dreg:$0x2];
	[bflag:$0x3] =	sbarrier.arrive $0xFFFF;
	s2 =	simm.s32 @!p0 $0x1C01  }
0x61: {  	[timem:s3], [sflag:s2] =	dma.local @!p0 [hbm:s0], s1  }
0x62: {  	s0 =	simm.s32 @!p0 $0x1  }
0x63: {  	_ =	swait.ge @!p0 [sflag:s0], s1  }
0x64: {  	s1 =	ssub.s32 @!p0 $0x0, s1;
	[sflag:s0] =	ssyncset.done @!p0 $0x0  }
0x65: {  	[sflag:s0] =	ssyncadd.s32 @!p0 s1  }
0x66: {  	[bflag:$0x3] =	sbarrier.arrive $0xFFFF  }
0x67: {  	_ =	shalt  }

// kernel: kernel.12.cloned.1.call-start
scs
__scs_entry_jumppad:
0x0: {  	(pc) =	sbr.rel $0x88, $3  }
0x1: {  	(tag) =	ssettag $0x0;
	lr =	simm.s32 $0x1  }
0x2: {  	[smem:$0x3F97] =	sst lr;
	_ =	strace $0xD0000000  }
0x3: {  	_ = 	snop  }
0x4: {  	_ = 	snop  }
0x5: {  	_ = 	snop  }
0x6: {  	_ = 	snop  }
0x7: {  	_ = 	snop  }
__scs_overlays_trampoline_lowered:
0x8: {  	[smem:$0x3FA6] =	sst s0  }
0x9: {  	[smem:$0x3FA7] =	sst s1  }
0xa: {  	[smem:$0x3FA8] =	sst s2  }
0xb: {  	[smem:$0x3FA9] =	sst s3  }
0xc: {  	[smem:$0x3FAA] =	sst s4  }
0xd: {  	[smem:$0x3FAB] =	sst s5  }
0xe: {  	[smem:$0x3FAC] =	sst s6  }
0xf: {  	[smem:$0x3FAD] =	sst s7  }
0x10: {  	[smem:$0x3FAE] =	sst s8  }
0x11: {  	[smem:$0x3FAF] =	sst s9;
	s0 =	simm.s32 @!p0 $0x0  }
0x12: {  	s1 =	sld [smem:$0x3F95];
	s0 =	simm.s32 @p0 $0x1  }
0x13: {  	[smem:$0x3FB0] =	sst s0;
	s0 =	simm.s32 @!p1 $0x0  }
0x14: {  	s2 =	sld [smem:$0x3F94];
	s0 =	simm.s32 @p1 $0x1  }
0x15: {  	[smem:$0x3FB1] =	sst s0;
	s0 =	simm.s32 @!p2 $0x0  }
0x16: {  	s3 =	sld [smem:$0x3FDB];
	s0 =	simm.s32 @p2 $0x1  }
0x17: {  	s4 =	simm.s32 $0x1BF5;
	[smem:$0x3FB3] =	sst s0  }
0x18: {  	s0 =	sld [smem:$0x3F96];
	_ =	swait.ge [sflag:s4], $0x0  }
0x19: {  	s7 =	sld [smem:$0x3F97]  }
0x1a: {  	s8 =	sadd.s32 $0xFFFFE003, lr  }
0x1b: {  	s9 =	sadd.s32 $0xFFFFFEF7, lr;
	s5 =	simm.s32 $0xFFFFFFFF;
	p2 =	slt.u32 s8, $0xFFFFF086  }
0x1c: {  	p1 =	slt.u32 s9, $0xF7A;
	s5 =	simm.s32 @!p2 $0x0  }
0x1d: {  	s5 =	simm.s32 @p1 $0x1;
	p0 =	seq.s32 s7, s2  }
0x1e: {  	s7 =	smul.u32 @!p0 $0xF7A, s2;
	p2 =	seq.s32 @!p0 s5, $0x0  }
0x1f: {  	s9 =	smul.u32 $0xF7A, s1;
	s8 =	simm.s32 @!p0 $0x1BF5;
	p2 =	por !p2, p0  }
0x20: {  	[sflag:s8] =	ssyncset.s32 @!p0 $0xFFFFF086;
	s6 =	sadd.s32 @!p0 s3, s7;
	s7 =	simm.s32 @!p0 $0x108  }
0x21: {  	s3 =	sadd.s32 s3, s9;
	s6 =	sadd.s32 @!p0 $0x88, s6;
	s7 =	simm.s32 @p2 $0x1082  }
0x22: {  	[simem:s7], [sflag:s8] =	dma.local @!p0 [hbm:s6], $0xF7A  }
0x23: {  	s9 =	sor.u32 $0xD0000000, s2;
	s6 =	simm.s32 $0x108;
	_ =	swait.ge @!p0 [sflag:s8], $0x0  }
0x24: {  	s3 =	sadd.s32 $0x88, s3;
	s6 =	simm.s32 @!p1 $0x1082;
	[sflag:s4] =	ssyncset.s32 $0xFFFFF086  }
0x25: {  	[simem:s6], [sflag:s4] =	dma.local [hbm:s3], $0xF7A  }
0x26: {  	[smem:$0x3F97] =	sst s1;
	(tag) =	ssettag s2;
	_ =	strace s9  }
0x27: {  	s1 =	sld [smem:$0x3FA7]  }
0x28: {  	s2 =	sld [smem:$0x3FA8]  }
0x29: {  	s4 =	sld [smem:$0x3FAA]  }
0x2a: {  	p0 =	seq.s32 s5, $0x0;
	s5 =	sld [smem:$0x3FAB]  }
0x2b: {  	s6 =	sld [smem:$0x3FAC]  }
0x2c: {  	s7 =	sld [smem:$0x3FAD]  }
0x2d: {  	s3 =	simm.s32 $0x108;
	s8 =	sld [smem:$0x3FAE]  }
0x2e: {  	s3 =	simm.s32 @!p0 $0x1082;
	s9 =	sld [smem:$0x3FAF]  }
0x2f: {  	lr =	sadd.s32 s0, s3;
	s0 =	sld [smem:$0x3FA6]  }
0x30: {  	s3 =	sld [smem:$0x3FA9]  }
0x31: {  	[smem:$0x3FB2] =	sst s10  }
0x32: {  	s10 =	sld [smem:$0x3FB0];
	_ =	sdelay $0x3  }
0x33: {  	p0 =	seq.s32 s10, $0x1;
	s10 =	sld [smem:$0x3FB2];
	_ =	sdelay $0x3  }
0x34: {  	[smem:$0x3FB2] =	sst s10  }
0x35: {  	s10 =	sld [smem:$0x3FB1];
	_ =	sdelay $0x3  }
0x36: {  	p1 =	seq.s32 s10, $0x1;
	s10 =	sld [smem:$0x3FB2];
	_ =	sdelay $0x3  }
0x37: {  	[smem:$0x3FB2] =	sst s10  }
0x38: {  	s10 =	sld [smem:$0x3FB3]  }
0x39: {  	_ = 	snop;
	(pc) =	sbr.ind lr, $3  }
0x3a: {  	_ = 	snop  }
0x3b: {  	_ = 	snop  }
0x3c: {  	p2 =	seq.s32 s10, $0x1;
	s10 =	sld [smem:$0x3FB2]  }
0x3d: {  	_ =	shalt  }
0x3e: {  	_ =	shalt  }
0x3f: {  	_ =	shalt  }
0x40: {  	_ =	shalt  }
0x41: {  	_ =	shalt  }
0x42: {  	_ =	shalt  }
0x43: {  	_ =	shalt  }
0x44: {  	_ =	shalt  }
0x45: {  	_ =	shalt  }
0x46: {  	_ =	shalt  }
0x47: {  	_ =	shalt  }
0x48: {  	_ =	shalt  }
0x49: {  	_ =	shalt  }
0x4a: {  	_ =	shalt  }
0x4b: {  	_ =	shalt  }
0x4c: {  	_ =	shalt  }
0x4d: {  	_ =	shalt  }
0x4e: {  	_ =	shalt  }
0x4f: {  	_ =	shalt  }
0x50: {  	_ =	shalt  }
0x51: {  	_ =	shalt  }
0x52: {  	_ =	shalt  }
0x53: {  	_ =	shalt  }
0x54: {  	_ =	shalt  }
0x55: {  	_ =	shalt  }
0x56: {  	_ =	shalt  }
0x57: {  	_ =	shalt  }
0x58: {  	_ =	shalt  }
0x59: {  	_ =	shalt  }
0x5a: {  	_ =	shalt  }
0x5b: {  	_ =	shalt  }
0x5c: {  	_ =	shalt  }
0x5d: {  	_ =	shalt  }
0x5e: {  	_ =	shalt  }
0x5f: {  	_ =	shalt  }
0x60: {  	_ =	shalt  }
0x61: {  	_ =	shalt  }
0x62: {  	_ =	shalt  }
0x63: {  	_ =	shalt  }
0x64: {  	_ =	shalt  }
0x65: {  	_ =	shalt  }
0x66: {  	_ =	shalt  }
0x67: {  	_ =	shalt  }
0x68: {  	_ =	shalt  }
0x69: {  	_ =	shalt  }
0x6a: {  	_ =	shalt  }
0x6b: {  	_ =	shalt  }
0x6c: {  	_ =	shalt  }
0x6d: {  	_ =	shalt  }
0x6e: {  	_ =	shalt  }
0x6f: {  	_ =	shalt  }
0x70: {  	_ =	shalt  }
0x71: {  	_ =	shalt  }
0x72: {  	_ =	shalt  }
0x73: {  	_ =	shalt  }
0x74: {  	_ =	shalt  }
0x75: {  	_ =	shalt  }
0x76: {  	_ =	shalt  }
0x77: {  	_ =	shalt  }
0x78: {  	_ =	shalt  }
0x79: {  	_ =	shalt  }
0x7a: {  	_ =	shalt  }
0x7b: {  	_ =	shalt  }
0x7c: {  	_ =	shalt  }
0x7d: {  	_ =	shalt  }
0x7e: {  	_ =	shalt  }
0x7f: {  	_ =	shalt  }
0x80: {  	_ =	shalt  }
0x81: {  	_ =	shalt  }
0x82: {  	_ =	shalt  }
0x83: {  	_ =	shalt  }
0x84: {  	_ =	shalt  }
0x85: {  	_ =	shalt  }
0x86: {  	_ =	shalt  }
0x87: {  	_ =	shalt  }
.Lfunc_end0:
.L_simem_size_0:
called_computation.4_lowered:
.L_overlay_start_0:
0x88: {  	s2 =	sld [smem:$0x3FD9]  }
0x89: {  	s3 =	sld [smem:$0x3FFE];
	_ =	sdelay $0x1  }
0x8a: {  	s1 =	srdreg.scid  }
0x8b: {  	s0 =	sand.u32 $0x1, s1  }
0x8c: {  	s14 =	sshll.u32 s0, $0xA;
	s2 =	sadd.s32 s3, s2  }
0x8d: {  	s2 =	sadd.s32 s2, s14  }
0x8e: {  	[smem:$0x3FBE] =	sst s2  }
0x8f: {  	_ = 	snop  }
0x90: {  	s2 =	sld [smem:$0x3FD0];
	_ =	sdelay $0x2  }
0x91: {  	s15 =	simm.s32 $0xB;
	s4 =	simm.s32 $0x10  }
0x92: {  	[smem:s4], [sflag:s15] =	dma.local [hbm:s2], $0x1  }
0x93: {  	_ =	swait.eq [sflag:s15], $0x1  }
0x94: {  	[sflag:s15] =	ssyncset.done $0x0  }
0x95: {  	[sflag:s15] =	ssyncadd.s32 $0xFFFFFFFF  }
0x96: {  	s16 =	sld [smem:$0x11];
	(tm) =	ssettm $0x1  }
0x97: {  	s17 =	sld [smem:$0x3FFB];
	_ =	sdelay $0x3  }
0x98: {  	_ =	strace s17  }
0x99: {  	s3 =	sld [smem:$0x3FFC];
	_ =	sdelay $0x3  }
0x9a: {  	_ =	strace s3  }
0x9b: {  	s3 =	sld [smem:$0x3FFD];
	_ =	sdelay $0x3  }
0x9c: {  	_ =	strace s3  }
0x9d: {  	_ =	strace $0x8FFFFFFF  }
0x9e: {  	s18 =	sld [smem:$0x3FDB];
	_ =	sdelay $0x1  }
0x9f: {  	s19 =	simm.s32 $_scs_section_size  }
0xa0: {  	s5 =	simm.s32 $_size__tile_overlayer_lowered;
	s6 =	simm.s32 $_tile_overlayer_lowered  }
0xa1: {  	s22 =	simm.s32 $0x1BFF;
	s21 =	sshll.u32 s6, $0x1;
	s3 =	sadd.s32 s19, s18  }
0xa2: {  	s7 =	simm.s32 $0x0;
	s20 =	sshll.u32 s5, $0x1;
	s5 =	sadd.s32 s21, s3  }
0xa3: {  	[timem:s7], [sflag:s22] =	dma.local [hbm:s5], s20  }
0xa4: {  	_ =	swait.ge [sflag:s22], s20  }
0xa5: {  	s4 =	ssub.s32 $0x0, s20;
	[sflag:s22] =	ssyncset.done $0x0  }
0xa6: {  	[sflag:s22] =	ssyncadd.s32 s4;
	_ =	sdelay $0x1  }
0xa7: {  	s23 =	simm.s32 $0x1B8B  }
0xa8: {  	_ =	swait.ge [sflag:s23], $0x1  }
0xa9: {  	[sflag:s23] =	ssyncset.done $0x0  }
0xaa: {  	s25 =	simm.s32 $0x1B8E;
	s24 =	sld [smem:$0x3FFE];
	[sflag:s23] =	ssyncadd.s32 $0xFFFFFFFF  }
0xab: {  	s26 =	simm.s32 $execute0_lowered;
	[smem:$0x3FD2] =	sst s25  }
0xac: {  	s5 =	sshll.u32 s26, $0x1;
	_ =	strace $0x8000004F;
	[dreg:$0x1] =	wrdreg $0xFFFFFFFF  }
0xad: {  	s28 =	simm.s32 $_size_execute0_lowered;
	s3 =	sadd.s32 s3, s5;
	[dreg:$0x0] =	wrdreg $0x0  }
0xae: {  	s5 =	sshll.u32 s28, $0x1;
	[dreg:$0x2] =	wrdreg s3  }
0xaf: {  	[dreg:$0x3] =	wrdreg s5  }
0xb0: {  	[dreg:$0x4] =	wrdreg $0xC0  }
0xb1: {  	_ =	task [dreg:s7], $0x5FFFF  }
0xb2: {  	[dreg:$0x1] =	wrdreg $0xFFFFFFFF  }
0xb3: {  	[dreg:$0x0] =	wrdreg $0x60  }
0xb4: {  	[dreg:$0x2] =	wrdreg s24  }
0xb5: {  	[dreg:$0x3] =	wrdreg s16  }
0xb6: {  	[dreg:$0x4] =	wrdreg $0xA  }
0xb7: {  	_ =	task.clear_ibuf [dreg:s7], $0x5FFFF;
	_ =	strace $0x9000004F  }
0xb8: {  	s29 =	simm.s32 $0xA;
	_ =	strace $0x80000051  }
0xb9: {  	_ =	swait.ge [sflag:s29], $0x1  }
0xba: {  	[sflag:s29] =	ssyncadd.s32 $0xFFFFFFFF  }
0xbb: {  	_ =	strace $0x90000051  }
0xbc: {  	_ =	sfence  }
0xbd: {  	s30 =	sld [smem:$0x0];
	_ =	sdelay $0x2  }
0xbe: {  	s31 =	sshll.u32 s1, $0xD;
	s1 =	sshrl.u32 s1, $0x2  }
0xbf: {  	s3 =	sand.u32 $0x4000, s31;
	s1 =	sadd.s32 s1, s30  }
0xc0: {  	s0 =	sor.u32 s3, s0;
	s1 =	sshll.u32 s1, $0x11  }
0xc1: {  	s0 =	sor.u32 s1, s0  }
0xc2: {  	s0 =	sadd.s32 $0x8F2B, s0  }
0xc3: {  	[sflag:s0] =	ssyncadd.remote.s32 $0x1  }
0xc4: {  	_ =	sfence.sel $0xFFFF  }
0xc5: {  	[dreg:$0x0] =	wrdreg $0xFFFFFFFF;
	(pc) =	sbr.abs _section_cstart, $3  }
0xc6: {  	[dreg:$0x1] =	wrdreg $0xFFFFFFFF  }
0xc7: {  	_ =	task.clear_ibuf [dreg:s7], $0x2FFFF;
	_ =	strace $0x9FFFFFFF  }
0xc8: {  	(tm) =	ssettm $0x7FFFFFFF  }
0xc9: {  	_ =	shalt  }
tec
execute0_lowered:
.L_overlay_start_1:
0x0: {  	(tag) =	ssettag $0x1  }
0x1: {  	s1 =	srdreg.scid  }
0x2: {  	s0 =	stileid.u32;
	s1 =	sand.u32 $0x1, s1  }
0x3: {  	s4 =	rddreg [dreg:$0x0];
	s5 =	sshll.u32 s0, $0xF;
	s6 =	sshll.u32 s1, $0xE  }
0x4: {  	s3 =	rddreg [dreg:$0x1];
	s5 =	sor.u32 s6, s5  }
0x5: {  	s2 =	simm.s32 $0x0;
	s6 =	sshll.u32 s5, $0x2;
	s5 =	sshrl.u32 s5, $0x3  }
0x6: {  	[smem:$0x7FF] =	sst s2;
	s30 =	sadd.s32 s6, s4;
	s3 =	sadd.s32 s3, s5  }
0x7: {  	_ =	strace $0x80000050;
	[dreg:$0x3] =	wrdreg s3;
	s17 =	sadd.s32 $0x124A00, s30  }
0x8: {  	s18 =	sadd.s32 $0x125A00, s30;
	[dreg:$0x4] =	wrdreg s17  }
0x9: {  	s19 =	sadd.s32 $0x132A00, s30;
	[dreg:$0x5] =	wrdreg s18  }
0xa: {  	s20 =	sadd.s32 $0x133A00, s30;
	[dreg:$0x6] =	wrdreg s19  }
0xb: {  	s21 =	sadd.s32 $0x126A00, s30;
	[dreg:$0x7] =	wrdreg s20  }
0xc: {  	s22 =	sadd.s32 $0x127A00, s30;
	[dreg:$0x8] =	wrdreg s21  }
0xd: {  	s23 =	sadd.s32 $0x128A00, s30;
	[dreg:$0x9] =	wrdreg s22  }
0xe: {  	[dreg:$0xa] =	wrdreg s23  }
0xf: {  	s24 =	sadd.s32 $0x129A00, s30;
	s25 =	rddreg [dreg:$0x3]  }
0x10: {  	s26 =	sadd.s32 $0x12AA00, s30;
	[dreg:$0xb] =	wrdreg s24  }
0x11: {  	s3 =	simm.s32 $0x3;
	[dreg:$0xc] =	wrdreg s26  }
0x12: {  	[tilespmem:s2], [sflag:$0x3] =	stream.linear.gather [hbm4b:s25+s2], $0x4000, $0x38;
	[tilespmem:$0x14000] =	vst v63  }
0x13: {  	_ =	swait.ge [sflag:s3], $0x4000  }
0x14: {  	s4 =	sadd.s32 $0x8600, s4;
	[sflag:s3] =	ssyncset.done $0x0  }
0x15: {  	s5 =	simm.s32 $0x400;
	s6 =	simm.s32 $0x4000;
	[sflag:s3] =	ssyncadd.s32 $0xFFFFC000  }
0x16: {  	[tilespmem:s6], [sflag:$0x1] =	stream.indirect.gather [hbm4b:s4+s5], $0x20, s2, s5, $0xb8;
	[tilespmem:$0x14000] =	vst v63  }
0x17: {  	s7 =	simm.s32 $0xC000;
	s8 =	simm.s32 $0x1  }
0x18: {  	[tilespmem:s7], [sflag:$0x2] =	stream.indirect.gather [hbm4b:s4+s5], $0x20, s5, s5, $0xb8;
	[tilespmem:$0x14000] =	vst v63  }
0x19: {  	_ =	swait.ge [sflag:s8], $0x8000  }
0x1a: {  	[sflag:s8] =	ssyncset.done $0x0  }
0x1b: {  	s9 =	rddreg [dreg:$0x4];
	[sflag:s8] =	ssyncadd.s32 $0xFFFF8000  }
0x1c: {  	[hbm4b:s9+s2] =	stream.linear.scatter [tilespmem:s6], [sflag:$0x3], $0x8000, $0x38;
	[tilespmem:$0x14000] =	vst v63  }
0x1d: {  	_ =	swait.ge [sflag:s3], $0x8000  }
0x1e: {  	[sflag:s3] =	ssyncset.done $0x0  }
0x1f: {  	s10 =	simm.s32 $0x2;
	s9 =	simm.s32 $0x800;
	[sflag:s3] =	ssyncadd.s32 $0xFFFF8000  }
0x20: {  	[tilespmem:s6], [sflag:$0x1] =	stream.indirect.gather [hbm4b:s4+s5], $0x20, s9, s5, $0xb8;
	[tilespmem:$0x14000] =	vst v63  }
0x21: {  	_ =	swait.ge [sflag:s10], $0x8000  }
0x22: {  	[sflag:s10] =	ssyncset.done $0x0  }
0x23: {  	s11 =	rddreg [dreg:$0x5];
	[sflag:s10] =	ssyncadd.s32 $0xFFFF8000  }
0x24: {  	[hbm4b:s11+s2] =	stream.linear.scatter [tilespmem:s7], [sflag:$0x3], $0x8000, $0x38;
	[tilespmem:$0x14000] =	vst v63  }
0x25: {  	_ =	swait.ge [sflag:s3], $0x8000  }
0x26: {  	[sflag:s3] =	ssyncset.done $0x0  }
0x27: {  	s11 =	simm.s32 $0xC00;
	[sflag:s3] =	ssyncadd.s32 $0xFFFF8000  }
0x28: {  	[tilespmem:s7], [sflag:$0x2] =	stream.indirect.gather [hbm4b:s4+s5], $0x20, s11, s5, $0xb8;
	[tilespmem:$0x14000] =	vst v63  }
0x29: {  	_ =	swait.ge [sflag:s8], $0x8000  }
0x2a: {  	[sflag:s8] =	ssyncset.done $0x0  }
0x2b: {  	s12 =	rddreg [dreg:$0x8];
	[sflag:s8] =	ssyncadd.s32 $0xFFFF8000  }
0x2c: {  	[hbm4b:s12+s2] =	stream.linear.scatter [tilespmem:s6], [sflag:$0x3], $0x8000, $0x38;
	[tilespmem:$0x14000] =	vst v63  }
0x2d: {  	_ =	swait.ge [sflag:s3], $0x8000  }
0x2e: {  	[sflag:s3] =	ssyncset.done $0x0  }
0x2f: {  	s12 =	simm.s32 $0x1000;
	[sflag:s3] =	ssyncadd.s32 $0xFFFF8000  }
0x30: {  	[tilespmem:s6], [sflag:$0x1] =	stream.indirect.gather [hbm4b:s4+s5], $0x20, s12, s5, $0xb8;
	[tilespmem:$0x14000] =	vst v63  }
0x31: {  	_ =	swait.ge [sflag:s10], $0x8000  }
0x32: {  	[sflag:s10] =	ssyncset.done $0x0  }
0x33: {  	s13 =	rddreg [dreg:$0x9];
	[sflag:s10] =	ssyncadd.s32 $0xFFFF8000  }
0x34: {  	[hbm4b:s13+s2] =	stream.linear.scatter [tilespmem:s7], [sflag:$0x3], $0x8000, $0x38;
	[tilespmem:$0x14000] =	vst v63  }
0x35: {  	_ =	swait.ge [sflag:s3], $0x8000  }
0x36: {  	[sflag:s3] =	ssyncset.done $0x0  }
0x37: {  	s13 =	simm.s32 $0x1400;
	[sflag:s3] =	ssyncadd.s32 $0xFFFF8000  }
0x38: {  	[tilespmem:s7], [sflag:$0x2] =	stream.indirect.gather [hbm4b:s4+s5], $0x20, s13, s5, $0xb8;
	[tilespmem:$0x14000] =	vst v63  }
0x39: {  	_ =	swait.ge [sflag:s8], $0x8000  }
0x3a: {  	[sflag:s8] =	ssyncset.done $0x0  }
0x3b: {  	s14 =	rddreg [dreg:$0xa];
	[sflag:s8] =	ssyncadd.s32 $0xFFFF8000  }
0x3c: {  	[hbm4b:s14+s2] =	stream.linear.scatter [tilespmem:s6], [sflag:$0x3], $0x8000, $0x38;
	[tilespmem:$0x14000] =	vst v63  }
0x3d: {  	_ =	swait.ge [sflag:s3], $0x8000  }
0x3e: {  	[sflag:s3] =	ssyncset.done $0x0  }
0x3f: {  	s14 =	simm.s32 $0x1800;
	[sflag:s3] =	ssyncadd.s32 $0xFFFF8000  }
0x40: {  	[tilespmem:s6], [sflag:$0x1] =	stream.indirect.gather [hbm4b:s4+s5], $0x20, s14, s5, $0xb8;
	[tilespmem:$0x14000] =	vst v63  }
0x41: {  	_ =	swait.ge [sflag:s10], $0x8000  }
0x42: {  	[sflag:s10] =	ssyncset.done $0x0  }
0x43: {  	s15 =	rddreg [dreg:$0xb];
	[sflag:s10] =	ssyncadd.s32 $0xFFFF8000  }
0x44: {  	[hbm4b:s15+s2] =	stream.linear.scatter [tilespmem:s7], [sflag:$0x3], $0x8000, $0x38;
	[tilespmem:$0x14000] =	vst v63  }
0x45: {  	_ =	swait.ge [sflag:s3], $0x8000  }
0x46: {  	[sflag:s3] =	ssyncset.done $0x0  }
0x47: {  	s15 =	simm.s32 $0x1C00;
	[sflag:s3] =	ssyncadd.s32 $0xFFFF8000  }
0x48: {  	[tilespmem:s7], [sflag:$0x2] =	stream.indirect.gather [hbm4b:s4+s5], $0x20, s15, s5, $0xb8;
	[tilespmem:$0x14000] =	vst v63  }
0x49: {  	_ =	swait.ge [sflag:s8], $0x8000  }
0x4a: {  	[sflag:s8] =	ssyncset.done $0x0  }
0x4b: {  	s16 =	rddreg [dreg:$0xc];
	[sflag:s8] =	ssyncadd.s32 $0xFFFF8000  }
0x4c: {  	[hbm4b:s16+s2] =	stream.linear.scatter [tilespmem:s6], [sflag:$0x3], $0x8000, $0x38;
	[tilespmem:$0x14000] =	vst v63  }
0x4d: {  	_ =	swait.ge [sflag:s3], $0x8000  }
0x4e: {  	[sflag:s3] =	ssyncset.done $0x0  }
0x4f: {  	s16 =	simm.s32 $0x2000;
	[sflag:s3] =	ssyncadd.s32 $0xFFFF8000  }
0x50: {  	[tilespmem:s6], [sflag:$0x1] =	stream.indirect.gather [hbm4b:s4+s5], $0x20, s16, s5, $0xb8;
	[tilespmem:$0x14000] =	vst v63  }
0x51: {  	_ =	swait.ge [sflag:s10], $0x8000  }
0x52: {  	[sflag:s10] =	ssyncset.done $0x0  }
0x53: {  	s17 =	sadd.s32 $0x12BA00, s30;
	[sflag:s10] =	ssyncadd.s32 $0xFFFF8000  }
0x54: {  	[hbm4b:s17+s2] =	stream.linear.scatter [tilespmem:s7], [sflag:$0x3], $0x8000, $0x38;
	[tilespmem:$0x14000] =	vst v63  }
0x55: {  	_ =	swait.ge [sflag:s3], $0x8000  }
0x56: {  	[sflag:s3] =	ssyncset.done $0x0  }
0x57: {  	s18 =	simm.s32 $0x2400;
	[sflag:s3] =	ssyncadd.s32 $0xFFFF8000  }
0x58: {  	[tilespmem:s7], [sflag:$0x2] =	stream.indirect.gather [hbm4b:s4+s5], $0x20, s18, s5, $0xb8;
	[tilespmem:$0x14000] =	vst v63  }
0x59: {  	_ =	swait.ge [sflag:s8], $0x8000  }
0x5a: {  	[sflag:s8] =	ssyncset.done $0x0  }
0x5b: {  	s19 =	sadd.s32 $0x12CA00, s30;
	[sflag:s8] =	ssyncadd.s32 $0xFFFF8000  }
0x5c: {  	[hbm4b:s19+s2] =	stream.linear.scatter [tilespmem:s6], [sflag:$0x3], $0x8000, $0x38;
	[tilespmem:$0x14000] =	vst v63  }
0x5d: {  	_ =	swait.ge [sflag:s3], $0x8000  }
0x5e: {  	[sflag:s3] =	ssyncset.done $0x0  }
0x5f: {  	s20 =	simm.s32 $0x2800;
	[sflag:s3] =	ssyncadd.s32 $0xFFFF8000  }
0x60: {  	[tilespmem:s6], [sflag:$0x1] =	stream.indirect.gather [hbm4b:s4+s5], $0x20, s20, s5, $0xb8;
	[tilespmem:$0x14000] =	vst v63  }
0x61: {  	_ =	swait.ge [sflag:s10], $0x8000  }
0x62: {  	[sflag:s10] =	ssyncset.done $0x0  }
0x63: {  	s21 =	sadd.s32 $0x12DA00, s30;
	[sflag:s10] =	ssyncadd.s32 $0xFFFF8000  }
0x64: {  	[hbm4b:s21+s2] =	stream.linear.scatter [tilespmem:s7], [sflag:$0x3], $0x8000, $0x38;
	[tilespmem:$0x14000] =	vst v63  }
0x65: {  	_ =	swait.ge [sflag:s3], $0x8000  }
0x66: {  	[sflag:s3] =	ssyncset.done $0x0  }
0x67: {  	s22 =	simm.s32 $0x2C00;
	[sflag:s3] =	ssyncadd.s32 $0xFFFF8000  }
0x68: {  	[tilespmem:s7], [sflag:$0x2] =	stream.indirect.gather [hbm4b:s4+s5], $0x20, s22, s5, $0xb8;
	[tilespmem:$0x14000] =	vst v63  }
0x69: {  	_ =	swait.ge [sflag:s8], $0x8000  }
0x6a: {  	[sflag:s8] =	ssyncset.done $0x0  }
0x6b: {  	s23 =	sadd.s32 $0x12EA00, s30;
	[sflag:s8] =	ssyncadd.s32 $0xFFFF8000  }
0x6c: {  	[hbm4b:s23+s2] =	stream.linear.scatter [tilespmem:s6], [sflag:$0x3], $0x8000, $0x38;
	[tilespmem:$0x14000] =	vst v63  }
0x6d: {  	_ =	swait.ge [sflag:s3], $0x8000  }
0x6e: {  	[sflag:s3] =	ssyncset.done $0x0  }
0x6f: {  	s24 =	simm.s32 $0x3000;
	[sflag:s3] =	ssyncadd.s32 $0xFFFF8000  }
0x70: {  	[tilespmem:s6], [sflag:$0x1] =	stream.indirect.gather [hbm4b:s4+s5], $0x20, s24, s5, $0xb8;
	[tilespmem:$0x14000] =	vst v63  }
0x71: {  	_ =	swait.ge [sflag:s10], $0x8000  }
0x72: {  	[sflag:s10] =	ssyncset.done $0x0  }
0x73: {  	s25 =	sadd.s32 $0x12FA00, s30;
	[sflag:s10] =	ssyncadd.s32 $0xFFFF8000  }
0x74: {  	[hbm4b:s25+s2] =	stream.linear.scatter [tilespmem:s7], [sflag:$0x3], $0x8000, $0x38;
	[tilespmem:$0x14000] =	vst v63  }
0x75: {  	_ =	swait.ge [sflag:s3], $0x8000  }
0x76: {  	[sflag:s3] =	ssyncset.done $0x0  }
0x77: {  	s26 =	simm.s32 $0x3400;
	[sflag:s3] =	ssyncadd.s32 $0xFFFF8000  }
0x78: {  	[tilespmem:s7], [sflag:$0x2] =	stream.indirect.gather [hbm4b:s4+s5], $0x20, s26, s5, $0xb8;
	[tilespmem:$0x14000] =	vst v63  }
0x79: {  	_ =	swait.ge [sflag:s8], $0x8000  }
0x7a: {  	[sflag:s8] =	ssyncset.done $0x0  }
0x7b: {  	s28 =	sadd.s32 $0x130A00, s30;
	[sflag:s8] =	ssyncadd.s32 $0xFFFF8000  }
0x7c: {  	[hbm4b:s28+s2] =	stream.linear.scatter [tilespmem:s6], [sflag:$0x3], $0x8000, $0x38;
	[tilespmem:$0x14000] =	vst v63  }
0x7d: {  	_ =	swait.ge [sflag:s3], $0x8000  }
0x7e: {  	[sflag:s3] =	ssyncset.done $0x0  }
0x7f: {  	s29 =	simm.s32 $0x3800;
	[sflag:s3] =	ssyncadd.s32 $0xFFFF8000  }
0x80: {  	[tilespmem:s6], [sflag:$0x1] =	stream.indirect.gather [hbm4b:s4+s5], $0x20, s29, s5, $0xb8;
	[tilespmem:$0x14000] =	vst v63  }
0x81: {  	_ =	swait.ge [sflag:s10], $0x8000  }
0x82: {  	[sflag:s10] =	ssyncset.done $0x0  }
0x83: {  	s30 =	sadd.s32 $0x131A00, s30;
	[sflag:s10] =	ssyncadd.s32 $0xFFFF8000  }
0x84: {  	[hbm4b:s30+s2] =	stream.linear.scatter [tilespmem:s7], [sflag:$0x3], $0x8000, $0x38;
	[tilespmem:$0x14000] =	vst v63  }
0x85: {  	_ =	swait.ge [sflag:s3], $0x8000  }
0x86: {  	[sflag:s3] =	ssyncset.done $0x0  }
0x87: {  	s31 =	simm.s32 $0x3C00;
	[sflag:s3] =	ssyncadd.s32 $0xFFFF8000  }
0x88: {  	[tilespmem:s7], [sflag:$0x2] =	stream.indirect.gather [hbm4b:s4+s5], $0x20, s31, s5, $0xb8;
	[tilespmem:$0x14000] =	vst v63  }
0x89: {  	_ =	swait.ge [sflag:s8], $0x8000  }
0x8a: {  	[sflag:s8] =	ssyncset.done $0x0  }
0x8b: {  	s0 =	rddreg [dreg:$0x6];
	[sflag:s8] =	ssyncadd.s32 $0xFFFF8000  }
0x8c: {  	[hbm4b:s0+s2] =	stream.linear.scatter [tilespmem:s6], [sflag:$0x3], $0x8000, $0x38;
	[tilespmem:$0x14000] =	vst v63  }
0x8d: {  	_ =	swait.ge [sflag:s3], $0x8000  }
0x8e: {  	[sflag:s3] =	ssyncset.done $0x0  }
0x8f: {  	[sflag:s3] =	ssyncadd.s32 $0xFFFF8000  }
0x90: {  	_ =	swait.ge [sflag:s10], $0x8000  }
0x91: {  	s0 =	ssub.s32 $0x2, s1;
	s1 =	rddreg [dreg:$0x7]  }
0x92: {  	[dreg:$0xd] =	wrdreg s1;
	s1 =	sshrl.u32 s0, $0x1  }
0x93: {  	s0 =	ssub.s32 s0, s1  }
0x94: {  	s0 =	smax.u32 s0, $0x1  }
0x95: {  	p0 =	sne.s32 s0, $0x1  }
.Ltmp0:
0x96: {  	_ = 	snop;
	(pc) =	sbr.rel @!p0 .LBB2_2-.Ltmp0, $4  }
0x97: {  	[sflag:s10] =	ssyncset.done $0x0  }
0x98: {  	[sflag:s10] =	ssyncadd.s32 $0xFFFF8000;
	s1 =	rddreg [dreg:$0xd]  }
0x99: {  	[hbm4b:s1+s2] =	stream.linear.scatter [tilespmem:s7], [sflag:$0x3], $0x8000, $0x38;
	[tilespmem:$0x14000] =	vst v63  }
0x9a: {  	s1 =	sadd.s32 $0xFFFFFFFF, s0;
	_ =	swait.ge [sflag:s3], $0x8000  }
.LBB2_1:
0x9b: {  	[sflag:s3] =	ssyncset.done $0x0  }
0x9c: {  	s0 =	rddreg [dreg:$0x3];
	[sflag:s3] =	ssyncadd.s32 $0xFFFF8000  }
0x9d: {  	[tilespmem:s2], [sflag:$0x3] =	stream.linear.gather [hbm4b:s0+s2], $0x4000, $0x38;
	[tilespmem:$0x14000] =	vst v63  }
0x9e: {  	_ =	swait.ge [sflag:s3], $0x4000  }
0x9f: {  	[sflag:s3] =	ssyncset.done $0x0  }
0xa0: {  	[sflag:s3] =	ssyncadd.s32 $0xFFFFC000  }
0xa1: {  	[tilespmem:s6], [sflag:$0x1] =	stream.indirect.gather [hbm4b:s4+s5], $0x20, s2, s5, $0xb8;
	[tilespmem:$0x14000] =	vst v63  }
0xa2: {  	_ = 	snop  }
0xa3: {  	[tilespmem:s7], [sflag:$0x2] =	stream.indirect.gather [hbm4b:s4+s5], $0x20, s5, s5, $0xb8;
	[tilespmem:$0x14000] =	vst v63  }
0xa4: {  	_ =	swait.ge [sflag:s8], $0x8000  }
0xa5: {  	[sflag:s8] =	ssyncset.done $0x0  }
0xa6: {  	s0 =	rddreg [dreg:$0x4];
	[sflag:s8] =	ssyncadd.s32 $0xFFFF8000  }
0xa7: {  	[hbm4b:s0+s2] =	stream.linear.scatter [tilespmem:s6], [sflag:$0x3], $0x8000, $0x38;
	[tilespmem:$0x14000] =	vst v63  }
0xa8: {  	_ =	swait.ge [sflag:s3], $0x8000  }
0xa9: {  	[sflag:s3] =	ssyncset.done $0x0  }
0xaa: {  	[sflag:s3] =	ssyncadd.s32 $0xFFFF8000  }
0xab: {  	[tilespmem:s6], [sflag:$0x1] =	stream.indirect.gather [hbm4b:s4+s5], $0x20, s9, s5, $0xb8;
	[tilespmem:$0x14000] =	vst v63  }
0xac: {  	_ =	swait.ge [sflag:s10], $0x8000  }
0xad: {  	[sflag:s10] =	ssyncset.done $0x0  }
0xae: {  	s0 =	rddreg [dreg:$0x5];
	[sflag:s10] =	ssyncadd.s32 $0xFFFF8000  }
0xaf: {  	[hbm4b:s0+s2] =	stream.linear.scatter [tilespmem:s7], [sflag:$0x3], $0x8000, $0x38;
	[tilespmem:$0x14000] =	vst v63  }
0xb0: {  	_ =	swait.ge [sflag:s3], $0x8000  }
0xb1: {  	[sflag:s3] =	ssyncset.done $0x0  }
0xb2: {  	[sflag:s3] =	ssyncadd.s32 $0xFFFF8000  }
0xb3: {  	[tilespmem:s7], [sflag:$0x2] =	stream.indirect.gather [hbm4b:s4+s5], $0x20, s11, s5, $0xb8;
	[tilespmem:$0x14000] =	vst v63  }
0xb4: {  	_ =	swait.ge [sflag:s8], $0x8000  }
0xb5: {  	[sflag:s8] =	ssyncset.done $0x0  }
0xb6: {  	s0 =	rddreg [dreg:$0x8];
	[sflag:s8] =	ssyncadd.s32 $0xFFFF8000  }
0xb7: {  	[hbm4b:s0+s2] =	stream.linear.scatter [tilespmem:s6], [sflag:$0x3], $0x8000, $0x38;
	[tilespmem:$0x14000] =	vst v63  }
0xb8: {  	_ =	swait.ge [sflag:s3], $0x8000  }
0xb9: {  	[sflag:s3] =	ssyncset.done $0x0  }
0xba: {  	[sflag:s3] =	ssyncadd.s32 $0xFFFF8000  }
0xbb: {  	[tilespmem:s6], [sflag:$0x1] =	stream.indirect.gather [hbm4b:s4+s5], $0x20, s12, s5, $0xb8;
	[tilespmem:$0x14000] =	vst v63  }
0xbc: {  	_ =	swait.ge [sflag:s10], $0x8000  }
0xbd: {  	[sflag:s10] =	ssyncset.done $0x0  }
0xbe: {  	s0 =	rddreg [dreg:$0x9];
	[sflag:s10] =	ssyncadd.s32 $0xFFFF8000  }
0xbf: {  	[hbm4b:s0+s2] =	stream.linear.scatter [tilespmem:s7], [sflag:$0x3], $0x8000, $0x38;
	[tilespmem:$0x14000] =	vst v63  }
0xc0: {  	_ =	swait.ge [sflag:s3], $0x8000  }
0xc1: {  	[sflag:s3] =	ssyncset.done $0x0  }
0xc2: {  	[sflag:s3] =	ssyncadd.s32 $0xFFFF8000  }
0xc3: {  	[tilespmem:s7], [sflag:$0x2] =	stream.indirect.gather [hbm4b:s4+s5], $0x20, s13, s5, $0xb8;
	[tilespmem:$0x14000] =	vst v63  }
0xc4: {  	_ =	swait.ge [sflag:s8], $0x8000  }
0xc5: {  	[sflag:s8] =	ssyncset.done $0x0  }
0xc6: {  	s0 =	rddreg [dreg:$0xa];
	[sflag:s8] =	ssyncadd.s32 $0xFFFF8000  }
0xc7: {  	[hbm4b:s0+s2] =	stream.linear.scatter [tilespmem:s6], [sflag:$0x3], $0x8000, $0x38;
	[tilespmem:$0x14000] =	vst v63  }
0xc8: {  	_ =	swait.ge [sflag:s3], $0x8000  }
0xc9: {  	[sflag:s3] =	ssyncset.done $0x0  }
0xca: {  	[sflag:s3] =	ssyncadd.s32 $0xFFFF8000  }
0xcb: {  	[tilespmem:s6], [sflag:$0x1] =	stream.indirect.gather [hbm4b:s4+s5], $0x20, s14, s5, $0xb8;
	[tilespmem:$0x14000] =	vst v63  }
0xcc: {  	_ =	swait.ge [sflag:s10], $0x8000  }
0xcd: {  	[sflag:s10] =	ssyncset.done $0x0  }
0xce: {  	s0 =	rddreg [dreg:$0xb];
	[sflag:s10] =	ssyncadd.s32 $0xFFFF8000  }
0xcf: {  	[hbm4b:s0+s2] =	stream.linear.scatter [tilespmem:s7], [sflag:$0x3], $0x8000, $0x38;
	[tilespmem:$0x14000] =	vst v63  }
0xd0: {  	_ =	swait.ge [sflag:s3], $0x8000  }
0xd1: {  	[sflag:s3] =	ssyncset.done $0x0  }
0xd2: {  	[sflag:s3] =	ssyncadd.s32 $0xFFFF8000  }
0xd3: {  	[tilespmem:s7], [sflag:$0x2] =	stream.indirect.gather [hbm4b:s4+s5], $0x20, s15, s5, $0xb8;
	[tilespmem:$0x14000] =	vst v63  }
0xd4: {  	_ =	swait.ge [sflag:s8], $0x8000  }
0xd5: {  	[sflag:s8] =	ssyncset.done $0x0  }
0xd6: {  	s0 =	rddreg [dreg:$0xc];
	[sflag:s8] =	ssyncadd.s32 $0xFFFF8000  }
0xd7: {  	[hbm4b:s0+s2] =	stream.linear.scatter [tilespmem:s6], [sflag:$0x3], $0x8000, $0x38;
	[tilespmem:$0x14000] =	vst v63  }
0xd8: {  	_ =	swait.ge [sflag:s3], $0x8000  }
0xd9: {  	[sflag:s3] =	ssyncset.done $0x0  }
0xda: {  	[sflag:s3] =	ssyncadd.s32 $0xFFFF8000  }
0xdb: {  	[tilespmem:s6], [sflag:$0x1] =	stream.indirect.gather [hbm4b:s4+s5], $0x20, s16, s5, $0xb8;
	[tilespmem:$0x14000] =	vst v63  }
0xdc: {  	_ =	swait.ge [sflag:s10], $0x8000  }
0xdd: {  	[sflag:s10] =	ssyncset.done $0x0  }
0xde: {  	[sflag:s10] =	ssyncadd.s32 $0xFFFF8000  }
0xdf: {  	[hbm4b:s17+s2] =	stream.linear.scatter [tilespmem:s7], [sflag:$0x3], $0x8000, $0x38;
	[tilespmem:$0x14000] =	vst v63  }
0xe0: {  	_ =	swait.ge [sflag:s3], $0x8000  }
0xe1: {  	[sflag:s3] =	ssyncset.done $0x0  }
0xe2: {  	[sflag:s3] =	ssyncadd.s32 $0xFFFF8000  }
0xe3: {  	[tilespmem:s7], [sflag:$0x2] =	stream.indirect.gather [hbm4b:s4+s5], $0x20, s18, s5, $0xb8;
	[tilespmem:$0x14000] =	vst v63  }
0xe4: {  	_ =	swait.ge [sflag:s8], $0x8000  }
0xe5: {  	[sflag:s8] =	ssyncset.done $0x0  }
0xe6: {  	[sflag:s8] =	ssyncadd.s32 $0xFFFF8000  }
0xe7: {  	[hbm4b:s19+s2] =	stream.linear.scatter [tilespmem:s6], [sflag:$0x3], $0x8000, $0x38;
	[tilespmem:$0x14000] =	vst v63  }
0xe8: {  	_ =	swait.ge [sflag:s3], $0x8000  }
0xe9: {  	[sflag:s3] =	ssyncset.done $0x0  }
0xea: {  	[sflag:s3] =	ssyncadd.s32 $0xFFFF8000  }
0xeb: {  	[tilespmem:s6], [sflag:$0x1] =	stream.indirect.gather [hbm4b:s4+s5], $0x20, s20, s5, $0xb8;
	[tilespmem:$0x14000] =	vst v63  }
0xec: {  	_ =	swait.ge [sflag:s10], $0x8000  }
0xed: {  	[sflag:s10] =	ssyncset.done $0x0  }
0xee: {  	[sflag:s10] =	ssyncadd.s32 $0xFFFF8000  }
0xef: {  	[hbm4b:s21+s2] =	stream.linear.scatter [tilespmem:s7], [sflag:$0x3], $0x8000, $0x38;
	[tilespmem:$0x14000] =	vst v63  }
0xf0: {  	_ =	swait.ge [sflag:s3], $0x8000  }
0xf1: {  	[sflag:s3] =	ssyncset.done $0x0  }
0xf2: {  	[sflag:s3] =	ssyncadd.s32 $0xFFFF8000  }
0xf3: {  	[tilespmem:s7], [sflag:$0x2] =	stream.indirect.gather [hbm4b:s4+s5], $0x20, s22, s5, $0xb8;
	[tilespmem:$0x14000] =	vst v63  }
0xf4: {  	_ =	swait.ge [sflag:s8], $0x8000  }
0xf5: {  	[sflag:s8] =	ssyncset.done $0x0  }
0xf6: {  	[sflag:s8] =	ssyncadd.s32 $0xFFFF8000  }
0xf7: {  	[hbm4b:s23+s2] =	stream.linear.scatter [tilespmem:s6], [sflag:$0x3], $0x8000, $0x38;
	[tilespmem:$0x14000] =	vst v63  }
0xf8: {  	_ =	swait.ge [sflag:s3], $0x8000  }
0xf9: {  	[sflag:s3] =	ssyncset.done $0x0  }
0xfa: {  	[sflag:s3] =	ssyncadd.s32 $0xFFFF8000  }
0xfb: {  	[tilespmem:s6], [sflag:$0x1] =	stream.indirect.gather [hbm4b:s4+s5], $0x20, s24, s5, $0xb8;
	[tilespmem:$0x14000] =	vst v63  }
0xfc: {  	_ =	swait.ge [sflag:s10], $0x8000  }
0xfd: {  	[sflag:s10] =	ssyncset.done $0x0  }
0xfe: {  	[sflag:s10] =	ssyncadd.s32 $0xFFFF8000  }
0xff: {  	[hbm4b:s25+s2] =	stream.linear.scatter [tilespmem:s7], [sflag:$0x3], $0x8000, $0x38;
	[tilespmem:$0x14000] =	vst v63  }
0x100: {  	_ =	swait.ge [sflag:s3], $0x8000  }
0x101: {  	[sflag:s3] =	ssyncset.done $0x0  }
0x102: {  	[sflag:s3] =	ssyncadd.s32 $0xFFFF8000  }
0x103: {  	[tilespmem:s7], [sflag:$0x2] =	stream.indirect.gather [hbm4b:s4+s5], $0x20, s26, s5, $0xb8;
	[tilespmem:$0x14000] =	vst v63  }
0x104: {  	_ =	swait.ge [sflag:s8], $0x8000  }
0x105: {  	[sflag:s8] =	ssyncset.done $0x0  }
0x106: {  	[sflag:s8] =	ssyncadd.s32 $0xFFFF8000  }
0x107: {  	[hbm4b:s28+s2] =	stream.linear.scatter [tilespmem:s6], [sflag:$0x3], $0x8000, $0x38;
	[tilespmem:$0x14000] =	vst v63  }
0x108: {  	_ =	swait.ge [sflag:s3], $0x8000  }
0x109: {  	[sflag:s3] =	ssyncset.done $0x0  }
0x10a: {  	[sflag:s3] =	ssyncadd.s32 $0xFFFF8000  }
0x10b: {  	[tilespmem:s6], [sflag:$0x1] =	stream.indirect.gather [hbm4b:s4+s5], $0x20, s29, s5, $0xb8;
	[tilespmem:$0x14000] =	vst v63  }
0x10c: {  	_ =	swait.ge [sflag:s10], $0x8000  }
0x10d: {  	[sflag:s10] =	ssyncset.done $0x0  }
0x10e: {  	[sflag:s10] =	ssyncadd.s32 $0xFFFF8000  }
0x10f: {  	[hbm4b:s30+s2] =	stream.linear.scatter [tilespmem:s7], [sflag:$0x3], $0x8000, $0x38;
	[tilespmem:$0x14000] =	vst v63  }
0x110: {  	_ =	swait.ge [sflag:s3], $0x8000  }
0x111: {  	[sflag:s3] =	ssyncset.done $0x0  }
0x112: {  	[sflag:s3] =	ssyncadd.s32 $0xFFFF8000  }
0x113: {  	[tilespmem:s7], [sflag:$0x2] =	stream.indirect.gather [hbm4b:s4+s5], $0x20, s31, s5, $0xb8;
	[tilespmem:$0x14000] =	vst v63  }
0x114: {  	_ =	swait.ge [sflag:s8], $0x8000  }
0x115: {  	[sflag:s8] =	ssyncset.done $0x0  }
0x116: {  	s0 =	rddreg [dreg:$0x6];
	[sflag:s8] =	ssyncadd.s32 $0xFFFF8000  }
0x117: {  	[hbm4b:s0+s2] =	stream.linear.scatter [tilespmem:s6], [sflag:$0x3], $0x8000, $0x38;
	[tilespmem:$0x14000] =	vst v63  }
0x118: {  	_ =	swait.ge [sflag:s3], $0x8000  }
0x119: {  	[sflag:s3] =	ssyncset.done $0x0  }
0x11a: {  	p0 =	sne.s32 s1, $0x1;
	[sflag:s3] =	ssyncadd.s32 $0xFFFF8000  }
.Ltmp1:
0x11b: {  	_ =	swait.ge [sflag:s10], $0x8000;
	(pc) =	sbr.rel @p0 .LBB2_1-.Ltmp1, $4  }
0x11c: {  	[sflag:s10] =	ssyncset.done $0x0  }
0x11d: {  	s0 =	rddreg [dreg:$0x7];
	[sflag:s10] =	ssyncadd.s32 $0xFFFF8000  }
0x11e: {  	[hbm4b:s0+s2] =	stream.linear.scatter [tilespmem:s7], [sflag:$0x3], $0x8000, $0x38;
	[tilespmem:$0x14000] =	vst v63  }
0x11f: {  	s1 =	sadd.s32 $0xFFFFFFFF, s1;
	_ =	swait.ge [sflag:s3], $0x8000  }
.LBB2_2:
0x120: {  	[sflag:s3] =	ssyncset.done $0x0  }
0x121: {  	[sflag:s3] =	ssyncadd.s32 $0xFFFF8000  }
0x122: {  	_ =	sfence.sel $0x180000  }
0x123: {  	[bflag:$0x0] =	sbarrier.arrive $0xFFFF  }
0x124: {  	_ =	strace $0x90000050  }
0x125: {  	s0 =	stileid.u32;
	[bflag:$0x2] =	sbarrier.arrive $0xFFFF  }
0x126: {  	p0 =	sne.s32 s0, $0x0;
	s0 =	rddreg [dreg:$0x2]  }
0x127: {  	s0 =	sadd.s32 @!p0 $0x100000, s0  }
0x128: {  	[sflag:s0] =	ssyncadd.tile.s32 @!p0 $0x1;
	_ =	shalt  }
.Lfunc_end2:
_tile_overlayer_lowered:
.L_overlay_start_2:
0x129: {  	(tag) =	ssettag $0x2  }
0x12a: {  	s0 =	rddreg [dreg:$0x0];
	s2 =	stileid.u32  }
0x12b: {  	s1 =	rddreg [dreg:$0x1];
	p0 =	sne.s32 s2, $0x0  }
0x12c: {  	s3 =	rddreg [dreg:$0x2];
	[bflag:$0x3] =	sbarrier.arrive $0xFFFF;
	s2 =	simm.s32 @!p0 $0x1C03  }
0x12d: {  	[timem:s3], [sflag:s2] =	dma.local @!p0 [hbm:s0], s1  }
0x12e: {  	s0 =	simm.s32 @!p0 $0x3  }
0x12f: {  	_ =	swait.ge @!p0 [sflag:s0], s1  }
0x130: {  	s1 =	ssub.s32 @!p0 $0x0, s1;
	[sflag:s0] =	ssyncset.done @!p0 $0x0  }
0x131: {  	[sflag:s0] =	ssyncadd.s32 @!p0 s1  }
0x132: {  	[bflag:$0x3] =	sbarrier.arrive $0xFFFF  }
0x133: {  	_ =	shalt  }

// kernel: kernel.9.cloned.1.call-start
scs
__scs_entry_jumppad:
0x0: {  	(pc) =	sbr.rel $0x88, $3  }
0x1: {  	(tag) =	ssettag $0x0;
	lr =	simm.s32 $0x1  }
0x2: {  	[smem:$0x3F97] =	sst lr;
	_ =	strace $0xD0000000  }
0x3: {  	_ = 	snop  }
0x4: {  	_ = 	snop  }
0x5: {  	_ = 	snop  }
0x6: {  	_ = 	snop  }
0x7: {  	_ = 	snop  }
__scs_overlays_trampoline_lowered:
0x8: {  	[smem:$0x3FA6] =	sst s0  }
0x9: {  	[smem:$0x3FA7] =	sst s1  }
0xa: {  	[smem:$0x3FA8] =	sst s2  }
0xb: {  	[smem:$0x3FA9] =	sst s3  }
0xc: {  	[smem:$0x3FAA] =	sst s4  }
0xd: {  	[smem:$0x3FAB] =	sst s5  }
0xe: {  	[smem:$0x3FAC] =	sst s6  }
0xf: {  	[smem:$0x3FAD] =	sst s7  }
0x10: {  	[smem:$0x3FAE] =	sst s8  }
0x11: {  	[smem:$0x3FAF] =	sst s9;
	s0 =	simm.s32 @!p0 $0x0  }
0x12: {  	s1 =	sld [smem:$0x3F95];
	s0 =	simm.s32 @p0 $0x1  }
0x13: {  	[smem:$0x3FB0] =	sst s0;
	s0 =	simm.s32 @!p1 $0x0  }
0x14: {  	s2 =	sld [smem:$0x3F94];
	s0 =	simm.s32 @p1 $0x1  }
0x15: {  	[smem:$0x3FB1] =	sst s0;
	s0 =	simm.s32 @!p2 $0x0  }
0x16: {  	s3 =	sld [smem:$0x3FDB];
	s0 =	simm.s32 @p2 $0x1  }
0x17: {  	s4 =	simm.s32 $0x1BF5;
	[smem:$0x3FB3] =	sst s0  }
0x18: {  	s0 =	sld [smem:$0x3F96];
	_ =	swait.ge [sflag:s4], $0x0  }
0x19: {  	s7 =	sld [smem:$0x3F97]  }
0x1a: {  	s8 =	sadd.s32 $0xFFFFE003, lr  }
0x1b: {  	s9 =	sadd.s32 $0xFFFFFEF7, lr;
	s5 =	simm.s32 $0xFFFFFFFF;
	p2 =	slt.u32 s8, $0xFFFFF086  }
0x1c: {  	p1 =	slt.u32 s9, $0xF7A;
	s5 =	simm.s32 @!p2 $0x0  }
0x1d: {  	s5 =	simm.s32 @p1 $0x1;
	p0 =	seq.s32 s7, s2  }
0x1e: {  	s7 =	smul.u32 @!p0 $0xF7A, s2;
	p2 =	seq.s32 @!p0 s5, $0x0  }
0x1f: {  	s9 =	smul.u32 $0xF7A, s1;
	s8 =	simm.s32 @!p0 $0x1BF5;
	p2 =	por !p2, p0  }
0x20: {  	[sflag:s8] =	ssyncset.s32 @!p0 $0xFFFFF086;
	s6 =	sadd.s32 @!p0 s3, s7;
	s7 =	simm.s32 @!p0 $0x108  }
0x21: {  	s3 =	sadd.s32 s3, s9;
	s6 =	sadd.s32 @!p0 $0x88, s6;
	s7 =	simm.s32 @p2 $0x1082  }
0x22: {  	[simem:s7], [sflag:s8] =	dma.local @!p0 [hbm:s6], $0xF7A  }
0x23: {  	s9 =	sor.u32 $0xD0000000, s2;
	s6 =	simm.s32 $0x108;
	_ =	swait.ge @!p0 [sflag:s8], $0x0  }
0x24: {  	s3 =	sadd.s32 $0x88, s3;
	s6 =	simm.s32 @!p1 $0x1082;
	[sflag:s4] =	ssyncset.s32 $0xFFFFF086  }
0x25: {  	[simem:s6], [sflag:s4] =	dma.local [hbm:s3], $0xF7A  }
0x26: {  	[smem:$0x3F97] =	sst s1;
	(tag) =	ssettag s2;
	_ =	strace s9  }
0x27: {  	s1 =	sld [smem:$0x3FA7]  }
0x28: {  	s2 =	sld [smem:$0x3FA8]  }
0x29: {  	s4 =	sld [smem:$0x3FAA]  }
0x2a: {  	p0 =	seq.s32 s5, $0x0;
	s5 =	sld [smem:$0x3FAB]  }
0x2b: {  	s6 =	sld [smem:$0x3FAC]  }
0x2c: {  	s7 =	sld [smem:$0x3FAD]  }
0x2d: {  	s3 =	simm.s32 $0x108;
	s8 =	sld [smem:$0x3FAE]  }
0x2e: {  	s3 =	simm.s32 @!p0 $0x1082;
	s9 =	sld [smem:$0x3FAF]  }
0x2f: {  	lr =	sadd.s32 s0, s3;
	s0 =	sld [smem:$0x3FA6]  }
0x30: {  	s3 =	sld [smem:$0x3FA9]  }
0x31: {  	[smem:$0x3FB2] =	sst s10  }
0x32: {  	s10 =	sld [smem:$0x3FB0];
	_ =	sdelay $0x3  }
0x33: {  	p0 =	seq.s32 s10, $0x1;
	s10 =	sld [smem:$0x3FB2];
	_ =	sdelay $0x3  }
0x34: {  	[smem:$0x3FB2] =	sst s10  }
0x35: {  	s10 =	sld [smem:$0x3FB1];
	_ =	sdelay $0x3  }
0x36: {  	p1 =	seq.s32 s10, $0x1;
	s10 =	sld [smem:$0x3FB2];
	_ =	sdelay $0x3  }
0x37: {  	[smem:$0x3FB2] =	sst s10  }
0x38: {  	s10 =	sld [smem:$0x3FB3]  }
0x39: {  	_ = 	snop;
	(pc) =	sbr.ind lr, $3  }
0x3a: {  	_ = 	snop  }
0x3b: {  	_ = 	snop  }
0x3c: {  	p2 =	seq.s32 s10, $0x1;
	s10 =	sld [smem:$0x3FB2]  }
0x3d: {  	_ =	shalt  }
0x3e: {  	_ =	shalt  }
0x3f: {  	_ =	shalt  }
0x40: {  	_ =	shalt  }
0x41: {  	_ =	shalt  }
0x42: {  	_ =	shalt  }
0x43: {  	_ =	shalt  }
0x44: {  	_ =	shalt  }
0x45: {  	_ =	shalt  }
0x46: {  	_ =	shalt  }
0x47: {  	_ =	shalt  }
0x48: {  	_ =	shalt  }
0x49: {  	_ =	shalt  }
0x4a: {  	_ =	shalt  }
0x4b: {  	_ =	shalt  }
0x4c: {  	_ =	shalt  }
0x4d: {  	_ =	shalt  }
0x4e: {  	_ =	shalt  }
0x4f: {  	_ =	shalt  }
0x50: {  	_ =	shalt  }
0x51: {  	_ =	shalt  }
0x52: {  	_ =	shalt  }
0x53: {  	_ =	shalt  }
0x54: {  	_ =	shalt  }
0x55: {  	_ =	shalt  }
0x56: {  	_ =	shalt  }
0x57: {  	_ =	shalt  }
0x58: {  	_ =	shalt  }
0x59: {  	_ =	shalt  }
0x5a: {  	_ =	shalt  }
0x5b: {  	_ =	shalt  }
0x5c: {  	_ =	shalt  }
0x5d: {  	_ =	shalt  }
0x5e: {  	_ =	shalt  }
0x5f: {  	_ =	shalt  }
0x60: {  	_ =	shalt  }
0x61: {  	_ =	shalt  }
0x62: {  	_ =	shalt  }
0x63: {  	_ =	shalt  }
0x64: {  	_ =	shalt  }
0x65: {  	_ =	shalt  }
0x66: {  	_ =	shalt  }
0x67: {  	_ =	shalt  }
0x68: {  	_ =	shalt  }
0x69: {  	_ =	shalt  }
0x6a: {  	_ =	shalt  }
0x6b: {  	_ =	shalt  }
0x6c: {  	_ =	shalt  }
0x6d: {  	_ =	shalt  }
0x6e: {  	_ =	shalt  }
0x6f: {  	_ =	shalt  }
0x70: {  	_ =	shalt  }
0x71: {  	_ =	shalt  }
0x72: {  	_ =	shalt  }
0x73: {  	_ =	shalt  }
0x74: {  	_ =	shalt  }
0x75: {  	_ =	shalt  }
0x76: {  	_ =	shalt  }
0x77: {  	_ =	shalt  }
0x78: {  	_ =	shalt  }
0x79: {  	_ =	shalt  }
0x7a: {  	_ =	shalt  }
0x7b: {  	_ =	shalt  }
0x7c: {  	_ =	shalt  }
0x7d: {  	_ =	shalt  }
0x7e: {  	_ =	shalt  }
0x7f: {  	_ =	shalt  }
0x80: {  	_ =	shalt  }
0x81: {  	_ =	shalt  }
0x82: {  	_ =	shalt  }
0x83: {  	_ =	shalt  }
0x84: {  	_ =	shalt  }
0x85: {  	_ =	shalt  }
0x86: {  	_ =	shalt  }
0x87: {  	_ =	shalt  }
.Lfunc_end0:
.L_simem_size_0:
called_computation.3_lowered:
.L_overlay_start_0:
0x88: {  	s2 =	sld [smem:$0x3FD9]  }
0x89: {  	s3 =	sld [smem:$0x3FFE];
	_ =	sdelay $0x1  }
0x8a: {  	s1 =	srdreg.scid  }
0x8b: {  	s0 =	sand.u32 $0x1, s1  }
0x8c: {  	s14 =	sshll.u32 s0, $0xA;
	s2 =	sadd.s32 s3, s2  }
0x8d: {  	s2 =	sadd.s32 s2, s14  }
0x8e: {  	[smem:$0x3FBE] =	sst s2  }
0x8f: {  	_ = 	snop  }
0x90: {  	s2 =	sld [smem:$0x3FD0];
	_ =	sdelay $0x2  }
0x91: {  	s15 =	simm.s32 $0xB;
	s4 =	simm.s32 $0x10  }
0x92: {  	[smem:s4], [sflag:s15] =	dma.local [hbm:s2], $0x1  }
0x93: {  	_ =	swait.eq [sflag:s15], $0x1  }
0x94: {  	[sflag:s15] =	ssyncset.done $0x0  }
0x95: {  	[sflag:s15] =	ssyncadd.s32 $0xFFFFFFFF  }
0x96: {  	s16 =	sld [smem:$0x11];
	(tm) =	ssettm $0x1  }
0x97: {  	s17 =	sld [smem:$0x3FFB];
	_ =	sdelay $0x3  }
0x98: {  	_ =	strace s17  }
0x99: {  	s3 =	sld [smem:$0x3FFC];
	_ =	sdelay $0x3  }
0x9a: {  	_ =	strace s3  }
0x9b: {  	s3 =	sld [smem:$0x3FFD];
	_ =	sdelay $0x3  }
0x9c: {  	_ =	strace s3  }
0x9d: {  	_ =	strace $0x8FFFFFFF  }
0x9e: {  	s18 =	sld [smem:$0x3FDB];
	_ =	sdelay $0x1  }
0x9f: {  	s19 =	simm.s32 $_scs_section_size  }
0xa0: {  	s5 =	simm.s32 $_size__tile_overlayer_lowered;
	s6 =	simm.s32 $_tile_overlayer_lowered  }
0xa1: {  	s22 =	simm.s32 $0x1BFF;
	s21 =	sshll.u32 s6, $0x1;
	s3 =	sadd.s32 s19, s18  }
0xa2: {  	s7 =	simm.s32 $0x0;
	s20 =	sshll.u32 s5, $0x1;
	s5 =	sadd.s32 s21, s3  }
0xa3: {  	[timem:s7], [sflag:s22] =	dma.local [hbm:s5], s20  }
0xa4: {  	_ =	swait.ge [sflag:s22], s20  }
0xa5: {  	s4 =	ssub.s32 $0x0, s20;
	[sflag:s22] =	ssyncset.done $0x0  }
0xa6: {  	[sflag:s22] =	ssyncadd.s32 s4;
	_ =	sdelay $0x1  }
0xa7: {  	s23 =	simm.s32 $0x1B8B  }
0xa8: {  	_ =	swait.ge [sflag:s23], $0x1  }
0xa9: {  	[sflag:s23] =	ssyncset.done $0x0  }
0xaa: {  	s25 =	simm.s32 $0x1B8E;
	s24 =	sld [smem:$0x3FFE];
	[sflag:s23] =	ssyncadd.s32 $0xFFFFFFFF  }
0xab: {  	s26 =	simm.s32 $execute0_lowered;
	[smem:$0x3FD2] =	sst s25  }
0xac: {  	s5 =	sshll.u32 s26, $0x1;
	_ =	strace $0x8000004C;
	[dreg:$0x1] =	wrdreg $0xFFFFFFFF  }
0xad: {  	s28 =	simm.s32 $_size_execute0_lowered;
	s3 =	sadd.s32 s3, s5;
	[dreg:$0x0] =	wrdreg $0x0  }
0xae: {  	s5 =	sshll.u32 s28, $0x1;
	[dreg:$0x2] =	wrdreg s3  }
0xaf: {  	[dreg:$0x3] =	wrdreg s5  }
0xb0: {  	[dreg:$0x4] =	wrdreg $0xC0  }
0xb1: {  	_ =	task [dreg:s7], $0x5FFFF  }
0xb2: {  	[dreg:$0x1] =	wrdreg $0xFFFFFFFF  }
0xb3: {  	[dreg:$0x0] =	wrdreg $0x60  }
0xb4: {  	[dreg:$0x2] =	wrdreg s24  }
0xb5: {  	[dreg:$0x3] =	wrdreg s16  }
0xb6: {  	[dreg:$0x4] =	wrdreg $0x9  }
0xb7: {  	_ =	task.clear_ibuf [dreg:s7], $0x5FFFF;
	_ =	strace $0x9000004C  }
0xb8: {  	s29 =	simm.s32 $0x9;
	_ =	strace $0x8000004E  }
0xb9: {  	_ =	swait.ge [sflag:s29], $0x1  }
0xba: {  	[sflag:s29] =	ssyncadd.s32 $0xFFFFFFFF  }
0xbb: {  	_ =	strace $0x9000004E  }
0xbc: {  	_ =	sfence  }
0xbd: {  	s30 =	sld [smem:$0x0];
	_ =	sdelay $0x2  }
0xbe: {  	s31 =	sshll.u32 s1, $0xD;
	s1 =	sshrl.u32 s1, $0x2  }
0xbf: {  	s3 =	sand.u32 $0x4000, s31;
	s1 =	sadd.s32 s1, s30  }
0xc0: {  	s0 =	sor.u32 s3, s0;
	s1 =	sshll.u32 s1, $0x11  }
0xc1: {  	s0 =	sor.u32 s1, s0  }
0xc2: {  	s0 =	sadd.s32 $0x8F2B, s0  }
0xc3: {  	[sflag:s0] =	ssyncadd.remote.s32 $0x1  }
0xc4: {  	_ =	sfence.sel $0xFFFF  }
0xc5: {  	[dreg:$0x0] =	wrdreg $0xFFFFFFFF;
	(pc) =	sbr.abs _section_cstart, $3  }
0xc6: {  	[dreg:$0x1] =	wrdreg $0xFFFFFFFF  }
0xc7: {  	_ =	task.clear_ibuf [dreg:s7], $0x2FFFF;
	_ =	strace $0x9FFFFFFF  }
0xc8: {  	(tm) =	ssettm $0x7FFFFFFF  }
0xc9: {  	_ =	shalt  }
tec
execute0_lowered:
.L_overlay_start_1:
0x0: {  	(tag) =	ssettag $0x1  }
0x1: {  	s4 =	rddreg [dreg:$0x0]  }
0x2: {  	s9 =	rddreg [dreg:$0x1]  }
0x3: {  	s0 =	rddreg [dreg:$0x2]  }
0x4: {  	s2 =	simm.s32 $0x0;
	s3 =	srdreg.scid;
	s1 =	stileid.u32  }
0x5: {  	s13 =	simm.s32 $0x2000;
	s14 =	simm.s32 $0x1;
	s15 =	simm.s32 $0x2  }
0x6: {  	s16 =	simm.s32 $0x5200;
	s17 =	simm.s32 $0x0;
	[smem:$0x7FF] =	sst s2  }
0x7: {  	s3 =	sand.u32 $0x1, s3;
	s5 =	sshll.u32 s1, $0x1;
	s31 =	sshll.u32 s1, $0xB  }
0x8: {  	_ =	strace $0x8000004D;
	s10 =	sor.u32 s3, s5;
	s29 =	ssub.s32 $0x2, s3  }
0x9: {  	s3 =	sadd.s32 $0x8A4A00, s4;
	s12 =	sand.u32 $0x6000, s31;
	s6 =	sshll.u32 s10, $0x9  }
0xa: {  	s7 =	sshrl.u32 s29, $0x1;
	s30 =	sshll.u32 s10, $0x12;
	s8 =	sshll.u32 s10, $0x8  }
0xb: {  	v0 =	vlaneseq.u32;
	s10 =	sshll.u32 s10, $0xB;
	v1 =	vmov s12;
	s12 =	simm.s32 $0x3;
	s6 =	sadd.s32 s6, s4  }
0xc: {  	v4 =	vmul.u32 $0xFFFFFFFF, v0;
	s11 =	ssub.s32 s29, s7;
	s4 =	sadd.s32 s3, s30;
	s7 =	sor.u32 $0x2, s8  }
0xd: {  	s8 =	sor.u32 $0x3, s8;
	s9 =	sadd.s32 s9, s10;
	s5 =	sadd.s32 $0x4600, s6  }
0xe: {  	v2 =	vimm.f32 $+Inf;
	v3 =	vimm.s32 $0x0;
	v4 =	vadd.s32 $0xF, v4;
	s6 =	sadd.s32 $0x400, s4;
	s10 =	smax.u32 s11, $0x1;
	s11 =	simm.s32 $0x4200  }
.LBB2_1:
0xf: {  	[tilespmem:s11], [sflag:$0x3] =	stream.linear.gather [hbm4b:s5+s2], $0x1000, $0x38;
	[tilespmem:$0x9200] =	vst v63  }
0x10: {  	_ =	swait.ge [sflag:s12], $0x1000  }
0x11: {  	[sflag:s12] =	ssyncset.done $0x0  }
0x12: {  	[sflag:s12] =	ssyncadd.s32 $0xFFFFF000  }
0x13: {  	[tilespmem:s2], [sflag:$0x1] =	stream.linear.gather [hbm4b:s4+s2], $0x2000, $0x38;
	[tilespmem:$0x9200] =	vst v63  }
0x14: {  	s18 =	simm.s32 $0x0  }
0x15: {  	[tilespmem:s13], [sflag:$0x2] =	stream.linear.gather [hbm4b:s6+s2], $0x2000, $0x38;
	[tilespmem:$0x9200] =	vst v63  }
.LBB2_2:
0x16: {  	_ =	swait.ge [sflag:s14], $0x2000  }
0x17: {  	s19 =	sshll.u32 s18, $0x7;
	[sflag:s14] =	ssyncset.done $0x0  }
0x18: {  	s20 =	sshrl.u32 s19, $0x2;
	[sflag:s14] =	ssyncadd.s32 $0xFFFFE000  }
0x19: {  	v5 =	vld [tilespmem:s20+$0x4200];
	[tilespmem:$0x4000] =	vst v2  }
0x1a: {  	[tilespmem:$0x4010] =	vst v2  }
0x1b: {  	[tilespmem:$0x4020] =	vst v2  }
0x1c: {  	[tilespmem:$0x4030] =	vst v2  }
0x1d: {  	[tilespmem:$0x4040] =	vst v2  }
0x1e: {  	[tilespmem:$0x4050] =	vst v2  }
0x1f: {  	[tilespmem:$0x4060] =	vst v2  }
0x20: {  	[tilespmem:$0x4070] =	vst v2  }
0x21: {  	[tilespmem:$0x4080] =	vst v2  }
0x22: {  	[tilespmem:$0x4090] =	vst v2  }
0x23: {  	[tilespmem:$0x40A0] =	vst v2  }
0x24: {  	[tilespmem:$0x40B0] =	vst v2  }
0x25: {  	[tilespmem:$0x40C0] =	vst v2  }
0x26: {  	[tilespmem:$0x40D0] =	vst v2  }
0x27: {  	[tilespmem:$0x40E0] =	vst v2  }
0x28: {  	[tilespmem:$0x40F0] =	vst v2;
	s20 =	simm.s32 $0x0  }
0x29: {  	v6 =	vld [tilespmem:s20+$0x0];
	_ =	sdelay $0x4  }
0x2a: {  	vm0 =	vle.f32 v6, v5  }
0x2b: {  	v7 =	vor.u32 s20, v0;
	v6 =	vnsel vm0, $0x7F800000, v6  }
0x2c: {  	(xrf1) =	vsort.ascd.msk.f32 $0xffff, v6, v7;
	_ =	sdelay $0x7  }
0x2d: {  	v6 =	vsel vm0, $0x1, v3  }
0x2e: {  	(xrf0) =	vadd.scan.msk.s32 $0xffff, v6;
	_ =	sdelay $0x3  }
0x2f: {  	p0 =	por $0x1, $0x1;
	s22 =	simm.s32 $0x0  }
0x30: {  	s22 =	simm.s32 @!p0 $0xF0;
	v6, v7, _ =	vpop (xrf1)  }
0x31: {  	[tilespmem:s22+$0x4000] =	vst v6;
	v6, _, _ =	vpop (xrf0)  }
0x32: {  	(v2sf) =	vpush v6, $0xF;
	_ =	sdelay $0x7  }
0x33: {  	s21 =	simm.s32 $0x10;
	[tilespmem:s22+$0x4100] =	vst v7  }
0x34: {  	s23 =	simm.s32 $0x10;
	s22 =	simm.s32 $0x20;
	v6 =	vld [tilespmem:s21+$0x0]  }
.LBB2_3:
0x35: {  	_ =	sdelay $0x3  }
0x36: {  	p0 =	sne.s32 s22, $0x1FF0;
	s24 =	smov.u32 s22;
	s22 =	sadd.s32 $0x10, s22;
	vm0 =	vle.f32 v6, v5  }
0x37: {  	v7 =	vor.u32 s21, v0;
	s21 =	smov.u32 s24;
	v6 =	vnsel vm0, $0x7F800000, v6;
	v8 =	vsel vm0, $0x1, v3;
	s25 =	spop (v2sf)  }
0x38: {  	(xrf1) =	vsort.ascd.msk.f32 $0xffff, v6, v7;
	s20 =	sadd.s32 s20, s25  }
0x39: {  	p1 =	slt.s32 s20, $0xF0;
	(xrf0) =	vadd.scan.msk.s32 $0xffff, v8;
	_ =	sdelay $0x5  }
0x3a: {  	v6, _, _ =	vpop (xrf0)  }
0x3b: {  	(v2sf) =	vpush v6, $0xF;
	_ =	sdelay $0x4  }
.Ltmp0:
0x3c: {  	s24 =	smov.u32 s20;
	(pc) =	sbr.rel @p0 .LBB2_3-.Ltmp0, $4  }
0x3d: {  	s24 =	simm.s32 @!p1 $0xF0;
	v6, v7, _ =	vpop (xrf1)  }
0x3e: {  	s23 =	sadd.s32 $0x10, s23;
	[tilespmem:s24+$0x4000] =	vst v6  }
0x3f: {  	[tilespmem:s24+$0x4100] =	vst v7  }
0x40: {  	v6 =	vld [tilespmem:s23+$0x0]  }
0x41: {  	_ =	sdelay $0x3  }
0x42: {  	vm0 =	vle.f32 v6, v5  }
0x43: {  	v5 =	vnsel vm0, $0x7F800000, v6;
	v6 =	vor.u32 s21, v0  }
0x44: {  	(xrf1) =	vsort.ascd.msk.f32 $0xffff, v5, v6;
	_ =	sdelay $0xa  }
0x45: {  	s28 =	spop (v2sf)  }
0x46: {  	p0 =	seq.s32 s18, $0x7F;
	s21 =	sadd.s32 s20, s28;
	s20 =	sshll.u32 s18, $0x1  }
0x47: {  	p1 =	slt.s32 s21, $0xF0;
	s22 =	sadd.s32 @!p0 s20, s7  }
0x48: {  	s21 =	simm.s32 @!p1 $0xF0;
	s22 =	sshll.u32 @!p0 s22, $0xA;
	v5, v6, _ =	vpop (xrf1)  }
0x49: {  	s22 =	sand.u32 @!p0 $0x1FFFF800, s22;
	[tilespmem:s21+$0x4000] =	vst v5  }
0x4a: {  	[tilespmem:s21+$0x4100] =	vst v6;
	s21 =	sadd.s32 @!p0 s3, s22;
	s22 =	simm.s32 @!p0 $0x0  }
0x4b: {  	[tilespmem:s22], [sflag:$0x1] =	stream.linear.gather @!p0 [hbm4b:s21+s22], $0x2000, $0x38;
	[tilespmem:$0x9200] =	vst v63  }
0x4c: {  	v5 =	vld [tilespmem:$0x4000]  }
0x4d: {  	v6 =	vld [tilespmem:$0x4100]  }
0x4e: {  	v7 =	vld [tilespmem:$0x4010]  }
0x4f: {  	v8 =	vld [tilespmem:$0x4110]  }
0x50: {  	v9 =	vld [tilespmem:$0x4020]  }
0x51: {  	v10 =	vld [tilespmem:$0x4120]  }
0x52: {  	v11 =	vld [tilespmem:$0x4030]  }
0x53: {  	v12 =	vld [tilespmem:$0x4130]  }
0x54: {  	v13 =	vld [tilespmem:$0x4040]  }
0x55: {  	v14 =	vld [tilespmem:$0x4140]  }
0x56: {  	v15 =	vld [tilespmem:$0x4050]  }
0x57: {  	v16 =	vld [tilespmem:$0x4150]  }
0x58: {  	v17 =	vld [tilespmem:$0x4060]  }
0x59: {  	v18 =	vld [tilespmem:$0x4160]  }
0x5a: {  	v19 =	vld [tilespmem:$0x4070]  }
0x5b: {  	v20 =	vld [tilespmem:$0x4170]  }
0x5c: {  	v21 =	vld [tilespmem:$0x4080]  }
0x5d: {  	v62 =	vld [tilespmem:$0x41A0];
	(xrf1) =	vsort.ascd.msk.f32 $0xffff, v5, v6  }
0x5e: {  	v63 =	vld [tilespmem:$0x40B0];
	(xrf1) =	vsort.ascd.msk.f32 $0xffff, v7, v8  }
0x5f: {  	v22 =	vld [tilespmem:$0x41B0]  }
0x60: {  	v23 =	vld [tilespmem:$0x40C0];
	(xrf1) =	vsort.ascd.msk.f32 $0xffff, v9, v10  }
0x61: {  	v24 =	vld [tilespmem:$0x41C0];
	(xrf1) =	vsort.ascd.msk.f32 $0xffff, v11, v12  }
0x62: {  	v25 =	vld [tilespmem:$0x40D0]  }
0x63: {  	v5 =	vld [tilespmem:$0x4180];
	(xrf1) =	vsort.ascd.msk.f32 $0xffff, v13, v14  }
0x64: {  	v6 =	vld [tilespmem:$0x4090];
	(xrf1) =	vsort.ascd.msk.f32 $0xffff, v15, v16  }
0x65: {  	v7 =	vld [tilespmem:$0x4190]  }
0x66: {  	v8 =	vld [tilespmem:$0x40A0];
	(xrf1) =	vsort.ascd.msk.f32 $0xffff, v17, v18  }
0x67: {  	v26 =	vld [tilespmem:$0x41D0];
	(xrf1) =	vsort.ascd.msk.f32 $0xffff, v19, v20  }
0x68: {  	v27 =	vld [tilespmem:$0x40E0]  }
0x69: {  	(xrf1) =	vsort.ascd.msk.f32 $0xffff, v21, v5;
	v5 =	vld [tilespmem:$0x41E0]  }
0x6a: {  	(xrf1) =	vsort.ascd.msk.f32 $0xffff, v6, v7;
	v6 =	vld [tilespmem:$0x40F0]  }
0x6b: {  	(xrf1) =	vsort.ascd.msk.f32 $0xffff, v8, v62;
	v8 =	vld [tilespmem:$0x41F0];
	v7, v28, _ =	vpop (xrf1)  }
0x6c: {  	(xrf1) =	vsort.ascd.msk.f32 $0xffff, v63, v22;
	v30, v29, _ =	vpop (xrf1)  }
0x6d: {  	(xrf1) =	vsort.ascd.msk.f32 $0xffff, v23, v24;
	v9 =	vperm.xlane v30, v4  }
0x6e: {  	v10, v11, _ =	vpop (xrf1);
	(xrf1) =	vsort.ascd.msk.f32 $0xffff, v25, v26  }
0x6f: {  	v12, v13, _ =	vpop (xrf1);
	(xrf1) =	vsort.ascd.msk.f32 $0xffff, v27, v5;
	v5 =	vperm.xlane v29, v4;
	vm1 =	vle.f32 v7, v9  }
0x70: {  	(xrf1) =	vsort.ascd.msk.f32 $0xffff, v6, v8;
	v8 =	vperm.xlane v12, v4;
	v6 =	vsel vm1, v7, v9  }
0x71: {  	v32, v31, _ =	vpop (xrf1);
	v33 =	vsel vm1, v28, v5;
	v7 =	vsel vm1, v9, v7;
	v5 =	vsel vm1, v5, v28  }
0x72: {  	v35, v34, _ =	vpop (xrf1);
	(xrf1) =	vsort.ascd.msk.f32 $0xffff, v6, v33;
	v6 =	vperm.xlane v13, v4;
	vm9 =	vle.f32 v10, v8  }
0x73: {  	(xrf1) =	vsort.ascd.msk.f32 $0xffff, v7, v5;
	v5 =	vsel vm9, v10, v8;
	v7 =	vperm.xlane v35, v4  }
0x74: {  	v37, v36, _ =	vpop (xrf1);
	v8 =	vsel vm9, v8, v10;
	v38 =	vsel vm9, v11, v6;
	v6 =	vsel vm9, v6, v11  }
0x75: {  	v39, v40, _ =	vpop (xrf1);
	(xrf1) =	vsort.ascd.msk.f32 $0xffff, v5, v38;
	v5 =	vperm.xlane v34, v4;
	vm10 =	vle.f32 v32, v7  }
0x76: {  	(xrf1) =	vsort.ascd.msk.f32 $0xffff, v8, v6;
	v6 =	vsel vm10, v32, v7;
	v8 =	vperm.xlane v39, v4  }
0x77: {  	v42, v41, _ =	vpop (xrf1);
	v7 =	vsel vm10, v7, v32;
	v16 =	vsel vm10, v31, v5;
	v5 =	vsel vm10, v5, v31  }
0x78: {  	v43, v44, _ =	vpop (xrf1);
	(xrf1) =	vsort.ascd.msk.f32 $0xffff, v6, v16;
	v6 =	vperm.xlane v40, v4;
	vm11 =	vle.f32 v37, v8  }
0x79: {  	(xrf1) =	vsort.ascd.msk.f32 $0xffff, v7, v5;
	v5 =	vsel vm11, v37, v8;
	v7 =	vperm.xlane v43, v4  }
0x7a: {  	v45, v46, _ =	vpop (xrf1);
	v8 =	vsel vm11, v8, v37;
	v47 =	vsel vm11, v36, v6;
	v6 =	vsel vm11, v6, v36  }
0x7b: {  	v48, v49, _ =	vpop (xrf1);
	(xrf1) =	vsort.ascd.msk.f32 $0xffff, v5, v47;
	v5 =	vperm.xlane v44, v4;
	vm12 =	vle.f32 v42, v7  }
0x7c: {  	v51, v50, _ =	vpop (xrf1);
	(xrf1) =	vsort.ascd.msk.f32 $0xffff, v8, v6;
	v6 =	vsel vm12, v42, v7;
	v8 =	vperm.xlane v48, v4  }
0x7d: {  	v7 =	vsel vm12, v7, v42;
	v53, v54, _ =	vpop (xrf1);
	v52 =	vsel vm12, v41, v5;
	v5 =	vsel vm12, v5, v41  }
0x7e: {  	v56, v55, _ =	vpop (xrf1);
	(xrf1) =	vsort.ascd.msk.f32 $0xffff, v6, v52;
	v6 =	vperm.xlane v49, v4;
	vm13 =	vle.f32 v45, v8  }
0x7f: {  	v58, v59, _ =	vpop (xrf1);
	(xrf1) =	vsort.ascd.msk.f32 $0xffff, v7, v5;
	v5 =	vsel vm13, v45, v8;
	v7 =	vperm.xlane v53, v4  }
0x80: {  	v8 =	vsel vm13, v8, v45;
	v21 =	vperm.xlane v58, v4;
	v57 =	vsel vm13, v46, v6  }
0x81: {  	v6 =	vsel vm13, v6, v46;
	(xrf1) =	vsort.ascd.msk.f32 $0xffff, v5, v57;
	v5 =	vperm.xlane v54, v4  }
0x82: {  	v61, v60, _ =	vpop (xrf1);
	vm14 =	vle.f32 v51, v7;
	vm15 =	vle.f32 v56, v21;
	(xrf1) =	vsort.ascd.msk.f32 $0xffff, v8, v6  }
0x83: {  	v6 =	vsel vm14, v51, v7;
	v8, v62, _ =	vpop (xrf1);
	v7 =	vsel vm14, v7, v51;
	v63 =	vsel vm14, v50, v5  }
0x84: {  	v23, v22, _ =	vpop (xrf1);
	v5 =	vsel vm14, v5, v50;
	(xrf1) =	vsort.ascd.msk.f32 $0xffff, v6, v63;
	v6 =	vperm.xlane v59, v4  }
0x85: {  	v9 =	vsel vm15, v21, v56;
	v25, v24, _ =	vpop (xrf1);
	(xrf1) =	vsort.ascd.msk.f32 $0xffff, v7, v5  }
0x86: {  	v5 =	vsel vm15, v56, v21;
	v12 =	vperm.xlane v25, v4;
	v7 =	vsel vm15, v55, v6  }
0x87: {  	v6 =	vsel vm15, v6, v55;
	(xrf1) =	vsort.ascd.msk.f32 $0xffff, v5, v7;
	v5 =	vperm.xlane v23, v4  }
0x88: {  	v7 =	vperm.xlane v24, v4;
	vm4 =	vle.f32 v61, v12;
	(xrf1) =	vsort.ascd.msk.f32 $0xffff, v9, v6  }
0x89: {  	v6 =	vperm.xlane v22, v4;
	v26 =	vsel vm4, v61, v12;
	v28 =	vsel vm4, v12, v61  }
0x8a: {  	v27 =	vsel vm4, v60, v7;
	vm2 =	vle.f32 v8, v5;
	v7 =	vsel vm4, v7, v60  }
0x8b: {  	v29 =	vsel vm2, v8, v5;
	v30 =	vsel vm2, v62, v6;
	v5 =	vsel vm2, v5, v8  }
0x8c: {  	v31, v32, _ =	vpop (xrf1);
	v6 =	vsel vm2, v6, v62;
	vm5 =	vle.f32 v26, v29;
	vm6 =	vle.f32 v28, v5  }
0x8d: {  	v8, v33, _ =	vpop (xrf1);
	v34 =	vsel vm5, v26, v29;
	v9 =	vsel vm5, v29, v26;
	v35 =	vsel vm5, v27, v30  }
0x8e: {  	v36, v37, _ =	vpop (xrf1);
	v10 =	vsel vm5, v30, v27;
	v40 =	vsel vm6, v28, v5;
	v5 =	vsel vm6, v5, v28  }
0x8f: {  	v39, v38, _ =	vpop (xrf1);
	v41 =	vsel vm6, v7, v6;
	v42 =	vperm.xlane v36, v4;
	(xrf1) =	vsort.ascd.msk.f32 $0xffff, v34, v35  }
0x90: {  	v6 =	vsel vm6, v6, v7;
	v7 =	vperm.xlane v39, v4;
	(xrf1) =	vsort.ascd.msk.f32 $0xffff, v9, v10  }
0x91: {  	v43 =	vperm.xlane v38, v4;
	vm8 =	vle.f32 v8, v42;
	(xrf1) =	vsort.ascd.msk.f32 $0xffff, v40, v41  }
0x92: {  	v46, v47, _ =	vpop (xrf1);
	vm7 =	vle.f32 v31, v7;
	v45 =	vsel vm8, v8, v42;
	v8 =	vsel vm8, v42, v8  }
0x93: {  	v50, v49, _ =	vpop (xrf1);
	(xrf1) =	vsort.ascd.msk.f32 $0xffff, v5, v6;
	v5 =	vperm.xlane v37, v4;
	v6 =	vsel vm7, v31, v7  }
0x94: {  	v54, v53, _ =	vpop (xrf1);
	v44 =	vsel vm7, v32, v43;
	v7 =	vsel vm7, v7, v31;
	v10 =	vsel vm7, v43, v32  }
0x95: {  	v56, v55, _ =	vpop (xrf1);
	vm9 =	vle.f32 v6, v45;
	vm10 =	vle.f32 v7, v8;
	v48 =	vsel vm8, v33, v5  }
0x96: {  	v57 =	vperm.xlane v56, v4;
	v51 =	vsel vm9, v6, v45;
	v52 =	vsel vm9, v44, v48  }
0x97: {  	v6 =	vsel vm9, v45, v6;
	v11 =	vsel vm9, v48, v44;
	(xrf1) =	vsort.ascd.msk.f32 $0xffff, v51, v52  }
0x98: {  	v5 =	vsel vm8, v5, v33;
	vm11 =	vle.f32 v46, v57;
	(xrf1) =	vsort.ascd.msk.f32 $0xffff, v6, v11  }
0x99: {  	v61, v60, _ =	vpop (xrf1);
	v6 =	vsel vm10, v7, v8;
	v7 =	vsel vm10, v8, v7;
	v8 =	vsel vm10, v10, v5  }
0x9a: {  	v24, v63, _ =	vpop (xrf1);
	v5 =	vsel vm10, v5, v10;
	(xrf1) =	vsort.ascd.msk.f32 $0xffff, v6, v8;
	v6 =	vperm.xlane v54, v4  }
0x9b: {  	v11 =	vsel vm11, v57, v46;
	v28, v27, _ =	vpop (xrf1);
	(xrf1) =	vsort.ascd.msk.f32 $0xffff, v7, v5;
	v5 =	vperm.xlane v55, v4  }
0x9c: {  	v8 =	vsel vm11, v46, v57;
	v30, v29, _ =	vpop (xrf1);
	v7 =	vperm.xlane v53, v4;
	vm12 =	vle.f32 v50, v6  }
0x9d: {  	v9 =	vperm.xlane v30, v4;
	v58 =	vsel vm11, v47, v5;
	v59 =	vsel vm12, v50, v6  }
0x9e: {  	v5 =	vsel vm11, v5, v47;
	v62 =	vsel vm12, v49, v7;
	v6 =	vsel vm12, v6, v50  }
0x9f: {  	v7 =	vsel vm12, v7, v49;
	vm15 =	vle.f32 v61, v9;
	vm13 =	vle.f32 v8, v59  }
0xa0: {  	vm14 =	vle.f32 v11, v6;
	v25 =	vsel vm13, v8, v59;
	v26 =	vsel vm13, v58, v62  }
0xa1: {  	v8 =	vsel vm13, v59, v8;
	v10 =	vsel vm13, v62, v58;
	v31 =	vsel vm14, v5, v7  }
0xa2: {  	v5 =	vsel vm14, v7, v5;
	v7 =	vperm.xlane v28, v4;
	(xrf1) =	vsort.ascd.msk.f32 $0xffff, v25, v26  }
0xa3: {  	(xrf1) =	vsort.ascd.msk.f32 $0xffff, v8, v10;
	v8 =	vsel vm14, v11, v6;
	v6 =	vsel vm14, v6, v11  }
0xa4: {  	vm4 =	vle.f32 v24, v7;
	(xrf1) =	vsort.ascd.msk.f32 $0xffff, v8, v31;
	v8 =	vperm.xlane v29, v4  }
0xa5: {  	v36 =	vsel vm4, v24, v7;
	v7 =	vsel vm4, v7, v24;
	(xrf1) =	vsort.ascd.msk.f32 $0xffff, v6, v5  }
0xa6: {  	v33, v32, _ =	vpop (xrf1);
	v5 =	vperm.xlane v27, v4;
	v6 =	vsel vm15, v61, v9;
	v9 =	vsel vm15, v9, v61  }
0xa7: {  	v35, v34, _ =	vpop (xrf1);
	v12 =	vsel vm15, v60, v8;
	v8 =	vsel vm15, v8, v60;
	vm5 =	vle.f32 v6, v36  }
0xa8: {  	v38, v39, _ =	vpop (xrf1);
	vm6 =	vle.f32 v9, v7;
	v37 =	vsel vm4, v63, v5;
	v5 =	vsel vm4, v5, v63  }
0xa9: {  	v40, v41, _ =	vpop (xrf1);
	v42 =	vsel vm5, v6, v36;
	v6 =	vsel vm5, v36, v6;
	v43 =	vsel vm5, v12, v37  }
0xaa: {  	v22, v23, _ =	vpop (xrf1);
	v12 =	vsel vm5, v37, v12;
	v46 =	vsel vm6, v8, v5;
	(xrf1) =	vsort.ascd.msk.f32 $0xffff, v42, v43  }
0xab: {  	v5 =	vsel vm6, v5, v8;
	v45, v44, _ =	vpop (xrf1);
	(xrf1) =	vsort.ascd.msk.f32 $0xffff, v6, v12;
	v6 =	vsel vm6, v9, v7  }
0xac: {  	v48 =	vperm.xlane v22, v4;
	v51 =	vperm.xlane v23, v4;
	v47, v24, _ =	vpop (xrf1);
	v7 =	vsel vm6, v7, v9  }
0xad: {  	v50 =	vperm.xlane v44, v4;
	(xrf1) =	vsort.ascd.msk.f32 $0xffff, v6, v46;
	v49 =	vperm.xlane v24, v4  }
0xae: {  	vm10 =	vle.f32 v40, v48;
	(xrf1) =	vsort.ascd.msk.f32 $0xffff, v7, v5;
	v7 =	vperm.xlane v45, v4;
	v6, v8, _ =	vpop (xrf1)  }
0xaf: {  	v9 =	vsel vm10, v40, v48;
	v58 =	vsel vm10, v41, v51;
	v5 =	vperm.xlane v6, v4  }
0xb0: {  	v6 =	vperm.xlane v47, v4;
	v8 =	vperm.xlane v8, v4;
	vm9 =	vle.f32 v38, v7  }
0xb1: {  	v7 =	vsel vm9, v38, v7;
	v55 =	vsel vm9, v39, v50;
	vm7 =	vle.f32 v33, v5  }
0xb2: {  	vm8 =	vle.f32 v35, v6;
	v5 =	vsel vm7, v33, v5;
	v8 =	vsel vm7, v32, v8  }
0xb3: {  	v6 =	vsel vm8, v35, v6;
	v52 =	vsel vm8, v34, v49;
	vm11 =	vle.f32 v5, v7  }
0xb4: {  	vm12 =	vle.f32 v6, v9;
	v19 =	vsel vm11, v5, v7;
	v5 =	vsel vm11, v7, v5  }
0xb5: {  	v60 =	vsel vm11, v8, v55;
	v8 =	vsel vm11, v55, v8;
	v61 =	vsel vm12, v6, v9  }
0xb6: {  	v53, v54, _ =	vpop (xrf1);
	v6 =	vsel vm12, v9, v6;
	v32 =	vsel vm12, v52, v58;
	vm13 =	vle.f32 v19, v61  }
0xb7: {  	v56, v57, _ =	vpop (xrf1);
	v10 =	vsel vm12, v58, v52;
	vm14 =	vle.f32 v5, v6;
	v25 =	vsel vm13, v19, v61  }
0xb8: {  	v17, v18, _ =	vpop (xrf1);
	v13 =	vsel vm13, v61, v19;
	v27 =	vsel vm13, v60, v32;
	v9 =	vsel vm13, v32, v60  }
0xb9: {  	v7, v59, _ =	vpop (xrf1);
	v29 =	vsel vm14, v5, v6;
	v5 =	vsel vm14, v6, v5;
	(xrf1) =	vsort.ascd.msk.f32 $0xffff, v25, v27  }
0xba: {  	v6 =	vsel vm14, v8, v10;
	v8 =	vsel vm14, v10, v8;
	v62, v63, _ =	vpop (xrf1);
	(xrf1) =	vsort.ascd.msk.f32 $0xffff, v13, v9  }
0xbb: {  	v34, v33, _ =	vpop (xrf1);
	v38 =	vperm.xlane v62, v4;
	v23 =	vperm.xlane v63, v4;
	(xrf1) =	vsort.ascd.msk.f32 $0xffff, v29, v6  }
0xbc: {  	v35, v26, _ =	vpop (xrf1);
	v16 =	vperm.xlane v34, v4;
	v41 =	vperm.xlane v33, v4;
	(xrf1) =	vsort.ascd.msk.f32 $0xffff, v5, v8  }
0xbd: {  	v36, v28, _ =	vpop (xrf1);
	v19 =	vperm.xlane v35, v4;
	v40 =	vperm.xlane v26, v4;
	vm6 =	vle.f32 v7, v38  }
0xbe: {  	v37 =	vperm.xlane v36, v4;
	v39 =	vperm.xlane v28, v4;
	vm5 =	vle.f32 v17, v16  }
0xbf: {  	v7 =	vsel vm6, v7, v38;
	v46 =	vsel vm6, v59, v23;
	vm4 =	vle.f32 v56, v19  }
0xc0: {  	v44 =	vsel vm5, v17, v16;
	v45 =	vsel vm5, v18, v41;
	vm15 =	vle.f32 v53, v37  }
0xc1: {  	v42 =	vsel vm4, v56, v19;
	v43 =	vsel vm4, v57, v40;
	v10 =	vsel vm15, v53, v37  }
0xc2: {  	v9 =	vsel vm15, v54, v39;
	vm8 =	vle.f32 v42, v7;
	vm7 =	vle.f32 v10, v44  }
0xc3: {  	v5 =	vsel vm8, v42, v7;
	v7 =	vsel vm8, v7, v42;
	v8 =	vsel vm8, v43, v46  }
0xc4: {  	v48 =	vsel vm8, v46, v43;
	v6 =	vsel vm7, v10, v44;
	v10 =	vsel vm7, v44, v10  }
0xc5: {  	v47 =	vsel vm7, v9, v45;
	v9 =	vsel vm7, v45, v9;
	vm9 =	vle.f32 v6, v5  }
0xc6: {  	v49 =	vsel vm9, v6, v5;
	v5 =	vsel vm9, v5, v6;
	v6 =	vsel vm9, v47, v8  }
0xc7: {  	vm10 =	vle.f32 v10, v7;
	v8 =	vsel vm9, v8, v47;
	(xrf1) =	vsort.ascd.msk.f32 $0xffff, v49, v6  }
0xc8: {  	v50 =	vsel vm10, v9, v48;
	v6 =	vsel vm10, v10, v7;
	(xrf1) =	vsort.ascd.msk.f32 $0xffff, v5, v8  }
0xc9: {  	v5 =	vsel vm10, v7, v10;
	v7 =	vsel vm10, v48, v9;
	(xrf1) =	vsort.ascd.msk.f32 $0xffff, v6, v50  }
0xca: {  	(xrf1) =	vsort.ascd.msk.f32 $0xffff, v5, v7;
	v5 =	vsel vm0, $0x1, v3  }
0xcb: {  	(xrf0) =	vadd.scan.msk.s32 $0xffff, v5;
	_ =	sdelay $0x4  }
0xcc: {  	v5, v6, _ =	vpop (xrf1)  }
0xcd: {  	v51, _, _ =	vpop (xrf0)  }
0xce: {  	v7, v8, _ =	vpop (xrf1);
	(v2sf) =	vpush v51, $0xF  }
0xcf: {  	v52, v53, _ =	vpop (xrf1)  }
0xd0: {  	v55, v54, _ =	vpop (xrf1)  }
0xd1: {  	v57, v56, _ =	vpop (xrf1)  }
0xd2: {  	v59, v58, _ =	vpop (xrf1)  }
0xd3: {  	v60, v61, _ =	vpop (xrf1)  }
0xd4: {  	v13 =	vperm.xlane v57, v4;
	v62, v63, _ =	vpop (xrf1)  }
0xd5: {  	v15 =	vperm.xlane v59, v4;
	v19 =	vperm.xlane v62, v4  }
0xd6: {  	v17 =	vperm.xlane v60, v4;
	v20 =	vperm.xlane v63, v4  }
0xd7: {  	v16 =	vperm.xlane v58, v4;
	v18 =	vperm.xlane v61, v4;
	vm11 =	vle.f32 v5, v19  }
0xd8: {  	vm12 =	vle.f32 v7, v17;
	v5 =	vperm.xlane v56, v4;
	v6 =	vsel vm11, v6, v20  }
0xd9: {  	s29 =	sand.u32 $0x3FFFFF80, s19;
	vm14 =	vle.f32 v55, v13;
	v7 =	vsel vm12, v8, v18;
	v6 =	vadd.s32 v1, v6  }
0xda: {  	vm13 =	vle.f32 v52, v15;
	v5 =	vsel vm14, v54, v5;
	[tilespmem:s29+$0x5200] =	vst v6;
	v6 =	vadd.s32 v1, v7  }
0xdb: {  	v8 =	vsel vm13, v53, v16;
	v5 =	vadd.s32 v1, v5;
	[tilespmem:s29+$0x5210] =	vst v6  }
0xdc: {  	v6 =	vadd.s32 v1, v8;
	[tilespmem:s29+$0x5230] =	vst v5  }
0xdd: {  	[tilespmem:s29+$0x5220] =	vst v6;
	s30 =	spop (v2sf)  }
0xde: {  	_ =	swait.ge [sflag:s15], $0x2000  }
0xdf: {  	s21 =	sor.u32 $0x40, s19;
	[sflag:s15] =	ssyncset.done $0x0  }
0xe0: {  	s22 =	sshrl.u32 s21, $0x2;
	[sflag:s15] =	ssyncadd.s32 $0xFFFFE000  }
0xe1: {  	v5 =	vld [tilespmem:s22+$0x4200];
	[tilespmem:$0x4000] =	vst v2  }
0xe2: {  	[tilespmem:$0x4010] =	vst v2  }
0xe3: {  	[tilespmem:$0x4020] =	vst v2  }
0xe4: {  	[tilespmem:$0x4030] =	vst v2  }
0xe5: {  	[tilespmem:$0x4040] =	vst v2  }
0xe6: {  	[tilespmem:$0x4050] =	vst v2  }
0xe7: {  	[tilespmem:$0x4060] =	vst v2  }
0xe8: {  	[tilespmem:$0x4070] =	vst v2  }
0xe9: {  	[tilespmem:$0x4080] =	vst v2  }
0xea: {  	[tilespmem:$0x4090] =	vst v2  }
0xeb: {  	[tilespmem:$0x40A0] =	vst v2  }
0xec: {  	[tilespmem:$0x40B0] =	vst v2  }
0xed: {  	[tilespmem:$0x40C0] =	vst v2  }
0xee: {  	[tilespmem:$0x40D0] =	vst v2  }
0xef: {  	[tilespmem:$0x40E0] =	vst v2  }
0xf0: {  	s31 =	simm.s32 $0x2000;
	[tilespmem:$0x40F0] =	vst v2  }
0xf1: {  	v6 =	vld [tilespmem:s31+$0x0];
	_ =	sdelay $0x4  }
0xf2: {  	s22 =	simm.s32 $0x0;
	vm15 =	vle.f32 v6, v5  }
0xf3: {  	v7 =	vor.u32 s22, v0;
	v6 =	vnsel vm15, $0x7F800000, v6  }
0xf4: {  	(xrf1) =	vsort.ascd.msk.f32 $0xffff, v6, v7;
	_ =	sdelay $0x7  }
0xf5: {  	v6 =	vsel vm15, $0x1, v3  }
0xf6: {  	(xrf0) =	vadd.scan.msk.s32 $0xffff, v6;
	_ =	sdelay $0x3  }
0xf7: {  	s24 =	simm.s32 $0x0;
	p1 =	por $0x1, $0x1  }
0xf8: {  	s24 =	simm.s32 @!p1 $0xF0;
	v6, v7, _ =	vpop (xrf1)  }
0xf9: {  	[tilespmem:s24+$0x4000] =	vst v6;
	v6, _, _ =	vpop (xrf0)  }
0xfa: {  	(v2sf) =	vpush v6, $0xF;
	_ =	sdelay $0x7  }
0xfb: {  	s23 =	simm.s32 $0x2010;
	[tilespmem:s24+$0x4100] =	vst v7  }
0xfc: {  	s25 =	simm.s32 $0x20;
	s24 =	simm.s32 $0x10;
	v6 =	vld [tilespmem:s23+$0x0]  }
.LBB2_5:
0xfd: {  	_ =	sdelay $0x3  }
0xfe: {  	p1 =	sne.s32 s25, $0x1FF0;
	s26 =	smov.u32 s25;
	s25 =	sadd.s32 $0x10, s25;
	vm0 =	vle.f32 v6, v5  }
0xff: {  	v7 =	vor.u32 s24, v0;
	s24 =	smov.u32 s26;
	v6 =	vnsel vm0, $0x7F800000, v6;
	v8 =	vsel vm0, $0x1, v3;
	s28 =	spop (v2sf)  }
0x100: {  	(xrf1) =	vsort.ascd.msk.f32 $0xffff, v6, v7;
	s22 =	sadd.s32 s22, s28  }
0x101: {  	p2 =	slt.s32 s22, $0xF0;
	(xrf0) =	vadd.scan.msk.s32 $0xffff, v8;
	_ =	sdelay $0x5  }
0x102: {  	v6, _, _ =	vpop (xrf0)  }
0x103: {  	(v2sf) =	vpush v6, $0xF;
	_ =	sdelay $0x4  }
.Ltmp1:
0x104: {  	s26 =	smov.u32 s22;
	(pc) =	sbr.rel @p1 .LBB2_5-.Ltmp1, $4  }
0x105: {  	s26 =	simm.s32 @!p2 $0xF0;
	v6, v7, _ =	vpop (xrf1)  }
0x106: {  	s23 =	sadd.s32 $0x10, s23;
	[tilespmem:s26+$0x4000] =	vst v6  }
0x107: {  	[tilespmem:s26+$0x4100] =	vst v7  }
0x108: {  	v6 =	vld [tilespmem:s23+$0x0]  }
0x109: {  	_ =	sdelay $0x3  }
0x10a: {  	vm0 =	vle.f32 v6, v5  }
0x10b: {  	v5 =	vnsel vm0, $0x7F800000, v6;
	v6 =	vor.u32 s24, v0  }
0x10c: {  	(xrf1) =	vsort.ascd.msk.f32 $0xffff, v5, v6;
	_ =	sdelay $0xa  }
0x10d: {  	s23 =	spop (v2sf)  }
0x10e: {  	s22 =	sadd.s32 s22, s23  }
0x10f: {  	s20 =	sadd.s32 @!p0 s20, s8;
	p1 =	slt.s32 s22, $0xF0  }
0x110: {  	s20 =	sshll.u32 @!p0 s20, $0xA;
	s22 =	simm.s32 @!p1 $0xF0;
	v5, v6, _ =	vpop (xrf1)  }
0x111: {  	s20 =	sand.u32 @!p0 $0x1FFFFC00, s20;
	[tilespmem:s22+$0x4000] =	vst v5  }
0x112: {  	s20 =	sadd.s32 @!p0 s3, s20;
	s23 =	simm.s32 @!p0 $0x2000;
	[tilespmem:s22+$0x4100] =	vst v6;
	s22 =	simm.s32 @!p0 $0x0  }
0x113: {  	[tilespmem:s23], [sflag:$0x2] =	stream.linear.gather @!p0 [hbm4b:s20+s22], $0x2000, $0x38;
	[tilespmem:$0x9200] =	vst v63  }
0x114: {  	v5 =	vld [tilespmem:$0x4000]  }
0x115: {  	v6 =	vld [tilespmem:$0x4100]  }
0x116: {  	v7 =	vld [tilespmem:$0x4010]  }
0x117: {  	v8 =	vld [tilespmem:$0x4110]  }
0x118: {  	v9 =	vld [tilespmem:$0x4020]  }
0x119: {  	v10 =	vld [tilespmem:$0x4120]  }
0x11a: {  	v11 =	vld [tilespmem:$0x4030]  }
0x11b: {  	v12 =	vld [tilespmem:$0x4130]  }
0x11c: {  	v13 =	vld [tilespmem:$0x4040]  }
0x11d: {  	v14 =	vld [tilespmem:$0x4140]  }
0x11e: {  	v15 =	vld [tilespmem:$0x4050]  }
0x11f: {  	v16 =	vld [tilespmem:$0x4150]  }
0x120: {  	v17 =	vld [tilespmem:$0x4060]  }
0x121: {  	v18 =	vld [tilespmem:$0x4160]  }
0x122: {  	v19 =	vld [tilespmem:$0x4070]  }
0x123: {  	v20 =	vld [tilespmem:$0x4170]  }
0x124: {  	v21 =	vld [tilespmem:$0x4080]  }
0x125: {  	v50 =	vld [tilespmem:$0x40A0]  }
0x126: {  	v51 =	vld [tilespmem:$0x41A0];
	(xrf1) =	vsort.ascd.msk.f32 $0xffff, v5, v6  }
0x127: {  	v52 =	vld [tilespmem:$0x40B0];
	(xrf1) =	vsort.ascd.msk.f32 $0xffff, v7, v8  }
0x128: {  	v53 =	vld [tilespmem:$0x41B0];
	(xrf1) =	vsort.ascd.msk.f32 $0xffff, v9, v10  }
0x129: {  	v54 =	vld [tilespmem:$0x40C0];
	(xrf1) =	vsort.ascd.msk.f32 $0xffff, v11, v12  }
0x12a: {  	v5 =	vld [tilespmem:$0x4180]  }
0x12b: {  	v6 =	vld [tilespmem:$0x4090];
	(xrf1) =	vsort.ascd.msk.f32 $0xffff, v13, v14  }
0x12c: {  	v7 =	vld [tilespmem:$0x4190];
	(xrf1) =	vsort.ascd.msk.f32 $0xffff, v15, v16  }
0x12d: {  	v55 =	vld [tilespmem:$0x41C0];
	(xrf1) =	vsort.ascd.msk.f32 $0xffff, v17, v18  }
0x12e: {  	v56 =	vld [tilespmem:$0x40D0];
	(xrf1) =	vsort.ascd.msk.f32 $0xffff, v19, v20  }
0x12f: {  	v57 =	vld [tilespmem:$0x41D0]  }
0x130: {  	v58 =	vld [tilespmem:$0x40E0];
	(xrf1) =	vsort.ascd.msk.f32 $0xffff, v21, v5  }
0x131: {  	v60 =	vld [tilespmem:$0x41F0];
	(xrf1) =	vsort.ascd.msk.f32 $0xffff, v6, v7  }
0x132: {  	v5 =	vld [tilespmem:$0x41E0];
	(xrf1) =	vsort.ascd.msk.f32 $0xffff, v50, v51  }
0x133: {  	v6 =	vld [tilespmem:$0x40F0];
	(xrf1) =	vsort.ascd.msk.f32 $0xffff, v52, v53  }
0x134: {  	v7, v59, _ =	vpop (xrf1)  }
0x135: {  	(xrf1) =	vsort.ascd.msk.f32 $0xffff, v54, v55;
	v62, v61, _ =	vpop (xrf1)  }
0x136: {  	v9 =	vperm.xlane v62, v4;
	v10, v11, _ =	vpop (xrf1);
	(xrf1) =	vsort.ascd.msk.f32 $0xffff, v56, v57  }
0x137: {  	v12, v13, _ =	vpop (xrf1);
	(xrf1) =	vsort.ascd.msk.f32 $0xffff, v58, v5;
	v5 =	vperm.xlane v61, v4  }
0x138: {  	vm1 =	vle.f32 v7, v9;
	(xrf1) =	vsort.ascd.msk.f32 $0xffff, v6, v60  }
0x139: {  	v63 =	vperm.xlane v12, v4;
	v21, v20, _ =	vpop (xrf1);
	v6 =	vsel vm1, v7, v9;
	v22 =	vsel vm1, v59, v5  }
0x13a: {  	v7 =	vsel vm1, v9, v7;
	v5 =	vsel vm1, v5, v59;
	v24, v23, _ =	vpop (xrf1);
	(xrf1) =	vsort.ascd.msk.f32 $0xffff, v6, v22  }
0x13b: {  	v6 =	vperm.xlane v13, v4;
	vm10 =	vle.f32 v10, v63;
	v26, v25, _ =	vpop (xrf1);
	(xrf1) =	vsort.ascd.msk.f32 $0xffff, v7, v5  }
0x13c: {  	v5 =	vsel vm10, v10, v63;
	v7 =	vperm.xlane v24, v4;
	v8 =	vsel vm10, v63, v10;
	v28, v29, _ =	vpop (xrf1)  }
0x13d: {  	v27 =	vsel vm10, v11, v6;
	v6 =	vsel vm10, v6, v11;
	v30 =	vperm.xlane v28, v4  }
0x13e: {  	v32, v31, _ =	vpop (xrf1);
	(xrf1) =	vsort.ascd.msk.f32 $0xffff, v5, v27;
	v5 =	vperm.xlane v23, v4;
	vm11 =	vle.f32 v21, v7  }
0x13f: {  	v33, v34, _ =	vpop (xrf1);
	(xrf1) =	vsort.ascd.msk.f32 $0xffff, v8, v6;
	v6 =	vsel vm11, v21, v7  }
0x140: {  	v7 =	vsel vm11, v7, v21;
	vm12 =	vle.f32 v26, v30;
	v35, v36, _ =	vpop (xrf1);
	v16 =	vsel vm11, v20, v5  }
0x141: {  	v5 =	vsel vm11, v5, v20;
	v38, v39, _ =	vpop (xrf1);
	(xrf1) =	vsort.ascd.msk.f32 $0xffff, v6, v16;
	v6 =	vperm.xlane v29, v4  }
0x142: {  	v8 =	vsel vm12, v30, v26;
	v40 =	vperm.xlane v38, v4;
	(xrf1) =	vsort.ascd.msk.f32 $0xffff, v7, v5  }
0x143: {  	v5 =	vsel vm12, v26, v30;
	v7 =	vperm.xlane v33, v4;
	v37 =	vsel vm12, v25, v6  }
0x144: {  	v6 =	vsel vm12, v6, v25;
	(xrf1) =	vsort.ascd.msk.f32 $0xffff, v5, v37;
	v5 =	vperm.xlane v34, v4  }
0x145: {  	v42, v41, _ =	vpop (xrf1);
	vm14 =	vle.f32 v35, v40;
	vm13 =	vle.f32 v32, v7;
	(xrf1) =	vsort.ascd.msk.f32 $0xffff, v8, v6  }
0x146: {  	v6 =	vsel vm13, v32, v7;
	v7 =	vsel vm13, v7, v32;
	v44, v45, _ =	vpop (xrf1);
	v43 =	vsel vm13, v31, v5  }
0x147: {  	v5 =	vsel vm13, v5, v31;
	v47, v46, _ =	vpop (xrf1);
	(xrf1) =	vsort.ascd.msk.f32 $0xffff, v6, v43;
	v6 =	vperm.xlane v39, v4  }
0x148: {  	v8 =	vsel vm14, v40, v35;
	v49, v50, _ =	vpop (xrf1);
	(xrf1) =	vsort.ascd.msk.f32 $0xffff, v7, v5;
	v5 =	vsel vm14, v35, v40  }
0x149: {  	v7 =	vperm.xlane v44, v4;
	v56 =	vperm.xlane v49, v4;
	v48 =	vsel vm14, v36, v6  }
0x14a: {  	v6 =	vsel vm14, v6, v36;
	(xrf1) =	vsort.ascd.msk.f32 $0xffff, v5, v48;
	v5 =	vperm.xlane v45, v4  }
0x14b: {  	v52, v51, _ =	vpop (xrf1);
	vm15 =	vle.f32 v42, v7;
	vm4 =	vle.f32 v47, v56;
	(xrf1) =	vsort.ascd.msk.f32 $0xffff, v8, v6  }
0x14c: {  	v54, v53, _ =	vpop (xrf1);
	v6 =	vsel vm15, v42, v7;
	v7 =	vsel vm15, v7, v42;
	v55 =	vsel vm15, v41, v5  }
0x14d: {  	v58, v57, _ =	vpop (xrf1);
	v5 =	vsel vm15, v5, v41;
	(xrf1) =	vsort.ascd.msk.f32 $0xffff, v6, v55;
	v6 =	vperm.xlane v50, v4  }
0x14e: {  	v9 =	vsel vm4, v56, v47;
	v60, v59, _ =	vpop (xrf1);
	(xrf1) =	vsort.ascd.msk.f32 $0xffff, v7, v5  }
0x14f: {  	v5 =	vsel vm4, v47, v56;
	v12 =	vperm.xlane v60, v4;
	v7 =	vsel vm4, v46, v6  }
0x150: {  	v6 =	vsel vm4, v6, v46;
	(xrf1) =	vsort.ascd.msk.f32 $0xffff, v5, v7;
	v5 =	vperm.xlane v58, v4  }
0x151: {  	v7 =	vperm.xlane v59, v4;
	vm5 =	vle.f32 v52, v12;
	(xrf1) =	vsort.ascd.msk.f32 $0xffff, v9, v6  }
0x152: {  	v23, v24, _ =	vpop (xrf1);
	v6 =	vperm.xlane v57, v4;
	v61 =	vsel vm5, v52, v12;
	v63 =	vsel vm5, v12, v52  }
0x153: {  	v26, v25, _ =	vpop (xrf1);
	v62 =	vsel vm5, v51, v7;
	vm2 =	vle.f32 v54, v5;
	v7 =	vsel vm5, v7, v51  }
0x154: {  	v29, v30, _ =	vpop (xrf1);
	v21 =	vsel vm2, v54, v5;
	v22 =	vsel vm2, v53, v6;
	v5 =	vsel vm2, v5, v54  }
0x155: {  	v6 =	vsel vm2, v6, v53;
	v32, v31, _ =	vpop (xrf1);
	v35 =	vperm.xlane v29, v4;
	vm6 =	vle.f32 v61, v21  }
0x156: {  	vm7 =	vle.f32 v63, v5;
	v36 =	vperm.xlane v31, v4;
	v27 =	vsel vm6, v61, v21  }
0x157: {  	v9 =	vsel vm6, v21, v61;
	v28 =	vsel vm6, v62, v22;
	v10 =	vsel vm6, v22, v62  }
0x158: {  	v33 =	vsel vm7, v63, v5;
	v34 =	vsel vm7, v7, v6;
	v6 =	vsel vm7, v6, v7  }
0x159: {  	v7 =	vperm.xlane v32, v4;
	vm9 =	vle.f32 v26, v35;
	(xrf1) =	vsort.ascd.msk.f32 $0xffff, v27, v28  }
0x15a: {  	v5 =	vsel vm7, v5, v63;
	v39, v40, _ =	vpop (xrf1);
	v38 =	vsel vm9, v26, v35;
	(xrf1) =	vsort.ascd.msk.f32 $0xffff, v9, v10  }
0x15b: {  	v8 =	vsel vm9, v35, v26;
	v43, v42, _ =	vpop (xrf1);
	vm8 =	vle.f32 v23, v7;
	(xrf1) =	vsort.ascd.msk.f32 $0xffff, v33, v34  }
0x15c: {  	v37 =	vsel vm8, v24, v36;
	v10 =	vsel vm8, v36, v24;
	v47, v46, _ =	vpop (xrf1);
	(xrf1) =	vsort.ascd.msk.f32 $0xffff, v5, v6  }
0x15d: {  	v5 =	vperm.xlane v30, v4;
	v6 =	vsel vm8, v23, v7;
	v7 =	vsel vm8, v7, v23;
	v49, v48, _ =	vpop (xrf1)  }
0x15e: {  	vm10 =	vle.f32 v6, v38;
	vm11 =	vle.f32 v7, v8;
	v51 =	vperm.xlane v49, v4  }
0x15f: {  	v41 =	vsel vm9, v25, v5;
	v44 =	vsel vm10, v6, v38;
	v6 =	vsel vm10, v38, v6  }
0x160: {  	v5 =	vsel vm9, v5, v25;
	v45 =	vsel vm10, v37, v41;
	v11 =	vsel vm10, v41, v37  }
0x161: {  	v56, v55, _ =	vpop (xrf1);
	v50 =	vsel vm11, v10, v5;
	v5 =	vsel vm11, v5, v10;
	(xrf1) =	vsort.ascd.msk.f32 $0xffff, v44, v45  }
0x162: {  	vm12 =	vle.f32 v39, v51;
	v59, v58, _ =	vpop (xrf1);
	(xrf1) =	vsort.ascd.msk.f32 $0xffff, v6, v11;
	v6 =	vsel vm11, v7, v8  }
0x163: {  	v52 =	vsel vm12, v39, v51;
	v7 =	vsel vm11, v8, v7;
	v63, v62, _ =	vpop (xrf1);
	(xrf1) =	vsort.ascd.msk.f32 $0xffff, v6, v50  }
0x164: {  	v6 =	vperm.xlane v47, v4;
	v24, v23, _ =	vpop (xrf1);
	(xrf1) =	vsort.ascd.msk.f32 $0xffff, v7, v5;
	v5 =	vperm.xlane v48, v4  }
0x165: {  	v11 =	vsel vm12, v51, v39;
	v7 =	vperm.xlane v46, v4;
	v9 =	vperm.xlane v24, v4  }
0x166: {  	v27 =	vperm.xlane v23, v4;
	vm13 =	vle.f32 v43, v6;
	v53 =	vsel vm12, v40, v5  }
0x167: {  	v54 =	vsel vm13, v43, v6;
	v5 =	vsel vm12, v5, v40;
	v57 =	vsel vm13, v42, v7  }
0x168: {  	v6 =	vsel vm13, v6, v43;
	v7 =	vsel vm13, v7, v42;
	vm4 =	vle.f32 v56, v9  }
0x169: {  	vm14 =	vle.f32 v52, v54;
	vm15 =	vle.f32 v11, v6;
	v12 =	vsel vm4, v55, v27  }
0x16a: {  	v60 =	vsel vm14, v52, v54;
	v61 =	vsel vm14, v53, v57;
	v8 =	vsel vm14, v54, v52  }
0x16b: {  	v26 =	vsel vm15, v5, v7;
	v5 =	vsel vm15, v7, v5;
	v7 =	vperm.xlane v63, v4  }
0x16c: {  	v10 =	vsel vm14, v57, v53;
	v25 =	vsel vm15, v11, v6;
	(xrf1) =	vsort.ascd.msk.f32 $0xffff, v60, v61  }
0x16d: {  	v6 =	vsel vm15, v6, v11;
	(xrf1) =	vsort.ascd.msk.f32 $0xffff, v8, v10;
	vm5 =	vle.f32 v59, v7  }
0x16e: {  	v8 =	vsel vm4, v27, v55;
	(xrf1) =	vsort.ascd.msk.f32 $0xffff, v25, v26;
	v32 =	vsel vm5, v59, v7  }
0x16f: {  	v29, v28, _ =	vpop (xrf1);
	(xrf1) =	vsort.ascd.msk.f32 $0xffff, v6, v5;
	v5 =	vperm.xlane v62, v4;
	v6 =	vsel vm4, v56, v9  }
0x170: {  	v31, v30, _ =	vpop (xrf1);
	v7 =	vsel vm5, v7, v59;
	v9 =	vsel vm4, v9, v56;
	vm6 =	vle.f32 v6, v32  }
0x171: {  	v34, v35, _ =	vpop (xrf1);
	vm7 =	vle.f32 v9, v7;
	v33 =	vsel vm5, v58, v5;
	v5 =	vsel vm5, v5, v58  }
0x172: {  	v36, v37, _ =	vpop (xrf1);
	v38 =	vsel vm6, v6, v32;
	v6 =	vsel vm6, v32, v6;
	v39 =	vsel vm6, v12, v33  }
0x173: {  	v22, v23, _ =	vpop (xrf1);
	v12 =	vsel vm6, v33, v12;
	v42 =	vsel vm7, v8, v5;
	(xrf1) =	vsort.ascd.msk.f32 $0xffff, v38, v39  }
0x174: {  	v5 =	vsel vm7, v5, v8;
	v41, v40, _ =	vpop (xrf1);
	(xrf1) =	vsort.ascd.msk.f32 $0xffff, v6, v12;
	v6 =	vsel vm7, v9, v7  }
0x175: {  	v45 =	vperm.xlane v22, v4;
	v48 =	vperm.xlane v23, v4;
	v43, v24, _ =	vpop (xrf1);
	v7 =	vsel vm7, v7, v9  }
0x176: {  	v47 =	vperm.xlane v40, v4;
	(xrf1) =	vsort.ascd.msk.f32 $0xffff, v6, v42;
	v46 =	vperm.xlane v24, v4  }
0x177: {  	vm11 =	vle.f32 v36, v45;
	(xrf1) =	vsort.ascd.msk.f32 $0xffff, v7, v5;
	v7 =	vperm.xlane v41, v4;
	v6, v44, _ =	vpop (xrf1)  }
0x178: {  	v9 =	vsel vm11, v36, v45;
	v55 =	vsel vm11, v37, v48;
	v5 =	vperm.xlane v6, v4  }
0x179: {  	v6 =	vperm.xlane v43, v4;
	v8 =	vperm.xlane v44, v4;
	vm10 =	vle.f32 v34, v7  }
0x17a: {  	v7 =	vsel vm10, v34, v7;
	v52 =	vsel vm10, v35, v47;
	vm8 =	vle.f32 v29, v5  }
0x17b: {  	vm9 =	vle.f32 v31, v6;
	v5 =	vsel vm8, v29, v5;
	v8 =	vsel vm8, v28, v8  }
0x17c: {  	v6 =	vsel vm9, v31, v6;
	v49 =	vsel vm9, v30, v46;
	vm12 =	vle.f32 v5, v7  }
0x17d: {  	vm13 =	vle.f32 v6, v9;
	v19 =	vsel vm12, v5, v7;
	v5 =	vsel vm12, v7, v5  }
0x17e: {  	v57 =	vsel vm12, v8, v52;
	v8 =	vsel vm12, v52, v8;
	v58 =	vsel vm13, v6, v9  }
0x17f: {  	v50, v51, _ =	vpop (xrf1);
	v6 =	vsel vm13, v9, v6;
	v61 =	vsel vm13, v49, v55;
	vm14 =	vle.f32 v19, v58  }
0x180: {  	v53, v54, _ =	vpop (xrf1);
	v10 =	vsel vm13, v55, v49;
	vm15 =	vle.f32 v5, v6;
	v25 =	vsel vm14, v19, v58  }
0x181: {  	v17, v18, _ =	vpop (xrf1);
	v13 =	vsel vm14, v58, v19;
	v27 =	vsel vm14, v57, v61;
	v9 =	vsel vm14, v61, v57  }
0x182: {  	v7, v56, _ =	vpop (xrf1);
	v29 =	vsel vm15, v5, v6;
	v5 =	vsel vm15, v6, v5;
	(xrf1) =	vsort.ascd.msk.f32 $0xffff, v25, v27  }
0x183: {  	v6 =	vsel vm15, v8, v10;
	v8 =	vsel vm15, v10, v8;
	v59, v60, _ =	vpop (xrf1);
	(xrf1) =	vsort.ascd.msk.f32 $0xffff, v13, v9  }
0x184: {  	v63, v62, _ =	vpop (xrf1);
	v35 =	vperm.xlane v59, v4;
	v23 =	vperm.xlane v60, v4;
	(xrf1) =	vsort.ascd.msk.f32 $0xffff, v29, v6  }
0x185: {  	v32, v26, _ =	vpop (xrf1);
	v16 =	vperm.xlane v63, v4;
	v38 =	vperm.xlane v62, v4;
	(xrf1) =	vsort.ascd.msk.f32 $0xffff, v5, v8  }
0x186: {  	v33, v28, _ =	vpop (xrf1);
	v19 =	vperm.xlane v32, v4;
	v37 =	vperm.xlane v26, v4;
	vm7 =	vle.f32 v7, v35  }
0x187: {  	v34 =	vperm.xlane v33, v4;
	v36 =	vperm.xlane v28, v4;
	vm6 =	vle.f32 v17, v16  }
0x188: {  	v7 =	vsel vm7, v7, v35;
	v43 =	vsel vm7, v56, v23;
	vm5 =	vle.f32 v53, v19  }
0x189: {  	v41 =	vsel vm6, v17, v16;
	v42 =	vsel vm6, v18, v38;
	vm4 =	vle.f32 v50, v34  }
0x18a: {  	v39 =	vsel vm5, v53, v19;
	v40 =	vsel vm5, v54, v37;
	v10 =	vsel vm4, v50, v34  }
0x18b: {  	v9 =	vsel vm4, v51, v36;
	vm9 =	vle.f32 v39, v7;
	vm8 =	vle.f32 v10, v41  }
0x18c: {  	v5 =	vsel vm9, v39, v7;
	v7 =	vsel vm9, v7, v39;
	v45 =	vsel vm9, v40, v43  }
0x18d: {  	v46 =	vsel vm9, v43, v40;
	v6 =	vsel vm8, v10, v41;
	v10 =	vsel vm8, v41, v10  }
0x18e: {  	v44 =	vsel vm8, v9, v42;
	v9 =	vsel vm8, v42, v9;
	vm10 =	vle.f32 v6, v5  }
0x18f: {  	v47 =	vsel vm10, v6, v5;
	v5 =	vsel vm10, v5, v6;
	v6 =	vsel vm10, v44, v45  }
0x190: {  	vm11 =	vle.f32 v10, v7;
	v8 =	vsel vm10, v45, v44;
	(xrf1) =	vsort.ascd.msk.f32 $0xffff, v47, v6  }
0x191: {  	v48 =	vsel vm11, v9, v46;
	v6 =	vsel vm11, v10, v7;
	(xrf1) =	vsort.ascd.msk.f32 $0xffff, v5, v8  }
0x192: {  	v5 =	vsel vm11, v7, v10;
	v7 =	vsel vm11, v46, v9;
	(xrf1) =	vsort.ascd.msk.f32 $0xffff, v6, v48  }
0x193: {  	(xrf1) =	vsort.ascd.msk.f32 $0xffff, v5, v7;
	v5 =	vsel vm0, $0x1, v3  }
0x194: {  	(xrf0) =	vadd.scan.msk.s32 $0xffff, v5;
	_ =	sdelay $0x4  }
0x195: {  	v5, v6, _ =	vpop (xrf1)  }
0x196: {  	v50, _, _ =	vpop (xrf0)  }
0x197: {  	v7, v49, _ =	vpop (xrf1);
	(v2sf) =	vpush v50, $0xF  }
0x198: {  	v51, v52, _ =	vpop (xrf1)  }
0x199: {  	v54, v53, _ =	vpop (xrf1)  }
0x19a: {  	v56, v55, _ =	vpop (xrf1)  }
0x19b: {  	v58, v57, _ =	vpop (xrf1)  }
0x19c: {  	v59, v60, _ =	vpop (xrf1)  }
0x19d: {  	v13 =	vperm.xlane v56, v4;
	v61, v62, _ =	vpop (xrf1)  }
0x19e: {  	v15 =	vperm.xlane v58, v4;
	v19 =	vperm.xlane v61, v4  }
0x19f: {  	v17 =	vperm.xlane v59, v4;
	v20 =	vperm.xlane v62, v4  }
0x1a0: {  	s18 =	sadd.s32 $0x1, s18;
	v16 =	vperm.xlane v57, v4;
	v18 =	vperm.xlane v60, v4;
	vm12 =	vle.f32 v5, v19  }
0x1a1: {  	p0 =	sne.s32 s18, $0x80;
	vm13 =	vle.f32 v7, v17;
	v5 =	vperm.xlane v55, v4;
	v6 =	vsel vm12, v6, v20  }
.Ltmp2:
0x1a2: {  	vm15 =	vle.f32 v54, v13;
	v7 =	vsel vm13, v49, v18;
	v6 =	vadd.s32 v1, v6;
	(pc) =	sbr.rel @p0 .LBB2_2-.Ltmp2, $4  }
0x1a3: {  	vm14 =	vle.f32 v51, v15;
	v5 =	vsel vm15, v53, v5;
	[tilespmem:s21+$0x5200] =	vst v6;
	v6 =	vadd.s32 v1, v7  }
0x1a4: {  	v63 =	vsel vm14, v52, v16;
	v5 =	vadd.s32 v1, v5;
	[tilespmem:s19+$0x5250] =	vst v6  }
0x1a5: {  	v6 =	vadd.s32 v1, v63;
	[tilespmem:s19+$0x5270] =	vst v5  }
0x1a6: {  	[tilespmem:s19+$0x5260] =	vst v6;
	s31 =	spop (v2sf)  }
0x1a7: {  	s17 =	sadd.s32 $0x1, s17  }
0x1a8: {  	p0 =	sne.s32 s17, s10  }
.Ltmp3:
0x1a9: {  	_ = 	snop;
	(pc) =	sbr.rel @p0 .LBB2_1-.Ltmp3, $4  }
0x1aa: {  	[hbm4b:s9+s2] =	stream.linear.scatter [tilespmem:s16], [sflag:$0x3], $0x4000, $0x38;
	[tilespmem:$0x9200] =	vst v63  }
0x1ab: {  	_ =	swait.ge [sflag:s12], $0x4000  }
0x1ac: {  	[sflag:s12] =	ssyncset.done $0x0  }
0x1ad: {  	[sflag:s12] =	ssyncadd.s32 $0xFFFFC000  }
0x1ae: {  	_ =	sfence.sel $0x180000  }
0x1af: {  	[bflag:$0x0] =	sbarrier.arrive $0xFFFF  }
0x1b0: {  	p0 =	sne.s32 s1, $0x0;
	_ =	strace $0x9000004D  }
0x1b1: {  	s0 =	sadd.s32 @!p0 $0x100000, s0;
	[bflag:$0x2] =	sbarrier.arrive $0xFFFF  }
0x1b2: {  	[sflag:s0] =	ssyncadd.tile.s32 @!p0 $0x1;
	_ =	shalt  }
.Lfunc_end2:
_tile_overlayer_lowered:
.L_overlay_start_2:
0x1b3: {  	(tag) =	ssettag $0x2  }
0x1b4: {  	s0 =	rddreg [dreg:$0x0];
	s2 =	stileid.u32  }
0x1b5: {  	s1 =	rddreg [dreg:$0x1];
	p0 =	sne.s32 s2, $0x0  }
0x1b6: {  	s3 =	rddreg [dreg:$0x2];
	[bflag:$0x3] =	sbarrier.arrive $0xFFFF;
	s2 =	simm.s32 @!p0 $0x1C03  }
0x1b7: {  	[timem:s3], [sflag:s2] =	dma.local @!p0 [hbm:s0], s1  }
0x1b8: {  	s0 =	simm.s32 @!p0 $0x3  }
0x1b9: {  	_ =	swait.ge @!p0 [sflag:s0], s1  }
0x1ba: {  	s1 =	ssub.s32 @!p0 $0x0, s1;
	[sflag:s0] =	ssyncset.done @!p0 $0x0  }
0x1bb: {  	[sflag:s0] =	ssyncadd.s32 @!p0 s1  }
0x1bc: {  	[bflag:$0x3] =	sbarrier.arrive $0xFFFF  }
0x1bd: {  	_ =	shalt  }

// kernel: sparse-core-data-format-call.cloned.1.call-start
scs
called_computation_lowered:
.L_overlay_start_0:
0x0: {  	s1 =	sld [smem:$0x3FD9]  }
0x1: {  	s2 =	sld [smem:$0x3FFE];
	_ =	sdelay $0x1  }
0x2: {  	s3 =	srdreg.scid  }
0x3: {  	s0 =	sand.u32 $0x1, s3  }
0x4: {  	s17 =	sshll.u32 s0, $0xA;
	s1 =	sadd.s32 s2, s1  }
0x5: {  	s1 =	sadd.s32 s1, s17  }
0x6: {  	[smem:$0x3FBE] =	sst s1  }
0x7: {  	_ = 	snop  }
0x8: {  	(tm) =	ssettm $0x1  }
0x9: {  	s18 =	sld [smem:$0x3FFB];
	_ =	sdelay $0x3  }
0xa: {  	_ =	strace s18  }
0xb: {  	s1 =	sld [smem:$0x3FFC];
	_ =	sdelay $0x3  }
0xc: {  	_ =	strace s1  }
0xd: {  	s1 =	sld [smem:$0x3FFD];
	_ =	sdelay $0x3  }
0xe: {  	_ =	strace s1  }
0xf: {  	_ =	strace $0x8FFFFFFF  }
0x10: {  	s19 =	sld [smem:$0x3FDB];
	_ =	sdelay $0x1  }
0x11: {  	s20 =	simm.s32 $_scs_section_size  }
0x12: {  	s4 =	simm.s32 $_size__tile_overlayer_lowered;
	s5 =	simm.s32 $_tile_overlayer_lowered  }
0x13: {  	s23 =	simm.s32 $0x1BFF;
	s22 =	sshll.u32 s5, $0x1;
	s1 =	sadd.s32 s20, s19  }
0x14: {  	s6 =	simm.s32 $0x0;
	s21 =	sshll.u32 s4, $0x1;
	s4 =	sadd.s32 s22, s1  }
0x15: {  	[timem:s6], [sflag:s23] =	dma.local [hbm:s4], s21  }
0x16: {  	_ =	swait.ge [sflag:s23], s21  }
0x17: {  	s2 =	ssub.s32 $0x0, s21;
	[sflag:s23] =	ssyncset.done $0x0  }
0x18: {  	[sflag:s23] =	ssyncadd.s32 s2;
	_ =	sdelay $0x1  }
0x19: {  	s24 =	simm.s32 $0x1B8B  }
0x1a: {  	_ =	swait.ge [sflag:s24], $0x1  }
0x1b: {  	[sflag:s24] =	ssyncset.done $0x0  }
0x1c: {  	s26 =	simm.s32 $0x1B8E;
	s25 =	sld [smem:$0x3FFE];
	[sflag:s24] =	ssyncadd.s32 $0xFFFFFFFF  }
0x1d: {  	s27 =	simm.s32 $execute0_lowered;
	[smem:$0x3FD2] =	sst s26  }
0x1e: {  	s4 =	sshll.u32 s27, $0x1;
	_ =	strace $0x80000049;
	[dreg:$0x1] =	wrdreg $0xFFFFFFFF  }
0x1f: {  	s28 =	simm.s32 $_size_execute0_lowered;
	s1 =	sadd.s32 s1, s4;
	[dreg:$0x0] =	wrdreg $0x0  }
0x20: {  	s4 =	sshll.u32 s28, $0x1;
	[dreg:$0x2] =	wrdreg s1  }
0x21: {  	[dreg:$0x3] =	wrdreg s4  }
0x22: {  	[dreg:$0x4] =	wrdreg $0xC0  }
0x23: {  	_ =	task [dreg:s6], $0x5FFFF  }
0x24: {  	[dreg:$0x1] =	wrdreg $0xFFFFFFFF  }
0x25: {  	[dreg:$0x0] =	wrdreg $0x60  }
0x26: {  	[dreg:$0x2] =	wrdreg s25  }
0x27: {  	[dreg:$0x3] =	wrdreg $0x9  }
0x28: {  	_ =	task.clear_ibuf [dreg:s6], $0x4FFFF;
	_ =	strace $0x90000049  }
0x29: {  	s29 =	simm.s32 $0x9;
	_ =	strace $0x8000004B  }
0x2a: {  	_ =	swait.ge [sflag:s29], $0x1  }
0x2b: {  	[sflag:s29] =	ssyncadd.s32 $0xFFFFFFFF  }
0x2c: {  	_ =	strace $0x9000004B  }
0x2d: {  	_ =	sfence  }
0x2e: {  	s30 =	sld [smem:$0x0];
	_ =	sdelay $0x2  }
0x2f: {  	s31 =	sshll.u32 s3, $0xD;
	s3 =	sshrl.u32 s3, $0x2  }
0x30: {  	s2 =	sand.u32 $0x4000, s31;
	s1 =	sadd.s32 s3, s30  }
0x31: {  	s0 =	sor.u32 s2, s0;
	s1 =	sshll.u32 s1, $0x11  }
0x32: {  	s0 =	sor.u32 s1, s0  }
0x33: {  	s0 =	sadd.s32 $0x8F2B, s0  }
0x34: {  	[sflag:s0] =	ssyncadd.remote.s32 $0x1  }
0x35: {  	_ =	sfence.sel $0xFFFF  }
0x36: {  	[dreg:$0x0] =	wrdreg $0xFFFFFFFF;
	(pc) =	sbr.abs _section_cstart, $3  }
0x37: {  	[dreg:$0x1] =	wrdreg $0xFFFFFFFF  }
0x38: {  	_ =	task.clear_ibuf [dreg:s6], $0x2FFFF;
	_ =	strace $0x9FFFFFFF  }
0x39: {  	(tm) =	ssettm $0x7FFFFFFF  }
tec
execute0_lowered:
.L_overlay_start_1:
0x0: {  	(tag) =	ssettag $0x1  }
0x1: {  	s1 =	rddreg [dreg:$0x0]  }
0x2: {  	s0 =	rddreg [dreg:$0x1]  }
0x3: {  	_ =	strace $0x8000004A;
	s4 =	srdreg.scid;
	s6 =	simm.s32 $0x2  }
0x4: {  	s11 =	simm.s32 $0x0;
	p0 =	por $0x0, $0x0;
	s7 =	simm.s32 $0x2000  }
.Ltmp0:
0x5: {  	s12 =	simm.s32 $0x0;
	s9 =	simm.s32 $0x0;
	(pc) =	sbr.rel .LBB1_1-.Ltmp0, $4  }
0x6: {  	s2 =	sadd.s32 $0xA4A00, s1;
	s3 =	sadd.s32 $0x8A4A00, s1;
	s5 =	sshll.u32 s4, $0x4  }
0x7: {  	s1 =	stileid.u32;
	s4 =	simm.s32 $0x1;
	s5 =	sand.u32 $0x10, s5  }
0x8: {  	s8 =	simm.s32 $0x0;
	[sflag:s4] =	ssyncpa.u1 $0x0;
	s5 =	sor.u32 s1, s5  }
0x9: {  	[sflag:s6] =	ssyncpa.u1 $0x0;
	s6 =	simm.s32 $0x800;
	s10 =	smov.u32 s5  }
.LBB1_7:
0xa: {  	s13 =	sadd.s32 $0x10, s9  }
0xb: {  	s11 =	sadd.s32 $0x20, s10;
	s15 =	smov.u32 s10;
	p2 =	sgt.s32 s13, $0x3F  }
0xc: {  	p1 =	slt.u32 s8, $0x2;
	s15 =	smov.u32 @p2 s11  }
0xd: {  	s8 =	sadd.s32 $0x1, s8;
	s13 =	simm.s32 @p2 $0x0;
	p2 =	sgt.s32 s15, $0x3FF  }
0xe: {  	s15 =	smov.u32 @p2 s5;
	p2 =	sne.s32 s8, $0x82  }
.Ltmp1:
0xf: {  	_ = 	snop;
	(pc) =	sbr.rel @!p2 .LBB1_8-.Ltmp1, $4  }
0x10: {  	s14 =	simm.s32 @!p1 $0x2  }
0x11: {  	s12 =	smov.u32 s10;
	_ =	swait.ge @!p1 [sflag:s14], $0x4000  }
0x12: {  	p0 =	por !p0, !p0;
	s11 =	smov.u32 s9;
	[sflag:s14] =	ssyncset.done @!p1 $0x0  }
0x13: {  	s9 =	smov.u32 s13;
	[sflag:s14] =	ssyncadd.s32 @!p1 $0xFFFFC000;
	s10 =	smov.u32 s15  }
.LBB1_1:
0x14: {  	p1 =	sgt.u32 s8, $0x7F  }
0x15: {  	s13 =	sxor.u32 @!p1 $0xFFFFFFFF, s8;
	s14 =	sshll.u32 @!p1 s10, $0xD  }
0x16: {  	s15 =	sshll.u32 @!p1 s9, $0x7;
	s13 =	sshll.u32 @!p1 s13, $0xE;
	s14 =	sadd.s32 @!p1 s2, s14  }
0x17: {  	s13 =	sand.u32 @!p1 $0x4000, s13;
	s14 =	sadd.s32 @!p1 s15, s14;
	s15 =	simm.s32 @!p1 $0x0  }
0x18: {  	[tilespmem:s13], [sflag:$0x1] =	stream.linear.gather @!p1 [hbm4b:s14+s15], $0x4000, $0x38;
	[tilespmem:$0x10000] =	vst v63  }
0x19: {  	p1 =	seq.s32 s8, $0x0  }
0x1a: {  	p2 =	seq.s32 @!p1 s8, $0x81  }
0x1b: {  	p1 =	por p1, p2  }
.Ltmp2:
0x1c: {  	_ = 	snop;
	(pc) =	sbr.rel @p1 .LBB1_7-.Ltmp2, $1  }
0x1d: {  	_ =	sdelay $0x3  }
0x1e: {  	s13 =	simm.s32 $0x1;
	_ =	swait.ge [sflag:s4], $0x4000;
	s16 =	sshll.u32 s8, $0xE  }
0x1f: {  	s13 =	simm.s32 @!p0 $0x0;
	[sflag:s4] =	ssyncset.done $0x0;
	s31 =	sand.u32 $0x4000, s16  }
0x20: {  	s16 =	simm.s32 $0x0;
	s14 =	sshll.u32 s13, $0xE;
	[sflag:s4] =	ssyncadd.s32 $0xFFFFC000  }
0x21: {  	s13 =	sor.u32 $0x8040, s14;
	s15 =	sor.u32 $0x40, s14;
	s14 =	sor.u32 $0x8000, s31  }
.LBB1_3:
0x22: {  	v0 =	vmov s15;
	_ =	sdelay $0x3  }
0x23: {  	s18 =	simm.s32 $0x0  }
0x24: {  	v6 =	vld.idx.msk [tilespmem:v0+s18+$0x30 ss:$0x1], $0xffff  }
0x25: {  	v7 =	vld.idx.msk [tilespmem:v0+s18+$0xFFFFFFC0 ss:$0x1], $0xffff  }
0x26: {  	v5 =	vld.idx.msk [tilespmem:v0+s18+$0xFFFFFFD0 ss:$0x1], $0xffff  }
0x27: {  	v4 =	vld.idx.msk [tilespmem:v0+s18+$0xFFFFFFE0 ss:$0x1], $0xffff  }
0x28: {  	v3 =	vld.idx.msk [tilespmem:v0+s18+$0xFFFFFFF0 ss:$0x1], $0xffff  }
0x29: {  	v1 =	vld.idx.msk [tilespmem:v0+s18+$0x0 ss:$0x1], $0xffff  }
0x2a: {  	v2 =	vld.idx.msk [tilespmem:v0+s18+$0x10 ss:$0x1], $0xffff;
	[tilespmem:s13+$0x30] =	vst v6  }
0x2b: {  	s17 =	simm.s32 $0x80;
	s19 =	simm.s32 $0x400;
	[tilespmem:s13+$0xFFFFFFC0] =	vst v7;
	v6 =	vld.idx.msk [tilespmem:v0+s18+$0x20 ss:$0x1], $0xffff;
	s18 =	smov.u32 s13  }
.LBB1_4:
0x2c: {  	p1 =	sne.s32 s19, $0xE00;
	v7 =	vld.idx.msk [tilespmem:v0+s17+$0x30 ss:$0x1], $0xffff;
	[tilespmem:s18+$0xFFFFFFD0] =	vst v5  }
0x2d: {  	v8 =	vld.idx.msk [tilespmem:v0+s17+$0xFFFFFFC0 ss:$0x1], $0xffff;
	[tilespmem:s18+$0xFFFFFFE0] =	vst v4  }
0x2e: {  	v5 =	vld.idx.msk [tilespmem:v0+s17+$0xFFFFFFD0 ss:$0x1], $0xffff;
	[tilespmem:s18+$0xFFFFFFF0] =	vst v3  }
.Ltmp3:
0x2f: {  	v4 =	vld.idx.msk [tilespmem:v0+s17+$0xFFFFFFE0 ss:$0x1], $0xffff;
	[tilespmem:s18+$0x0] =	vst v1;
	(pc) =	sbr.rel @p1 .LBB1_4-.Ltmp3, $4  }
0x30: {  	v3 =	vld.idx.msk [tilespmem:v0+s17+$0xFFFFFFF0 ss:$0x1], $0xffff;
	[tilespmem:s18+$0x10] =	vst v2  }
0x31: {  	v1 =	vld.idx.msk [tilespmem:v0+s17+$0x0 ss:$0x1], $0xffff;
	[tilespmem:s18+$0x20] =	vst v6;
	s18 =	sadd.s32 $0x800, s18  }
0x32: {  	v2 =	vld.idx.msk [tilespmem:v0+s17+$0x10 ss:$0x1], $0xffff;
	[tilespmem:s18+$0x30] =	vst v7  }
0x33: {  	[tilespmem:s18+$0xFFFFFFC0] =	vst v8;
	v6 =	vld.idx.msk [tilespmem:v0+s17+$0x20 ss:$0x1], $0xffff;
	s17 =	sshra.s32 s19, $0x2;
	s19 =	sadd.s32 $0x200, s19  }
0x34: {  	_ =	sdelay $0x2  }
0x35: {  	[tilespmem:s18+$0xFFFFFFD0] =	vst v5  }
0x36: {  	v56 =	vld.idx.msk [tilespmem:v0+s17+$0x30 ss:$0x1], $0xffff;
	[tilespmem:s18+$0xFFFFFFE0] =	vst v4  }
0x37: {  	v57 =	vld.idx.msk [tilespmem:v0+s17+$0xFFFFFFC0 ss:$0x1], $0xffff;
	[tilespmem:s18+$0xFFFFFFF0] =	vst v3  }
0x38: {  	v58 =	vld.idx.msk [tilespmem:v0+s17+$0xFFFFFFD0 ss:$0x1], $0xffff;
	[tilespmem:s18+$0x0] =	vst v1  }
0x39: {  	v59 =	vld.idx.msk [tilespmem:v0+s17+$0xFFFFFFE0 ss:$0x1], $0xffff;
	[tilespmem:s18+$0x10] =	vst v2  }
0x3a: {  	v60 =	vld.idx.msk [tilespmem:v0+s17+$0xFFFFFFF0 ss:$0x1], $0xffff;
	s31 =	sadd.s32 $0x800, s18;
	[tilespmem:s18+$0x20] =	vst v6  }
0x3b: {  	v61 =	vld.idx.msk [tilespmem:v0+s17+$0x0 ss:$0x1], $0xffff;
	[tilespmem:s31+$0x30] =	vst v56  }
0x3c: {  	v62 =	vld.idx.msk [tilespmem:v0+s17+$0x10 ss:$0x1], $0xffff;
	s16 =	sadd.s32 $0x1, s16;
	[tilespmem:s31+$0xFFFFFFC0] =	vst v57  }
0x3d: {  	v63 =	vld.idx.msk [tilespmem:v0+s17+$0x20 ss:$0x1], $0xffff;
	p1 =	sne.s32 s16, $0x10;
	[tilespmem:s31+$0xFFFFFFD0] =	vst v58  }
.Ltmp4:
0x3e: {  	[tilespmem:s31+$0xFFFFFFE0] =	vst v59;
	(pc) =	sbr.rel @p1 .LBB1_3-.Ltmp4, $4  }
0x3f: {  	[tilespmem:s31+$0xFFFFFFF0] =	vst v60  }
0x40: {  	[tilespmem:s31+$0x0] =	vst v61  }
0x41: {  	[tilespmem:s31+$0x10] =	vst v62  }
0x42: {  	s13 =	sadd.s32 $0x80, s13;
	s15 =	sadd.s32 $0x400, s15;
	[tilespmem:s31+$0x20] =	vst v63  }
.Ltmp5:
0x43: {  	(pc) =	sbr.rel .LBB1_7-.Ltmp5, $4  }
0x44: {  	s12 =	sshll.u32 s12, $0xD;
	s11 =	sshll.u32 s11, $0x4  }
0x45: {  	s11 =	sand.u32 $0x3F0, s11;
	s12 =	sadd.s32 s3, s12  }
0x46: {  	s11 =	sadd.s32 s11, s12  }
0x47: {  	[hbm4b:s11+s6] =	stream.strided.scatter [tilespmem:s14], [sflag:$0x2], $0x4000, s7, s6, $0x38;
	[tilespmem:$0x10000] =	vst v63  }
.LBB1_8:
0x48: {  	_ =	sfence.sel $0x180000  }
0x49: {  	s2 =	simm.s32 $0x1;
	[bflag:$0x0] =	sbarrier.arrive $0xFFFF  }
0x4a: {  	s31 =	simm.s32 $0x2;
	[sflag:s2] =	ssyncpa.u1 $0x1  }
0x4b: {  	[sflag:s31] =	ssyncpa.u1 $0x1  }
0x4c: {  	p0 =	sne.s32 s1, $0x0;
	_ =	strace $0x9000004A  }
0x4d: {  	s0 =	sadd.s32 @!p0 $0x100000, s0;
	[bflag:$0x2] =	sbarrier.arrive $0xFFFF  }
0x4e: {  	[sflag:s0] =	ssyncadd.tile.s32 @!p0 $0x1;
	_ =	shalt  }
.Lfunc_end1:
_tile_overlayer_lowered:
.L_overlay_start_2:
0x4f: {  	(tag) =	ssettag $0x2  }
0x50: {  	s0 =	rddreg [dreg:$0x0];
	s2 =	stileid.u32  }
0x51: {  	s1 =	rddreg [dreg:$0x1];
	p0 =	sne.s32 s2, $0x0  }
0x52: {  	s3 =	rddreg [dreg:$0x2];
	[bflag:$0x3] =	sbarrier.arrive $0xFFFF;
	s2 =	simm.s32 @!p0 $0x1C01  }
0x53: {  	[timem:s3], [sflag:s2] =	dma.local @!p0 [hbm:s0], s1  }
0x54: {  	s0 =	simm.s32 @!p0 $0x1  }
0x55: {  	_ =	swait.ge @!p0 [sflag:s0], s1  }
0x56: {  	s1 =	ssub.s32 @!p0 $0x0, s1;
	[sflag:s0] =	ssyncset.done @!p0 $0x0  }
0x57: {  	[sflag:s0] =	ssyncadd.s32 @!p0 s1  }
0x58: {  	[bflag:$0x3] =	sbarrier.arrive $0xFFFF  }
0x59: {  	_ =	shalt  }

</sc_bundles>
